<compile_context>
chip_gen: v7x
topology: tpu7x:2x2x1
jax: 0.10.2.dev20260603
libtpu: 0.0.44.dev20260713+nightly
codegen_flags: <defaults>
</compile_context>

<pallas_src>
import functools

import jax
import jax.numpy as jnp
from jax import lax
from jax.experimental import pallas as pl
from jax.experimental.pallas import tpu as pltpu
from jax.experimental.pallas import tpu_sc as plsc

N = 10000
E = 320000
DF = 128
H = 32
LAT = 16

NC = 2
NS = 16
NW = NC * NS
CH = 125
CHUNKS = E // CH
TCH = CHUNKS // NW
NB = 10
CP_TILES = 10
ROWS_PT = N // CP_TILES

_mesh = plsc.VectorSubcoreMesh(core_axis_name="c", subcore_axis_name="s")


@functools.partial(
    pl.kernel,
    out_type=jax.ShapeDtypeStruct((NC, N, H), jnp.float32),
    mesh=_mesh,
    compiler_params=pltpu.CompilerParams(use_tc_tiling_on_sc=False),
    scratch_types=[
        pltpu.VMEM_SHARED((N, H), jnp.float32),
        pltpu.VMEM((TCH, CH), jnp.int32),
        pltpu.VMEM((CH, H), jnp.float32),
        pltpu.SemaphoreType.DMA,
    ],
)
def _deg_kernel(dst2, ones, zeros32, out, deg_sh, idx_d, obuf, sem):
    cid = lax.axis_index("c")
    sid = lax.axis_index("s")
    wid = sid * NC + cid

    @pl.when(sid < CP_TILES)
    def _():
        r0 = sid * ROWS_PT
        pltpu.sync_copy(zeros32.at[pl.ds(r0, ROWS_PT)],
                        deg_sh.at[pl.ds(r0, ROWS_PT)])

    pltpu.sync_copy(dst2.at[pl.ds(wid * TCH, TCH)], idx_d)
    pltpu.sync_copy(ones, obuf)
    plsc.subcore_barrier()

    def step(j0, carry):
        descs = []
        for b in range(8):
            j = j0 * 8 + b
            descs.append(
                pltpu.async_copy(obuf, deg_sh.at[idx_d.at[j]], sem, add=True))
        for d in descs:
            d.wait()
        return carry

    lax.fori_loop(0, TCH // 8, step, 0)
    plsc.subcore_barrier()

    @pl.when(sid < CP_TILES)
    def _():
        r0 = sid * ROWS_PT
        pltpu.sync_copy(deg_sh.at[pl.ds(r0, ROWS_PT)],
                        out.at[cid, pl.ds(r0, ROWS_PT)])


@functools.partial(
    pl.kernel,
    out_type=jax.ShapeDtypeStruct((NC, N, H), jnp.float32),
    mesh=_mesh,
    compiler_params=pltpu.CompilerParams(use_tc_tiling_on_sc=False),
    scratch_types=[
        pltpu.VMEM_SHARED((N, H), jnp.float32),
        pltpu.VMEM((TCH, CH), jnp.int32),
        pltpu.VMEM((TCH, CH), jnp.int32),
        pltpu.VMEM((NB, CH, H), jnp.float32),
    ] + [pltpu.SemaphoreType.DMA] * NB,
)
def _prop_kernel(table, src2, dst2, zeros, out, acc_sh, idx_s, idx_d,
                 rows, *gsems):
    cid = lax.axis_index("c")
    sid = lax.axis_index("s")
    wid = sid * NC + cid

    @pl.when(sid < CP_TILES)
    def _():
        r0 = sid * ROWS_PT
        pltpu.sync_copy(zeros.at[pl.ds(r0, ROWS_PT)],
                        acc_sh.at[pl.ds(r0, ROWS_PT)])

    base = wid * TCH
    pltpu.sync_copy(src2.at[pl.ds(base, TCH)], idx_s)
    pltpu.sync_copy(dst2.at[pl.ds(base, TCH)], idx_d)
    plsc.subcore_barrier()

    for b in range(NB):
        pltpu.async_copy(table.at[idx_s.at[b]], rows.at[b], gsems[b])

    def step(j0, carry):
        for b in range(NB):
            j = j0 * NB + b
            pltpu.make_async_copy(table.at[idx_s.at[j]], rows.at[b],
                                  gsems[b]).wait()
            pltpu.sync_copy(rows.at[b], acc_sh.at[idx_d.at[j]], add=True)
            pltpu.async_copy(table.at[idx_s.at[j + NB]], rows.at[b], gsems[b])
        return carry

    lax.fori_loop(0, TCH // NB - 1, step, 0)

    for b in range(NB):
        j = TCH - NB + b
        pltpu.make_async_copy(table.at[idx_s.at[j]], rows.at[b],
                              gsems[b]).wait()
        pltpu.sync_copy(rows.at[b], acc_sh.at[idx_d.at[j]], add=True)

    plsc.subcore_barrier()

    @pl.when(sid < CP_TILES)
    def _():
        r0 = sid * ROWS_PT
        pltpu.sync_copy(acc_sh.at[pl.ds(r0, ROWS_PT)],
                        out.at[cid, pl.ds(r0, ROWS_PT)])


NW128 = N * H // 128
WX = 4 * DF


def _disw(degw_ref):
    return lax.rsqrt(degw_ref[0] + degw_ref[1] + 1.0)


def _tc1_body(xw_ref, w1k_ref, degw_ref, g2_ref):
    g = jnp.dot(xw_ref[...], w1k_ref[...], preferred_element_type=jnp.float32)
    g2_ref[...] = g * _disw(degw_ref)


_tc1 = pl.pallas_call(
    _tc1_body,
    grid=(1,),
    in_specs=[
        pl.BlockSpec((NW128, WX), lambda i: (0, 0)),
        pl.BlockSpec((WX, 128), lambda i: (0, 0)),
        pl.BlockSpec((NC, NW128, 128), lambda i: (0, 0, 0)),
    ],
    out_specs=pl.BlockSpec((NW128, 128), lambda i: (0, 0)),
    out_shape=jax.ShapeDtypeStruct((NW128, 128), jnp.float32),
)


def _tc2_body(g2_ref, acc_ref, degw_ref, b1t_ref, h2_ref):
    dis = _disw(degw_ref)
    z = dis * (g2_ref[...] + acc_ref[0] + acc_ref[1]) + b1t_ref[...]
    h2_ref[...] = dis * jnp.maximum(z, 0.0)


_tc2 = pl.pallas_call(
    _tc2_body,
    grid=(1,),
    in_specs=[
        pl.BlockSpec((NW128, 128), lambda i: (0, 0)),
        pl.BlockSpec((NC, NW128, 128), lambda i: (0, 0, 0)),
        pl.BlockSpec((NC, NW128, 128), lambda i: (0, 0, 0)),
        pl.BlockSpec((1, 128), lambda i: (0, 0)),
    ],
    out_specs=pl.BlockSpec((NW128, 128), lambda i: (0, 0)),
    out_shape=jax.ShapeDtypeStruct((NW128, 128), jnp.float32),
)


def _tc3_body(h2_ref, acc_ref, degw_ref, wmk_ref, bmt_ref, wvk_ref, bvt_ref,
              mean_ref, var_ref):
    p = _disw(degw_ref) * (h2_ref[...] + acc_ref[0] + acc_ref[1])
    mean_ref[...] = jnp.dot(p, wmk_ref[...],
                            preferred_element_type=jnp.float32) + bmt_ref[...]
    var_ref[...] = jnp.dot(p, wvk_ref[...],
                           preferred_element_type=jnp.float32) + bvt_ref[...]


_tc3 = pl.pallas_call(
    _tc3_body,
    grid=(1,),
    in_specs=[
        pl.BlockSpec((NW128, 128), lambda i: (0, 0)),
        pl.BlockSpec((NC, NW128, 128), lambda i: (0, 0, 0)),
        pl.BlockSpec((NC, NW128, 128), lambda i: (0, 0, 0)),
        pl.BlockSpec((128, 4 * LAT), lambda i: (0, 0)),
        pl.BlockSpec((1, 4 * LAT), lambda i: (0, 0)),
        pl.BlockSpec((128, 4 * LAT), lambda i: (0, 0)),
        pl.BlockSpec((1, 4 * LAT), lambda i: (0, 0)),
    ],
    out_specs=[
        pl.BlockSpec((NW128, 4 * LAT), lambda i: (0, 0)),
        pl.BlockSpec((NW128, 4 * LAT), lambda i: (0, 0)),
    ],
    out_shape=[
        jax.ShapeDtypeStruct((NW128, 4 * LAT), jnp.float32),
        jax.ShapeDtypeStruct((NW128, 4 * LAT), jnp.float32),
    ],
)


@jax.jit
def kernel(features, edge_index, W1, b1, Wm, bm, Wv, bv):
    ei_w = lax.optimization_barrier(edge_index.reshape(2, N * H // 128, 128))
    src2 = ei_w[0].reshape(CHUNKS, CH)
    dst2 = ei_w[1].reshape(CHUNKS, CH)
    zeros = jnp.zeros((N, H), jnp.float32)
    ones = jnp.ones((CH, H), jnp.float32)
    eye4 = jnp.eye(4, dtype=jnp.float32)

    degp = _deg_kernel(dst2, ones, zeros)
    degw = degp.reshape(NC, NW128, 128)
    xw = features.reshape(NW128, WX)
    g2w = _tc1(xw, jnp.kron(eye4, W1), degw)
    g2 = g2w.reshape(N, H)
    acc1 = _prop_kernel(g2, src2, dst2, zeros)
    h2w = _tc2(g2w, acc1.reshape(NC, NW128, 128), degw,
               jnp.tile(b1, 4).reshape(1, 128))
    h2 = h2w.reshape(N, H)
    acc2 = _prop_kernel(h2, src2, dst2, zeros)
    meanw, varw = _tc3(h2w, acc2.reshape(NC, NW128, 128), degw,
                       jnp.kron(eye4, Wm), jnp.tile(bm, 4).reshape(1, 64),
                       jnp.kron(eye4, Wv), jnp.tile(bv, 4).reshape(1, 64))
    return (meanw.reshape(N, LAT), varw.reshape(N, LAT))

# --- scband reference (transcript-rebuilt; emitter-appended) ---
"""Pipeline reference for scband-vgae-encoder-16569983828163 (READ-ONLY COPY).

The authoritative reference and input builder live on the scoring server;
editing this copy changes nothing except your own understanding.
"""

import jax, jax.numpy as jnp
import numpy as np

N_NODES = 10000
N_EDGES = 320000
D_FEAT = 128
LATENT = 16
HIDDEN = 2 * LATENT


def setup_inputs(seed: int = 0) -> dict:
    key = jax.random.key(seed)
    ks = jax.random.split(key, 8)
    features = jax.random.normal(ks[0], (N_NODES, D_FEAT), dtype=jnp.float32)
    edge_index = jax.random.randint(ks[1], (2, N_EDGES), 0, N_NODES, dtype=jnp.int32)
    W1 = jax.random.normal(ks[2], (D_FEAT, HIDDEN), dtype=jnp.float32) / np.sqrt(D_FEAT)
    b1 = jnp.zeros((HIDDEN,), dtype=jnp.float32)
    Wm = jax.random.normal(ks[3], (HIDDEN, LATENT), dtype=jnp.float32) / np.sqrt(HIDDEN)
    bm = jnp.zeros((LATENT,), dtype=jnp.float32)
    Wv = jax.random.normal(ks[4], (HIDDEN, LATENT), dtype=jnp.float32) / np.sqrt(HIDDEN)
    bv = jnp.zeros((LATENT,), dtype=jnp.float32)
    return {"features": features, "edge_index": edge_index, "W1": W1, "b1": b1,
            "Wm": Wm, "bm": bm, "Wv": Wv, "bv": bv}


def _gcn_conv(x, src, dst, norm, W, b, n_nodes):
    # x: [N, in], W: [in, out]
    h = x @ W
    msgs = h[src] * norm[:, None]
    out = jnp.zeros((n_nodes, h.shape[1]), dtype=h.dtype).at[dst].add(msgs)
    return out + b


def _build_graph(edge_index, n_nodes):
    # add self loops (PyG GCNConv default) and compute symmetric normalization
    loop = jnp.arange(n_nodes, dtype=edge_index.dtype)
    src = jnp.concatenate([edge_index[0], loop])
    dst = jnp.concatenate([edge_index[1], loop])
    deg = jnp.zeros((n_nodes,), dtype=jnp.float32).at[dst].add(1.0)
    dis = jnp.where(deg > 0, deg ** -0.5, 0.0)
    norm = dis[src] * dis[dst]
    return src, dst, norm


def reference(features, edge_index, W1, b1, Wm, bm, Wv, bv):
    n_nodes = features.shape[0]
    src, dst, norm = _build_graph(edge_index, n_nodes)
    h = jax.nn.relu(_gcn_conv(features, src, dst, norm, W1, b1, n_nodes))
    mean = _gcn_conv(h, src, dst, norm, Wm, bm, n_nodes)
    var = _gcn_conv(h, src, dst, norm, Wv, bv, n_nodes)
    return (mean, var)

if __name__ == "__main__":
    import jax
    _d = setup_inputs()
    print(jax.jit(kernel)(*tuple(_d.values())))

</pallas_src>

<mosaic_0001>
#map = affine_map<(d0, d1) -> (0, 0)>
#map1 = affine_map<(d0, d1) -> (0, 0, 0)>
module attributes {stable_mosaic.version = 14 : i64} {
  func.func @_prop_kernel(%arg0: i32, %arg1: i32, %arg2: memref<10000x32xf32, #tpu.memory_space<hbm>>, %arg3: memref<2560x125xi32, #tpu.memory_space<hbm>>, %arg4: memref<2560x125xi32, #tpu.memory_space<hbm>>, %arg5: memref<10000x32xf32, #tpu.memory_space<hbm>>, %arg6: memref<2x10000x32xf32, #tpu.memory_space<hbm>>, %arg7: memref<10000x32xf32, #tpu.memory_space<vmem_shared>>, %arg8: memref<80x125xi32, #tpu.memory_space<vmem>>, %arg9: memref<80x125xi32, #tpu.memory_space<vmem>>, %arg10: memref<10x125x32xf32, #tpu.memory_space<vmem>>, %arg11: memref<!tpu.dma_semaphore, #tpu.memory_space<semaphore_mem>>, %arg12: memref<!tpu.dma_semaphore, #tpu.memory_space<semaphore_mem>>, %arg13: memref<!tpu.dma_semaphore, #tpu.memory_space<semaphore_mem>>, %arg14: memref<!tpu.dma_semaphore, #tpu.memory_space<semaphore_mem>>, %arg15: memref<!tpu.dma_semaphore, #tpu.memory_space<semaphore_mem>>, %arg16: memref<!tpu.dma_semaphore, #tpu.memory_space<semaphore_mem>>, %arg17: memref<!tpu.dma_semaphore, #tpu.memory_space<semaphore_mem>>, %arg18: memref<!tpu.dma_semaphore, #tpu.memory_space<semaphore_mem>>, %arg19: memref<!tpu.dma_semaphore, #tpu.memory_space<semaphore_mem>>, %arg20: memref<!tpu.dma_semaphore, #tpu.memory_space<semaphore_mem>>) attributes {dimension_semantics = [#tpu.dimension_semantics<core_parallel>, #tpu.dimension_semantics<subcore_parallel>], iteration_bounds = array<i64: 2, 16>, scalar_prefetch = 0 : i64, scratch_operands = 14 : i64, tpu.core_type = #tpu.core_type<sc_vector_subcore>, window_params = [{transform_indices = #map}, {transform_indices = #map}, {transform_indices = #map}, {transform_indices = #map}, {transform_indices = #map1}]} {
    %mul3A = arith.constant 2 : i32
    %mul3A_0 = arith.muli %arg1, %mul3A : i32
    %add3A = arith.addi %mul3A_0, %arg0 : i32
    %lt3A = arith.constant 10 : i32
    %lt3A_1 = arith.cmpi slt, %arg1, %lt3A : i32
    %convert_element_type3A = arith.extui %lt3A_1 : i1 to i32
    %cond3A = arith.constant 0 : i32
    %cond3A_2 = arith.cmpi ne, %convert_element_type3A, %cond3A : i32
    scf.if %cond3A_2 {
      %mul3A_273 = arith.constant 1000 : i32
      %mul3A_274 = arith.muli %arg1, %mul3A_273 : i32
      "tpu.region"() ({
        %run_scoped3A_275 = tpu.sem_alloc : memref<!tpu.dma_semaphore, #tpu.memory_space<semaphore_mem>>
        %dma_start3A_276 = arith.constant 0 : i32
        %dma_start3A_277 = tpu.memref_slice %arg7[%mul3A_274, %dma_start3A_276] : memref<10000x32xf32, #tpu.memory_space<vmem_shared>> -> memref<1000x32xf32, #tpu.memory_space<vmem_shared>>
        %dma_start3A_278 = arith.constant 0 : i32
        %dma_start3A_279 = tpu.memref_slice %arg5[%mul3A_274, %dma_start3A_278] : memref<10000x32xf32, #tpu.memory_space<hbm>> -> memref<1000x32xf32, #tpu.memory_space<hbm>>
        tpu.enqueue_dma source(%dma_start3A_279 : memref<1000x32xf32, #tpu.memory_space<hbm>>) target(%dma_start3A_277 : memref<1000x32xf32, #tpu.memory_space<vmem_shared>>) target_semaphore(%run_scoped3A_275 : memref<!tpu.dma_semaphore, #tpu.memory_space<semaphore_mem>>)
        %dma_wait3A_280 = arith.constant 0 : i32
        %dma_wait3A_281 = tpu.memref_slice %arg7[%mul3A_274, %dma_wait3A_280] : memref<10000x32xf32, #tpu.memory_space<vmem_shared>> -> memref<1000x32xf32, #tpu.memory_space<vmem_shared>>
        %dma_wait3A_282 = arith.constant 0 : i32
        %dma_wait3A_283 = tpu.memref_slice %arg5[%mul3A_274, %dma_wait3A_282] : memref<10000x32xf32, #tpu.memory_space<hbm>> -> memref<1000x32xf32, #tpu.memory_space<hbm>>
        tpu.wait_dma2 semaphore(%run_scoped3A_275 : memref<!tpu.dma_semaphore, #tpu.memory_space<semaphore_mem>>) src(%dma_wait3A_283 : memref<1000x32xf32, #tpu.memory_space<hbm>>) dst(%dma_wait3A_281 : memref<1000x32xf32, #tpu.memory_space<vmem_shared>>)
        tpu.yield
      }) : () -> ()
    } else {
    }
    %mul3A_3 = arith.constant 80 : i32
    %mul3A_4 = arith.muli %add3A, %mul3A_3 : i32
    "tpu.region"() ({
      %run_scoped3A_273 = tpu.sem_alloc : memref<!tpu.dma_semaphore, #tpu.memory_space<semaphore_mem>>
      %dma_start3A_274 = arith.constant 0 : i32
      %dma_start3A_275 = tpu.memref_slice %arg3[%mul3A_4, %dma_start3A_274] : memref<2560x125xi32, #tpu.memory_space<hbm>> -> memref<80x125xi32, #tpu.memory_space<hbm>>
      %dma_start3A_276 = arith.constant 0 : i32
      %dma_start3A_277 = tpu.memref_slice %arg3[%mul3A_4, %dma_start3A_276] : memref<2560x125xi32, #tpu.memory_space<hbm>> -> memref<80x125xi32, #tpu.memory_space<hbm>>
      tpu.enqueue_dma source(%dma_start3A_277 : memref<80x125xi32, #tpu.memory_space<hbm>>) target(%arg8 : memref<80x125xi32, #tpu.memory_space<vmem>>) target_semaphore(%run_scoped3A_273 : memref<!tpu.dma_semaphore, #tpu.memory_space<semaphore_mem>>)
      %dma_wait3A_278 = arith.constant 0 : i32
      %dma_wait3A_279 = tpu.memref_slice %arg3[%mul3A_4, %dma_wait3A_278] : memref<2560x125xi32, #tpu.memory_space<hbm>> -> memref<80x125xi32, #tpu.memory_space<hbm>>
      %dma_wait3A_280 = arith.constant 0 : i32
      %dma_wait3A_281 = tpu.memref_slice %arg3[%mul3A_4, %dma_wait3A_280] : memref<2560x125xi32, #tpu.memory_space<hbm>> -> memref<80x125xi32, #tpu.memory_space<hbm>>
      tpu.wait_dma2 semaphore(%run_scoped3A_273 : memref<!tpu.dma_semaphore, #tpu.memory_space<semaphore_mem>>) src(%dma_wait3A_281 : memref<80x125xi32, #tpu.memory_space<hbm>>) dst(%arg8 : memref<80x125xi32, #tpu.memory_space<vmem>>)
      tpu.yield
    }) : () -> ()
    "tpu.region"() ({
      %run_scoped3A_273 = tpu.sem_alloc : memref<!tpu.dma_semaphore, #tpu.memory_space<semaphore_mem>>
      %dma_start3A_274 = arith.constant 0 : i32
      %dma_start3A_275 = tpu.memref_slice %arg4[%mul3A_4, %dma_start3A_274] : memref<2560x125xi32, #tpu.memory_space<hbm>> -> memref<80x125xi32, #tpu.memory_space<hbm>>
      %dma_start3A_276 = arith.constant 0 : i32
      %dma_start3A_277 = tpu.memref_slice %arg4[%mul3A_4, %dma_start3A_276] : memref<2560x125xi32, #tpu.memory_space<hbm>> -> memref<80x125xi32, #tpu.memory_space<hbm>>
      tpu.enqueue_dma source(%dma_start3A_277 : memref<80x125xi32, #tpu.memory_space<hbm>>) target(%arg9 : memref<80x125xi32, #tpu.memory_space<vmem>>) target_semaphore(%run_scoped3A_273 : memref<!tpu.dma_semaphore, #tpu.memory_space<semaphore_mem>>)
      %dma_wait3A_278 = arith.constant 0 : i32
      %dma_wait3A_279 = tpu.memref_slice %arg4[%mul3A_4, %dma_wait3A_278] : memref<2560x125xi32, #tpu.memory_space<hbm>> -> memref<80x125xi32, #tpu.memory_space<hbm>>
      %dma_wait3A_280 = arith.constant 0 : i32
      %dma_wait3A_281 = tpu.memref_slice %arg4[%mul3A_4, %dma_wait3A_280] : memref<2560x125xi32, #tpu.memory_space<hbm>> -> memref<80x125xi32, #tpu.memory_space<hbm>>
      tpu.wait_dma2 semaphore(%run_scoped3A_273 : memref<!tpu.dma_semaphore, #tpu.memory_space<semaphore_mem>>) src(%dma_wait3A_281 : memref<80x125xi32, #tpu.memory_space<hbm>>) dst(%arg9 : memref<80x125xi32, #tpu.memory_space<vmem>>)
      tpu.yield
    }) : () -> ()
    %barrier3A = arith.constant 0 : index
    tpu.barrier barrier_id(%barrier3A)
    %dma_start3A = arith.constant 0 : i32
    %dma_start3A_5 = arith.constant 0 : i32
    %dma_start3A_6 = arith.constant 0 : i32
    %dma_start3A_7 = arith.constant 0 : i32
    %dma_start3A_8 = tpu.memref_slice %arg10[%dma_start3A_5, %dma_start3A_6, %dma_start3A_7] : memref<10x125x32xf32, #tpu.memory_space<vmem>> -> memref<1x125x32xf32, #tpu.memory_space<vmem>>
    %dma_start3A_9 = tpu.memref_squeeze %dma_start3A_8 : memref<1x125x32xf32, #tpu.memory_space<vmem>> -> memref<125x32xf32, #tpu.memory_space<vmem>>
    %dma_start3A_10 = arith.constant 0 : i32
    %dma_start3A_11 = tpu.memref_slice %arg8[%dma_start3A, %dma_start3A_10] : memref<80x125xi32, #tpu.memory_space<vmem>> -> memref<1x125xi32, #tpu.memory_space<vmem>>
    %dma_start3A_12 = tpu.memref_squeeze %dma_start3A_11 : memref<1x125xi32, #tpu.memory_space<vmem>> -> memref<125xi32, #tpu.memory_space<vmem>>
    %dma_start3A_13 = arith.constant 0 : i32
    %dma_start3A_14 = arith.constant 0 : i32
    %dma_start3A_15 = tpu.memref_slice %arg2[%dma_start3A_13, %dma_start3A_14] : memref<10000x32xf32, #tpu.memory_space<hbm>> -> memref<10000x32xf32, #tpu.memory_space<hbm>>
    tpu.enqueue_indirect_dma source(%dma_start3A_15 : memref<10000x32xf32, #tpu.memory_space<hbm>>) target(%dma_start3A_9 : memref<125x32xf32, #tpu.memory_space<vmem>>) offsets(%dma_start3A_12 : memref<125xi32, #tpu.memory_space<vmem>>) semaphore(%arg11 : memref<!tpu.dma_semaphore, #tpu.memory_space<semaphore_mem>>)
    %dma_start3A_16 = arith.constant 1 : i32
    %dma_start3A_17 = arith.constant 1 : i32
    %dma_start3A_18 = arith.constant 0 : i32
    %dma_start3A_19 = arith.constant 0 : i32
    %dma_start3A_20 = tpu.memref_slice %arg10[%dma_start3A_17, %dma_start3A_18, %dma_start3A_19] : memref<10x125x32xf32, #tpu.memory_space<vmem>> -> memref<1x125x32xf32, #tpu.memory_space<vmem>>
    %dma_start3A_21 = tpu.memref_squeeze %dma_start3A_20 : memref<1x125x32xf32, #tpu.memory_space<vmem>> -> memref<125x32xf32, #tpu.memory_space<vmem>>
    %dma_start3A_22 = arith.constant 0 : i32
    %dma_start3A_23 = tpu.memref_slice %arg8[%dma_start3A_16, %dma_start3A_22] : memref<80x125xi32, #tpu.memory_space<vmem>> -> memref<1x125xi32, #tpu.memory_space<vmem>>
    %dma_start3A_24 = tpu.memref_squeeze %dma_start3A_23 : memref<1x125xi32, #tpu.memory_space<vmem>> -> memref<125xi32, #tpu.memory_space<vmem>>
    %dma_start3A_25 = arith.constant 0 : i32
    %dma_start3A_26 = arith.constant 0 : i32
    %dma_start3A_27 = tpu.memref_slice %arg2[%dma_start3A_25, %dma_start3A_26] : memref<10000x32xf32, #tpu.memory_space<hbm>> -> memref<10000x32xf32, #tpu.memory_space<hbm>>
    tpu.enqueue_indirect_dma source(%dma_start3A_27 : memref<10000x32xf32, #tpu.memory_space<hbm>>) target(%dma_start3A_21 : memref<125x32xf32, #tpu.memory_space<vmem>>) offsets(%dma_start3A_24 : memref<125xi32, #tpu.memory_space<vmem>>) semaphore(%arg12 : memref<!tpu.dma_semaphore, #tpu.memory_space<semaphore_mem>>)
    %dma_start3A_28 = arith.constant 2 : i32
    %dma_start3A_29 = arith.constant 2 : i32
    %dma_start3A_30 = arith.constant 0 : i32
    %dma_start3A_31 = arith.constant 0 : i32
    %dma_start3A_32 = tpu.memref_slice %arg10[%dma_start3A_29, %dma_start3A_30, %dma_start3A_31] : memref<10x125x32xf32, #tpu.memory_space<vmem>> -> memref<1x125x32xf32, #tpu.memory_space<vmem>>
    %dma_start3A_33 = tpu.memref_squeeze %dma_start3A_32 : memref<1x125x32xf32, #tpu.memory_space<vmem>> -> memref<125x32xf32, #tpu.memory_space<vmem>>
    %dma_start3A_34 = arith.constant 0 : i32
    %dma_start3A_35 = tpu.memref_slice %arg8[%dma_start3A_28, %dma_start3A_34] : memref<80x125xi32, #tpu.memory_space<vmem>> -> memref<1x125xi32, #tpu.memory_space<vmem>>
    %dma_start3A_36 = tpu.memref_squeeze %dma_start3A_35 : memref<1x125xi32, #tpu.memory_space<vmem>> -> memref<125xi32, #tpu.memory_space<vmem>>
    %dma_start3A_37 = arith.constant 0 : i32
    %dma_start3A_38 = arith.constant 0 : i32
    %dma_start3A_39 = tpu.memref_slice %arg2[%dma_start3A_37, %dma_start3A_38] : memref<10000x32xf32, #tpu.memory_space<hbm>> -> memref<10000x32xf32, #tpu.memory_space<hbm>>
    tpu.enqueue_indirect_dma source(%dma_start3A_39 : memref<10000x32xf32, #tpu.memory_space<hbm>>) target(%dma_start3A_33 : memref<125x32xf32, #tpu.memory_space<vmem>>) offsets(%dma_start3A_36 : memref<125xi32, #tpu.memory_space<vmem>>) semaphore(%arg13 : memref<!tpu.dma_semaphore, #tpu.memory_space<semaphore_mem>>)
    %dma_start3A_40 = arith.constant 3 : i32
    %dma_start3A_41 = arith.constant 3 : i32
    %dma_start3A_42 = arith.constant 0 : i32
    %dma_start3A_43 = arith.constant 0 : i32
    %dma_start3A_44 = tpu.memref_slice %arg10[%dma_start3A_41, %dma_start3A_42, %dma_start3A_43] : memref<10x125x32xf32, #tpu.memory_space<vmem>> -> memref<1x125x32xf32, #tpu.memory_space<vmem>>
    %dma_start3A_45 = tpu.memref_squeeze %dma_start3A_44 : memref<1x125x32xf32, #tpu.memory_space<vmem>> -> memref<125x32xf32, #tpu.memory_space<vmem>>
    %dma_start3A_46 = arith.constant 0 : i32
    %dma_start3A_47 = tpu.memref_slice %arg8[%dma_start3A_40, %dma_start3A_46] : memref<80x125xi32, #tpu.memory_space<vmem>> -> memref<1x125xi32, #tpu.memory_space<vmem>>
    %dma_start3A_48 = tpu.memref_squeeze %dma_start3A_47 : memref<1x125xi32, #tpu.memory_space<vmem>> -> memref<125xi32, #tpu.memory_space<vmem>>
    %dma_start3A_49 = arith.constant 0 : i32
    %dma_start3A_50 = arith.constant 0 : i32
    %dma_start3A_51 = tpu.memref_slice %arg2[%dma_start3A_49, %dma_start3A_50] : memref<10000x32xf32, #tpu.memory_space<hbm>> -> memref<10000x32xf32, #tpu.memory_space<hbm>>
    tpu.enqueue_indirect_dma source(%dma_start3A_51 : memref<10000x32xf32, #tpu.memory_space<hbm>>) target(%dma_start3A_45 : memref<125x32xf32, #tpu.memory_space<vmem>>) offsets(%dma_start3A_48 : memref<125xi32, #tpu.memory_space<vmem>>) semaphore(%arg14 : memref<!tpu.dma_semaphore, #tpu.memory_space<semaphore_mem>>)
    %dma_start3A_52 = arith.constant 4 : i32
    %dma_start3A_53 = arith.constant 4 : i32
    %dma_start3A_54 = arith.constant 0 : i32
    %dma_start3A_55 = arith.constant 0 : i32
    %dma_start3A_56 = tpu.memref_slice %arg10[%dma_start3A_53, %dma_start3A_54, %dma_start3A_55] : memref<10x125x32xf32, #tpu.memory_space<vmem>> -> memref<1x125x32xf32, #tpu.memory_space<vmem>>
    %dma_start3A_57 = tpu.memref_squeeze %dma_start3A_56 : memref<1x125x32xf32, #tpu.memory_space<vmem>> -> memref<125x32xf32, #tpu.memory_space<vmem>>
    %dma_start3A_58 = arith.constant 0 : i32
    %dma_start3A_59 = tpu.memref_slice %arg8[%dma_start3A_52, %dma_start3A_58] : memref<80x125xi32, #tpu.memory_space<vmem>> -> memref<1x125xi32, #tpu.memory_space<vmem>>
    %dma_start3A_60 = tpu.memref_squeeze %dma_start3A_59 : memref<1x125xi32, #tpu.memory_space<vmem>> -> memref<125xi32, #tpu.memory_space<vmem>>
    %dma_start3A_61 = arith.constant 0 : i32
    %dma_start3A_62 = arith.constant 0 : i32
    %dma_start3A_63 = tpu.memref_slice %arg2[%dma_start3A_61, %dma_start3A_62] : memref<10000x32xf32, #tpu.memory_space<hbm>> -> memref<10000x32xf32, #tpu.memory_space<hbm>>
    tpu.enqueue_indirect_dma source(%dma_start3A_63 : memref<10000x32xf32, #tpu.memory_space<hbm>>) target(%dma_start3A_57 : memref<125x32xf32, #tpu.memory_space<vmem>>) offsets(%dma_start3A_60 : memref<125xi32, #tpu.memory_space<vmem>>) semaphore(%arg15 : memref<!tpu.dma_semaphore, #tpu.memory_space<semaphore_mem>>)
    %dma_start3A_64 = arith.constant 5 : i32
    %dma_start3A_65 = arith.constant 5 : i32
    %dma_start3A_66 = arith.constant 0 : i32
    %dma_start3A_67 = arith.constant 0 : i32
    %dma_start3A_68 = tpu.memref_slice %arg10[%dma_start3A_65, %dma_start3A_66, %dma_start3A_67] : memref<10x125x32xf32, #tpu.memory_space<vmem>> -> memref<1x125x32xf32, #tpu.memory_space<vmem>>
    %dma_start3A_69 = tpu.memref_squeeze %dma_start3A_68 : memref<1x125x32xf32, #tpu.memory_space<vmem>> -> memref<125x32xf32, #tpu.memory_space<vmem>>
    %dma_start3A_70 = arith.constant 0 : i32
    %dma_start3A_71 = tpu.memref_slice %arg8[%dma_start3A_64, %dma_start3A_70] : memref<80x125xi32, #tpu.memory_space<vmem>> -> memref<1x125xi32, #tpu.memory_space<vmem>>
    %dma_start3A_72 = tpu.memref_squeeze %dma_start3A_71 : memref<1x125xi32, #tpu.memory_space<vmem>> -> memref<125xi32, #tpu.memory_space<vmem>>
    %dma_start3A_73 = arith.constant 0 : i32
    %dma_start3A_74 = arith.constant 0 : i32
    %dma_start3A_75 = tpu.memref_slice %arg2[%dma_start3A_73, %dma_start3A_74] : memref<10000x32xf32, #tpu.memory_space<hbm>> -> memref<10000x32xf32, #tpu.memory_space<hbm>>
    tpu.enqueue_indirect_dma source(%dma_start3A_75 : memref<10000x32xf32, #tpu.memory_space<hbm>>) target(%dma_start3A_69 : memref<125x32xf32, #tpu.memory_space<vmem>>) offsets(%dma_start3A_72 : memref<125xi32, #tpu.memory_space<vmem>>) semaphore(%arg16 : memref<!tpu.dma_semaphore, #tpu.memory_space<semaphore_mem>>)
    %dma_start3A_76 = arith.constant 6 : i32
    %dma_start3A_77 = arith.constant 6 : i32
    %dma_start3A_78 = arith.constant 0 : i32
    %dma_start3A_79 = arith.constant 0 : i32
    %dma_start3A_80 = tpu.memref_slice %arg10[%dma_start3A_77, %dma_start3A_78, %dma_start3A_79] : memref<10x125x32xf32, #tpu.memory_space<vmem>> -> memref<1x125x32xf32, #tpu.memory_space<vmem>>
    %dma_start3A_81 = tpu.memref_squeeze %dma_start3A_80 : memref<1x125x32xf32, #tpu.memory_space<vmem>> -> memref<125x32xf32, #tpu.memory_space<vmem>>
    %dma_start3A_82 = arith.constant 0 : i32
    %dma_start3A_83 = tpu.memref_slice %arg8[%dma_start3A_76, %dma_start3A_82] : memref<80x125xi32, #tpu.memory_space<vmem>> -> memref<1x125xi32, #tpu.memory_space<vmem>>
    %dma_start3A_84 = tpu.memref_squeeze %dma_start3A_83 : memref<1x125xi32, #tpu.memory_space<vmem>> -> memref<125xi32, #tpu.memory_space<vmem>>
    %dma_start3A_85 = arith.constant 0 : i32
    %dma_start3A_86 = arith.constant 0 : i32
    %dma_start3A_87 = tpu.memref_slice %arg2[%dma_start3A_85, %dma_start3A_86] : memref<10000x32xf32, #tpu.memory_space<hbm>> -> memref<10000x32xf32, #tpu.memory_space<hbm>>
    tpu.enqueue_indirect_dma source(%dma_start3A_87 : memref<10000x32xf32, #tpu.memory_space<hbm>>) target(%dma_start3A_81 : memref<125x32xf32, #tpu.memory_space<vmem>>) offsets(%dma_start3A_84 : memref<125xi32, #tpu.memory_space<vmem>>) semaphore(%arg17 : memref<!tpu.dma_semaphore, #tpu.memory_space<semaphore_mem>>)
    %dma_start3A_88 = arith.constant 7 : i32
    %dma_start3A_89 = arith.constant 7 : i32
    %dma_start3A_90 = arith.constant 0 : i32
    %dma_start3A_91 = arith.constant 0 : i32
    %dma_start3A_92 = tpu.memref_slice %arg10[%dma_start3A_89, %dma_start3A_90, %dma_start3A_91] : memref<10x125x32xf32, #tpu.memory_space<vmem>> -> memref<1x125x32xf32, #tpu.memory_space<vmem>>
    %dma_start3A_93 = tpu.memref_squeeze %dma_start3A_92 : memref<1x125x32xf32, #tpu.memory_space<vmem>> -> memref<125x32xf32, #tpu.memory_space<vmem>>
    %dma_start3A_94 = arith.constant 0 : i32
    %dma_start3A_95 = tpu.memref_slice %arg8[%dma_start3A_88, %dma_start3A_94] : memref<80x125xi32, #tpu.memory_space<vmem>> -> memref<1x125xi32, #tpu.memory_space<vmem>>
    %dma_start3A_96 = tpu.memref_squeeze %dma_start3A_95 : memref<1x125xi32, #tpu.memory_space<vmem>> -> memref<125xi32, #tpu.memory_space<vmem>>
    %dma_start3A_97 = arith.constant 0 : i32
    %dma_start3A_98 = arith.constant 0 : i32
    %dma_start3A_99 = tpu.memref_slice %arg2[%dma_start3A_97, %dma_start3A_98] : memref<10000x32xf32, #tpu.memory_space<hbm>> -> memref<10000x32xf32, #tpu.memory_space<hbm>>
    tpu.enqueue_indirect_dma source(%dma_start3A_99 : memref<10000x32xf32, #tpu.memory_space<hbm>>) target(%dma_start3A_93 : memref<125x32xf32, #tpu.memory_space<vmem>>) offsets(%dma_start3A_96 : memref<125xi32, #tpu.memory_space<vmem>>) semaphore(%arg18 : memref<!tpu.dma_semaphore, #tpu.memory_space<semaphore_mem>>)
    %dma_start3A_100 = arith.constant 8 : i32
    %dma_start3A_101 = arith.constant 8 : i32
    %dma_start3A_102 = arith.constant 0 : i32
    %dma_start3A_103 = arith.constant 0 : i32
    %dma_start3A_104 = tpu.memref_slice %arg10[%dma_start3A_101, %dma_start3A_102, %dma_start3A_103] : memref<10x125x32xf32, #tpu.memory_space<vmem>> -> memref<1x125x32xf32, #tpu.memory_space<vmem>>
    %dma_start3A_105 = tpu.memref_squeeze %dma_start3A_104 : memref<1x125x32xf32, #tpu.memory_space<vmem>> -> memref<125x32xf32, #tpu.memory_space<vmem>>
    %dma_start3A_106 = arith.constant 0 : i32
    %dma_start3A_107 = tpu.memref_slice %arg8[%dma_start3A_100, %dma_start3A_106] : memref<80x125xi32, #tpu.memory_space<vmem>> -> memref<1x125xi32, #tpu.memory_space<vmem>>
    %dma_start3A_108 = tpu.memref_squeeze %dma_start3A_107 : memref<1x125xi32, #tpu.memory_space<vmem>> -> memref<125xi32, #tpu.memory_space<vmem>>
    %dma_start3A_109 = arith.constant 0 : i32
    %dma_start3A_110 = arith.constant 0 : i32
    %dma_start3A_111 = tpu.memref_slice %arg2[%dma_start3A_109, %dma_start3A_110] : memref<10000x32xf32, #tpu.memory_space<hbm>> -> memref<10000x32xf32, #tpu.memory_space<hbm>>
    tpu.enqueue_indirect_dma source(%dma_start3A_111 : memref<10000x32xf32, #tpu.memory_space<hbm>>) target(%dma_start3A_105 : memref<125x32xf32, #tpu.memory_space<vmem>>) offsets(%dma_start3A_108 : memref<125xi32, #tpu.memory_space<vmem>>) semaphore(%arg19 : memref<!tpu.dma_semaphore, #tpu.memory_space<semaphore_mem>>)
    %dma_start3A_112 = arith.constant 9 : i32
    %dma_start3A_113 = arith.constant 9 : i32
    %dma_start3A_114 = arith.constant 0 : i32
    %dma_start3A_115 = arith.constant 0 : i32
    %dma_start3A_116 = tpu.memref_slice %arg10[%dma_start3A_113, %dma_start3A_114, %dma_start3A_115] : memref<10x125x32xf32, #tpu.memory_space<vmem>> -> memref<1x125x32xf32, #tpu.memory_space<vmem>>
    %dma_start3A_117 = tpu.memref_squeeze %dma_start3A_116 : memref<1x125x32xf32, #tpu.memory_space<vmem>> -> memref<125x32xf32, #tpu.memory_space<vmem>>
    %dma_start3A_118 = arith.constant 0 : i32
    %dma_start3A_119 = tpu.memref_slice %arg8[%dma_start3A_112, %dma_start3A_118] : memref<80x125xi32, #tpu.memory_space<vmem>> -> memref<1x125xi32, #tpu.memory_space<vmem>>
    %dma_start3A_120 = tpu.memref_squeeze %dma_start3A_119 : memref<1x125xi32, #tpu.memory_space<vmem>> -> memref<125xi32, #tpu.memory_space<vmem>>
    %dma_start3A_121 = arith.constant 0 : i32
    %dma_start3A_122 = arith.constant 0 : i32
    %dma_start3A_123 = tpu.memref_slice %arg2[%dma_start3A_121, %dma_start3A_122] : memref<10000x32xf32, #tpu.memory_space<hbm>> -> memref<10000x32xf32, #tpu.memory_space<hbm>>
    tpu.enqueue_indirect_dma source(%dma_start3A_123 : memref<10000x32xf32, #tpu.memory_space<hbm>>) target(%dma_start3A_117 : memref<125x32xf32, #tpu.memory_space<vmem>>) offsets(%dma_start3A_120 : memref<125xi32, #tpu.memory_space<vmem>>) semaphore(%arg20 : memref<!tpu.dma_semaphore, #tpu.memory_space<semaphore_mem>>)
    %scan3A = arith.constant 0 : i32
    %scan3A_124 = arith.constant 0 : i32
    %scan3A_125 = arith.constant 7 : i32
    %scan3A_126 = arith.addi %scan3A_124, %scan3A_125 : i32
    %scan3A_127 = arith.constant 1 : i32
    scf.for %scan3A_273 = %scan3A_124 to %scan3A_126 step %scan3A_127  : i32 {
      %mul3A_274 = arith.constant 10 : i32
      %mul3A_275 = arith.muli %scan3A_273, %mul3A_274 : i32
      %add3A_276 = arith.constant 0 : i32
      %add3A_277 = arith.addi %mul3A_275, %add3A_276 : i32
      %dma_wait3A_278 = arith.constant 0 : i32
      %dma_wait3A_279 = arith.constant 0 : i32
      %dma_wait3A_280 = arith.constant 0 : i32
      %dma_wait3A_281 = tpu.memref_slice %arg10[%dma_wait3A_278, %dma_wait3A_279, %dma_wait3A_280] : memref<10x125x32xf32, #tpu.memory_space<vmem>> -> memref<1x125x32xf32, #tpu.memory_space<vmem>>
      %dma_wait3A_282 = tpu.memref_squeeze %dma_wait3A_281 : memref<1x125x32xf32, #tpu.memory_space<vmem>> -> memref<125x32xf32, #tpu.memory_space<vmem>>
      %dma_wait3A_283 = arith.constant 0 : i32
      %dma_wait3A_284 = tpu.memref_slice %arg8[%add3A_277, %dma_wait3A_283] : memref<80x125xi32, #tpu.memory_space<vmem>> -> memref<1x125xi32, #tpu.memory_space<vmem>>
      %dma_wait3A_285 = tpu.memref_squeeze %dma_wait3A_284 : memref<1x125xi32, #tpu.memory_space<vmem>> -> memref<125xi32, #tpu.memory_space<vmem>>
      %dma_wait3A_286 = arith.constant 0 : i32
      %dma_wait3A_287 = arith.constant 0 : i32
      %dma_wait3A_288 = tpu.memref_slice %arg2[%dma_wait3A_286, %dma_wait3A_287] : memref<10000x32xf32, #tpu.memory_space<hbm>> -> memref<10000x32xf32, #tpu.memory_space<hbm>>
      tpu.wait_indirect_dma semaphore(%arg11 : memref<!tpu.dma_semaphore, #tpu.memory_space<semaphore_mem>>) src(%dma_wait3A_288 : memref<10000x32xf32, #tpu.memory_space<hbm>>) dst(%dma_wait3A_282 : memref<125x32xf32, #tpu.memory_space<vmem>>)
      %run_scoped3A_289 = arith.constant 0 : i32
      "tpu.region"() ({
        %run_scoped3A_564 = tpu.sem_alloc : memref<!tpu.dma_semaphore, #tpu.memory_space<semaphore_mem>>
        %dma_start3A_565 = arith.constant 0 : i32
        %dma_start3A_566 = arith.constant 0 : i32
        %dma_start3A_567 = tpu.memref_slice %arg10[%run_scoped3A_289, %dma_start3A_565, %dma_start3A_566] : memref<10x125x32xf32, #tpu.memory_space<vmem>> -> memref<1x125x32xf32, #tpu.memory_space<vmem>>
        %dma_start3A_568 = tpu.memref_squeeze %dma_start3A_567 : memref<1x125x32xf32, #tpu.memory_space<vmem>> -> memref<125x32xf32, #tpu.memory_space<vmem>>
        %dma_start3A_569 = arith.constant 0 : i32
        %dma_start3A_570 = tpu.memref_slice %arg9[%add3A_277, %dma_start3A_569] : memref<80x125xi32, #tpu.memory_space<vmem>> -> memref<1x125xi32, #tpu.memory_space<vmem>>
        %dma_start3A_571 = tpu.memref_squeeze %dma_start3A_570 : memref<1x125xi32, #tpu.memory_space<vmem>> -> memref<125xi32, #tpu.memory_space<vmem>>
        %dma_start3A_572 = arith.constant 0 : i32
        %dma_start3A_573 = arith.constant 0 : i32
        %dma_start3A_574 = tpu.memref_slice %arg7[%dma_start3A_572, %dma_start3A_573] : memref<10000x32xf32, #tpu.memory_space<vmem_shared>> -> memref<10000x32xf32, #tpu.memory_space<vmem_shared>>
        tpu.enqueue_indirect_dma source(%dma_start3A_568 : memref<125x32xf32, #tpu.memory_space<vmem>>) target(%dma_start3A_574 : memref<10000x32xf32, #tpu.memory_space<vmem_shared>>) offsets(%dma_start3A_571 : memref<125xi32, #tpu.memory_space<vmem>>) semaphore(%run_scoped3A_564 : memref<!tpu.dma_semaphore, #tpu.memory_space<semaphore_mem>>) {add = true}
        %dma_wait3A_575 = arith.constant 0 : i32
        %dma_wait3A_576 = arith.constant 0 : i32
        %dma_wait3A_577 = tpu.memref_slice %arg10[%run_scoped3A_289, %dma_wait3A_575, %dma_wait3A_576] : memref<10x125x32xf32, #tpu.memory_space<vmem>> -> memref<1x125x32xf32, #tpu.memory_space<vmem>>
        %dma_wait3A_578 = tpu.memref_squeeze %dma_wait3A_577 : memref<1x125x32xf32, #tpu.memory_space<vmem>> -> memref<125x32xf32, #tpu.memory_space<vmem>>
        %dma_wait3A_579 = arith.constant 0 : i32
        %dma_wait3A_580 = tpu.memref_slice %arg9[%add3A_277, %dma_wait3A_579] : memref<80x125xi32, #tpu.memory_space<vmem>> -> memref<1x125xi32, #tpu.memory_space<vmem>>
        %dma_wait3A_581 = tpu.memref_squeeze %dma_wait3A_580 : memref<1x125xi32, #tpu.memory_space<vmem>> -> memref<125xi32, #tpu.memory_space<vmem>>
        %dma_wait3A_582 = arith.constant 0 : i32
        %dma_wait3A_583 = arith.constant 0 : i32
        %dma_wait3A_584 = tpu.memref_slice %arg7[%dma_wait3A_582, %dma_wait3A_583] : memref<10000x32xf32, #tpu.memory_space<vmem_shared>> -> memref<10000x32xf32, #tpu.memory_space<vmem_shared>>
        tpu.wait_indirect_dma semaphore(%run_scoped3A_564 : memref<!tpu.dma_semaphore, #tpu.memory_space<semaphore_mem>>) src(%dma_wait3A_578 : memref<125x32xf32, #tpu.memory_space<vmem>>) dst(%dma_wait3A_584 : memref<10000x32xf32, #tpu.memory_space<vmem_shared>>)
        tpu.yield
      }) : () -> ()
      %add3A_290 = arith.constant 10 : i32
      %add3A_291 = arith.addi %add3A_277, %add3A_290 : i32
      %dma_start3A_292 = arith.constant 0 : i32
      %dma_start3A_293 = arith.constant 0 : i32
      %dma_start3A_294 = arith.constant 0 : i32
      %dma_start3A_295 = tpu.memref_slice %arg10[%dma_start3A_292, %dma_start3A_293, %dma_start3A_294] : memref<10x125x32xf32, #tpu.memory_space<vmem>> -> memref<1x125x32xf32, #tpu.memory_space<vmem>>
      %dma_start3A_296 = tpu.memref_squeeze %dma_start3A_295 : memref<1x125x32xf32, #tpu.memory_space<vmem>> -> memref<125x32xf32, #tpu.memory_space<vmem>>
      %dma_start3A_297 = arith.constant 0 : i32
      %dma_start3A_298 = tpu.memref_slice %arg8[%add3A_291, %dma_start3A_297] : memref<80x125xi32, #tpu.memory_space<vmem>> -> memref<1x125xi32, #tpu.memory_space<vmem>>
      %dma_start3A_299 = tpu.memref_squeeze %dma_start3A_298 : memref<1x125xi32, #tpu.memory_space<vmem>> -> memref<125xi32, #tpu.memory_space<vmem>>
      %dma_start3A_300 = arith.constant 0 : i32
      %dma_start3A_301 = arith.constant 0 : i32
      %dma_start3A_302 = tpu.memref_slice %arg2[%dma_start3A_300, %dma_start3A_301] : memref<10000x32xf32, #tpu.memory_space<hbm>> -> memref<10000x32xf32, #tpu.memory_space<hbm>>
      tpu.enqueue_indirect_dma source(%dma_start3A_302 : memref<10000x32xf32, #tpu.memory_space<hbm>>) target(%dma_start3A_296 : memref<125x32xf32, #tpu.memory_space<vmem>>) offsets(%dma_start3A_299 : memref<125xi32, #tpu.memory_space<vmem>>) semaphore(%arg11 : memref<!tpu.dma_semaphore, #tpu.memory_space<semaphore_mem>>)
      %mul3A_303 = arith.constant 10 : i32
      %mul3A_304 = arith.muli %scan3A_273, %mul3A_303 : i32
      %add3A_305 = arith.constant 1 : i32
      %add3A_306 = arith.addi %mul3A_304, %add3A_305 : i32
      %dma_wait3A_307 = arith.constant 1 : i32
      %dma_wait3A_308 = arith.constant 0 : i32
      %dma_wait3A_309 = arith.constant 0 : i32
      %dma_wait3A_310 = tpu.memref_slice %arg10[%dma_wait3A_307, %dma_wait3A_308, %dma_wait3A_309] : memref<10x125x32xf32, #tpu.memory_space<vmem>> -> memref<1x125x32xf32, #tpu.memory_space<vmem>>
      %dma_wait3A_311 = tpu.memref_squeeze %dma_wait3A_310 : memref<1x125x32xf32, #tpu.memory_space<vmem>> -> memref<125x32xf32, #tpu.memory_space<vmem>>
      %dma_wait3A_312 = arith.constant 0 : i32
      %dma_wait3A_313 = tpu.memref_slice %arg8[%add3A_306, %dma_wait3A_312] : memref<80x125xi32, #tpu.memory_space<vmem>> -> memref<1x125xi32, #tpu.memory_space<vmem>>
      %dma_wait3A_314 = tpu.memref_squeeze %dma_wait3A_313 : memref<1x125xi32, #tpu.memory_space<vmem>> -> memref<125xi32, #tpu.memory_space<vmem>>
      %dma_wait3A_315 = arith.constant 0 : i32
      %dma_wait3A_316 = arith.constant 0 : i32
      %dma_wait3A_317 = tpu.memref_slice %arg2[%dma_wait3A_315, %dma_wait3A_316] : memref<10000x32xf32, #tpu.memory_space<hbm>> -> memref<10000x32xf32, #tpu.memory_space<hbm>>
      tpu.wait_indirect_dma semaphore(%arg12 : memref<!tpu.dma_semaphore, #tpu.memory_space<semaphore_mem>>) src(%dma_wait3A_317 : memref<10000x32xf32, #tpu.memory_space<hbm>>) dst(%dma_wait3A_311 : memref<125x32xf32, #tpu.memory_space<vmem>>)
      %run_scoped3A_318 = arith.constant 1 : i32
      "tpu.region"() ({
        %run_scoped3A_564 = tpu.sem_alloc : memref<!tpu.dma_semaphore, #tpu.memory_space<semaphore_mem>>
        %dma_start3A_565 = arith.constant 0 : i32
        %dma_start3A_566 = arith.constant 0 : i32
        %dma_start3A_567 = tpu.memref_slice %arg10[%run_scoped3A_318, %dma_start3A_565, %dma_start3A_566] : memref<10x125x32xf32, #tpu.memory_space<vmem>> -> memref<1x125x32xf32, #tpu.memory_space<vmem>>
        %dma_start3A_568 = tpu.memref_squeeze %dma_start3A_567 : memref<1x125x32xf32, #tpu.memory_space<vmem>> -> memref<125x32xf32, #tpu.memory_space<vmem>>
        %dma_start3A_569 = arith.constant 0 : i32
        %dma_start3A_570 = tpu.memref_slice %arg9[%add3A_306, %dma_start3A_569] : memref<80x125xi32, #tpu.memory_space<vmem>> -> memref<1x125xi32, #tpu.memory_space<vmem>>
        %dma_start3A_571 = tpu.memref_squeeze %dma_start3A_570 : memref<1x125xi32, #tpu.memory_space<vmem>> -> memref<125xi32, #tpu.memory_space<vmem>>
        %dma_start3A_572 = arith.constant 0 : i32
        %dma_start3A_573 = arith.constant 0 : i32
        %dma_start3A_574 = tpu.memref_slice %arg7[%dma_start3A_572, %dma_start3A_573] : memref<10000x32xf32, #tpu.memory_space<vmem_shared>> -> memref<10000x32xf32, #tpu.memory_space<vmem_shared>>
        tpu.enqueue_indirect_dma source(%dma_start3A_568 : memref<125x32xf32, #tpu.memory_space<vmem>>) target(%dma_start3A_574 : memref<10000x32xf32, #tpu.memory_space<vmem_shared>>) offsets(%dma_start3A_571 : memref<125xi32, #tpu.memory_space<vmem>>) semaphore(%run_scoped3A_564 : memref<!tpu.dma_semaphore, #tpu.memory_space<semaphore_mem>>) {add = true}
        %dma_wait3A_575 = arith.constant 0 : i32
        %dma_wait3A_576 = arith.constant 0 : i32
        %dma_wait3A_577 = tpu.memref_slice %arg10[%run_scoped3A_318, %dma_wait3A_575, %dma_wait3A_576] : memref<10x125x32xf32, #tpu.memory_space<vmem>> -> memref<1x125x32xf32, #tpu.memory_space<vmem>>
        %dma_wait3A_578 = tpu.memref_squeeze %dma_wait3A_577 : memref<1x125x32xf32, #tpu.memory_space<vmem>> -> memref<125x32xf32, #tpu.memory_space<vmem>>
        %dma_wait3A_579 = arith.constant 0 : i32
        %dma_wait3A_580 = tpu.memref_slice %arg9[%add3A_306, %dma_wait3A_579] : memref<80x125xi32, #tpu.memory_space<vmem>> -> memref<1x125xi32, #tpu.memory_space<vmem>>
        %dma_wait3A_581 = tpu.memref_squeeze %dma_wait3A_580 : memref<1x125xi32, #tpu.memory_space<vmem>> -> memref<125xi32, #tpu.memory_space<vmem>>
        %dma_wait3A_582 = arith.constant 0 : i32
        %dma_wait3A_583 = arith.constant 0 : i32
        %dma_wait3A_584 = tpu.memref_slice %arg7[%dma_wait3A_582, %dma_wait3A_583] : memref<10000x32xf32, #tpu.memory_space<vmem_shared>> -> memref<10000x32xf32, #tpu.memory_space<vmem_shared>>
        tpu.wait_indirect_dma semaphore(%run_scoped3A_564 : memref<!tpu.dma_semaphore, #tpu.memory_space<semaphore_mem>>) src(%dma_wait3A_578 : memref<125x32xf32, #tpu.memory_space<vmem>>) dst(%dma_wait3A_584 : memref<10000x32xf32, #tpu.memory_space<vmem_shared>>)
        tpu.yield
      }) : () -> ()
      %add3A_319 = arith.constant 10 : i32
      %add3A_320 = arith.addi %add3A_306, %add3A_319 : i32
      %dma_start3A_321 = arith.constant 1 : i32
      %dma_start3A_322 = arith.constant 0 : i32
      %dma_start3A_323 = arith.constant 0 : i32
      %dma_start3A_324 = tpu.memref_slice %arg10[%dma_start3A_321, %dma_start3A_322, %dma_start3A_323] : memref<10x125x32xf32, #tpu.memory_space<vmem>> -> memref<1x125x32xf32, #tpu.memory_space<vmem>>
      %dma_start3A_325 = tpu.memref_squeeze %dma_start3A_324 : memref<1x125x32xf32, #tpu.memory_space<vmem>> -> memref<125x32xf32, #tpu.memory_space<vmem>>
      %dma_start3A_326 = arith.constant 0 : i32
      %dma_start3A_327 = tpu.memref_slice %arg8[%add3A_320, %dma_start3A_326] : memref<80x125xi32, #tpu.memory_space<vmem>> -> memref<1x125xi32, #tpu.memory_space<vmem>>
      %dma_start3A_328 = tpu.memref_squeeze %dma_start3A_327 : memref<1x125xi32, #tpu.memory_space<vmem>> -> memref<125xi32, #tpu.memory_space<vmem>>
      %dma_start3A_329 = arith.constant 0 : i32
      %dma_start3A_330 = arith.constant 0 : i32
      %dma_start3A_331 = tpu.memref_slice %arg2[%dma_start3A_329, %dma_start3A_330] : memref<10000x32xf32, #tpu.memory_space<hbm>> -> memref<10000x32xf32, #tpu.memory_space<hbm>>
      tpu.enqueue_indirect_dma source(%dma_start3A_331 : memref<10000x32xf32, #tpu.memory_space<hbm>>) target(%dma_start3A_325 : memref<125x32xf32, #tpu.memory_space<vmem>>) offsets(%dma_start3A_328 : memref<125xi32, #tpu.memory_space<vmem>>) semaphore(%arg12 : memref<!tpu.dma_semaphore, #tpu.memory_space<semaphore_mem>>)
      %mul3A_332 = arith.constant 10 : i32
      %mul3A_333 = arith.muli %scan3A_273, %mul3A_332 : i32
      %add3A_334 = arith.constant 2 : i32
      %add3A_335 = arith.addi %mul3A_333, %add3A_334 : i32
      %dma_wait3A_336 = arith.constant 2 : i32
      %dma_wait3A_337 = arith.constant 0 : i32
      %dma_wait3A_338 = arith.constant 0 : i32
      %dma_wait3A_339 = tpu.memref_slice %arg10[%dma_wait3A_336, %dma_wait3A_337, %dma_wait3A_338] : memref<10x125x32xf32, #tpu.memory_space<vmem>> -> memref<1x125x32xf32, #tpu.memory_space<vmem>>
      %dma_wait3A_340 = tpu.memref_squeeze %dma_wait3A_339 : memref<1x125x32xf32, #tpu.memory_space<vmem>> -> memref<125x32xf32, #tpu.memory_space<vmem>>
      %dma_wait3A_341 = arith.constant 0 : i32
      %dma_wait3A_342 = tpu.memref_slice %arg8[%add3A_335, %dma_wait3A_341] : memref<80x125xi32, #tpu.memory_space<vmem>> -> memref<1x125xi32, #tpu.memory_space<vmem>>
      %dma_wait3A_343 = tpu.memref_squeeze %dma_wait3A_342 : memref<1x125xi32, #tpu.memory_space<vmem>> -> memref<125xi32, #tpu.memory_space<vmem>>
      %dma_wait3A_344 = arith.constant 0 : i32
      %dma_wait3A_345 = arith.constant 0 : i32
      %dma_wait3A_346 = tpu.memref_slice %arg2[%dma_wait3A_344, %dma_wait3A_345] : memref<10000x32xf32, #tpu.memory_space<hbm>> -> memref<10000x32xf32, #tpu.memory_space<hbm>>
      tpu.wait_indirect_dma semaphore(%arg13 : memref<!tpu.dma_semaphore, #tpu.memory_space<semaphore_mem>>) src(%dma_wait3A_346 : memref<10000x32xf32, #tpu.memory_space<hbm>>) dst(%dma_wait3A_340 : memref<125x32xf32, #tpu.memory_space<vmem>>)
      %run_scoped3A_347 = arith.constant 2 : i32
      "tpu.region"() ({
        %run_scoped3A_564 = tpu.sem_alloc : memref<!tpu.dma_semaphore, #tpu.memory_space<semaphore_mem>>
        %dma_start3A_565 = arith.constant 0 : i32
        %dma_start3A_566 = arith.constant 0 : i32
        %dma_start3A_567 = tpu.memref_slice %arg10[%run_scoped3A_347, %dma_start3A_565, %dma_start3A_566] : memref<10x125x32xf32, #tpu.memory_space<vmem>> -> memref<1x125x32xf32, #tpu.memory_space<vmem>>
        %dma_start3A_568 = tpu.memref_squeeze %dma_start3A_567 : memref<1x125x32xf32, #tpu.memory_space<vmem>> -> memref<125x32xf32, #tpu.memory_space<vmem>>
        %dma_start3A_569 = arith.constant 0 : i32
        %dma_start3A_570 = tpu.memref_slice %arg9[%add3A_335, %dma_start3A_569] : memref<80x125xi32, #tpu.memory_space<vmem>> -> memref<1x125xi32, #tpu.memory_space<vmem>>
        %dma_start3A_571 = tpu.memref_squeeze %dma_start3A_570 : memref<1x125xi32, #tpu.memory_space<vmem>> -> memref<125xi32, #tpu.memory_space<vmem>>
        %dma_start3A_572 = arith.constant 0 : i32
        %dma_start3A_573 = arith.constant 0 : i32
        %dma_start3A_574 = tpu.memref_slice %arg7[%dma_start3A_572, %dma_start3A_573] : memref<10000x32xf32, #tpu.memory_space<vmem_shared>> -> memref<10000x32xf32, #tpu.memory_space<vmem_shared>>
        tpu.enqueue_indirect_dma source(%dma_start3A_568 : memref<125x32xf32, #tpu.memory_space<vmem>>) target(%dma_start3A_574 : memref<10000x32xf32, #tpu.memory_space<vmem_shared>>) offsets(%dma_start3A_571 : memref<125xi32, #tpu.memory_space<vmem>>) semaphore(%run_scoped3A_564 : memref<!tpu.dma_semaphore, #tpu.memory_space<semaphore_mem>>) {add = true}
        %dma_wait3A_575 = arith.constant 0 : i32
        %dma_wait3A_576 = arith.constant 0 : i32
        %dma_wait3A_577 = tpu.memref_slice %arg10[%run_scoped3A_347, %dma_wait3A_575, %dma_wait3A_576] : memref<10x125x32xf32, #tpu.memory_space<vmem>> -> memref<1x125x32xf32, #tpu.memory_space<vmem>>
        %dma_wait3A_578 = tpu.memref_squeeze %dma_wait3A_577 : memref<1x125x32xf32, #tpu.memory_space<vmem>> -> memref<125x32xf32, #tpu.memory_space<vmem>>
        %dma_wait3A_579 = arith.constant 0 : i32
        %dma_wait3A_580 = tpu.memref_slice %arg9[%add3A_335, %dma_wait3A_579] : memref<80x125xi32, #tpu.memory_space<vmem>> -> memref<1x125xi32, #tpu.memory_space<vmem>>
        %dma_wait3A_581 = tpu.memref_squeeze %dma_wait3A_580 : memref<1x125xi32, #tpu.memory_space<vmem>> -> memref<125xi32, #tpu.memory_space<vmem>>
        %dma_wait3A_582 = arith.constant 0 : i32
        %dma_wait3A_583 = arith.constant 0 : i32
        %dma_wait3A_584 = tpu.memref_slice %arg7[%dma_wait3A_582, %dma_wait3A_583] : memref<10000x32xf32, #tpu.memory_space<vmem_shared>> -> memref<10000x32xf32, #tpu.memory_space<vmem_shared>>
        tpu.wait_indirect_dma semaphore(%run_scoped3A_564 : memref<!tpu.dma_semaphore, #tpu.memory_space<semaphore_mem>>) src(%dma_wait3A_578 : memref<125x32xf32, #tpu.memory_space<vmem>>) dst(%dma_wait3A_584 : memref<10000x32xf32, #tpu.memory_space<vmem_shared>>)
        tpu.yield
      }) : () -> ()
      %add3A_348 = arith.constant 10 : i32
      %add3A_349 = arith.addi %add3A_335, %add3A_348 : i32
      %dma_start3A_350 = arith.constant 2 : i32
      %dma_start3A_351 = arith.constant 0 : i32
      %dma_start3A_352 = arith.constant 0 : i32
      %dma_start3A_353 = tpu.memref_slice %arg10[%dma_start3A_350, %dma_start3A_351, %dma_start3A_352] : memref<10x125x32xf32, #tpu.memory_space<vmem>> -> memref<1x125x32xf32, #tpu.memory_space<vmem>>
      %dma_start3A_354 = tpu.memref_squeeze %dma_start3A_353 : memref<1x125x32xf32, #tpu.memory_space<vmem>> -> memref<125x32xf32, #tpu.memory_space<vmem>>
      %dma_start3A_355 = arith.constant 0 : i32
      %dma_start3A_356 = tpu.memref_slice %arg8[%add3A_349, %dma_start3A_355] : memref<80x125xi32, #tpu.memory_space<vmem>> -> memref<1x125xi32, #tpu.memory_space<vmem>>
      %dma_start3A_357 = tpu.memref_squeeze %dma_start3A_356 : memref<1x125xi32, #tpu.memory_space<vmem>> -> memref<125xi32, #tpu.memory_space<vmem>>
      %dma_start3A_358 = arith.constant 0 : i32
      %dma_start3A_359 = arith.constant 0 : i32
      %dma_start3A_360 = tpu.memref_slice %arg2[%dma_start3A_358, %dma_start3A_359] : memref<10000x32xf32, #tpu.memory_space<hbm>> -> memref<10000x32xf32, #tpu.memory_space<hbm>>
      tpu.enqueue_indirect_dma source(%dma_start3A_360 : memref<10000x32xf32, #tpu.memory_space<hbm>>) target(%dma_start3A_354 : memref<125x32xf32, #tpu.memory_space<vmem>>) offsets(%dma_start3A_357 : memref<125xi32, #tpu.memory_space<vmem>>) semaphore(%arg13 : memref<!tpu.dma_semaphore, #tpu.memory_space<semaphore_mem>>)
      %mul3A_361 = arith.constant 10 : i32
      %mul3A_362 = arith.muli %scan3A_273, %mul3A_361 : i32
      %add3A_363 = arith.constant 3 : i32
      %add3A_364 = arith.addi %mul3A_362, %add3A_363 : i32
      %dma_wait3A_365 = arith.constant 3 : i32
      %dma_wait3A_366 = arith.constant 0 : i32
      %dma_wait3A_367 = arith.constant 0 : i32
      %dma_wait3A_368 = tpu.memref_slice %arg10[%dma_wait3A_365, %dma_wait3A_366, %dma_wait3A_367] : memref<10x125x32xf32, #tpu.memory_space<vmem>> -> memref<1x125x32xf32, #tpu.memory_space<vmem>>
      %dma_wait3A_369 = tpu.memref_squeeze %dma_wait3A_368 : memref<1x125x32xf32, #tpu.memory_space<vmem>> -> memref<125x32xf32, #tpu.memory_space<vmem>>
      %dma_wait3A_370 = arith.constant 0 : i32
      %dma_wait3A_371 = tpu.memref_slice %arg8[%add3A_364, %dma_wait3A_370] : memref<80x125xi32, #tpu.memory_space<vmem>> -> memref<1x125xi32, #tpu.memory_space<vmem>>
      %dma_wait3A_372 = tpu.memref_squeeze %dma_wait3A_371 : memref<1x125xi32, #tpu.memory_space<vmem>> -> memref<125xi32, #tpu.memory_space<vmem>>
      %dma_wait3A_373 = arith.constant 0 : i32
      %dma_wait3A_374 = arith.constant 0 : i32
      %dma_wait3A_375 = tpu.memref_slice %arg2[%dma_wait3A_373, %dma_wait3A_374] : memref<10000x32xf32, #tpu.memory_space<hbm>> -> memref<10000x32xf32, #tpu.memory_space<hbm>>
      tpu.wait_indirect_dma semaphore(%arg14 : memref<!tpu.dma_semaphore, #tpu.memory_space<semaphore_mem>>) src(%dma_wait3A_375 : memref<10000x32xf32, #tpu.memory_space<hbm>>) dst(%dma_wait3A_369 : memref<125x32xf32, #tpu.memory_space<vmem>>)
      %run_scoped3A_376 = arith.constant 3 : i32
      "tpu.region"() ({
        %run_scoped3A_564 = tpu.sem_alloc : memref<!tpu.dma_semaphore, #tpu.memory_space<semaphore_mem>>
        %dma_start3A_565 = arith.constant 0 : i32
        %dma_start3A_566 = arith.constant 0 : i32
        %dma_start3A_567 = tpu.memref_slice %arg10[%run_scoped3A_376, %dma_start3A_565, %dma_start3A_566] : memref<10x125x32xf32, #tpu.memory_space<vmem>> -> memref<1x125x32xf32, #tpu.memory_space<vmem>>
        %dma_start3A_568 = tpu.memref_squeeze %dma_start3A_567 : memref<1x125x32xf32, #tpu.memory_space<vmem>> -> memref<125x32xf32, #tpu.memory_space<vmem>>
        %dma_start3A_569 = arith.constant 0 : i32
        %dma_start3A_570 = tpu.memref_slice %arg9[%add3A_364, %dma_start3A_569] : memref<80x125xi32, #tpu.memory_space<vmem>> -> memref<1x125xi32, #tpu.memory_space<vmem>>
        %dma_start3A_571 = tpu.memref_squeeze %dma_start3A_570 : memref<1x125xi32, #tpu.memory_space<vmem>> -> memref<125xi32, #tpu.memory_space<vmem>>
        %dma_start3A_572 = arith.constant 0 : i32
        %dma_start3A_573 = arith.constant 0 : i32
        %dma_start3A_574 = tpu.memref_slice %arg7[%dma_start3A_572, %dma_start3A_573] : memref<10000x32xf32, #tpu.memory_space<vmem_shared>> -> memref<10000x32xf32, #tpu.memory_space<vmem_shared>>
        tpu.enqueue_indirect_dma source(%dma_start3A_568 : memref<125x32xf32, #tpu.memory_space<vmem>>) target(%dma_start3A_574 : memref<10000x32xf32, #tpu.memory_space<vmem_shared>>) offsets(%dma_start3A_571 : memref<125xi32, #tpu.memory_space<vmem>>) semaphore(%run_scoped3A_564 : memref<!tpu.dma_semaphore, #tpu.memory_space<semaphore_mem>>) {add = true}
        %dma_wait3A_575 = arith.constant 0 : i32
        %dma_wait3A_576 = arith.constant 0 : i32
        %dma_wait3A_577 = tpu.memref_slice %arg10[%run_scoped3A_376, %dma_wait3A_575, %dma_wait3A_576] : memref<10x125x32xf32, #tpu.memory_space<vmem>> -> memref<1x125x32xf32, #tpu.memory_space<vmem>>
        %dma_wait3A_578 = tpu.memref_squeeze %dma_wait3A_577 : memref<1x125x32xf32, #tpu.memory_space<vmem>> -> memref<125x32xf32, #tpu.memory_space<vmem>>
        %dma_wait3A_579 = arith.constant 0 : i32
        %dma_wait3A_580 = tpu.memref_slice %arg9[%add3A_364, %dma_wait3A_579] : memref<80x125xi32, #tpu.memory_space<vmem>> -> memref<1x125xi32, #tpu.memory_space<vmem>>
        %dma_wait3A_581 = tpu.memref_squeeze %dma_wait3A_580 : memref<1x125xi32, #tpu.memory_space<vmem>> -> memref<125xi32, #tpu.memory_space<vmem>>
        %dma_wait3A_582 = arith.constant 0 : i32
        %dma_wait3A_583 = arith.constant 0 : i32
        %dma_wait3A_584 = tpu.memref_slice %arg7[%dma_wait3A_582, %dma_wait3A_583] : memref<10000x32xf32, #tpu.memory_space<vmem_shared>> -> memref<10000x32xf32, #tpu.memory_space<vmem_shared>>
        tpu.wait_indirect_dma semaphore(%run_scoped3A_564 : memref<!tpu.dma_semaphore, #tpu.memory_space<semaphore_mem>>) src(%dma_wait3A_578 : memref<125x32xf32, #tpu.memory_space<vmem>>) dst(%dma_wait3A_584 : memref<10000x32xf32, #tpu.memory_space<vmem_shared>>)
        tpu.yield
      }) : () -> ()
      %add3A_377 = arith.constant 10 : i32
      %add3A_378 = arith.addi %add3A_364, %add3A_377 : i32
      %dma_start3A_379 = arith.constant 3 : i32
      %dma_start3A_380 = arith.constant 0 : i32
      %dma_start3A_381 = arith.constant 0 : i32
      %dma_start3A_382 = tpu.memref_slice %arg10[%dma_start3A_379, %dma_start3A_380, %dma_start3A_381] : memref<10x125x32xf32, #tpu.memory_space<vmem>> -> memref<1x125x32xf32, #tpu.memory_space<vmem>>
      %dma_start3A_383 = tpu.memref_squeeze %dma_start3A_382 : memref<1x125x32xf32, #tpu.memory_space<vmem>> -> memref<125x32xf32, #tpu.memory_space<vmem>>
      %dma_start3A_384 = arith.constant 0 : i32
      %dma_start3A_385 = tpu.memref_slice %arg8[%add3A_378, %dma_start3A_384] : memref<80x125xi32, #tpu.memory_space<vmem>> -> memref<1x125xi32, #tpu.memory_space<vmem>>
      %dma_start3A_386 = tpu.memref_squeeze %dma_start3A_385 : memref<1x125xi32, #tpu.memory_space<vmem>> -> memref<125xi32, #tpu.memory_space<vmem>>
      %dma_start3A_387 = arith.constant 0 : i32
      %dma_start3A_388 = arith.constant 0 : i32
      %dma_start3A_389 = tpu.memref_slice %arg2[%dma_start3A_387, %dma_start3A_388] : memref<10000x32xf32, #tpu.memory_space<hbm>> -> memref<10000x32xf32, #tpu.memory_space<hbm>>
      tpu.enqueue_indirect_dma source(%dma_start3A_389 : memref<10000x32xf32, #tpu.memory_space<hbm>>) target(%dma_start3A_383 : memref<125x32xf32, #tpu.memory_space<vmem>>) offsets(%dma_start3A_386 : memref<125xi32, #tpu.memory_space<vmem>>) semaphore(%arg14 : memref<!tpu.dma_semaphore, #tpu.memory_space<semaphore_mem>>)
      %mul3A_390 = arith.constant 10 : i32
      %mul3A_391 = arith.muli %scan3A_273, %mul3A_390 : i32
      %add3A_392 = arith.constant 4 : i32
      %add3A_393 = arith.addi %mul3A_391, %add3A_392 : i32
      %dma_wait3A_394 = arith.constant 4 : i32
      %dma_wait3A_395 = arith.constant 0 : i32
      %dma_wait3A_396 = arith.constant 0 : i32
      %dma_wait3A_397 = tpu.memref_slice %arg10[%dma_wait3A_394, %dma_wait3A_395, %dma_wait3A_396] : memref<10x125x32xf32, #tpu.memory_space<vmem>> -> memref<1x125x32xf32, #tpu.memory_space<vmem>>
      %dma_wait3A_398 = tpu.memref_squeeze %dma_wait3A_397 : memref<1x125x32xf32, #tpu.memory_space<vmem>> -> memref<125x32xf32, #tpu.memory_space<vmem>>
      %dma_wait3A_399 = arith.constant 0 : i32
      %dma_wait3A_400 = tpu.memref_slice %arg8[%add3A_393, %dma_wait3A_399] : memref<80x125xi32, #tpu.memory_space<vmem>> -> memref<1x125xi32, #tpu.memory_space<vmem>>
      %dma_wait3A_401 = tpu.memref_squeeze %dma_wait3A_400 : memref<1x125xi32, #tpu.memory_space<vmem>> -> memref<125xi32, #tpu.memory_space<vmem>>
      %dma_wait3A_402 = arith.constant 0 : i32
      %dma_wait3A_403 = arith.constant 0 : i32
      %dma_wait3A_404 = tpu.memref_slice %arg2[%dma_wait3A_402, %dma_wait3A_403] : memref<10000x32xf32, #tpu.memory_space<hbm>> -> memref<10000x32xf32, #tpu.memory_space<hbm>>
      tpu.wait_indirect_dma semaphore(%arg15 : memref<!tpu.dma_semaphore, #tpu.memory_space<semaphore_mem>>) src(%dma_wait3A_404 : memref<10000x32xf32, #tpu.memory_space<hbm>>) dst(%dma_wait3A_398 : memref<125x32xf32, #tpu.memory_space<vmem>>)
      %run_scoped3A_405 = arith.constant 4 : i32
      "tpu.region"() ({
        %run_scoped3A_564 = tpu.sem_alloc : memref<!tpu.dma_semaphore, #tpu.memory_space<semaphore_mem>>
        %dma_start3A_565 = arith.constant 0 : i32
        %dma_start3A_566 = arith.constant 0 : i32
        %dma_start3A_567 = tpu.memref_slice %arg10[%run_scoped3A_405, %dma_start3A_565, %dma_start3A_566] : memref<10x125x32xf32, #tpu.memory_space<vmem>> -> memref<1x125x32xf32, #tpu.memory_space<vmem>>
        %dma_start3A_568 = tpu.memref_squeeze %dma_start3A_567 : memref<1x125x32xf32, #tpu.memory_space<vmem>> -> memref<125x32xf32, #tpu.memory_space<vmem>>
        %dma_start3A_569 = arith.constant 0 : i32
        %dma_start3A_570 = tpu.memref_slice %arg9[%add3A_393, %dma_start3A_569] : memref<80x125xi32, #tpu.memory_space<vmem>> -> memref<1x125xi32, #tpu.memory_space<vmem>>
        %dma_start3A_571 = tpu.memref_squeeze %dma_start3A_570 : memref<1x125xi32, #tpu.memory_space<vmem>> -> memref<125xi32, #tpu.memory_space<vmem>>
        %dma_start3A_572 = arith.constant 0 : i32
        %dma_start3A_573 = arith.constant 0 : i32
        %dma_start3A_574 = tpu.memref_slice %arg7[%dma_start3A_572, %dma_start3A_573] : memref<10000x32xf32, #tpu.memory_space<vmem_shared>> -> memref<10000x32xf32, #tpu.memory_space<vmem_shared>>
        tpu.enqueue_indirect_dma source(%dma_start3A_568 : memref<125x32xf32, #tpu.memory_space<vmem>>) target(%dma_start3A_574 : memref<10000x32xf32, #tpu.memory_space<vmem_shared>>) offsets(%dma_start3A_571 : memref<125xi32, #tpu.memory_space<vmem>>) semaphore(%run_scoped3A_564 : memref<!tpu.dma_semaphore, #tpu.memory_space<semaphore_mem>>) {add = true}
        %dma_wait3A_575 = arith.constant 0 : i32
        %dma_wait3A_576 = arith.constant 0 : i32
        %dma_wait3A_577 = tpu.memref_slice %arg10[%run_scoped3A_405, %dma_wait3A_575, %dma_wait3A_576] : memref<10x125x32xf32, #tpu.memory_space<vmem>> -> memref<1x125x32xf32, #tpu.memory_space<vmem>>
        %dma_wait3A_578 = tpu.memref_squeeze %dma_wait3A_577 : memref<1x125x32xf32, #tpu.memory_space<vmem>> -> memref<125x32xf32, #tpu.memory_space<vmem>>
        %dma_wait3A_579 = arith.constant 0 : i32
        %dma_wait3A_580 = tpu.memref_slice %arg9[%add3A_393, %dma_wait3A_579] : memref<80x125xi32, #tpu.memory_space<vmem>> -> memref<1x125xi32, #tpu.memory_space<vmem>>
        %dma_wait3A_581 = tpu.memref_squeeze %dma_wait3A_580 : memref<1x125xi32, #tpu.memory_space<vmem>> -> memref<125xi32, #tpu.memory_space<vmem>>
        %dma_wait3A_582 = arith.constant 0 : i32
        %dma_wait3A_583 = arith.constant 0 : i32
        %dma_wait3A_584 = tpu.memref_slice %arg7[%dma_wait3A_582, %dma_wait3A_583] : memref<10000x32xf32, #tpu.memory_space<vmem_shared>> -> memref<10000x32xf32, #tpu.memory_space<vmem_shared>>
        tpu.wait_indirect_dma semaphore(%run_scoped3A_564 : memref<!tpu.dma_semaphore, #tpu.memory_space<semaphore_mem>>) src(%dma_wait3A_578 : memref<125x32xf32, #tpu.memory_space<vmem>>) dst(%dma_wait3A_584 : memref<10000x32xf32, #tpu.memory_space<vmem_shared>>)
        tpu.yield
      }) : () -> ()
      %add3A_406 = arith.constant 10 : i32
      %add3A_407 = arith.addi %add3A_393, %add3A_406 : i32
      %dma_start3A_408 = arith.constant 4 : i32
      %dma_start3A_409 = arith.constant 0 : i32
      %dma_start3A_410 = arith.constant 0 : i32
      %dma_start3A_411 = tpu.memref_slice %arg10[%dma_start3A_408, %dma_start3A_409, %dma_start3A_410] : memref<10x125x32xf32, #tpu.memory_space<vmem>> -> memref<1x125x32xf32, #tpu.memory_space<vmem>>
      %dma_start3A_412 = tpu.memref_squeeze %dma_start3A_411 : memref<1x125x32xf32, #tpu.memory_space<vmem>> -> memref<125x32xf32, #tpu.memory_space<vmem>>
      %dma_start3A_413 = arith.constant 0 : i32
      %dma_start3A_414 = tpu.memref_slice %arg8[%add3A_407, %dma_start3A_413] : memref<80x125xi32, #tpu.memory_space<vmem>> -> memref<1x125xi32, #tpu.memory_space<vmem>>
      %dma_start3A_415 = tpu.memref_squeeze %dma_start3A_414 : memref<1x125xi32, #tpu.memory_space<vmem>> -> memref<125xi32, #tpu.memory_space<vmem>>
      %dma_start3A_416 = arith.constant 0 : i32
      %dma_start3A_417 = arith.constant 0 : i32
      %dma_start3A_418 = tpu.memref_slice %arg2[%dma_start3A_416, %dma_start3A_417] : memref<10000x32xf32, #tpu.memory_space<hbm>> -> memref<10000x32xf32, #tpu.memory_space<hbm>>
      tpu.enqueue_indirect_dma source(%dma_start3A_418 : memref<10000x32xf32, #tpu.memory_space<hbm>>) target(%dma_start3A_412 : memref<125x32xf32, #tpu.memory_space<vmem>>) offsets(%dma_start3A_415 : memref<125xi32, #tpu.memory_space<vmem>>) semaphore(%arg15 : memref<!tpu.dma_semaphore, #tpu.memory_space<semaphore_mem>>)
      %mul3A_419 = arith.constant 10 : i32
      %mul3A_420 = arith.muli %scan3A_273, %mul3A_419 : i32
      %add3A_421 = arith.constant 5 : i32
      %add3A_422 = arith.addi %mul3A_420, %add3A_421 : i32
      %dma_wait3A_423 = arith.constant 5 : i32
      %dma_wait3A_424 = arith.constant 0 : i32
      %dma_wait3A_425 = arith.constant 0 : i32
      %dma_wait3A_426 = tpu.memref_slice %arg10[%dma_wait3A_423, %dma_wait3A_424, %dma_wait3A_425] : memref<10x125x32xf32, #tpu.memory_space<vmem>> -> memref<1x125x32xf32, #tpu.memory_space<vmem>>
      %dma_wait3A_427 = tpu.memref_squeeze %dma_wait3A_426 : memref<1x125x32xf32, #tpu.memory_space<vmem>> -> memref<125x32xf32, #tpu.memory_space<vmem>>
      %dma_wait3A_428 = arith.constant 0 : i32
      %dma_wait3A_429 = tpu.memref_slice %arg8[%add3A_422, %dma_wait3A_428] : memref<80x125xi32, #tpu.memory_space<vmem>> -> memref<1x125xi32, #tpu.memory_space<vmem>>
      %dma_wait3A_430 = tpu.memref_squeeze %dma_wait3A_429 : memref<1x125xi32, #tpu.memory_space<vmem>> -> memref<125xi32, #tpu.memory_space<vmem>>
      %dma_wait3A_431 = arith.constant 0 : i32
      %dma_wait3A_432 = arith.constant 0 : i32
      %dma_wait3A_433 = tpu.memref_slice %arg2[%dma_wait3A_431, %dma_wait3A_432] : memref<10000x32xf32, #tpu.memory_space<hbm>> -> memref<10000x32xf32, #tpu.memory_space<hbm>>
      tpu.wait_indirect_dma semaphore(%arg16 : memref<!tpu.dma_semaphore, #tpu.memory_space<semaphore_mem>>) src(%dma_wait3A_433 : memref<10000x32xf32, #tpu.memory_space<hbm>>) dst(%dma_wait3A_427 : memref<125x32xf32, #tpu.memory_space<vmem>>)
      %run_scoped3A_434 = arith.constant 5 : i32
      "tpu.region"() ({
        %run_scoped3A_564 = tpu.sem_alloc : memref<!tpu.dma_semaphore, #tpu.memory_space<semaphore_mem>>
        %dma_start3A_565 = arith.constant 0 : i32
        %dma_start3A_566 = arith.constant 0 : i32
        %dma_start3A_567 = tpu.memref_slice %arg10[%run_scoped3A_434, %dma_start3A_565, %dma_start3A_566] : memref<10x125x32xf32, #tpu.memory_space<vmem>> -> memref<1x125x32xf32, #tpu.memory_space<vmem>>
        %dma_start3A_568 = tpu.memref_squeeze %dma_start3A_567 : memref<1x125x32xf32, #tpu.memory_space<vmem>> -> memref<125x32xf32, #tpu.memory_space<vmem>>
        %dma_start3A_569 = arith.constant 0 : i32
        %dma_start3A_570 = tpu.memref_slice %arg9[%add3A_422, %dma_start3A_569] : memref<80x125xi32, #tpu.memory_space<vmem>> -> memref<1x125xi32, #tpu.memory_space<vmem>>
        %dma_start3A_571 = tpu.memref_squeeze %dma_start3A_570 : memref<1x125xi32, #tpu.memory_space<vmem>> -> memref<125xi32, #tpu.memory_space<vmem>>
        %dma_start3A_572 = arith.constant 0 : i32
        %dma_start3A_573 = arith.constant 0 : i32
        %dma_start3A_574 = tpu.memref_slice %arg7[%dma_start3A_572, %dma_start3A_573] : memref<10000x32xf32, #tpu.memory_space<vmem_shared>> -> memref<10000x32xf32, #tpu.memory_space<vmem_shared>>
        tpu.enqueue_indirect_dma source(%dma_start3A_568 : memref<125x32xf32, #tpu.memory_space<vmem>>) target(%dma_start3A_574 : memref<10000x32xf32, #tpu.memory_space<vmem_shared>>) offsets(%dma_start3A_571 : memref<125xi32, #tpu.memory_space<vmem>>) semaphore(%run_scoped3A_564 : memref<!tpu.dma_semaphore, #tpu.memory_space<semaphore_mem>>) {add = true}
        %dma_wait3A_575 = arith.constant 0 : i32
        %dma_wait3A_576 = arith.constant 0 : i32
        %dma_wait3A_577 = tpu.memref_slice %arg10[%run_scoped3A_434, %dma_wait3A_575, %dma_wait3A_576] : memref<10x125x32xf32, #tpu.memory_space<vmem>> -> memref<1x125x32xf32, #tpu.memory_space<vmem>>
        %dma_wait3A_578 = tpu.memref_squeeze %dma_wait3A_577 : memref<1x125x32xf32, #tpu.memory_space<vmem>> -> memref<125x32xf32, #tpu.memory_space<vmem>>
        %dma_wait3A_579 = arith.constant 0 : i32
        %dma_wait3A_580 = tpu.memref_slice %arg9[%add3A_422, %dma_wait3A_579] : memref<80x125xi32, #tpu.memory_space<vmem>> -> memref<1x125xi32, #tpu.memory_space<vmem>>
        %dma_wait3A_581 = tpu.memref_squeeze %dma_wait3A_580 : memref<1x125xi32, #tpu.memory_space<vmem>> -> memref<125xi32, #tpu.memory_space<vmem>>
        %dma_wait3A_582 = arith.constant 0 : i32
        %dma_wait3A_583 = arith.constant 0 : i32
        %dma_wait3A_584 = tpu.memref_slice %arg7[%dma_wait3A_582, %dma_wait3A_583] : memref<10000x32xf32, #tpu.memory_space<vmem_shared>> -> memref<10000x32xf32, #tpu.memory_space<vmem_shared>>
        tpu.wait_indirect_dma semaphore(%run_scoped3A_564 : memref<!tpu.dma_semaphore, #tpu.memory_space<semaphore_mem>>) src(%dma_wait3A_578 : memref<125x32xf32, #tpu.memory_space<vmem>>) dst(%dma_wait3A_584 : memref<10000x32xf32, #tpu.memory_space<vmem_shared>>)
        tpu.yield
      }) : () -> ()
      %add3A_435 = arith.constant 10 : i32
      %add3A_436 = arith.addi %add3A_422, %add3A_435 : i32
      %dma_start3A_437 = arith.constant 5 : i32
      %dma_start3A_438 = arith.constant 0 : i32
      %dma_start3A_439 = arith.constant 0 : i32
      %dma_start3A_440 = tpu.memref_slice %arg10[%dma_start3A_437, %dma_start3A_438, %dma_start3A_439] : memref<10x125x32xf32, #tpu.memory_space<vmem>> -> memref<1x125x32xf32, #tpu.memory_space<vmem>>
      %dma_start3A_441 = tpu.memref_squeeze %dma_start3A_440 : memref<1x125x32xf32, #tpu.memory_space<vmem>> -> memref<125x32xf32, #tpu.memory_space<vmem>>
      %dma_start3A_442 = arith.constant 0 : i32
      %dma_start3A_443 = tpu.memref_slice %arg8[%add3A_436, %dma_start3A_442] : memref<80x125xi32, #tpu.memory_space<vmem>> -> memref<1x125xi32, #tpu.memory_space<vmem>>
      %dma_start3A_444 = tpu.memref_squeeze %dma_start3A_443 : memref<1x125xi32, #tpu.memory_space<vmem>> -> memref<125xi32, #tpu.memory_space<vmem>>
      %dma_start3A_445 = arith.constant 0 : i32
      %dma_start3A_446 = arith.constant 0 : i32
      %dma_start3A_447 = tpu.memref_slice %arg2[%dma_start3A_445, %dma_start3A_446] : memref<10000x32xf32, #tpu.memory_space<hbm>> -> memref<10000x32xf32, #tpu.memory_space<hbm>>
      tpu.enqueue_indirect_dma source(%dma_start3A_447 : memref<10000x32xf32, #tpu.memory_space<hbm>>) target(%dma_start3A_441 : memref<125x32xf32, #tpu.memory_space<vmem>>) offsets(%dma_start3A_444 : memref<125xi32, #tpu.memory_space<vmem>>) semaphore(%arg16 : memref<!tpu.dma_semaphore, #tpu.memory_space<semaphore_mem>>)
      %mul3A_448 = arith.constant 10 : i32
      %mul3A_449 = arith.muli %scan3A_273, %mul3A_448 : i32
      %add3A_450 = arith.constant 6 : i32
      %add3A_451 = arith.addi %mul3A_449, %add3A_450 : i32
      %dma_wait3A_452 = arith.constant 6 : i32
      %dma_wait3A_453 = arith.constant 0 : i32
      %dma_wait3A_454 = arith.constant 0 : i32
      %dma_wait3A_455 = tpu.memref_slice %arg10[%dma_wait3A_452, %dma_wait3A_453, %dma_wait3A_454] : memref<10x125x32xf32, #tpu.memory_space<vmem>> -> memref<1x125x32xf32, #tpu.memory_space<vmem>>
      %dma_wait3A_456 = tpu.memref_squeeze %dma_wait3A_455 : memref<1x125x32xf32, #tpu.memory_space<vmem>> -> memref<125x32xf32, #tpu.memory_space<vmem>>
      %dma_wait3A_457 = arith.constant 0 : i32
      %dma_wait3A_458 = tpu.memref_slice %arg8[%add3A_451, %dma_wait3A_457] : memref<80x125xi32, #tpu.memory_space<vmem>> -> memref<1x125xi32, #tpu.memory_space<vmem>>
      %dma_wait3A_459 = tpu.memref_squeeze %dma_wait3A_458 : memref<1x125xi32, #tpu.memory_space<vmem>> -> memref<125xi32, #tpu.memory_space<vmem>>
      %dma_wait3A_460 = arith.constant 0 : i32
      %dma_wait3A_461 = arith.constant 0 : i32
      %dma_wait3A_462 = tpu.memref_slice %arg2[%dma_wait3A_460, %dma_wait3A_461] : memref<10000x32xf32, #tpu.memory_space<hbm>> -> memref<10000x32xf32, #tpu.memory_space<hbm>>
      tpu.wait_indirect_dma semaphore(%arg17 : memref<!tpu.dma_semaphore, #tpu.memory_space<semaphore_mem>>) src(%dma_wait3A_462 : memref<10000x32xf32, #tpu.memory_space<hbm>>) dst(%dma_wait3A_456 : memref<125x32xf32, #tpu.memory_space<vmem>>)
      %run_scoped3A_463 = arith.constant 6 : i32
      "tpu.region"() ({
        %run_scoped3A_564 = tpu.sem_alloc : memref<!tpu.dma_semaphore, #tpu.memory_space<semaphore_mem>>
        %dma_start3A_565 = arith.constant 0 : i32
        %dma_start3A_566 = arith.constant 0 : i32
        %dma_start3A_567 = tpu.memref_slice %arg10[%run_scoped3A_463, %dma_start3A_565, %dma_start3A_566] : memref<10x125x32xf32, #tpu.memory_space<vmem>> -> memref<1x125x32xf32, #tpu.memory_space<vmem>>
        %dma_start3A_568 = tpu.memref_squeeze %dma_start3A_567 : memref<1x125x32xf32, #tpu.memory_space<vmem>> -> memref<125x32xf32, #tpu.memory_space<vmem>>
        %dma_start3A_569 = arith.constant 0 : i32
        %dma_start3A_570 = tpu.memref_slice %arg9[%add3A_451, %dma_start3A_569] : memref<80x125xi32, #tpu.memory_space<vmem>> -> memref<1x125xi32, #tpu.memory_space<vmem>>
        %dma_start3A_571 = tpu.memref_squeeze %dma_start3A_570 : memref<1x125xi32, #tpu.memory_space<vmem>> -> memref<125xi32, #tpu.memory_space<vmem>>
        %dma_start3A_572 = arith.constant 0 : i32
        %dma_start3A_573 = arith.constant 0 : i32
        %dma_start3A_574 = tpu.memref_slice %arg7[%dma_start3A_572, %dma_start3A_573] : memref<10000x32xf32, #tpu.memory_space<vmem_shared>> -> memref<10000x32xf32, #tpu.memory_space<vmem_shared>>
        tpu.enqueue_indirect_dma source(%dma_start3A_568 : memref<125x32xf32, #tpu.memory_space<vmem>>) target(%dma_start3A_574 : memref<10000x32xf32, #tpu.memory_space<vmem_shared>>) offsets(%dma_start3A_571 : memref<125xi32, #tpu.memory_space<vmem>>) semaphore(%run_scoped3A_564 : memref<!tpu.dma_semaphore, #tpu.memory_space<semaphore_mem>>) {add = true}
        %dma_wait3A_575 = arith.constant 0 : i32
        %dma_wait3A_576 = arith.constant 0 : i32
        %dma_wait3A_577 = tpu.memref_slice %arg10[%run_scoped3A_463, %dma_wait3A_575, %dma_wait3A_576] : memref<10x125x32xf32, #tpu.memory_space<vmem>> -> memref<1x125x32xf32, #tpu.memory_space<vmem>>
        %dma_wait3A_578 = tpu.memref_squeeze %dma_wait3A_577 : memref<1x125x32xf32, #tpu.memory_space<vmem>> -> memref<125x32xf32, #tpu.memory_space<vmem>>
        %dma_wait3A_579 = arith.constant 0 : i32
        %dma_wait3A_580 = tpu.memref_slice %arg9[%add3A_451, %dma_wait3A_579] : memref<80x125xi32, #tpu.memory_space<vmem>> -> memref<1x125xi32, #tpu.memory_space<vmem>>
        %dma_wait3A_581 = tpu.memref_squeeze %dma_wait3A_580 : memref<1x125xi32, #tpu.memory_space<vmem>> -> memref<125xi32, #tpu.memory_space<vmem>>
        %dma_wait3A_582 = arith.constant 0 : i32
        %dma_wait3A_583 = arith.constant 0 : i32
        %dma_wait3A_584 = tpu.memref_slice %arg7[%dma_wait3A_582, %dma_wait3A_583] : memref<10000x32xf32, #tpu.memory_space<vmem_shared>> -> memref<10000x32xf32, #tpu.memory_space<vmem_shared>>
        tpu.wait_indirect_dma semaphore(%run_scoped3A_564 : memref<!tpu.dma_semaphore, #tpu.memory_space<semaphore_mem>>) src(%dma_wait3A_578 : memref<125x32xf32, #tpu.memory_space<vmem>>) dst(%dma_wait3A_584 : memref<10000x32xf32, #tpu.memory_space<vmem_shared>>)
        tpu.yield
      }) : () -> ()
      %add3A_464 = arith.constant 10 : i32
      %add3A_465 = arith.addi %add3A_451, %add3A_464 : i32
      %dma_start3A_466 = arith.constant 6 : i32
      %dma_start3A_467 = arith.constant 0 : i32
      %dma_start3A_468 = arith.constant 0 : i32
      %dma_start3A_469 = tpu.memref_slice %arg10[%dma_start3A_466, %dma_start3A_467, %dma_start3A_468] : memref<10x125x32xf32, #tpu.memory_space<vmem>> -> memref<1x125x32xf32, #tpu.memory_space<vmem>>
      %dma_start3A_470 = tpu.memref_squeeze %dma_start3A_469 : memref<1x125x32xf32, #tpu.memory_space<vmem>> -> memref<125x32xf32, #tpu.memory_space<vmem>>
      %dma_start3A_471 = arith.constant 0 : i32
      %dma_start3A_472 = tpu.memref_slice %arg8[%add3A_465, %dma_start3A_471] : memref<80x125xi32, #tpu.memory_space<vmem>> -> memref<1x125xi32, #tpu.memory_space<vmem>>
      %dma_start3A_473 = tpu.memref_squeeze %dma_start3A_472 : memref<1x125xi32, #tpu.memory_space<vmem>> -> memref<125xi32, #tpu.memory_space<vmem>>
      %dma_start3A_474 = arith.constant 0 : i32
      %dma_start3A_475 = arith.constant 0 : i32
      %dma_start3A_476 = tpu.memref_slice %arg2[%dma_start3A_474, %dma_start3A_475] : memref<10000x32xf32, #tpu.memory_space<hbm>> -> memref<10000x32xf32, #tpu.memory_space<hbm>>
      tpu.enqueue_indirect_dma source(%dma_start3A_476 : memref<10000x32xf32, #tpu.memory_space<hbm>>) target(%dma_start3A_470 : memref<125x32xf32, #tpu.memory_space<vmem>>) offsets(%dma_start3A_473 : memref<125xi32, #tpu.memory_space<vmem>>) semaphore(%arg17 : memref<!tpu.dma_semaphore, #tpu.memory_space<semaphore_mem>>)
      %mul3A_477 = arith.constant 10 : i32
      %mul3A_478 = arith.muli %scan3A_273, %mul3A_477 : i32
      %add3A_479 = arith.constant 7 : i32
      %add3A_480 = arith.addi %mul3A_478, %add3A_479 : i32
      %dma_wait3A_481 = arith.constant 7 : i32
      %dma_wait3A_482 = arith.constant 0 : i32
      %dma_wait3A_483 = arith.constant 0 : i32
      %dma_wait3A_484 = tpu.memref_slice %arg10[%dma_wait3A_481, %dma_wait3A_482, %dma_wait3A_483] : memref<10x125x32xf32, #tpu.memory_space<vmem>> -> memref<1x125x32xf32, #tpu.memory_space<vmem>>
      %dma_wait3A_485 = tpu.memref_squeeze %dma_wait3A_484 : memref<1x125x32xf32, #tpu.memory_space<vmem>> -> memref<125x32xf32, #tpu.memory_space<vmem>>
      %dma_wait3A_486 = arith.constant 0 : i32
      %dma_wait3A_487 = tpu.memref_slice %arg8[%add3A_480, %dma_wait3A_486] : memref<80x125xi32, #tpu.memory_space<vmem>> -> memref<1x125xi32, #tpu.memory_space<vmem>>
      %dma_wait3A_488 = tpu.memref_squeeze %dma_wait3A_487 : memref<1x125xi32, #tpu.memory_space<vmem>> -> memref<125xi32, #tpu.memory_space<vmem>>
      %dma_wait3A_489 = arith.constant 0 : i32
      %dma_wait3A_490 = arith.constant 0 : i32
      %dma_wait3A_491 = tpu.memref_slice %arg2[%dma_wait3A_489, %dma_wait3A_490] : memref<10000x32xf32, #tpu.memory_space<hbm>> -> memref<10000x32xf32, #tpu.memory_space<hbm>>
      tpu.wait_indirect_dma semaphore(%arg18 : memref<!tpu.dma_semaphore, #tpu.memory_space<semaphore_mem>>) src(%dma_wait3A_491 : memref<10000x32xf32, #tpu.memory_space<hbm>>) dst(%dma_wait3A_485 : memref<125x32xf32, #tpu.memory_space<vmem>>)
      %run_scoped3A_492 = arith.constant 7 : i32
      "tpu.region"() ({
        %run_scoped3A_564 = tpu.sem_alloc : memref<!tpu.dma_semaphore, #tpu.memory_space<semaphore_mem>>
        %dma_start3A_565 = arith.constant 0 : i32
        %dma_start3A_566 = arith.constant 0 : i32
        %dma_start3A_567 = tpu.memref_slice %arg10[%run_scoped3A_492, %dma_start3A_565, %dma_start3A_566] : memref<10x125x32xf32, #tpu.memory_space<vmem>> -> memref<1x125x32xf32, #tpu.memory_space<vmem>>
        %dma_start3A_568 = tpu.memref_squeeze %dma_start3A_567 : memref<1x125x32xf32, #tpu.memory_space<vmem>> -> memref<125x32xf32, #tpu.memory_space<vmem>>
        %dma_start3A_569 = arith.constant 0 : i32
        %dma_start3A_570 = tpu.memref_slice %arg9[%add3A_480, %dma_start3A_569] : memref<80x125xi32, #tpu.memory_space<vmem>> -> memref<1x125xi32, #tpu.memory_space<vmem>>
        %dma_start3A_571 = tpu.memref_squeeze %dma_start3A_570 : memref<1x125xi32, #tpu.memory_space<vmem>> -> memref<125xi32, #tpu.memory_space<vmem>>
        %dma_start3A_572 = arith.constant 0 : i32
        %dma_start3A_573 = arith.constant 0 : i32
        %dma_start3A_574 = tpu.memref_slice %arg7[%dma_start3A_572, %dma_start3A_573] : memref<10000x32xf32, #tpu.memory_space<vmem_shared>> -> memref<10000x32xf32, #tpu.memory_space<vmem_shared>>
        tpu.enqueue_indirect_dma source(%dma_start3A_568 : memref<125x32xf32, #tpu.memory_space<vmem>>) target(%dma_start3A_574 : memref<10000x32xf32, #tpu.memory_space<vmem_shared>>) offsets(%dma_start3A_571 : memref<125xi32, #tpu.memory_space<vmem>>) semaphore(%run_scoped3A_564 : memref<!tpu.dma_semaphore, #tpu.memory_space<semaphore_mem>>) {add = true}
        %dma_wait3A_575 = arith.constant 0 : i32
        %dma_wait3A_576 = arith.constant 0 : i32
        %dma_wait3A_577 = tpu.memref_slice %arg10[%run_scoped3A_492, %dma_wait3A_575, %dma_wait3A_576] : memref<10x125x32xf32, #tpu.memory_space<vmem>> -> memref<1x125x32xf32, #tpu.memory_space<vmem>>
        %dma_wait3A_578 = tpu.memref_squeeze %dma_wait3A_577 : memref<1x125x32xf32, #tpu.memory_space<vmem>> -> memref<125x32xf32, #tpu.memory_space<vmem>>
        %dma_wait3A_579 = arith.constant 0 : i32
        %dma_wait3A_580 = tpu.memref_slice %arg9[%add3A_480, %dma_wait3A_579] : memref<80x125xi32, #tpu.memory_space<vmem>> -> memref<1x125xi32, #tpu.memory_space<vmem>>
        %dma_wait3A_581 = tpu.memref_squeeze %dma_wait3A_580 : memref<1x125xi32, #tpu.memory_space<vmem>> -> memref<125xi32, #tpu.memory_space<vmem>>
        %dma_wait3A_582 = arith.constant 0 : i32
        %dma_wait3A_583 = arith.constant 0 : i32
        %dma_wait3A_584 = tpu.memref_slice %arg7[%dma_wait3A_582, %dma_wait3A_583] : memref<10000x32xf32, #tpu.memory_space<vmem_shared>> -> memref<10000x32xf32, #tpu.memory_space<vmem_shared>>
        tpu.wait_indirect_dma semaphore(%run_scoped3A_564 : memref<!tpu.dma_semaphore, #tpu.memory_space<semaphore_mem>>) src(%dma_wait3A_578 : memref<125x32xf32, #tpu.memory_space<vmem>>) dst(%dma_wait3A_584 : memref<10000x32xf32, #tpu.memory_space<vmem_shared>>)
        tpu.yield
      }) : () -> ()
      %add3A_493 = arith.constant 10 : i32
      %add3A_494 = arith.addi %add3A_480, %add3A_493 : i32
      %dma_start3A_495 = arith.constant 7 : i32
      %dma_start3A_496 = arith.constant 0 : i32
      %dma_start3A_497 = arith.constant 0 : i32
      %dma_start3A_498 = tpu.memref_slice %arg10[%dma_start3A_495, %dma_start3A_496, %dma_start3A_497] : memref<10x125x32xf32, #tpu.memory_space<vmem>> -> memref<1x125x32xf32, #tpu.memory_space<vmem>>
      %dma_start3A_499 = tpu.memref_squeeze %dma_start3A_498 : memref<1x125x32xf32, #tpu.memory_space<vmem>> -> memref<125x32xf32, #tpu.memory_space<vmem>>
      %dma_start3A_500 = arith.constant 0 : i32
      %dma_start3A_501 = tpu.memref_slice %arg8[%add3A_494, %dma_start3A_500] : memref<80x125xi32, #tpu.memory_space<vmem>> -> memref<1x125xi32, #tpu.memory_space<vmem>>
      %dma_start3A_502 = tpu.memref_squeeze %dma_start3A_501 : memref<1x125xi32, #tpu.memory_space<vmem>> -> memref<125xi32, #tpu.memory_space<vmem>>
      %dma_start3A_503 = arith.constant 0 : i32
      %dma_start3A_504 = arith.constant 0 : i32
      %dma_start3A_505 = tpu.memref_slice %arg2[%dma_start3A_503, %dma_start3A_504] : memref<10000x32xf32, #tpu.memory_space<hbm>> -> memref<10000x32xf32, #tpu.memory_space<hbm>>
      tpu.enqueue_indirect_dma source(%dma_start3A_505 : memref<10000x32xf32, #tpu.memory_space<hbm>>) target(%dma_start3A_499 : memref<125x32xf32, #tpu.memory_space<vmem>>) offsets(%dma_start3A_502 : memref<125xi32, #tpu.memory_space<vmem>>) semaphore(%arg18 : memref<!tpu.dma_semaphore, #tpu.memory_space<semaphore_mem>>)
      %mul3A_506 = arith.constant 10 : i32
      %mul3A_507 = arith.muli %scan3A_273, %mul3A_506 : i32
      %add3A_508 = arith.constant 8 : i32
      %add3A_509 = arith.addi %mul3A_507, %add3A_508 : i32
      %dma_wait3A_510 = arith.constant 8 : i32
      %dma_wait3A_511 = arith.constant 0 : i32
      %dma_wait3A_512 = arith.constant 0 : i32
      %dma_wait3A_513 = tpu.memref_slice %arg10[%dma_wait3A_510, %dma_wait3A_511, %dma_wait3A_512] : memref<10x125x32xf32, #tpu.memory_space<vmem>> -> memref<1x125x32xf32, #tpu.memory_space<vmem>>
      %dma_wait3A_514 = tpu.memref_squeeze %dma_wait3A_513 : memref<1x125x32xf32, #tpu.memory_space<vmem>> -> memref<125x32xf32, #tpu.memory_space<vmem>>
      %dma_wait3A_515 = arith.constant 0 : i32
      %dma_wait3A_516 = tpu.memref_slice %arg8[%add3A_509, %dma_wait3A_515] : memref<80x125xi32, #tpu.memory_space<vmem>> -> memref<1x125xi32, #tpu.memory_space<vmem>>
      %dma_wait3A_517 = tpu.memref_squeeze %dma_wait3A_516 : memref<1x125xi32, #tpu.memory_space<vmem>> -> memref<125xi32, #tpu.memory_space<vmem>>
      %dma_wait3A_518 = arith.constant 0 : i32
      %dma_wait3A_519 = arith.constant 0 : i32
      %dma_wait3A_520 = tpu.memref_slice %arg2[%dma_wait3A_518, %dma_wait3A_519] : memref<10000x32xf32, #tpu.memory_space<hbm>> -> memref<10000x32xf32, #tpu.memory_space<hbm>>
      tpu.wait_indirect_dma semaphore(%arg19 : memref<!tpu.dma_semaphore, #tpu.memory_space<semaphore_mem>>) src(%dma_wait3A_520 : memref<10000x32xf32, #tpu.memory_space<hbm>>) dst(%dma_wait3A_514 : memref<125x32xf32, #tpu.memory_space<vmem>>)
      %run_scoped3A_521 = arith.constant 8 : i32
      "tpu.region"() ({
        %run_scoped3A_564 = tpu.sem_alloc : memref<!tpu.dma_semaphore, #tpu.memory_space<semaphore_mem>>
        %dma_start3A_565 = arith.constant 0 : i32
        %dma_start3A_566 = arith.constant 0 : i32
        %dma_start3A_567 = tpu.memref_slice %arg10[%run_scoped3A_521, %dma_start3A_565, %dma_start3A_566] : memref<10x125x32xf32, #tpu.memory_space<vmem>> -> memref<1x125x32xf32, #tpu.memory_space<vmem>>
        %dma_start3A_568 = tpu.memref_squeeze %dma_start3A_567 : memref<1x125x32xf32, #tpu.memory_space<vmem>> -> memref<125x32xf32, #tpu.memory_space<vmem>>
        %dma_start3A_569 = arith.constant 0 : i32
        %dma_start3A_570 = tpu.memref_slice %arg9[%add3A_509, %dma_start3A_569] : memref<80x125xi32, #tpu.memory_space<vmem>> -> memref<1x125xi32, #tpu.memory_space<vmem>>
        %dma_start3A_571 = tpu.memref_squeeze %dma_start3A_570 : memref<1x125xi32, #tpu.memory_space<vmem>> -> memref<125xi32, #tpu.memory_space<vmem>>
        %dma_start3A_572 = arith.constant 0 : i32
        %dma_start3A_573 = arith.constant 0 : i32
        %dma_start3A_574 = tpu.memref_slice %arg7[%dma_start3A_572, %dma_start3A_573] : memref<10000x32xf32, #tpu.memory_space<vmem_shared>> -> memref<10000x32xf32, #tpu.memory_space<vmem_shared>>
        tpu.enqueue_indirect_dma source(%dma_start3A_568 : memref<125x32xf32, #tpu.memory_space<vmem>>) target(%dma_start3A_574 : memref<10000x32xf32, #tpu.memory_space<vmem_shared>>) offsets(%dma_start3A_571 : memref<125xi32, #tpu.memory_space<vmem>>) semaphore(%run_scoped3A_564 : memref<!tpu.dma_semaphore, #tpu.memory_space<semaphore_mem>>) {add = true}
        %dma_wait3A_575 = arith.constant 0 : i32
        %dma_wait3A_576 = arith.constant 0 : i32
        %dma_wait3A_577 = tpu.memref_slice %arg10[%run_scoped3A_521, %dma_wait3A_575, %dma_wait3A_576] : memref<10x125x32xf32, #tpu.memory_space<vmem>> -> memref<1x125x32xf32, #tpu.memory_space<vmem>>
        %dma_wait3A_578 = tpu.memref_squeeze %dma_wait3A_577 : memref<1x125x32xf32, #tpu.memory_space<vmem>> -> memref<125x32xf32, #tpu.memory_space<vmem>>
        %dma_wait3A_579 = arith.constant 0 : i32
        %dma_wait3A_580 = tpu.memref_slice %arg9[%add3A_509, %dma_wait3A_579] : memref<80x125xi32, #tpu.memory_space<vmem>> -> memref<1x125xi32, #tpu.memory_space<vmem>>
        %dma_wait3A_581 = tpu.memref_squeeze %dma_wait3A_580 : memref<1x125xi32, #tpu.memory_space<vmem>> -> memref<125xi32, #tpu.memory_space<vmem>>
        %dma_wait3A_582 = arith.constant 0 : i32
        %dma_wait3A_583 = arith.constant 0 : i32
        %dma_wait3A_584 = tpu.memref_slice %arg7[%dma_wait3A_582, %dma_wait3A_583] : memref<10000x32xf32, #tpu.memory_space<vmem_shared>> -> memref<10000x32xf32, #tpu.memory_space<vmem_shared>>
        tpu.wait_indirect_dma semaphore(%run_scoped3A_564 : memref<!tpu.dma_semaphore, #tpu.memory_space<semaphore_mem>>) src(%dma_wait3A_578 : memref<125x32xf32, #tpu.memory_space<vmem>>) dst(%dma_wait3A_584 : memref<10000x32xf32, #tpu.memory_space<vmem_shared>>)
        tpu.yield
      }) : () -> ()
      %add3A_522 = arith.constant 10 : i32
      %add3A_523 = arith.addi %add3A_509, %add3A_522 : i32
      %dma_start3A_524 = arith.constant 8 : i32
      %dma_start3A_525 = arith.constant 0 : i32
      %dma_start3A_526 = arith.constant 0 : i32
      %dma_start3A_527 = tpu.memref_slice %arg10[%dma_start3A_524, %dma_start3A_525, %dma_start3A_526] : memref<10x125x32xf32, #tpu.memory_space<vmem>> -> memref<1x125x32xf32, #tpu.memory_space<vmem>>
      %dma_start3A_528 = tpu.memref_squeeze %dma_start3A_527 : memref<1x125x32xf32, #tpu.memory_space<vmem>> -> memref<125x32xf32, #tpu.memory_space<vmem>>
      %dma_start3A_529 = arith.constant 0 : i32
      %dma_start3A_530 = tpu.memref_slice %arg8[%add3A_523, %dma_start3A_529] : memref<80x125xi32, #tpu.memory_space<vmem>> -> memref<1x125xi32, #tpu.memory_space<vmem>>
      %dma_start3A_531 = tpu.memref_squeeze %dma_start3A_530 : memref<1x125xi32, #tpu.memory_space<vmem>> -> memref<125xi32, #tpu.memory_space<vmem>>
      %dma_start3A_532 = arith.constant 0 : i32
      %dma_start3A_533 = arith.constant 0 : i32
      %dma_start3A_534 = tpu.memref_slice %arg2[%dma_start3A_532, %dma_start3A_533] : memref<10000x32xf32, #tpu.memory_space<hbm>> -> memref<10000x32xf32, #tpu.memory_space<hbm>>
      tpu.enqueue_indirect_dma source(%dma_start3A_534 : memref<10000x32xf32, #tpu.memory_space<hbm>>) target(%dma_start3A_528 : memref<125x32xf32, #tpu.memory_space<vmem>>) offsets(%dma_start3A_531 : memref<125xi32, #tpu.memory_space<vmem>>) semaphore(%arg19 : memref<!tpu.dma_semaphore, #tpu.memory_space<semaphore_mem>>)
      %mul3A_535 = arith.constant 10 : i32
      %mul3A_536 = arith.muli %scan3A_273, %mul3A_535 : i32
      %add3A_537 = arith.constant 9 : i32
      %add3A_538 = arith.addi %mul3A_536, %add3A_537 : i32
      %dma_wait3A_539 = arith.constant 9 : i32
      %dma_wait3A_540 = arith.constant 0 : i32
      %dma_wait3A_541 = arith.constant 0 : i32
      %dma_wait3A_542 = tpu.memref_slice %arg10[%dma_wait3A_539, %dma_wait3A_540, %dma_wait3A_541] : memref<10x125x32xf32, #tpu.memory_space<vmem>> -> memref<1x125x32xf32, #tpu.memory_space<vmem>>
      %dma_wait3A_543 = tpu.memref_squeeze %dma_wait3A_542 : memref<1x125x32xf32, #tpu.memory_space<vmem>> -> memref<125x32xf32, #tpu.memory_space<vmem>>
      %dma_wait3A_544 = arith.constant 0 : i32
      %dma_wait3A_545 = tpu.memref_slice %arg8[%add3A_538, %dma_wait3A_544] : memref<80x125xi32, #tpu.memory_space<vmem>> -> memref<1x125xi32, #tpu.memory_space<vmem>>
      %dma_wait3A_546 = tpu.memref_squeeze %dma_wait3A_545 : memref<1x125xi32, #tpu.memory_space<vmem>> -> memref<125xi32, #tpu.memory_space<vmem>>
      %dma_wait3A_547 = arith.constant 0 : i32
      %dma_wait3A_548 = arith.constant 0 : i32
      %dma_wait3A_549 = tpu.memref_slice %arg2[%dma_wait3A_547, %dma_wait3A_548] : memref<10000x32xf32, #tpu.memory_space<hbm>> -> memref<10000x32xf32, #tpu.memory_space<hbm>>
      tpu.wait_indirect_dma semaphore(%arg20 : memref<!tpu.dma_semaphore, #tpu.memory_space<semaphore_mem>>) src(%dma_wait3A_549 : memref<10000x32xf32, #tpu.memory_space<hbm>>) dst(%dma_wait3A_543 : memref<125x32xf32, #tpu.memory_space<vmem>>)
      %run_scoped3A_550 = arith.constant 9 : i32
      "tpu.region"() ({
        %run_scoped3A_564 = tpu.sem_alloc : memref<!tpu.dma_semaphore, #tpu.memory_space<semaphore_mem>>
        %dma_start3A_565 = arith.constant 0 : i32
        %dma_start3A_566 = arith.constant 0 : i32
        %dma_start3A_567 = tpu.memref_slice %arg10[%run_scoped3A_550, %dma_start3A_565, %dma_start3A_566] : memref<10x125x32xf32, #tpu.memory_space<vmem>> -> memref<1x125x32xf32, #tpu.memory_space<vmem>>
        %dma_start3A_568 = tpu.memref_squeeze %dma_start3A_567 : memref<1x125x32xf32, #tpu.memory_space<vmem>> -> memref<125x32xf32, #tpu.memory_space<vmem>>
        %dma_start3A_569 = arith.constant 0 : i32
        %dma_start3A_570 = tpu.memref_slice %arg9[%add3A_538, %dma_start3A_569] : memref<80x125xi32, #tpu.memory_space<vmem>> -> memref<1x125xi32, #tpu.memory_space<vmem>>
        %dma_start3A_571 = tpu.memref_squeeze %dma_start3A_570 : memref<1x125xi32, #tpu.memory_space<vmem>> -> memref<125xi32, #tpu.memory_space<vmem>>
        %dma_start3A_572 = arith.constant 0 : i32
        %dma_start3A_573 = arith.constant 0 : i32
        %dma_start3A_574 = tpu.memref_slice %arg7[%dma_start3A_572, %dma_start3A_573] : memref<10000x32xf32, #tpu.memory_space<vmem_shared>> -> memref<10000x32xf32, #tpu.memory_space<vmem_shared>>
        tpu.enqueue_indirect_dma source(%dma_start3A_568 : memref<125x32xf32, #tpu.memory_space<vmem>>) target(%dma_start3A_574 : memref<10000x32xf32, #tpu.memory_space<vmem_shared>>) offsets(%dma_start3A_571 : memref<125xi32, #tpu.memory_space<vmem>>) semaphore(%run_scoped3A_564 : memref<!tpu.dma_semaphore, #tpu.memory_space<semaphore_mem>>) {add = true}
        %dma_wait3A_575 = arith.constant 0 : i32
        %dma_wait3A_576 = arith.constant 0 : i32
        %dma_wait3A_577 = tpu.memref_slice %arg10[%run_scoped3A_550, %dma_wait3A_575, %dma_wait3A_576] : memref<10x125x32xf32, #tpu.memory_space<vmem>> -> memref<1x125x32xf32, #tpu.memory_space<vmem>>
        %dma_wait3A_578 = tpu.memref_squeeze %dma_wait3A_577 : memref<1x125x32xf32, #tpu.memory_space<vmem>> -> memref<125x32xf32, #tpu.memory_space<vmem>>
        %dma_wait3A_579 = arith.constant 0 : i32
        %dma_wait3A_580 = tpu.memref_slice %arg9[%add3A_538, %dma_wait3A_579] : memref<80x125xi32, #tpu.memory_space<vmem>> -> memref<1x125xi32, #tpu.memory_space<vmem>>
        %dma_wait3A_581 = tpu.memref_squeeze %dma_wait3A_580 : memref<1x125xi32, #tpu.memory_space<vmem>> -> memref<125xi32, #tpu.memory_space<vmem>>
        %dma_wait3A_582 = arith.constant 0 : i32
        %dma_wait3A_583 = arith.constant 0 : i32
        %dma_wait3A_584 = tpu.memref_slice %arg7[%dma_wait3A_582, %dma_wait3A_583] : memref<10000x32xf32, #tpu.memory_space<vmem_shared>> -> memref<10000x32xf32, #tpu.memory_space<vmem_shared>>
        tpu.wait_indirect_dma semaphore(%run_scoped3A_564 : memref<!tpu.dma_semaphore, #tpu.memory_space<semaphore_mem>>) src(%dma_wait3A_578 : memref<125x32xf32, #tpu.memory_space<vmem>>) dst(%dma_wait3A_584 : memref<10000x32xf32, #tpu.memory_space<vmem_shared>>)
        tpu.yield
      }) : () -> ()
      %add3A_551 = arith.constant 10 : i32
      %add3A_552 = arith.addi %add3A_538, %add3A_551 : i32
      %dma_start3A_553 = arith.constant 9 : i32
      %dma_start3A_554 = arith.constant 0 : i32
      %dma_start3A_555 = arith.constant 0 : i32
      %dma_start3A_556 = tpu.memref_slice %arg10[%dma_start3A_553, %dma_start3A_554, %dma_start3A_555] : memref<10x125x32xf32, #tpu.memory_space<vmem>> -> memref<1x125x32xf32, #tpu.memory_space<vmem>>
      %dma_start3A_557 = tpu.memref_squeeze %dma_start3A_556 : memref<1x125x32xf32, #tpu.memory_space<vmem>> -> memref<125x32xf32, #tpu.memory_space<vmem>>
      %dma_start3A_558 = arith.constant 0 : i32
      %dma_start3A_559 = tpu.memref_slice %arg8[%add3A_552, %dma_start3A_558] : memref<80x125xi32, #tpu.memory_space<vmem>> -> memref<1x125xi32, #tpu.memory_space<vmem>>
      %dma_start3A_560 = tpu.memref_squeeze %dma_start3A_559 : memref<1x125xi32, #tpu.memory_space<vmem>> -> memref<125xi32, #tpu.memory_space<vmem>>
      %dma_start3A_561 = arith.constant 0 : i32
      %dma_start3A_562 = arith.constant 0 : i32
      %dma_start3A_563 = tpu.memref_slice %arg2[%dma_start3A_561, %dma_start3A_562] : memref<10000x32xf32, #tpu.memory_space<hbm>> -> memref<10000x32xf32, #tpu.memory_space<hbm>>
      tpu.enqueue_indirect_dma source(%dma_start3A_563 : memref<10000x32xf32, #tpu.memory_space<hbm>>) target(%dma_start3A_557 : memref<125x32xf32, #tpu.memory_space<vmem>>) offsets(%dma_start3A_560 : memref<125xi32, #tpu.memory_space<vmem>>) semaphore(%arg20 : memref<!tpu.dma_semaphore, #tpu.memory_space<semaphore_mem>>)
    }
    %scan3A_128 = arith.constant 7 : i32
    %dma_wait3A = arith.constant 70 : i32
    %dma_wait3A_129 = arith.constant 0 : i32
    %dma_wait3A_130 = arith.constant 0 : i32
    %dma_wait3A_131 = arith.constant 0 : i32
    %dma_wait3A_132 = tpu.memref_slice %arg10[%dma_wait3A_129, %dma_wait3A_130, %dma_wait3A_131] : memref<10x125x32xf32, #tpu.memory_space<vmem>> -> memref<1x125x32xf32, #tpu.memory_space<vmem>>
    %dma_wait3A_133 = tpu.memref_squeeze %dma_wait3A_132 : memref<1x125x32xf32, #tpu.memory_space<vmem>> -> memref<125x32xf32, #tpu.memory_space<vmem>>
    %dma_wait3A_134 = arith.constant 0 : i32
    %dma_wait3A_135 = tpu.memref_slice %arg8[%dma_wait3A, %dma_wait3A_134] : memref<80x125xi32, #tpu.memory_space<vmem>> -> memref<1x125xi32, #tpu.memory_space<vmem>>
    %dma_wait3A_136 = tpu.memref_squeeze %dma_wait3A_135 : memref<1x125xi32, #tpu.memory_space<vmem>> -> memref<125xi32, #tpu.memory_space<vmem>>
    %dma_wait3A_137 = arith.constant 0 : i32
    %dma_wait3A_138 = arith.constant 0 : i32
    %dma_wait3A_139 = tpu.memref_slice %arg2[%dma_wait3A_137, %dma_wait3A_138] : memref<10000x32xf32, #tpu.memory_space<hbm>> -> memref<10000x32xf32, #tpu.memory_space<hbm>>
    tpu.wait_indirect_dma semaphore(%arg11 : memref<!tpu.dma_semaphore, #tpu.memory_space<semaphore_mem>>) src(%dma_wait3A_139 : memref<10000x32xf32, #tpu.memory_space<hbm>>) dst(%dma_wait3A_133 : memref<125x32xf32, #tpu.memory_space<vmem>>)
    %run_scoped3A = arith.constant 0 : i32
    %run_scoped3A_140 = arith.constant 70 : i32
    "tpu.region"() ({
      %run_scoped3A_273 = tpu.sem_alloc : memref<!tpu.dma_semaphore, #tpu.memory_space<semaphore_mem>>
      %dma_start3A_274 = arith.constant 0 : i32
      %dma_start3A_275 = arith.constant 0 : i32
      %dma_start3A_276 = tpu.memref_slice %arg10[%run_scoped3A, %dma_start3A_274, %dma_start3A_275] : memref<10x125x32xf32, #tpu.memory_space<vmem>> -> memref<1x125x32xf32, #tpu.memory_space<vmem>>
      %dma_start3A_277 = tpu.memref_squeeze %dma_start3A_276 : memref<1x125x32xf32, #tpu.memory_space<vmem>> -> memref<125x32xf32, #tpu.memory_space<vmem>>
      %dma_start3A_278 = arith.constant 0 : i32
      %dma_start3A_279 = tpu.memref_slice %arg9[%run_scoped3A_140, %dma_start3A_278] : memref<80x125xi32, #tpu.memory_space<vmem>> -> memref<1x125xi32, #tpu.memory_space<vmem>>
      %dma_start3A_280 = tpu.memref_squeeze %dma_start3A_279 : memref<1x125xi32, #tpu.memory_space<vmem>> -> memref<125xi32, #tpu.memory_space<vmem>>
      %dma_start3A_281 = arith.constant 0 : i32
      %dma_start3A_282 = arith.constant 0 : i32
      %dma_start3A_283 = tpu.memref_slice %arg7[%dma_start3A_281, %dma_start3A_282] : memref<10000x32xf32, #tpu.memory_space<vmem_shared>> -> memref<10000x32xf32, #tpu.memory_space<vmem_shared>>
      tpu.enqueue_indirect_dma source(%dma_start3A_277 : memref<125x32xf32, #tpu.memory_space<vmem>>) target(%dma_start3A_283 : memref<10000x32xf32, #tpu.memory_space<vmem_shared>>) offsets(%dma_start3A_280 : memref<125xi32, #tpu.memory_space<vmem>>) semaphore(%run_scoped3A_273 : memref<!tpu.dma_semaphore, #tpu.memory_space<semaphore_mem>>) {add = true}
      %dma_wait3A_284 = arith.constant 0 : i32
      %dma_wait3A_285 = arith.constant 0 : i32
      %dma_wait3A_286 = tpu.memref_slice %arg10[%run_scoped3A, %dma_wait3A_284, %dma_wait3A_285] : memref<10x125x32xf32, #tpu.memory_space<vmem>> -> memref<1x125x32xf32, #tpu.memory_space<vmem>>
      %dma_wait3A_287 = tpu.memref_squeeze %dma_wait3A_286 : memref<1x125x32xf32, #tpu.memory_space<vmem>> -> memref<125x32xf32, #tpu.memory_space<vmem>>
      %dma_wait3A_288 = arith.constant 0 : i32
      %dma_wait3A_289 = tpu.memref_slice %arg9[%run_scoped3A_140, %dma_wait3A_288] : memref<80x125xi32, #tpu.memory_space<vmem>> -> memref<1x125xi32, #tpu.memory_space<vmem>>
      %dma_wait3A_290 = tpu.memref_squeeze %dma_wait3A_289 : memref<1x125xi32, #tpu.memory_space<vmem>> -> memref<125xi32, #tpu.memory_space<vmem>>
      %dma_wait3A_291 = arith.constant 0 : i32
      %dma_wait3A_292 = arith.constant 0 : i32
      %dma_wait3A_293 = tpu.memref_slice %arg7[%dma_wait3A_291, %dma_wait3A_292] : memref<10000x32xf32, #tpu.memory_space<vmem_shared>> -> memref<10000x32xf32, #tpu.memory_space<vmem_shared>>
      tpu.wait_indirect_dma semaphore(%run_scoped3A_273 : memref<!tpu.dma_semaphore, #tpu.memory_space<semaphore_mem>>) src(%dma_wait3A_287 : memref<125x32xf32, #tpu.memory_space<vmem>>) dst(%dma_wait3A_293 : memref<10000x32xf32, #tpu.memory_space<vmem_shared>>)
      tpu.yield
    }) : () -> ()
    %dma_wait3A_141 = arith.constant 71 : i32
    %dma_wait3A_142 = arith.constant 1 : i32
    %dma_wait3A_143 = arith.constant 0 : i32
    %dma_wait3A_144 = arith.constant 0 : i32
    %dma_wait3A_145 = tpu.memref_slice %arg10[%dma_wait3A_142, %dma_wait3A_143, %dma_wait3A_144] : memref<10x125x32xf32, #tpu.memory_space<vmem>> -> memref<1x125x32xf32, #tpu.memory_space<vmem>>
    %dma_wait3A_146 = tpu.memref_squeeze %dma_wait3A_145 : memref<1x125x32xf32, #tpu.memory_space<vmem>> -> memref<125x32xf32, #tpu.memory_space<vmem>>
    %dma_wait3A_147 = arith.constant 0 : i32
    %dma_wait3A_148 = tpu.memref_slice %arg8[%dma_wait3A_141, %dma_wait3A_147] : memref<80x125xi32, #tpu.memory_space<vmem>> -> memref<1x125xi32, #tpu.memory_space<vmem>>
    %dma_wait3A_149 = tpu.memref_squeeze %dma_wait3A_148 : memref<1x125xi32, #tpu.memory_space<vmem>> -> memref<125xi32, #tpu.memory_space<vmem>>
    %dma_wait3A_150 = arith.constant 0 : i32
    %dma_wait3A_151 = arith.constant 0 : i32
    %dma_wait3A_152 = tpu.memref_slice %arg2[%dma_wait3A_150, %dma_wait3A_151] : memref<10000x32xf32, #tpu.memory_space<hbm>> -> memref<10000x32xf32, #tpu.memory_space<hbm>>
    tpu.wait_indirect_dma semaphore(%arg12 : memref<!tpu.dma_semaphore, #tpu.memory_space<semaphore_mem>>) src(%dma_wait3A_152 : memref<10000x32xf32, #tpu.memory_space<hbm>>) dst(%dma_wait3A_146 : memref<125x32xf32, #tpu.memory_space<vmem>>)
    %run_scoped3A_153 = arith.constant 1 : i32
    %run_scoped3A_154 = arith.constant 71 : i32
    "tpu.region"() ({
      %run_scoped3A_273 = tpu.sem_alloc : memref<!tpu.dma_semaphore, #tpu.memory_space<semaphore_mem>>
      %dma_start3A_274 = arith.constant 0 : i32
      %dma_start3A_275 = arith.constant 0 : i32
      %dma_start3A_276 = tpu.memref_slice %arg10[%run_scoped3A_153, %dma_start3A_274, %dma_start3A_275] : memref<10x125x32xf32, #tpu.memory_space<vmem>> -> memref<1x125x32xf32, #tpu.memory_space<vmem>>
      %dma_start3A_277 = tpu.memref_squeeze %dma_start3A_276 : memref<1x125x32xf32, #tpu.memory_space<vmem>> -> memref<125x32xf32, #tpu.memory_space<vmem>>
      %dma_start3A_278 = arith.constant 0 : i32
      %dma_start3A_279 = tpu.memref_slice %arg9[%run_scoped3A_154, %dma_start3A_278] : memref<80x125xi32, #tpu.memory_space<vmem>> -> memref<1x125xi32, #tpu.memory_space<vmem>>
      %dma_start3A_280 = tpu.memref_squeeze %dma_start3A_279 : memref<1x125xi32, #tpu.memory_space<vmem>> -> memref<125xi32, #tpu.memory_space<vmem>>
      %dma_start3A_281 = arith.constant 0 : i32
      %dma_start3A_282 = arith.constant 0 : i32
      %dma_start3A_283 = tpu.memref_slice %arg7[%dma_start3A_281, %dma_start3A_282] : memref<10000x32xf32, #tpu.memory_space<vmem_shared>> -> memref<10000x32xf32, #tpu.memory_space<vmem_shared>>
      tpu.enqueue_indirect_dma source(%dma_start3A_277 : memref<125x32xf32, #tpu.memory_space<vmem>>) target(%dma_start3A_283 : memref<10000x32xf32, #tpu.memory_space<vmem_shared>>) offsets(%dma_start3A_280 : memref<125xi32, #tpu.memory_space<vmem>>) semaphore(%run_scoped3A_273 : memref<!tpu.dma_semaphore, #tpu.memory_space<semaphore_mem>>) {add = true}
      %dma_wait3A_284 = arith.constant 0 : i32
      %dma_wait3A_285 = arith.constant 0 : i32
      %dma_wait3A_286 = tpu.memref_slice %arg10[%run_scoped3A_153, %dma_wait3A_284, %dma_wait3A_285] : memref<10x125x32xf32, #tpu.memory_space<vmem>> -> memref<1x125x32xf32, #tpu.memory_space<vmem>>
      %dma_wait3A_287 = tpu.memref_squeeze %dma_wait3A_286 : memref<1x125x32xf32, #tpu.memory_space<vmem>> -> memref<125x32xf32, #tpu.memory_space<vmem>>
      %dma_wait3A_288 = arith.constant 0 : i32
      %dma_wait3A_289 = tpu.memref_slice %arg9[%run_scoped3A_154, %dma_wait3A_288] : memref<80x125xi32, #tpu.memory_space<vmem>> -> memref<1x125xi32, #tpu.memory_space<vmem>>
      %dma_wait3A_290 = tpu.memref_squeeze %dma_wait3A_289 : memref<1x125xi32, #tpu.memory_space<vmem>> -> memref<125xi32, #tpu.memory_space<vmem>>
      %dma_wait3A_291 = arith.constant 0 : i32
      %dma_wait3A_292 = arith.constant 0 : i32
      %dma_wait3A_293 = tpu.memref_slice %arg7[%dma_wait3A_291, %dma_wait3A_292] : memref<10000x32xf32, #tpu.memory_space<vmem_shared>> -> memref<10000x32xf32, #tpu.memory_space<vmem_shared>>
      tpu.wait_indirect_dma semaphore(%run_scoped3A_273 : memref<!tpu.dma_semaphore, #tpu.memory_space<semaphore_mem>>) src(%dma_wait3A_287 : memref<125x32xf32, #tpu.memory_space<vmem>>) dst(%dma_wait3A_293 : memref<10000x32xf32, #tpu.memory_space<vmem_shared>>)
      tpu.yield
    }) : () -> ()
    %dma_wait3A_155 = arith.constant 72 : i32
    %dma_wait3A_156 = arith.constant 2 : i32
    %dma_wait3A_157 = arith.constant 0 : i32
    %dma_wait3A_158 = arith.constant 0 : i32
    %dma_wait3A_159 = tpu.memref_slice %arg10[%dma_wait3A_156, %dma_wait3A_157, %dma_wait3A_158] : memref<10x125x32xf32, #tpu.memory_space<vmem>> -> memref<1x125x32xf32, #tpu.memory_space<vmem>>
    %dma_wait3A_160 = tpu.memref_squeeze %dma_wait3A_159 : memref<1x125x32xf32, #tpu.memory_space<vmem>> -> memref<125x32xf32, #tpu.memory_space<vmem>>
    %dma_wait3A_161 = arith.constant 0 : i32
    %dma_wait3A_162 = tpu.memref_slice %arg8[%dma_wait3A_155, %dma_wait3A_161] : memref<80x125xi32, #tpu.memory_space<vmem>> -> memref<1x125xi32, #tpu.memory_space<vmem>>
    %dma_wait3A_163 = tpu.memref_squeeze %dma_wait3A_162 : memref<1x125xi32, #tpu.memory_space<vmem>> -> memref<125xi32, #tpu.memory_space<vmem>>
    %dma_wait3A_164 = arith.constant 0 : i32
    %dma_wait3A_165 = arith.constant 0 : i32
    %dma_wait3A_166 = tpu.memref_slice %arg2[%dma_wait3A_164, %dma_wait3A_165] : memref<10000x32xf32, #tpu.memory_space<hbm>> -> memref<10000x32xf32, #tpu.memory_space<hbm>>
    tpu.wait_indirect_dma semaphore(%arg13 : memref<!tpu.dma_semaphore, #tpu.memory_space<semaphore_mem>>) src(%dma_wait3A_166 : memref<10000x32xf32, #tpu.memory_space<hbm>>) dst(%dma_wait3A_160 : memref<125x32xf32, #tpu.memory_space<vmem>>)
    %run_scoped3A_167 = arith.constant 2 : i32
    %run_scoped3A_168 = arith.constant 72 : i32
    "tpu.region"() ({
      %run_scoped3A_273 = tpu.sem_alloc : memref<!tpu.dma_semaphore, #tpu.memory_space<semaphore_mem>>
      %dma_start3A_274 = arith.constant 0 : i32
      %dma_start3A_275 = arith.constant 0 : i32
      %dma_start3A_276 = tpu.memref_slice %arg10[%run_scoped3A_167, %dma_start3A_274, %dma_start3A_275] : memref<10x125x32xf32, #tpu.memory_space<vmem>> -> memref<1x125x32xf32, #tpu.memory_space<vmem>>
      %dma_start3A_277 = tpu.memref_squeeze %dma_start3A_276 : memref<1x125x32xf32, #tpu.memory_space<vmem>> -> memref<125x32xf32, #tpu.memory_space<vmem>>
      %dma_start3A_278 = arith.constant 0 : i32
      %dma_start3A_279 = tpu.memref_slice %arg9[%run_scoped3A_168, %dma_start3A_278] : memref<80x125xi32, #tpu.memory_space<vmem>> -> memref<1x125xi32, #tpu.memory_space<vmem>>
      %dma_start3A_280 = tpu.memref_squeeze %dma_start3A_279 : memref<1x125xi32, #tpu.memory_space<vmem>> -> memref<125xi32, #tpu.memory_space<vmem>>
      %dma_start3A_281 = arith.constant 0 : i32
      %dma_start3A_282 = arith.constant 0 : i32
      %dma_start3A_283 = tpu.memref_slice %arg7[%dma_start3A_281, %dma_start3A_282] : memref<10000x32xf32, #tpu.memory_space<vmem_shared>> -> memref<10000x32xf32, #tpu.memory_space<vmem_shared>>
      tpu.enqueue_indirect_dma source(%dma_start3A_277 : memref<125x32xf32, #tpu.memory_space<vmem>>) target(%dma_start3A_283 : memref<10000x32xf32, #tpu.memory_space<vmem_shared>>) offsets(%dma_start3A_280 : memref<125xi32, #tpu.memory_space<vmem>>) semaphore(%run_scoped3A_273 : memref<!tpu.dma_semaphore, #tpu.memory_space<semaphore_mem>>) {add = true}
      %dma_wait3A_284 = arith.constant 0 : i32
      %dma_wait3A_285 = arith.constant 0 : i32
      %dma_wait3A_286 = tpu.memref_slice %arg10[%run_scoped3A_167, %dma_wait3A_284, %dma_wait3A_285] : memref<10x125x32xf32, #tpu.memory_space<vmem>> -> memref<1x125x32xf32, #tpu.memory_space<vmem>>
      %dma_wait3A_287 = tpu.memref_squeeze %dma_wait3A_286 : memref<1x125x32xf32, #tpu.memory_space<vmem>> -> memref<125x32xf32, #tpu.memory_space<vmem>>
      %dma_wait3A_288 = arith.constant 0 : i32
      %dma_wait3A_289 = tpu.memref_slice %arg9[%run_scoped3A_168, %dma_wait3A_288] : memref<80x125xi32, #tpu.memory_space<vmem>> -> memref<1x125xi32, #tpu.memory_space<vmem>>
      %dma_wait3A_290 = tpu.memref_squeeze %dma_wait3A_289 : memref<1x125xi32, #tpu.memory_space<vmem>> -> memref<125xi32, #tpu.memory_space<vmem>>
      %dma_wait3A_291 = arith.constant 0 : i32
      %dma_wait3A_292 = arith.constant 0 : i32
      %dma_wait3A_293 = tpu.memref_slice %arg7[%dma_wait3A_291, %dma_wait3A_292] : memref<10000x32xf32, #tpu.memory_space<vmem_shared>> -> memref<10000x32xf32, #tpu.memory_space<vmem_shared>>
      tpu.wait_indirect_dma semaphore(%run_scoped3A_273 : memref<!tpu.dma_semaphore, #tpu.memory_space<semaphore_mem>>) src(%dma_wait3A_287 : memref<125x32xf32, #tpu.memory_space<vmem>>) dst(%dma_wait3A_293 : memref<10000x32xf32, #tpu.memory_space<vmem_shared>>)
      tpu.yield
    }) : () -> ()
    %dma_wait3A_169 = arith.constant 73 : i32
    %dma_wait3A_170 = arith.constant 3 : i32
    %dma_wait3A_171 = arith.constant 0 : i32
    %dma_wait3A_172 = arith.constant 0 : i32
    %dma_wait3A_173 = tpu.memref_slice %arg10[%dma_wait3A_170, %dma_wait3A_171, %dma_wait3A_172] : memref<10x125x32xf32, #tpu.memory_space<vmem>> -> memref<1x125x32xf32, #tpu.memory_space<vmem>>
    %dma_wait3A_174 = tpu.memref_squeeze %dma_wait3A_173 : memref<1x125x32xf32, #tpu.memory_space<vmem>> -> memref<125x32xf32, #tpu.memory_space<vmem>>
    %dma_wait3A_175 = arith.constant 0 : i32
    %dma_wait3A_176 = tpu.memref_slice %arg8[%dma_wait3A_169, %dma_wait3A_175] : memref<80x125xi32, #tpu.memory_space<vmem>> -> memref<1x125xi32, #tpu.memory_space<vmem>>
    %dma_wait3A_177 = tpu.memref_squeeze %dma_wait3A_176 : memref<1x125xi32, #tpu.memory_space<vmem>> -> memref<125xi32, #tpu.memory_space<vmem>>
    %dma_wait3A_178 = arith.constant 0 : i32
    %dma_wait3A_179 = arith.constant 0 : i32
    %dma_wait3A_180 = tpu.memref_slice %arg2[%dma_wait3A_178, %dma_wait3A_179] : memref<10000x32xf32, #tpu.memory_space<hbm>> -> memref<10000x32xf32, #tpu.memory_space<hbm>>
    tpu.wait_indirect_dma semaphore(%arg14 : memref<!tpu.dma_semaphore, #tpu.memory_space<semaphore_mem>>) src(%dma_wait3A_180 : memref<10000x32xf32, #tpu.memory_space<hbm>>) dst(%dma_wait3A_174 : memref<125x32xf32, #tpu.memory_space<vmem>>)
    %run_scoped3A_181 = arith.constant 3 : i32
    %run_scoped3A_182 = arith.constant 73 : i32
    "tpu.region"() ({
      %run_scoped3A_273 = tpu.sem_alloc : memref<!tpu.dma_semaphore, #tpu.memory_space<semaphore_mem>>
      %dma_start3A_274 = arith.constant 0 : i32
      %dma_start3A_275 = arith.constant 0 : i32
      %dma_start3A_276 = tpu.memref_slice %arg10[%run_scoped3A_181, %dma_start3A_274, %dma_start3A_275] : memref<10x125x32xf32, #tpu.memory_space<vmem>> -> memref<1x125x32xf32, #tpu.memory_space<vmem>>
      %dma_start3A_277 = tpu.memref_squeeze %dma_start3A_276 : memref<1x125x32xf32, #tpu.memory_space<vmem>> -> memref<125x32xf32, #tpu.memory_space<vmem>>
      %dma_start3A_278 = arith.constant 0 : i32
      %dma_start3A_279 = tpu.memref_slice %arg9[%run_scoped3A_182, %dma_start3A_278] : memref<80x125xi32, #tpu.memory_space<vmem>> -> memref<1x125xi32, #tpu.memory_space<vmem>>
      %dma_start3A_280 = tpu.memref_squeeze %dma_start3A_279 : memref<1x125xi32, #tpu.memory_space<vmem>> -> memref<125xi32, #tpu.memory_space<vmem>>
      %dma_start3A_281 = arith.constant 0 : i32
      %dma_start3A_282 = arith.constant 0 : i32
      %dma_start3A_283 = tpu.memref_slice %arg7[%dma_start3A_281, %dma_start3A_282] : memref<10000x32xf32, #tpu.memory_space<vmem_shared>> -> memref<10000x32xf32, #tpu.memory_space<vmem_shared>>
      tpu.enqueue_indirect_dma source(%dma_start3A_277 : memref<125x32xf32, #tpu.memory_space<vmem>>) target(%dma_start3A_283 : memref<10000x32xf32, #tpu.memory_space<vmem_shared>>) offsets(%dma_start3A_280 : memref<125xi32, #tpu.memory_space<vmem>>) semaphore(%run_scoped3A_273 : memref<!tpu.dma_semaphore, #tpu.memory_space<semaphore_mem>>) {add = true}
      %dma_wait3A_284 = arith.constant 0 : i32
      %dma_wait3A_285 = arith.constant 0 : i32
      %dma_wait3A_286 = tpu.memref_slice %arg10[%run_scoped3A_181, %dma_wait3A_284, %dma_wait3A_285] : memref<10x125x32xf32, #tpu.memory_space<vmem>> -> memref<1x125x32xf32, #tpu.memory_space<vmem>>
      %dma_wait3A_287 = tpu.memref_squeeze %dma_wait3A_286 : memref<1x125x32xf32, #tpu.memory_space<vmem>> -> memref<125x32xf32, #tpu.memory_space<vmem>>
      %dma_wait3A_288 = arith.constant 0 : i32
      %dma_wait3A_289 = tpu.memref_slice %arg9[%run_scoped3A_182, %dma_wait3A_288] : memref<80x125xi32, #tpu.memory_space<vmem>> -> memref<1x125xi32, #tpu.memory_space<vmem>>
      %dma_wait3A_290 = tpu.memref_squeeze %dma_wait3A_289 : memref<1x125xi32, #tpu.memory_space<vmem>> -> memref<125xi32, #tpu.memory_space<vmem>>
      %dma_wait3A_291 = arith.constant 0 : i32
      %dma_wait3A_292 = arith.constant 0 : i32
      %dma_wait3A_293 = tpu.memref_slice %arg7[%dma_wait3A_291, %dma_wait3A_292] : memref<10000x32xf32, #tpu.memory_space<vmem_shared>> -> memref<10000x32xf32, #tpu.memory_space<vmem_shared>>
      tpu.wait_indirect_dma semaphore(%run_scoped3A_273 : memref<!tpu.dma_semaphore, #tpu.memory_space<semaphore_mem>>) src(%dma_wait3A_287 : memref<125x32xf32, #tpu.memory_space<vmem>>) dst(%dma_wait3A_293 : memref<10000x32xf32, #tpu.memory_space<vmem_shared>>)
      tpu.yield
    }) : () -> ()
    %dma_wait3A_183 = arith.constant 74 : i32
    %dma_wait3A_184 = arith.constant 4 : i32
    %dma_wait3A_185 = arith.constant 0 : i32
    %dma_wait3A_186 = arith.constant 0 : i32
    %dma_wait3A_187 = tpu.memref_slice %arg10[%dma_wait3A_184, %dma_wait3A_185, %dma_wait3A_186] : memref<10x125x32xf32, #tpu.memory_space<vmem>> -> memref<1x125x32xf32, #tpu.memory_space<vmem>>
    %dma_wait3A_188 = tpu.memref_squeeze %dma_wait3A_187 : memref<1x125x32xf32, #tpu.memory_space<vmem>> -> memref<125x32xf32, #tpu.memory_space<vmem>>
    %dma_wait3A_189 = arith.constant 0 : i32
    %dma_wait3A_190 = tpu.memref_slice %arg8[%dma_wait3A_183, %dma_wait3A_189] : memref<80x125xi32, #tpu.memory_space<vmem>> -> memref<1x125xi32, #tpu.memory_space<vmem>>
    %dma_wait3A_191 = tpu.memref_squeeze %dma_wait3A_190 : memref<1x125xi32, #tpu.memory_space<vmem>> -> memref<125xi32, #tpu.memory_space<vmem>>
    %dma_wait3A_192 = arith.constant 0 : i32
    %dma_wait3A_193 = arith.constant 0 : i32
    %dma_wait3A_194 = tpu.memref_slice %arg2[%dma_wait3A_192, %dma_wait3A_193] : memref<10000x32xf32, #tpu.memory_space<hbm>> -> memref<10000x32xf32, #tpu.memory_space<hbm>>
    tpu.wait_indirect_dma semaphore(%arg15 : memref<!tpu.dma_semaphore, #tpu.memory_space<semaphore_mem>>) src(%dma_wait3A_194 : memref<10000x32xf32, #tpu.memory_space<hbm>>) dst(%dma_wait3A_188 : memref<125x32xf32, #tpu.memory_space<vmem>>)
    %run_scoped3A_195 = arith.constant 4 : i32
    %run_scoped3A_196 = arith.constant 74 : i32
    "tpu.region"() ({
      %run_scoped3A_273 = tpu.sem_alloc : memref<!tpu.dma_semaphore, #tpu.memory_space<semaphore_mem>>
      %dma_start3A_274 = arith.constant 0 : i32
      %dma_start3A_275 = arith.constant 0 : i32
      %dma_start3A_276 = tpu.memref_slice %arg10[%run_scoped3A_195, %dma_start3A_274, %dma_start3A_275] : memref<10x125x32xf32, #tpu.memory_space<vmem>> -> memref<1x125x32xf32, #tpu.memory_space<vmem>>
      %dma_start3A_277 = tpu.memref_squeeze %dma_start3A_276 : memref<1x125x32xf32, #tpu.memory_space<vmem>> -> memref<125x32xf32, #tpu.memory_space<vmem>>
      %dma_start3A_278 = arith.constant 0 : i32
      %dma_start3A_279 = tpu.memref_slice %arg9[%run_scoped3A_196, %dma_start3A_278] : memref<80x125xi32, #tpu.memory_space<vmem>> -> memref<1x125xi32, #tpu.memory_space<vmem>>
      %dma_start3A_280 = tpu.memref_squeeze %dma_start3A_279 : memref<1x125xi32, #tpu.memory_space<vmem>> -> memref<125xi32, #tpu.memory_space<vmem>>
      %dma_start3A_281 = arith.constant 0 : i32
      %dma_start3A_282 = arith.constant 0 : i32
      %dma_start3A_283 = tpu.memref_slice %arg7[%dma_start3A_281, %dma_start3A_282] : memref<10000x32xf32, #tpu.memory_space<vmem_shared>> -> memref<10000x32xf32, #tpu.memory_space<vmem_shared>>
      tpu.enqueue_indirect_dma source(%dma_start3A_277 : memref<125x32xf32, #tpu.memory_space<vmem>>) target(%dma_start3A_283 : memref<10000x32xf32, #tpu.memory_space<vmem_shared>>) offsets(%dma_start3A_280 : memref<125xi32, #tpu.memory_space<vmem>>) semaphore(%run_scoped3A_273 : memref<!tpu.dma_semaphore, #tpu.memory_space<semaphore_mem>>) {add = true}
      %dma_wait3A_284 = arith.constant 0 : i32
      %dma_wait3A_285 = arith.constant 0 : i32
      %dma_wait3A_286 = tpu.memref_slice %arg10[%run_scoped3A_195, %dma_wait3A_284, %dma_wait3A_285] : memref<10x125x32xf32, #tpu.memory_space<vmem>> -> memref<1x125x32xf32, #tpu.memory_space<vmem>>
      %dma_wait3A_287 = tpu.memref_squeeze %dma_wait3A_286 : memref<1x125x32xf32, #tpu.memory_space<vmem>> -> memref<125x32xf32, #tpu.memory_space<vmem>>
      %dma_wait3A_288 = arith.constant 0 : i32
      %dma_wait3A_289 = tpu.memref_slice %arg9[%run_scoped3A_196, %dma_wait3A_288] : memref<80x125xi32, #tpu.memory_space<vmem>> -> memref<1x125xi32, #tpu.memory_space<vmem>>
      %dma_wait3A_290 = tpu.memref_squeeze %dma_wait3A_289 : memref<1x125xi32, #tpu.memory_space<vmem>> -> memref<125xi32, #tpu.memory_space<vmem>>
      %dma_wait3A_291 = arith.constant 0 : i32
      %dma_wait3A_292 = arith.constant 0 : i32
      %dma_wait3A_293 = tpu.memref_slice %arg7[%dma_wait3A_291, %dma_wait3A_292] : memref<10000x32xf32, #tpu.memory_space<vmem_shared>> -> memref<10000x32xf32, #tpu.memory_space<vmem_shared>>
      tpu.wait_indirect_dma semaphore(%run_scoped3A_273 : memref<!tpu.dma_semaphore, #tpu.memory_space<semaphore_mem>>) src(%dma_wait3A_287 : memref<125x32xf32, #tpu.memory_space<vmem>>) dst(%dma_wait3A_293 : memref<10000x32xf32, #tpu.memory_space<vmem_shared>>)
      tpu.yield
    }) : () -> ()
    %dma_wait3A_197 = arith.constant 75 : i32
    %dma_wait3A_198 = arith.constant 5 : i32
    %dma_wait3A_199 = arith.constant 0 : i32
    %dma_wait3A_200 = arith.constant 0 : i32
    %dma_wait3A_201 = tpu.memref_slice %arg10[%dma_wait3A_198, %dma_wait3A_199, %dma_wait3A_200] : memref<10x125x32xf32, #tpu.memory_space<vmem>> -> memref<1x125x32xf32, #tpu.memory_space<vmem>>
    %dma_wait3A_202 = tpu.memref_squeeze %dma_wait3A_201 : memref<1x125x32xf32, #tpu.memory_space<vmem>> -> memref<125x32xf32, #tpu.memory_space<vmem>>
    %dma_wait3A_203 = arith.constant 0 : i32
    %dma_wait3A_204 = tpu.memref_slice %arg8[%dma_wait3A_197, %dma_wait3A_203] : memref<80x125xi32, #tpu.memory_space<vmem>> -> memref<1x125xi32, #tpu.memory_space<vmem>>
    %dma_wait3A_205 = tpu.memref_squeeze %dma_wait3A_204 : memref<1x125xi32, #tpu.memory_space<vmem>> -> memref<125xi32, #tpu.memory_space<vmem>>
    %dma_wait3A_206 = arith.constant 0 : i32
    %dma_wait3A_207 = arith.constant 0 : i32
    %dma_wait3A_208 = tpu.memref_slice %arg2[%dma_wait3A_206, %dma_wait3A_207] : memref<10000x32xf32, #tpu.memory_space<hbm>> -> memref<10000x32xf32, #tpu.memory_space<hbm>>
    tpu.wait_indirect_dma semaphore(%arg16 : memref<!tpu.dma_semaphore, #tpu.memory_space<semaphore_mem>>) src(%dma_wait3A_208 : memref<10000x32xf32, #tpu.memory_space<hbm>>) dst(%dma_wait3A_202 : memref<125x32xf32, #tpu.memory_space<vmem>>)
    %run_scoped3A_209 = arith.constant 5 : i32
    %run_scoped3A_210 = arith.constant 75 : i32
    "tpu.region"() ({
      %run_scoped3A_273 = tpu.sem_alloc : memref<!tpu.dma_semaphore, #tpu.memory_space<semaphore_mem>>
      %dma_start3A_274 = arith.constant 0 : i32
      %dma_start3A_275 = arith.constant 0 : i32
      %dma_start3A_276 = tpu.memref_slice %arg10[%run_scoped3A_209, %dma_start3A_274, %dma_start3A_275] : memref<10x125x32xf32, #tpu.memory_space<vmem>> -> memref<1x125x32xf32, #tpu.memory_space<vmem>>
      %dma_start3A_277 = tpu.memref_squeeze %dma_start3A_276 : memref<1x125x32xf32, #tpu.memory_space<vmem>> -> memref<125x32xf32, #tpu.memory_space<vmem>>
      %dma_start3A_278 = arith.constant 0 : i32
      %dma_start3A_279 = tpu.memref_slice %arg9[%run_scoped3A_210, %dma_start3A_278] : memref<80x125xi32, #tpu.memory_space<vmem>> -> memref<1x125xi32, #tpu.memory_space<vmem>>
      %dma_start3A_280 = tpu.memref_squeeze %dma_start3A_279 : memref<1x125xi32, #tpu.memory_space<vmem>> -> memref<125xi32, #tpu.memory_space<vmem>>
      %dma_start3A_281 = arith.constant 0 : i32
      %dma_start3A_282 = arith.constant 0 : i32
      %dma_start3A_283 = tpu.memref_slice %arg7[%dma_start3A_281, %dma_start3A_282] : memref<10000x32xf32, #tpu.memory_space<vmem_shared>> -> memref<10000x32xf32, #tpu.memory_space<vmem_shared>>
      tpu.enqueue_indirect_dma source(%dma_start3A_277 : memref<125x32xf32, #tpu.memory_space<vmem>>) target(%dma_start3A_283 : memref<10000x32xf32, #tpu.memory_space<vmem_shared>>) offsets(%dma_start3A_280 : memref<125xi32, #tpu.memory_space<vmem>>) semaphore(%run_scoped3A_273 : memref<!tpu.dma_semaphore, #tpu.memory_space<semaphore_mem>>) {add = true}
      %dma_wait3A_284 = arith.constant 0 : i32
      %dma_wait3A_285 = arith.constant 0 : i32
      %dma_wait3A_286 = tpu.memref_slice %arg10[%run_scoped3A_209, %dma_wait3A_284, %dma_wait3A_285] : memref<10x125x32xf32, #tpu.memory_space<vmem>> -> memref<1x125x32xf32, #tpu.memory_space<vmem>>
      %dma_wait3A_287 = tpu.memref_squeeze %dma_wait3A_286 : memref<1x125x32xf32, #tpu.memory_space<vmem>> -> memref<125x32xf32, #tpu.memory_space<vmem>>
      %dma_wait3A_288 = arith.constant 0 : i32
      %dma_wait3A_289 = tpu.memref_slice %arg9[%run_scoped3A_210, %dma_wait3A_288] : memref<80x125xi32, #tpu.memory_space<vmem>> -> memref<1x125xi32, #tpu.memory_space<vmem>>
      %dma_wait3A_290 = tpu.memref_squeeze %dma_wait3A_289 : memref<1x125xi32, #tpu.memory_space<vmem>> -> memref<125xi32, #tpu.memory_space<vmem>>
      %dma_wait3A_291 = arith.constant 0 : i32
      %dma_wait3A_292 = arith.constant 0 : i32
      %dma_wait3A_293 = tpu.memref_slice %arg7[%dma_wait3A_291, %dma_wait3A_292] : memref<10000x32xf32, #tpu.memory_space<vmem_shared>> -> memref<10000x32xf32, #tpu.memory_space<vmem_shared>>
      tpu.wait_indirect_dma semaphore(%run_scoped3A_273 : memref<!tpu.dma_semaphore, #tpu.memory_space<semaphore_mem>>) src(%dma_wait3A_287 : memref<125x32xf32, #tpu.memory_space<vmem>>) dst(%dma_wait3A_293 : memref<10000x32xf32, #tpu.memory_space<vmem_shared>>)
      tpu.yield
    }) : () -> ()
    %dma_wait3A_211 = arith.constant 76 : i32
    %dma_wait3A_212 = arith.constant 6 : i32
    %dma_wait3A_213 = arith.constant 0 : i32
    %dma_wait3A_214 = arith.constant 0 : i32
    %dma_wait3A_215 = tpu.memref_slice %arg10[%dma_wait3A_212, %dma_wait3A_213, %dma_wait3A_214] : memref<10x125x32xf32, #tpu.memory_space<vmem>> -> memref<1x125x32xf32, #tpu.memory_space<vmem>>
    %dma_wait3A_216 = tpu.memref_squeeze %dma_wait3A_215 : memref<1x125x32xf32, #tpu.memory_space<vmem>> -> memref<125x32xf32, #tpu.memory_space<vmem>>
    %dma_wait3A_217 = arith.constant 0 : i32
    %dma_wait3A_218 = tpu.memref_slice %arg8[%dma_wait3A_211, %dma_wait3A_217] : memref<80x125xi32, #tpu.memory_space<vmem>> -> memref<1x125xi32, #tpu.memory_space<vmem>>
    %dma_wait3A_219 = tpu.memref_squeeze %dma_wait3A_218 : memref<1x125xi32, #tpu.memory_space<vmem>> -> memref<125xi32, #tpu.memory_space<vmem>>
    %dma_wait3A_220 = arith.constant 0 : i32
    %dma_wait3A_221 = arith.constant 0 : i32
    %dma_wait3A_222 = tpu.memref_slice %arg2[%dma_wait3A_220, %dma_wait3A_221] : memref<10000x32xf32, #tpu.memory_space<hbm>> -> memref<10000x32xf32, #tpu.memory_space<hbm>>
    tpu.wait_indirect_dma semaphore(%arg17 : memref<!tpu.dma_semaphore, #tpu.memory_space<semaphore_mem>>) src(%dma_wait3A_222 : memref<10000x32xf32, #tpu.memory_space<hbm>>) dst(%dma_wait3A_216 : memref<125x32xf32, #tpu.memory_space<vmem>>)
    %run_scoped3A_223 = arith.constant 6 : i32
    %run_scoped3A_224 = arith.constant 76 : i32
    "tpu.region"() ({
      %run_scoped3A_273 = tpu.sem_alloc : memref<!tpu.dma_semaphore, #tpu.memory_space<semaphore_mem>>
      %dma_start3A_274 = arith.constant 0 : i32
      %dma_start3A_275 = arith.constant 0 : i32
      %dma_start3A_276 = tpu.memref_slice %arg10[%run_scoped3A_223, %dma_start3A_274, %dma_start3A_275] : memref<10x125x32xf32, #tpu.memory_space<vmem>> -> memref<1x125x32xf32, #tpu.memory_space<vmem>>
      %dma_start3A_277 = tpu.memref_squeeze %dma_start3A_276 : memref<1x125x32xf32, #tpu.memory_space<vmem>> -> memref<125x32xf32, #tpu.memory_space<vmem>>
      %dma_start3A_278 = arith.constant 0 : i32
      %dma_start3A_279 = tpu.memref_slice %arg9[%run_scoped3A_224, %dma_start3A_278] : memref<80x125xi32, #tpu.memory_space<vmem>> -> memref<1x125xi32, #tpu.memory_space<vmem>>
      %dma_start3A_280 = tpu.memref_squeeze %dma_start3A_279 : memref<1x125xi32, #tpu.memory_space<vmem>> -> memref<125xi32, #tpu.memory_space<vmem>>
      %dma_start3A_281 = arith.constant 0 : i32
      %dma_start3A_282 = arith.constant 0 : i32
      %dma_start3A_283 = tpu.memref_slice %arg7[%dma_start3A_281, %dma_start3A_282] : memref<10000x32xf32, #tpu.memory_space<vmem_shared>> -> memref<10000x32xf32, #tpu.memory_space<vmem_shared>>
      tpu.enqueue_indirect_dma source(%dma_start3A_277 : memref<125x32xf32, #tpu.memory_space<vmem>>) target(%dma_start3A_283 : memref<10000x32xf32, #tpu.memory_space<vmem_shared>>) offsets(%dma_start3A_280 : memref<125xi32, #tpu.memory_space<vmem>>) semaphore(%run_scoped3A_273 : memref<!tpu.dma_semaphore, #tpu.memory_space<semaphore_mem>>) {add = true}
      %dma_wait3A_284 = arith.constant 0 : i32
      %dma_wait3A_285 = arith.constant 0 : i32
      %dma_wait3A_286 = tpu.memref_slice %arg10[%run_scoped3A_223, %dma_wait3A_284, %dma_wait3A_285] : memref<10x125x32xf32, #tpu.memory_space<vmem>> -> memref<1x125x32xf32, #tpu.memory_space<vmem>>
      %dma_wait3A_287 = tpu.memref_squeeze %dma_wait3A_286 : memref<1x125x32xf32, #tpu.memory_space<vmem>> -> memref<125x32xf32, #tpu.memory_space<vmem>>
      %dma_wait3A_288 = arith.constant 0 : i32
      %dma_wait3A_289 = tpu.memref_slice %arg9[%run_scoped3A_224, %dma_wait3A_288] : memref<80x125xi32, #tpu.memory_space<vmem>> -> memref<1x125xi32, #tpu.memory_space<vmem>>
      %dma_wait3A_290 = tpu.memref_squeeze %dma_wait3A_289 : memref<1x125xi32, #tpu.memory_space<vmem>> -> memref<125xi32, #tpu.memory_space<vmem>>
      %dma_wait3A_291 = arith.constant 0 : i32
      %dma_wait3A_292 = arith.constant 0 : i32
      %dma_wait3A_293 = tpu.memref_slice %arg7[%dma_wait3A_291, %dma_wait3A_292] : memref<10000x32xf32, #tpu.memory_space<vmem_shared>> -> memref<10000x32xf32, #tpu.memory_space<vmem_shared>>
      tpu.wait_indirect_dma semaphore(%run_scoped3A_273 : memref<!tpu.dma_semaphore, #tpu.memory_space<semaphore_mem>>) src(%dma_wait3A_287 : memref<125x32xf32, #tpu.memory_space<vmem>>) dst(%dma_wait3A_293 : memref<10000x32xf32, #tpu.memory_space<vmem_shared>>)
      tpu.yield
    }) : () -> ()
    %dma_wait3A_225 = arith.constant 77 : i32
    %dma_wait3A_226 = arith.constant 7 : i32
    %dma_wait3A_227 = arith.constant 0 : i32
    %dma_wait3A_228 = arith.constant 0 : i32
    %dma_wait3A_229 = tpu.memref_slice %arg10[%dma_wait3A_226, %dma_wait3A_227, %dma_wait3A_228] : memref<10x125x32xf32, #tpu.memory_space<vmem>> -> memref<1x125x32xf32, #tpu.memory_space<vmem>>
    %dma_wait3A_230 = tpu.memref_squeeze %dma_wait3A_229 : memref<1x125x32xf32, #tpu.memory_space<vmem>> -> memref<125x32xf32, #tpu.memory_space<vmem>>
    %dma_wait3A_231 = arith.constant 0 : i32
    %dma_wait3A_232 = tpu.memref_slice %arg8[%dma_wait3A_225, %dma_wait3A_231] : memref<80x125xi32, #tpu.memory_space<vmem>> -> memref<1x125xi32, #tpu.memory_space<vmem>>
    %dma_wait3A_233 = tpu.memref_squeeze %dma_wait3A_232 : memref<1x125xi32, #tpu.memory_space<vmem>> -> memref<125xi32, #tpu.memory_space<vmem>>
    %dma_wait3A_234 = arith.constant 0 : i32
    %dma_wait3A_235 = arith.constant 0 : i32
    %dma_wait3A_236 = tpu.memref_slice %arg2[%dma_wait3A_234, %dma_wait3A_235] : memref<10000x32xf32, #tpu.memory_space<hbm>> -> memref<10000x32xf32, #tpu.memory_space<hbm>>
    tpu.wait_indirect_dma semaphore(%arg18 : memref<!tpu.dma_semaphore, #tpu.memory_space<semaphore_mem>>) src(%dma_wait3A_236 : memref<10000x32xf32, #tpu.memory_space<hbm>>) dst(%dma_wait3A_230 : memref<125x32xf32, #tpu.memory_space<vmem>>)
    %run_scoped3A_237 = arith.constant 7 : i32
    %run_scoped3A_238 = arith.constant 77 : i32
    "tpu.region"() ({
      %run_scoped3A_273 = tpu.sem_alloc : memref<!tpu.dma_semaphore, #tpu.memory_space<semaphore_mem>>
      %dma_start3A_274 = arith.constant 0 : i32
      %dma_start3A_275 = arith.constant 0 : i32
      %dma_start3A_276 = tpu.memref_slice %arg10[%run_scoped3A_237, %dma_start3A_274, %dma_start3A_275] : memref<10x125x32xf32, #tpu.memory_space<vmem>> -> memref<1x125x32xf32, #tpu.memory_space<vmem>>
      %dma_start3A_277 = tpu.memref_squeeze %dma_start3A_276 : memref<1x125x32xf32, #tpu.memory_space<vmem>> -> memref<125x32xf32, #tpu.memory_space<vmem>>
      %dma_start3A_278 = arith.constant 0 : i32
      %dma_start3A_279 = tpu.memref_slice %arg9[%run_scoped3A_238, %dma_start3A_278] : memref<80x125xi32, #tpu.memory_space<vmem>> -> memref<1x125xi32, #tpu.memory_space<vmem>>
      %dma_start3A_280 = tpu.memref_squeeze %dma_start3A_279 : memref<1x125xi32, #tpu.memory_space<vmem>> -> memref<125xi32, #tpu.memory_space<vmem>>
      %dma_start3A_281 = arith.constant 0 : i32
      %dma_start3A_282 = arith.constant 0 : i32
      %dma_start3A_283 = tpu.memref_slice %arg7[%dma_start3A_281, %dma_start3A_282] : memref<10000x32xf32, #tpu.memory_space<vmem_shared>> -> memref<10000x32xf32, #tpu.memory_space<vmem_shared>>
      tpu.enqueue_indirect_dma source(%dma_start3A_277 : memref<125x32xf32, #tpu.memory_space<vmem>>) target(%dma_start3A_283 : memref<10000x32xf32, #tpu.memory_space<vmem_shared>>) offsets(%dma_start3A_280 : memref<125xi32, #tpu.memory_space<vmem>>) semaphore(%run_scoped3A_273 : memref<!tpu.dma_semaphore, #tpu.memory_space<semaphore_mem>>) {add = true}
      %dma_wait3A_284 = arith.constant 0 : i32
      %dma_wait3A_285 = arith.constant 0 : i32
      %dma_wait3A_286 = tpu.memref_slice %arg10[%run_scoped3A_237, %dma_wait3A_284, %dma_wait3A_285] : memref<10x125x32xf32, #tpu.memory_space<vmem>> -> memref<1x125x32xf32, #tpu.memory_space<vmem>>
      %dma_wait3A_287 = tpu.memref_squeeze %dma_wait3A_286 : memref<1x125x32xf32, #tpu.memory_space<vmem>> -> memref<125x32xf32, #tpu.memory_space<vmem>>
      %dma_wait3A_288 = arith.constant 0 : i32
      %dma_wait3A_289 = tpu.memref_slice %arg9[%run_scoped3A_238, %dma_wait3A_288] : memref<80x125xi32, #tpu.memory_space<vmem>> -> memref<1x125xi32, #tpu.memory_space<vmem>>
      %dma_wait3A_290 = tpu.memref_squeeze %dma_wait3A_289 : memref<1x125xi32, #tpu.memory_space<vmem>> -> memref<125xi32, #tpu.memory_space<vmem>>
      %dma_wait3A_291 = arith.constant 0 : i32
      %dma_wait3A_292 = arith.constant 0 : i32
      %dma_wait3A_293 = tpu.memref_slice %arg7[%dma_wait3A_291, %dma_wait3A_292] : memref<10000x32xf32, #tpu.memory_space<vmem_shared>> -> memref<10000x32xf32, #tpu.memory_space<vmem_shared>>
      tpu.wait_indirect_dma semaphore(%run_scoped3A_273 : memref<!tpu.dma_semaphore, #tpu.memory_space<semaphore_mem>>) src(%dma_wait3A_287 : memref<125x32xf32, #tpu.memory_space<vmem>>) dst(%dma_wait3A_293 : memref<10000x32xf32, #tpu.memory_space<vmem_shared>>)
      tpu.yield
    }) : () -> ()
    %dma_wait3A_239 = arith.constant 78 : i32
    %dma_wait3A_240 = arith.constant 8 : i32
    %dma_wait3A_241 = arith.constant 0 : i32
    %dma_wait3A_242 = arith.constant 0 : i32
    %dma_wait3A_243 = tpu.memref_slice %arg10[%dma_wait3A_240, %dma_wait3A_241, %dma_wait3A_242] : memref<10x125x32xf32, #tpu.memory_space<vmem>> -> memref<1x125x32xf32, #tpu.memory_space<vmem>>
    %dma_wait3A_244 = tpu.memref_squeeze %dma_wait3A_243 : memref<1x125x32xf32, #tpu.memory_space<vmem>> -> memref<125x32xf32, #tpu.memory_space<vmem>>
    %dma_wait3A_245 = arith.constant 0 : i32
    %dma_wait3A_246 = tpu.memref_slice %arg8[%dma_wait3A_239, %dma_wait3A_245] : memref<80x125xi32, #tpu.memory_space<vmem>> -> memref<1x125xi32, #tpu.memory_space<vmem>>
    %dma_wait3A_247 = tpu.memref_squeeze %dma_wait3A_246 : memref<1x125xi32, #tpu.memory_space<vmem>> -> memref<125xi32, #tpu.memory_space<vmem>>
    %dma_wait3A_248 = arith.constant 0 : i32
    %dma_wait3A_249 = arith.constant 0 : i32
    %dma_wait3A_250 = tpu.memref_slice %arg2[%dma_wait3A_248, %dma_wait3A_249] : memref<10000x32xf32, #tpu.memory_space<hbm>> -> memref<10000x32xf32, #tpu.memory_space<hbm>>
    tpu.wait_indirect_dma semaphore(%arg19 : memref<!tpu.dma_semaphore, #tpu.memory_space<semaphore_mem>>) src(%dma_wait3A_250 : memref<10000x32xf32, #tpu.memory_space<hbm>>) dst(%dma_wait3A_244 : memref<125x32xf32, #tpu.memory_space<vmem>>)
    %run_scoped3A_251 = arith.constant 8 : i32
    %run_scoped3A_252 = arith.constant 78 : i32
    "tpu.region"() ({
      %run_scoped3A_273 = tpu.sem_alloc : memref<!tpu.dma_semaphore, #tpu.memory_space<semaphore_mem>>
      %dma_start3A_274 = arith.constant 0 : i32
      %dma_start3A_275 = arith.constant 0 : i32
      %dma_start3A_276 = tpu.memref_slice %arg10[%run_scoped3A_251, %dma_start3A_274, %dma_start3A_275] : memref<10x125x32xf32, #tpu.memory_space<vmem>> -> memref<1x125x32xf32, #tpu.memory_space<vmem>>
      %dma_start3A_277 = tpu.memref_squeeze %dma_start3A_276 : memref<1x125x32xf32, #tpu.memory_space<vmem>> -> memref<125x32xf32, #tpu.memory_space<vmem>>
      %dma_start3A_278 = arith.constant 0 : i32
      %dma_start3A_279 = tpu.memref_slice %arg9[%run_scoped3A_252, %dma_start3A_278] : memref<80x125xi32, #tpu.memory_space<vmem>> -> memref<1x125xi32, #tpu.memory_space<vmem>>
      %dma_start3A_280 = tpu.memref_squeeze %dma_start3A_279 : memref<1x125xi32, #tpu.memory_space<vmem>> -> memref<125xi32, #tpu.memory_space<vmem>>
      %dma_start3A_281 = arith.constant 0 : i32
      %dma_start3A_282 = arith.constant 0 : i32
      %dma_start3A_283 = tpu.memref_slice %arg7[%dma_start3A_281, %dma_start3A_282] : memref<10000x32xf32, #tpu.memory_space<vmem_shared>> -> memref<10000x32xf32, #tpu.memory_space<vmem_shared>>
      tpu.enqueue_indirect_dma source(%dma_start3A_277 : memref<125x32xf32, #tpu.memory_space<vmem>>) target(%dma_start3A_283 : memref<10000x32xf32, #tpu.memory_space<vmem_shared>>) offsets(%dma_start3A_280 : memref<125xi32, #tpu.memory_space<vmem>>) semaphore(%run_scoped3A_273 : memref<!tpu.dma_semaphore, #tpu.memory_space<semaphore_mem>>) {add = true}
      %dma_wait3A_284 = arith.constant 0 : i32
      %dma_wait3A_285 = arith.constant 0 : i32
      %dma_wait3A_286 = tpu.memref_slice %arg10[%run_scoped3A_251, %dma_wait3A_284, %dma_wait3A_285] : memref<10x125x32xf32, #tpu.memory_space<vmem>> -> memref<1x125x32xf32, #tpu.memory_space<vmem>>
      %dma_wait3A_287 = tpu.memref_squeeze %dma_wait3A_286 : memref<1x125x32xf32, #tpu.memory_space<vmem>> -> memref<125x32xf32, #tpu.memory_space<vmem>>
      %dma_wait3A_288 = arith.constant 0 : i32
      %dma_wait3A_289 = tpu.memref_slice %arg9[%run_scoped3A_252, %dma_wait3A_288] : memref<80x125xi32, #tpu.memory_space<vmem>> -> memref<1x125xi32, #tpu.memory_space<vmem>>
      %dma_wait3A_290 = tpu.memref_squeeze %dma_wait3A_289 : memref<1x125xi32, #tpu.memory_space<vmem>> -> memref<125xi32, #tpu.memory_space<vmem>>
      %dma_wait3A_291 = arith.constant 0 : i32
      %dma_wait3A_292 = arith.constant 0 : i32
      %dma_wait3A_293 = tpu.memref_slice %arg7[%dma_wait3A_291, %dma_wait3A_292] : memref<10000x32xf32, #tpu.memory_space<vmem_shared>> -> memref<10000x32xf32, #tpu.memory_space<vmem_shared>>
      tpu.wait_indirect_dma semaphore(%run_scoped3A_273 : memref<!tpu.dma_semaphore, #tpu.memory_space<semaphore_mem>>) src(%dma_wait3A_287 : memref<125x32xf32, #tpu.memory_space<vmem>>) dst(%dma_wait3A_293 : memref<10000x32xf32, #tpu.memory_space<vmem_shared>>)
      tpu.yield
    }) : () -> ()
    %dma_wait3A_253 = arith.constant 79 : i32
    %dma_wait3A_254 = arith.constant 9 : i32
    %dma_wait3A_255 = arith.constant 0 : i32
    %dma_wait3A_256 = arith.constant 0 : i32
    %dma_wait3A_257 = tpu.memref_slice %arg10[%dma_wait3A_254, %dma_wait3A_255, %dma_wait3A_256] : memref<10x125x32xf32, #tpu.memory_space<vmem>> -> memref<1x125x32xf32, #tpu.memory_space<vmem>>
    %dma_wait3A_258 = tpu.memref_squeeze %dma_wait3A_257 : memref<1x125x32xf32, #tpu.memory_space<vmem>> -> memref<125x32xf32, #tpu.memory_space<vmem>>
    %dma_wait3A_259 = arith.constant 0 : i32
    %dma_wait3A_260 = tpu.memref_slice %arg8[%dma_wait3A_253, %dma_wait3A_259] : memref<80x125xi32, #tpu.memory_space<vmem>> -> memref<1x125xi32, #tpu.memory_space<vmem>>
    %dma_wait3A_261 = tpu.memref_squeeze %dma_wait3A_260 : memref<1x125xi32, #tpu.memory_space<vmem>> -> memref<125xi32, #tpu.memory_space<vmem>>
    %dma_wait3A_262 = arith.constant 0 : i32
    %dma_wait3A_263 = arith.constant 0 : i32
    %dma_wait3A_264 = tpu.memref_slice %arg2[%dma_wait3A_262, %dma_wait3A_263] : memref<10000x32xf32, #tpu.memory_space<hbm>> -> memref<10000x32xf32, #tpu.memory_space<hbm>>
    tpu.wait_indirect_dma semaphore(%arg20 : memref<!tpu.dma_semaphore, #tpu.memory_space<semaphore_mem>>) src(%dma_wait3A_264 : memref<10000x32xf32, #tpu.memory_space<hbm>>) dst(%dma_wait3A_258 : memref<125x32xf32, #tpu.memory_space<vmem>>)
    %run_scoped3A_265 = arith.constant 9 : i32
    %run_scoped3A_266 = arith.constant 79 : i32
    "tpu.region"() ({
      %run_scoped3A_273 = tpu.sem_alloc : memref<!tpu.dma_semaphore, #tpu.memory_space<semaphore_mem>>
      %dma_start3A_274 = arith.constant 0 : i32
      %dma_start3A_275 = arith.constant 0 : i32
      %dma_start3A_276 = tpu.memref_slice %arg10[%run_scoped3A_265, %dma_start3A_274, %dma_start3A_275] : memref<10x125x32xf32, #tpu.memory_space<vmem>> -> memref<1x125x32xf32, #tpu.memory_space<vmem>>
      %dma_start3A_277 = tpu.memref_squeeze %dma_start3A_276 : memref<1x125x32xf32, #tpu.memory_space<vmem>> -> memref<125x32xf32, #tpu.memory_space<vmem>>
      %dma_start3A_278 = arith.constant 0 : i32
      %dma_start3A_279 = tpu.memref_slice %arg9[%run_scoped3A_266, %dma_start3A_278] : memref<80x125xi32, #tpu.memory_space<vmem>> -> memref<1x125xi32, #tpu.memory_space<vmem>>
      %dma_start3A_280 = tpu.memref_squeeze %dma_start3A_279 : memref<1x125xi32, #tpu.memory_space<vmem>> -> memref<125xi32, #tpu.memory_space<vmem>>
      %dma_start3A_281 = arith.constant 0 : i32
      %dma_start3A_282 = arith.constant 0 : i32
      %dma_start3A_283 = tpu.memref_slice %arg7[%dma_start3A_281, %dma_start3A_282] : memref<10000x32xf32, #tpu.memory_space<vmem_shared>> -> memref<10000x32xf32, #tpu.memory_space<vmem_shared>>
      tpu.enqueue_indirect_dma source(%dma_start3A_277 : memref<125x32xf32, #tpu.memory_space<vmem>>) target(%dma_start3A_283 : memref<10000x32xf32, #tpu.memory_space<vmem_shared>>) offsets(%dma_start3A_280 : memref<125xi32, #tpu.memory_space<vmem>>) semaphore(%run_scoped3A_273 : memref<!tpu.dma_semaphore, #tpu.memory_space<semaphore_mem>>) {add = true}
      %dma_wait3A_284 = arith.constant 0 : i32
      %dma_wait3A_285 = arith.constant 0 : i32
      %dma_wait3A_286 = tpu.memref_slice %arg10[%run_scoped3A_265, %dma_wait3A_284, %dma_wait3A_285] : memref<10x125x32xf32, #tpu.memory_space<vmem>> -> memref<1x125x32xf32, #tpu.memory_space<vmem>>
      %dma_wait3A_287 = tpu.memref_squeeze %dma_wait3A_286 : memref<1x125x32xf32, #tpu.memory_space<vmem>> -> memref<125x32xf32, #tpu.memory_space<vmem>>
      %dma_wait3A_288 = arith.constant 0 : i32
      %dma_wait3A_289 = tpu.memref_slice %arg9[%run_scoped3A_266, %dma_wait3A_288] : memref<80x125xi32, #tpu.memory_space<vmem>> -> memref<1x125xi32, #tpu.memory_space<vmem>>
      %dma_wait3A_290 = tpu.memref_squeeze %dma_wait3A_289 : memref<1x125xi32, #tpu.memory_space<vmem>> -> memref<125xi32, #tpu.memory_space<vmem>>
      %dma_wait3A_291 = arith.constant 0 : i32
      %dma_wait3A_292 = arith.constant 0 : i32
      %dma_wait3A_293 = tpu.memref_slice %arg7[%dma_wait3A_291, %dma_wait3A_292] : memref<10000x32xf32, #tpu.memory_space<vmem_shared>> -> memref<10000x32xf32, #tpu.memory_space<vmem_shared>>
      tpu.wait_indirect_dma semaphore(%run_scoped3A_273 : memref<!tpu.dma_semaphore, #tpu.memory_space<semaphore_mem>>) src(%dma_wait3A_287 : memref<125x32xf32, #tpu.memory_space<vmem>>) dst(%dma_wait3A_293 : memref<10000x32xf32, #tpu.memory_space<vmem_shared>>)
      tpu.yield
    }) : () -> ()
    %barrier3A_267 = arith.constant 0 : index
    tpu.barrier barrier_id(%barrier3A_267)
    %lt3A_268 = arith.constant 10 : i32
    %lt3A_269 = arith.cmpi slt, %arg1, %lt3A_268 : i32
    %convert_element_type3A_270 = arith.extui %lt3A_269 : i1 to i32
    %cond3A_271 = arith.constant 0 : i32
    %cond3A_272 = arith.cmpi ne, %convert_element_type3A_270, %cond3A_271 : i32
    scf.if %cond3A_272 {
      %mul3A_273 = arith.constant 1000 : i32
      %mul3A_274 = arith.muli %arg1, %mul3A_273 : i32
      "tpu.region"() ({
        %run_scoped3A_275 = tpu.sem_alloc : memref<!tpu.dma_semaphore, #tpu.memory_space<semaphore_mem>>
        %dma_start3A_276 = arith.constant 0 : i32
        %dma_start3A_277 = tpu.memref_slice %arg6[%arg0, %mul3A_274, %dma_start3A_276] : memref<2x10000x32xf32, #tpu.memory_space<hbm>> -> memref<1x1000x32xf32, #tpu.memory_space<hbm>>
        %dma_start3A_278 = tpu.memref_squeeze %dma_start3A_277 : memref<1x1000x32xf32, #tpu.memory_space<hbm>> -> memref<1000x32xf32, #tpu.memory_space<hbm>>
        %dma_start3A_279 = arith.constant 0 : i32
        %dma_start3A_280 = tpu.memref_slice %arg7[%mul3A_274, %dma_start3A_279] : memref<10000x32xf32, #tpu.memory_space<vmem_shared>> -> memref<1000x32xf32, #tpu.memory_space<vmem_shared>>
        tpu.enqueue_dma source(%dma_start3A_280 : memref<1000x32xf32, #tpu.memory_space<vmem_shared>>) target(%dma_start3A_278 : memref<1000x32xf32, #tpu.memory_space<hbm>>) target_semaphore(%run_scoped3A_275 : memref<!tpu.dma_semaphore, #tpu.memory_space<semaphore_mem>>)
        %dma_wait3A_281 = arith.constant 0 : i32
        %dma_wait3A_282 = tpu.memref_slice %arg6[%arg0, %mul3A_274, %dma_wait3A_281] : memref<2x10000x32xf32, #tpu.memory_space<hbm>> -> memref<1x1000x32xf32, #tpu.memory_space<hbm>>
        %dma_wait3A_283 = tpu.memref_squeeze %dma_wait3A_282 : memref<1x1000x32xf32, #tpu.memory_space<hbm>> -> memref<1000x32xf32, #tpu.memory_space<hbm>>
        %dma_wait3A_284 = arith.constant 0 : i32
        %dma_wait3A_285 = tpu.memref_slice %arg7[%mul3A_274, %dma_wait3A_284] : memref<10000x32xf32, #tpu.memory_space<vmem_shared>> -> memref<1000x32xf32, #tpu.memory_space<vmem_shared>>
        tpu.wait_dma2 semaphore(%run_scoped3A_275 : memref<!tpu.dma_semaphore, #tpu.memory_space<semaphore_mem>>) src(%dma_wait3A_285 : memref<1000x32xf32, #tpu.memory_space<vmem_shared>>) dst(%dma_wait3A_283 : memref<1000x32xf32, #tpu.memory_space<hbm>>)
        tpu.yield
      }) : () -> ()
    } else {
    }
    return
  }
}

#map = affine_map<(d0, d1) -> (0, 0)>
#map1 = affine_map<(d0, d1) -> (0, 0, 0)>
module attributes {stable_mosaic.version = 14 : i64} {
  func.func @_deg_kernel(%arg0: i32, %arg1: i32, %arg2: memref<2560x125xi32, #tpu.memory_space<hbm>>, %arg3: memref<125x32xf32, #tpu.memory_space<hbm>>, %arg4: memref<10000x32xf32, #tpu.memory_space<hbm>>, %arg5: memref<2x10000x32xf32, #tpu.memory_space<hbm>>, %arg6: memref<10000x32xf32, #tpu.memory_space<vmem_shared>>, %arg7: memref<80x125xi32, #tpu.memory_space<vmem>>, %arg8: memref<125x32xf32, #tpu.memory_space<vmem>>, %arg9: memref<!tpu.dma_semaphore, #tpu.memory_space<semaphore_mem>>) attributes {dimension_semantics = [#tpu.dimension_semantics<core_parallel>, #tpu.dimension_semantics<subcore_parallel>], iteration_bounds = array<i64: 2, 16>, scalar_prefetch = 0 : i64, scratch_operands = 4 : i64, tpu.core_type = #tpu.core_type<sc_vector_subcore>, window_params = [{transform_indices = #map}, {transform_indices = #map}, {transform_indices = #map}, {transform_indices = #map1}]} {
    %mul3A = arith.constant 2 : i32
    %mul3A_0 = arith.muli %arg1, %mul3A : i32
    %add3A = arith.addi %mul3A_0, %arg0 : i32
    %lt3A = arith.constant 10 : i32
    %lt3A_1 = arith.cmpi slt, %arg1, %lt3A : i32
    %convert_element_type3A = arith.extui %lt3A_1 : i1 to i32
    %cond3A = arith.constant 0 : i32
    %cond3A_2 = arith.cmpi ne, %convert_element_type3A, %cond3A : i32
    scf.if %cond3A_2 {
      %mul3A_16 = arith.constant 1000 : i32
      %mul3A_17 = arith.muli %arg1, %mul3A_16 : i32
      "tpu.region"() ({
        %run_scoped3A = tpu.sem_alloc : memref<!tpu.dma_semaphore, #tpu.memory_space<semaphore_mem>>
        %dma_start3A = arith.constant 0 : i32
        %dma_start3A_18 = tpu.memref_slice %arg6[%mul3A_17, %dma_start3A] : memref<10000x32xf32, #tpu.memory_space<vmem_shared>> -> memref<1000x32xf32, #tpu.memory_space<vmem_shared>>
        %dma_start3A_19 = arith.constant 0 : i32
        %dma_start3A_20 = tpu.memref_slice %arg4[%mul3A_17, %dma_start3A_19] : memref<10000x32xf32, #tpu.memory_space<hbm>> -> memref<1000x32xf32, #tpu.memory_space<hbm>>
        tpu.enqueue_dma source(%dma_start3A_20 : memref<1000x32xf32, #tpu.memory_space<hbm>>) target(%dma_start3A_18 : memref<1000x32xf32, #tpu.memory_space<vmem_shared>>) target_semaphore(%run_scoped3A : memref<!tpu.dma_semaphore, #tpu.memory_space<semaphore_mem>>)
        %dma_wait3A = arith.constant 0 : i32
        %dma_wait3A_21 = tpu.memref_slice %arg6[%mul3A_17, %dma_wait3A] : memref<10000x32xf32, #tpu.memory_space<vmem_shared>> -> memref<1000x32xf32, #tpu.memory_space<vmem_shared>>
        %dma_wait3A_22 = arith.constant 0 : i32
        %dma_wait3A_23 = tpu.memref_slice %arg4[%mul3A_17, %dma_wait3A_22] : memref<10000x32xf32, #tpu.memory_space<hbm>> -> memref<1000x32xf32, #tpu.memory_space<hbm>>
        tpu.wait_dma2 semaphore(%run_scoped3A : memref<!tpu.dma_semaphore, #tpu.memory_space<semaphore_mem>>) src(%dma_wait3A_23 : memref<1000x32xf32, #tpu.memory_space<hbm>>) dst(%dma_wait3A_21 : memref<1000x32xf32, #tpu.memory_space<vmem_shared>>)
        tpu.yield
      }) : () -> ()
    } else {
    }
    %mul3A_3 = arith.constant 80 : i32
    %mul3A_4 = arith.muli %add3A, %mul3A_3 : i32
    "tpu.region"() ({
      %run_scoped3A = tpu.sem_alloc : memref<!tpu.dma_semaphore, #tpu.memory_space<semaphore_mem>>
      %dma_start3A = arith.constant 0 : i32
      %dma_start3A_16 = tpu.memref_slice %arg2[%mul3A_4, %dma_start3A] : memref<2560x125xi32, #tpu.memory_space<hbm>> -> memref<80x125xi32, #tpu.memory_space<hbm>>
      %dma_start3A_17 = arith.constant 0 : i32
      %dma_start3A_18 = tpu.memref_slice %arg2[%mul3A_4, %dma_start3A_17] : memref<2560x125xi32, #tpu.memory_space<hbm>> -> memref<80x125xi32, #tpu.memory_space<hbm>>
      tpu.enqueue_dma source(%dma_start3A_18 : memref<80x125xi32, #tpu.memory_space<hbm>>) target(%arg7 : memref<80x125xi32, #tpu.memory_space<vmem>>) target_semaphore(%run_scoped3A : memref<!tpu.dma_semaphore, #tpu.memory_space<semaphore_mem>>)
      %dma_wait3A = arith.constant 0 : i32
      %dma_wait3A_19 = tpu.memref_slice %arg2[%mul3A_4, %dma_wait3A] : memref<2560x125xi32, #tpu.memory_space<hbm>> -> memref<80x125xi32, #tpu.memory_space<hbm>>
      %dma_wait3A_20 = arith.constant 0 : i32
      %dma_wait3A_21 = tpu.memref_slice %arg2[%mul3A_4, %dma_wait3A_20] : memref<2560x125xi32, #tpu.memory_space<hbm>> -> memref<80x125xi32, #tpu.memory_space<hbm>>
      tpu.wait_dma2 semaphore(%run_scoped3A : memref<!tpu.dma_semaphore, #tpu.memory_space<semaphore_mem>>) src(%dma_wait3A_21 : memref<80x125xi32, #tpu.memory_space<hbm>>) dst(%arg7 : memref<80x125xi32, #tpu.memory_space<vmem>>)
      tpu.yield
    }) : () -> ()
    "tpu.region"() ({
      %run_scoped3A = tpu.sem_alloc : memref<!tpu.dma_semaphore, #tpu.memory_space<semaphore_mem>>
      tpu.enqueue_dma source(%arg3 : memref<125x32xf32, #tpu.memory_space<hbm>>) target(%arg8 : memref<125x32xf32, #tpu.memory_space<vmem>>) target_semaphore(%run_scoped3A : memref<!tpu.dma_semaphore, #tpu.memory_space<semaphore_mem>>)
      tpu.wait_dma2 semaphore(%run_scoped3A : memref<!tpu.dma_semaphore, #tpu.memory_space<semaphore_mem>>) src(%arg3 : memref<125x32xf32, #tpu.memory_space<hbm>>) dst(%arg8 : memref<125x32xf32, #tpu.memory_space<vmem>>)
      tpu.yield
    }) : () -> ()
    %barrier3A = arith.constant 0 : index
    tpu.barrier barrier_id(%barrier3A)
    %scan3A = arith.constant 0 : i32
    %scan3A_5 = arith.constant 0 : i32
    %scan3A_6 = arith.constant 10 : i32
    %scan3A_7 = arith.addi %scan3A_5, %scan3A_6 : i32
    %scan3A_8 = arith.constant 1 : i32
    scf.for %scan3A_16 = %scan3A_5 to %scan3A_7 step %scan3A_8  : i32 {
      %mul3A_17 = arith.constant 8 : i32
      %mul3A_18 = arith.muli %scan3A_16, %mul3A_17 : i32
      %add3A_19 = arith.constant 0 : i32
      %add3A_20 = arith.addi %mul3A_18, %add3A_19 : i32
      %dma_start3A = arith.constant 0 : i32
      %dma_start3A_21 = tpu.memref_slice %arg7[%add3A_20, %dma_start3A] : memref<80x125xi32, #tpu.memory_space<vmem>> -> memref<1x125xi32, #tpu.memory_space<vmem>>
      %dma_start3A_22 = tpu.memref_squeeze %dma_start3A_21 : memref<1x125xi32, #tpu.memory_space<vmem>> -> memref<125xi32, #tpu.memory_space<vmem>>
      %dma_start3A_23 = arith.constant 0 : i32
      %dma_start3A_24 = arith.constant 0 : i32
      %dma_start3A_25 = tpu.memref_slice %arg6[%dma_start3A_23, %dma_start3A_24] : memref<10000x32xf32, #tpu.memory_space<vmem_shared>> -> memref<10000x32xf32, #tpu.memory_space<vmem_shared>>
      tpu.enqueue_indirect_dma source(%arg8 : memref<125x32xf32, #tpu.memory_space<vmem>>) target(%dma_start3A_25 : memref<10000x32xf32, #tpu.memory_space<vmem_shared>>) offsets(%dma_start3A_22 : memref<125xi32, #tpu.memory_space<vmem>>) semaphore(%arg9 : memref<!tpu.dma_semaphore, #tpu.memory_space<semaphore_mem>>) {add = true}
      %mul3A_26 = arith.constant 8 : i32
      %mul3A_27 = arith.muli %scan3A_16, %mul3A_26 : i32
      %add3A_28 = arith.constant 1 : i32
      %add3A_29 = arith.addi %mul3A_27, %add3A_28 : i32
      %dma_start3A_30 = arith.constant 0 : i32
      %dma_start3A_31 = tpu.memref_slice %arg7[%add3A_29, %dma_start3A_30] : memref<80x125xi32, #tpu.memory_space<vmem>> -> memref<1x125xi32, #tpu.memory_space<vmem>>
      %dma_start3A_32 = tpu.memref_squeeze %dma_start3A_31 : memref<1x125xi32, #tpu.memory_space<vmem>> -> memref<125xi32, #tpu.memory_space<vmem>>
      %dma_start3A_33 = arith.constant 0 : i32
      %dma_start3A_34 = arith.constant 0 : i32
      %dma_start3A_35 = tpu.memref_slice %arg6[%dma_start3A_33, %dma_start3A_34] : memref<10000x32xf32, #tpu.memory_space<vmem_shared>> -> memref<10000x32xf32, #tpu.memory_space<vmem_shared>>
      tpu.enqueue_indirect_dma source(%arg8 : memref<125x32xf32, #tpu.memory_space<vmem>>) target(%dma_start3A_35 : memref<10000x32xf32, #tpu.memory_space<vmem_shared>>) offsets(%dma_start3A_32 : memref<125xi32, #tpu.memory_space<vmem>>) semaphore(%arg9 : memref<!tpu.dma_semaphore, #tpu.memory_space<semaphore_mem>>) {add = true}
      %mul3A_36 = arith.constant 8 : i32
      %mul3A_37 = arith.muli %scan3A_16, %mul3A_36 : i32
      %add3A_38 = arith.constant 2 : i32
      %add3A_39 = arith.addi %mul3A_37, %add3A_38 : i32
      %dma_start3A_40 = arith.constant 0 : i32
      %dma_start3A_41 = tpu.memref_slice %arg7[%add3A_39, %dma_start3A_40] : memref<80x125xi32, #tpu.memory_space<vmem>> -> memref<1x125xi32, #tpu.memory_space<vmem>>
      %dma_start3A_42 = tpu.memref_squeeze %dma_start3A_41 : memref<1x125xi32, #tpu.memory_space<vmem>> -> memref<125xi32, #tpu.memory_space<vmem>>
      %dma_start3A_43 = arith.constant 0 : i32
      %dma_start3A_44 = arith.constant 0 : i32
      %dma_start3A_45 = tpu.memref_slice %arg6[%dma_start3A_43, %dma_start3A_44] : memref<10000x32xf32, #tpu.memory_space<vmem_shared>> -> memref<10000x32xf32, #tpu.memory_space<vmem_shared>>
      tpu.enqueue_indirect_dma source(%arg8 : memref<125x32xf32, #tpu.memory_space<vmem>>) target(%dma_start3A_45 : memref<10000x32xf32, #tpu.memory_space<vmem_shared>>) offsets(%dma_start3A_42 : memref<125xi32, #tpu.memory_space<vmem>>) semaphore(%arg9 : memref<!tpu.dma_semaphore, #tpu.memory_space<semaphore_mem>>) {add = true}
      %mul3A_46 = arith.constant 8 : i32
      %mul3A_47 = arith.muli %scan3A_16, %mul3A_46 : i32
      %add3A_48 = arith.constant 3 : i32
      %add3A_49 = arith.addi %mul3A_47, %add3A_48 : i32
      %dma_start3A_50 = arith.constant 0 : i32
      %dma_start3A_51 = tpu.memref_slice %arg7[%add3A_49, %dma_start3A_50] : memref<80x125xi32, #tpu.memory_space<vmem>> -> memref<1x125xi32, #tpu.memory_space<vmem>>
      %dma_start3A_52 = tpu.memref_squeeze %dma_start3A_51 : memref<1x125xi32, #tpu.memory_space<vmem>> -> memref<125xi32, #tpu.memory_space<vmem>>
      %dma_start3A_53 = arith.constant 0 : i32
      %dma_start3A_54 = arith.constant 0 : i32
      %dma_start3A_55 = tpu.memref_slice %arg6[%dma_start3A_53, %dma_start3A_54] : memref<10000x32xf32, #tpu.memory_space<vmem_shared>> -> memref<10000x32xf32, #tpu.memory_space<vmem_shared>>
      tpu.enqueue_indirect_dma source(%arg8 : memref<125x32xf32, #tpu.memory_space<vmem>>) target(%dma_start3A_55 : memref<10000x32xf32, #tpu.memory_space<vmem_shared>>) offsets(%dma_start3A_52 : memref<125xi32, #tpu.memory_space<vmem>>) semaphore(%arg9 : memref<!tpu.dma_semaphore, #tpu.memory_space<semaphore_mem>>) {add = true}
      %mul3A_56 = arith.constant 8 : i32
      %mul3A_57 = arith.muli %scan3A_16, %mul3A_56 : i32
      %add3A_58 = arith.constant 4 : i32
      %add3A_59 = arith.addi %mul3A_57, %add3A_58 : i32
      %dma_start3A_60 = arith.constant 0 : i32
      %dma_start3A_61 = tpu.memref_slice %arg7[%add3A_59, %dma_start3A_60] : memref<80x125xi32, #tpu.memory_space<vmem>> -> memref<1x125xi32, #tpu.memory_space<vmem>>
      %dma_start3A_62 = tpu.memref_squeeze %dma_start3A_61 : memref<1x125xi32, #tpu.memory_space<vmem>> -> memref<125xi32, #tpu.memory_space<vmem>>
      %dma_start3A_63 = arith.constant 0 : i32
      %dma_start3A_64 = arith.constant 0 : i32
      %dma_start3A_65 = tpu.memref_slice %arg6[%dma_start3A_63, %dma_start3A_64] : memref<10000x32xf32, #tpu.memory_space<vmem_shared>> -> memref<10000x32xf32, #tpu.memory_space<vmem_shared>>
      tpu.enqueue_indirect_dma source(%arg8 : memref<125x32xf32, #tpu.memory_space<vmem>>) target(%dma_start3A_65 : memref<10000x32xf32, #tpu.memory_space<vmem_shared>>) offsets(%dma_start3A_62 : memref<125xi32, #tpu.memory_space<vmem>>) semaphore(%arg9 : memref<!tpu.dma_semaphore, #tpu.memory_space<semaphore_mem>>) {add = true}
      %mul3A_66 = arith.constant 8 : i32
      %mul3A_67 = arith.muli %scan3A_16, %mul3A_66 : i32
      %add3A_68 = arith.constant 5 : i32
      %add3A_69 = arith.addi %mul3A_67, %add3A_68 : i32
      %dma_start3A_70 = arith.constant 0 : i32
      %dma_start3A_71 = tpu.memref_slice %arg7[%add3A_69, %dma_start3A_70] : memref<80x125xi32, #tpu.memory_space<vmem>> -> memref<1x125xi32, #tpu.memory_space<vmem>>
      %dma_start3A_72 = tpu.memref_squeeze %dma_start3A_71 : memref<1x125xi32, #tpu.memory_space<vmem>> -> memref<125xi32, #tpu.memory_space<vmem>>
      %dma_start3A_73 = arith.constant 0 : i32
      %dma_start3A_74 = arith.constant 0 : i32
      %dma_start3A_75 = tpu.memref_slice %arg6[%dma_start3A_73, %dma_start3A_74] : memref<10000x32xf32, #tpu.memory_space<vmem_shared>> -> memref<10000x32xf32, #tpu.memory_space<vmem_shared>>
      tpu.enqueue_indirect_dma source(%arg8 : memref<125x32xf32, #tpu.memory_space<vmem>>) target(%dma_start3A_75 : memref<10000x32xf32, #tpu.memory_space<vmem_shared>>) offsets(%dma_start3A_72 : memref<125xi32, #tpu.memory_space<vmem>>) semaphore(%arg9 : memref<!tpu.dma_semaphore, #tpu.memory_space<semaphore_mem>>) {add = true}
      %mul3A_76 = arith.constant 8 : i32
      %mul3A_77 = arith.muli %scan3A_16, %mul3A_76 : i32
      %add3A_78 = arith.constant 6 : i32
      %add3A_79 = arith.addi %mul3A_77, %add3A_78 : i32
      %dma_start3A_80 = arith.constant 0 : i32
      %dma_start3A_81 = tpu.memref_slice %arg7[%add3A_79, %dma_start3A_80] : memref<80x125xi32, #tpu.memory_space<vmem>> -> memref<1x125xi32, #tpu.memory_space<vmem>>
      %dma_start3A_82 = tpu.memref_squeeze %dma_start3A_81 : memref<1x125xi32, #tpu.memory_space<vmem>> -> memref<125xi32, #tpu.memory_space<vmem>>
      %dma_start3A_83 = arith.constant 0 : i32
      %dma_start3A_84 = arith.constant 0 : i32
      %dma_start3A_85 = tpu.memref_slice %arg6[%dma_start3A_83, %dma_start3A_84] : memref<10000x32xf32, #tpu.memory_space<vmem_shared>> -> memref<10000x32xf32, #tpu.memory_space<vmem_shared>>
      tpu.enqueue_indirect_dma source(%arg8 : memref<125x32xf32, #tpu.memory_space<vmem>>) target(%dma_start3A_85 : memref<10000x32xf32, #tpu.memory_space<vmem_shared>>) offsets(%dma_start3A_82 : memref<125xi32, #tpu.memory_space<vmem>>) semaphore(%arg9 : memref<!tpu.dma_semaphore, #tpu.memory_space<semaphore_mem>>) {add = true}
      %mul3A_86 = arith.constant 8 : i32
      %mul3A_87 = arith.muli %scan3A_16, %mul3A_86 : i32
      %add3A_88 = arith.constant 7 : i32
      %add3A_89 = arith.addi %mul3A_87, %add3A_88 : i32
      %dma_start3A_90 = arith.constant 0 : i32
      %dma_start3A_91 = tpu.memref_slice %arg7[%add3A_89, %dma_start3A_90] : memref<80x125xi32, #tpu.memory_space<vmem>> -> memref<1x125xi32, #tpu.memory_space<vmem>>
      %dma_start3A_92 = tpu.memref_squeeze %dma_start3A_91 : memref<1x125xi32, #tpu.memory_space<vmem>> -> memref<125xi32, #tpu.memory_space<vmem>>
      %dma_start3A_93 = arith.constant 0 : i32
      %dma_start3A_94 = arith.constant 0 : i32
      %dma_start3A_95 = tpu.memref_slice %arg6[%dma_start3A_93, %dma_start3A_94] : memref<10000x32xf32, #tpu.memory_space<vmem_shared>> -> memref<10000x32xf32, #tpu.memory_space<vmem_shared>>
      tpu.enqueue_indirect_dma source(%arg8 : memref<125x32xf32, #tpu.memory_space<vmem>>) target(%dma_start3A_95 : memref<10000x32xf32, #tpu.memory_space<vmem_shared>>) offsets(%dma_start3A_92 : memref<125xi32, #tpu.memory_space<vmem>>) semaphore(%arg9 : memref<!tpu.dma_semaphore, #tpu.memory_space<semaphore_mem>>) {add = true}
      %dma_wait3A = arith.constant 0 : i32
      %dma_wait3A_96 = tpu.memref_slice %arg7[%add3A_20, %dma_wait3A] : memref<80x125xi32, #tpu.memory_space<vmem>> -> memref<1x125xi32, #tpu.memory_space<vmem>>
      %dma_wait3A_97 = tpu.memref_squeeze %dma_wait3A_96 : memref<1x125xi32, #tpu.memory_space<vmem>> -> memref<125xi32, #tpu.memory_space<vmem>>
      %dma_wait3A_98 = arith.constant 0 : i32
      %dma_wait3A_99 = arith.constant 0 : i32
      %dma_wait3A_100 = tpu.memref_slice %arg6[%dma_wait3A_98, %dma_wait3A_99] : memref<10000x32xf32, #tpu.memory_space<vmem_shared>> -> memref<10000x32xf32, #tpu.memory_space<vmem_shared>>
      tpu.wait_indirect_dma semaphore(%arg9 : memref<!tpu.dma_semaphore, #tpu.memory_space<semaphore_mem>>) src(%arg8 : memref<125x32xf32, #tpu.memory_space<vmem>>) dst(%dma_wait3A_100 : memref<10000x32xf32, #tpu.memory_space<vmem_shared>>)
      %dma_wait3A_101 = arith.constant 0 : i32
      %dma_wait3A_102 = tpu.memref_slice %arg7[%add3A_29, %dma_wait3A_101] : memref<80x125xi32, #tpu.memory_space<vmem>> -> memref<1x125xi32, #tpu.memory_space<vmem>>
      %dma_wait3A_103 = tpu.memref_squeeze %dma_wait3A_102 : memref<1x125xi32, #tpu.memory_space<vmem>> -> memref<125xi32, #tpu.memory_space<vmem>>
      %dma_wait3A_104 = arith.constant 0 : i32
      %dma_wait3A_105 = arith.constant 0 : i32
      %dma_wait3A_106 = tpu.memref_slice %arg6[%dma_wait3A_104, %dma_wait3A_105] : memref<10000x32xf32, #tpu.memory_space<vmem_shared>> -> memref<10000x32xf32, #tpu.memory_space<vmem_shared>>
      tpu.wait_indirect_dma semaphore(%arg9 : memref<!tpu.dma_semaphore, #tpu.memory_space<semaphore_mem>>) src(%arg8 : memref<125x32xf32, #tpu.memory_space<vmem>>) dst(%dma_wait3A_106 : memref<10000x32xf32, #tpu.memory_space<vmem_shared>>)
      %dma_wait3A_107 = arith.constant 0 : i32
      %dma_wait3A_108 = tpu.memref_slice %arg7[%add3A_39, %dma_wait3A_107] : memref<80x125xi32, #tpu.memory_space<vmem>> -> memref<1x125xi32, #tpu.memory_space<vmem>>
      %dma_wait3A_109 = tpu.memref_squeeze %dma_wait3A_108 : memref<1x125xi32, #tpu.memory_space<vmem>> -> memref<125xi32, #tpu.memory_space<vmem>>
      %dma_wait3A_110 = arith.constant 0 : i32
      %dma_wait3A_111 = arith.constant 0 : i32
      %dma_wait3A_112 = tpu.memref_slice %arg6[%dma_wait3A_110, %dma_wait3A_111] : memref<10000x32xf32, #tpu.memory_space<vmem_shared>> -> memref<10000x32xf32, #tpu.memory_space<vmem_shared>>
      tpu.wait_indirect_dma semaphore(%arg9 : memref<!tpu.dma_semaphore, #tpu.memory_space<semaphore_mem>>) src(%arg8 : memref<125x32xf32, #tpu.memory_space<vmem>>) dst(%dma_wait3A_112 : memref<10000x32xf32, #tpu.memory_space<vmem_shared>>)
      %dma_wait3A_113 = arith.constant 0 : i32
      %dma_wait3A_114 = tpu.memref_slice %arg7[%add3A_49, %dma_wait3A_113] : memref<80x125xi32, #tpu.memory_space<vmem>> -> memref<1x125xi32, #tpu.memory_space<vmem>>
      %dma_wait3A_115 = tpu.memref_squeeze %dma_wait3A_114 : memref<1x125xi32, #tpu.memory_space<vmem>> -> memref<125xi32, #tpu.memory_space<vmem>>
      %dma_wait3A_116 = arith.constant 0 : i32
      %dma_wait3A_117 = arith.constant 0 : i32
      %dma_wait3A_118 = tpu.memref_slice %arg6[%dma_wait3A_116, %dma_wait3A_117] : memref<10000x32xf32, #tpu.memory_space<vmem_shared>> -> memref<10000x32xf32, #tpu.memory_space<vmem_shared>>
      tpu.wait_indirect_dma semaphore(%arg9 : memref<!tpu.dma_semaphore, #tpu.memory_space<semaphore_mem>>) src(%arg8 : memref<125x32xf32, #tpu.memory_space<vmem>>) dst(%dma_wait3A_118 : memref<10000x32xf32, #tpu.memory_space<vmem_shared>>)
      %dma_wait3A_119 = arith.constant 0 : i32
      %dma_wait3A_120 = tpu.memref_slice %arg7[%add3A_59, %dma_wait3A_119] : memref<80x125xi32, #tpu.memory_space<vmem>> -> memref<1x125xi32, #tpu.memory_space<vmem>>
      %dma_wait3A_121 = tpu.memref_squeeze %dma_wait3A_120 : memref<1x125xi32, #tpu.memory_space<vmem>> -> memref<125xi32, #tpu.memory_space<vmem>>
      %dma_wait3A_122 = arith.constant 0 : i32
      %dma_wait3A_123 = arith.constant 0 : i32
      %dma_wait3A_124 = tpu.memref_slice %arg6[%dma_wait3A_122, %dma_wait3A_123] : memref<10000x32xf32, #tpu.memory_space<vmem_shared>> -> memref<10000x32xf32, #tpu.memory_space<vmem_shared>>
      tpu.wait_indirect_dma semaphore(%arg9 : memref<!tpu.dma_semaphore, #tpu.memory_space<semaphore_mem>>) src(%arg8 : memref<125x32xf32, #tpu.memory_space<vmem>>) dst(%dma_wait3A_124 : memref<10000x32xf32, #tpu.memory_space<vmem_shared>>)
      %dma_wait3A_125 = arith.constant 0 : i32
      %dma_wait3A_126 = tpu.memref_slice %arg7[%add3A_69, %dma_wait3A_125] : memref<80x125xi32, #tpu.memory_space<vmem>> -> memref<1x125xi32, #tpu.memory_space<vmem>>
      %dma_wait3A_127 = tpu.memref_squeeze %dma_wait3A_126 : memref<1x125xi32, #tpu.memory_space<vmem>> -> memref<125xi32, #tpu.memory_space<vmem>>
      %dma_wait3A_128 = arith.constant 0 : i32
      %dma_wait3A_129 = arith.constant 0 : i32
      %dma_wait3A_130 = tpu.memref_slice %arg6[%dma_wait3A_128, %dma_wait3A_129] : memref<10000x32xf32, #tpu.memory_space<vmem_shared>> -> memref<10000x32xf32, #tpu.memory_space<vmem_shared>>
      tpu.wait_indirect_dma semaphore(%arg9 : memref<!tpu.dma_semaphore, #tpu.memory_space<semaphore_mem>>) src(%arg8 : memref<125x32xf32, #tpu.memory_space<vmem>>) dst(%dma_wait3A_130 : memref<10000x32xf32, #tpu.memory_space<vmem_shared>>)
      %dma_wait3A_131 = arith.constant 0 : i32
      %dma_wait3A_132 = tpu.memref_slice %arg7[%add3A_79, %dma_wait3A_131] : memref<80x125xi32, #tpu.memory_space<vmem>> -> memref<1x125xi32, #tpu.memory_space<vmem>>
      %dma_wait3A_133 = tpu.memref_squeeze %dma_wait3A_132 : memref<1x125xi32, #tpu.memory_space<vmem>> -> memref<125xi32, #tpu.memory_space<vmem>>
      %dma_wait3A_134 = arith.constant 0 : i32
      %dma_wait3A_135 = arith.constant 0 : i32
      %dma_wait3A_136 = tpu.memref_slice %arg6[%dma_wait3A_134, %dma_wait3A_135] : memref<10000x32xf32, #tpu.memory_space<vmem_shared>> -> memref<10000x32xf32, #tpu.memory_space<vmem_shared>>
      tpu.wait_indirect_dma semaphore(%arg9 : memref<!tpu.dma_semaphore, #tpu.memory_space<semaphore_mem>>) src(%arg8 : memref<125x32xf32, #tpu.memory_space<vmem>>) dst(%dma_wait3A_136 : memref<10000x32xf32, #tpu.memory_space<vmem_shared>>)
      %dma_wait3A_137 = arith.constant 0 : i32
      %dma_wait3A_138 = tpu.memref_slice %arg7[%add3A_89, %dma_wait3A_137] : memref<80x125xi32, #tpu.memory_space<vmem>> -> memref<1x125xi32, #tpu.memory_space<vmem>>
      %dma_wait3A_139 = tpu.memref_squeeze %dma_wait3A_138 : memref<1x125xi32, #tpu.memory_space<vmem>> -> memref<125xi32, #tpu.memory_space<vmem>>
      %dma_wait3A_140 = arith.constant 0 : i32
      %dma_wait3A_141 = arith.constant 0 : i32
      %dma_wait3A_142 = tpu.memref_slice %arg6[%dma_wait3A_140, %dma_wait3A_141] : memref<10000x32xf32, #tpu.memory_space<vmem_shared>> -> memref<10000x32xf32, #tpu.memory_space<vmem_shared>>
      tpu.wait_indirect_dma semaphore(%arg9 : memref<!tpu.dma_semaphore, #tpu.memory_space<semaphore_mem>>) src(%arg8 : memref<125x32xf32, #tpu.memory_space<vmem>>) dst(%dma_wait3A_142 : memref<10000x32xf32, #tpu.memory_space<vmem_shared>>)
    }
    %scan3A_9 = arith.constant 10 : i32
    %barrier3A_10 = arith.constant 0 : index
    tpu.barrier barrier_id(%barrier3A_10)
    %lt3A_11 = arith.constant 10 : i32
    %lt3A_12 = arith.cmpi slt, %arg1, %lt3A_11 : i32
    %convert_element_type3A_13 = arith.extui %lt3A_12 : i1 to i32
    %cond3A_14 = arith.constant 0 : i32
    %cond3A_15 = arith.cmpi ne, %convert_element_type3A_13, %cond3A_14 : i32
    scf.if %cond3A_15 {
      %mul3A_16 = arith.constant 1000 : i32
      %mul3A_17 = arith.muli %arg1, %mul3A_16 : i32
      "tpu.region"() ({
        %run_scoped3A = tpu.sem_alloc : memref<!tpu.dma_semaphore, #tpu.memory_space<semaphore_mem>>
        %dma_start3A = arith.constant 0 : i32
        %dma_start3A_18 = tpu.memref_slice %arg5[%arg0, %mul3A_17, %dma_start3A] : memref<2x10000x32xf32, #tpu.memory_space<hbm>> -> memref<1x1000x32xf32, #tpu.memory_space<hbm>>
        %dma_start3A_19 = tpu.memref_squeeze %dma_start3A_18 : memref<1x1000x32xf32, #tpu.memory_space<hbm>> -> memref<1000x32xf32, #tpu.memory_space<hbm>>
        %dma_start3A_20 = arith.constant 0 : i32
        %dma_start3A_21 = tpu.memref_slice %arg6[%mul3A_17, %dma_start3A_20] : memref<10000x32xf32, #tpu.memory_space<vmem_shared>> -> memref<1000x32xf32, #tpu.memory_space<vmem_shared>>
        tpu.enqueue_dma source(%dma_start3A_21 : memref<1000x32xf32, #tpu.memory_space<vmem_shared>>) target(%dma_start3A_19 : memref<1000x32xf32, #tpu.memory_space<hbm>>) target_semaphore(%run_scoped3A : memref<!tpu.dma_semaphore, #tpu.memory_space<semaphore_mem>>)
        %dma_wait3A = arith.constant 0 : i32
        %dma_wait3A_22 = tpu.memref_slice %arg5[%arg0, %mul3A_17, %dma_wait3A] : memref<2x10000x32xf32, #tpu.memory_space<hbm>> -> memref<1x1000x32xf32, #tpu.memory_space<hbm>>
        %dma_wait3A_23 = tpu.memref_squeeze %dma_wait3A_22 : memref<1x1000x32xf32, #tpu.memory_space<hbm>> -> memref<1000x32xf32, #tpu.memory_space<hbm>>
        %dma_wait3A_24 = arith.constant 0 : i32
        %dma_wait3A_25 = tpu.memref_slice %arg6[%mul3A_17, %dma_wait3A_24] : memref<10000x32xf32, #tpu.memory_space<vmem_shared>> -> memref<1000x32xf32, #tpu.memory_space<vmem_shared>>
        tpu.wait_dma2 semaphore(%run_scoped3A : memref<!tpu.dma_semaphore, #tpu.memory_space<semaphore_mem>>) src(%dma_wait3A_25 : memref<1000x32xf32, #tpu.memory_space<vmem_shared>>) dst(%dma_wait3A_23 : memref<1000x32xf32, #tpu.memory_space<hbm>>)
        tpu.yield
      }) : () -> ()
    } else {
    }
    return
  }
}

#map = affine_map<(d0, d1) -> (0, 0)>
#map1 = affine_map<(d0, d1) -> (0, 0, 0)>
module attributes {stable_mosaic.version = 14 : i64} {
  func.func @_prop_kernel(%arg0: i32, %arg1: i32, %arg2: memref<10000x32xf32, #tpu.memory_space<hbm>>, %arg3: memref<2560x125xi32, #tpu.memory_space<hbm>>, %arg4: memref<2560x125xi32, #tpu.memory_space<hbm>>, %arg5: memref<10000x32xf32, #tpu.memory_space<hbm>>, %arg6: memref<2x10000x32xf32, #tpu.memory_space<hbm>>, %arg7: memref<10000x32xf32, #tpu.memory_space<vmem_shared>>, %arg8: memref<80x125xi32, #tpu.memory_space<vmem>>, %arg9: memref<80x125xi32, #tpu.memory_space<vmem>>, %arg10: memref<10x125x32xf32, #tpu.memory_space<vmem>>, %arg11: memref<!tpu.dma_semaphore, #tpu.memory_space<semaphore_mem>>, %arg12: memref<!tpu.dma_semaphore, #tpu.memory_space<semaphore_mem>>, %arg13: memref<!tpu.dma_semaphore, #tpu.memory_space<semaphore_mem>>, %arg14: memref<!tpu.dma_semaphore, #tpu.memory_space<semaphore_mem>>, %arg15: memref<!tpu.dma_semaphore, #tpu.memory_space<semaphore_mem>>, %arg16: memref<!tpu.dma_semaphore, #tpu.memory_space<semaphore_mem>>, %arg17: memref<!tpu.dma_semaphore, #tpu.memory_space<semaphore_mem>>, %arg18: memref<!tpu.dma_semaphore, #tpu.memory_space<semaphore_mem>>, %arg19: memref<!tpu.dma_semaphore, #tpu.memory_space<semaphore_mem>>, %arg20: memref<!tpu.dma_semaphore, #tpu.memory_space<semaphore_mem>>) attributes {dimension_semantics = [#tpu.dimension_semantics<core_parallel>, #tpu.dimension_semantics<subcore_parallel>], iteration_bounds = array<i64: 2, 16>, scalar_prefetch = 0 : i64, scratch_operands = 14 : i64, tpu.core_type = #tpu.core_type<sc_vector_subcore>, window_params = [{transform_indices = #map}, {transform_indices = #map}, {transform_indices = #map}, {transform_indices = #map}, {transform_indices = #map1}]} {
    %mul3A = arith.constant 2 : i32
    %mul3A_0 = arith.muli %arg1, %mul3A : i32
    %add3A = arith.addi %mul3A_0, %arg0 : i32
    %lt3A = arith.constant 10 : i32
    %lt3A_1 = arith.cmpi slt, %arg1, %lt3A : i32
    %convert_element_type3A = arith.extui %lt3A_1 : i1 to i32
    %cond3A = arith.constant 0 : i32
    %cond3A_2 = arith.cmpi ne, %convert_element_type3A, %cond3A : i32
    scf.if %cond3A_2 {
      %mul3A_273 = arith.constant 1000 : i32
      %mul3A_274 = arith.muli %arg1, %mul3A_273 : i32
      "tpu.region"() ({
        %run_scoped3A_275 = tpu.sem_alloc : memref<!tpu.dma_semaphore, #tpu.memory_space<semaphore_mem>>
        %dma_start3A_276 = arith.constant 0 : i32
        %dma_start3A_277 = tpu.memref_slice %arg7[%mul3A_274, %dma_start3A_276] : memref<10000x32xf32, #tpu.memory_space<vmem_shared>> -> memref<1000x32xf32, #tpu.memory_space<vmem_shared>>
        %dma_start3A_278 = arith.constant 0 : i32
        %dma_start3A_279 = tpu.memref_slice %arg5[%mul3A_274, %dma_start3A_278] : memref<10000x32xf32, #tpu.memory_space<hbm>> -> memref<1000x32xf32, #tpu.memory_space<hbm>>
        tpu.enqueue_dma source(%dma_start3A_279 : memref<1000x32xf32, #tpu.memory_space<hbm>>) target(%dma_start3A_277 : memref<1000x32xf32, #tpu.memory_space<vmem_shared>>) target_semaphore(%run_scoped3A_275 : memref<!tpu.dma_semaphore, #tpu.memory_space<semaphore_mem>>)
        %dma_wait3A_280 = arith.constant 0 : i32
        %dma_wait3A_281 = tpu.memref_slice %arg7[%mul3A_274, %dma_wait3A_280] : memref<10000x32xf32, #tpu.memory_space<vmem_shared>> -> memref<1000x32xf32, #tpu.memory_space<vmem_shared>>
        %dma_wait3A_282 = arith.constant 0 : i32
        %dma_wait3A_283 = tpu.memref_slice %arg5[%mul3A_274, %dma_wait3A_282] : memref<10000x32xf32, #tpu.memory_space<hbm>> -> memref<1000x32xf32, #tpu.memory_space<hbm>>
        tpu.wait_dma2 semaphore(%run_scoped3A_275 : memref<!tpu.dma_semaphore, #tpu.memory_space<semaphore_mem>>) src(%dma_wait3A_283 : memref<1000x32xf32, #tpu.memory_space<hbm>>) dst(%dma_wait3A_281 : memref<1000x32xf32, #tpu.memory_space<vmem_shared>>)
        tpu.yield
      }) : () -> ()
    } else {
    }
    %mul3A_3 = arith.constant 80 : i32
    %mul3A_4 = arith.muli %add3A, %mul3A_3 : i32
    "tpu.region"() ({
      %run_scoped3A_273 = tpu.sem_alloc : memref<!tpu.dma_semaphore, #tpu.memory_space<semaphore_mem>>
      %dma_start3A_274 = arith.constant 0 : i32
      %dma_start3A_275 = tpu.memref_slice %arg3[%mul3A_4, %dma_start3A_274] : memref<2560x125xi32, #tpu.memory_space<hbm>> -> memref<80x125xi32, #tpu.memory_space<hbm>>
      %dma_start3A_276 = arith.constant 0 : i32
      %dma_start3A_277 = tpu.memref_slice %arg3[%mul3A_4, %dma_start3A_276] : memref<2560x125xi32, #tpu.memory_space<hbm>> -> memref<80x125xi32, #tpu.memory_space<hbm>>
      tpu.enqueue_dma source(%dma_start3A_277 : memref<80x125xi32, #tpu.memory_space<hbm>>) target(%arg8 : memref<80x125xi32, #tpu.memory_space<vmem>>) target_semaphore(%run_scoped3A_273 : memref<!tpu.dma_semaphore, #tpu.memory_space<semaphore_mem>>)
      %dma_wait3A_278 = arith.constant 0 : i32
      %dma_wait3A_279 = tpu.memref_slice %arg3[%mul3A_4, %dma_wait3A_278] : memref<2560x125xi32, #tpu.memory_space<hbm>> -> memref<80x125xi32, #tpu.memory_space<hbm>>
      %dma_wait3A_280 = arith.constant 0 : i32
      %dma_wait3A_281 = tpu.memref_slice %arg3[%mul3A_4, %dma_wait3A_280] : memref<2560x125xi32, #tpu.memory_space<hbm>> -> memref<80x125xi32, #tpu.memory_space<hbm>>
      tpu.wait_dma2 semaphore(%run_scoped3A_273 : memref<!tpu.dma_semaphore, #tpu.memory_space<semaphore_mem>>) src(%dma_wait3A_281 : memref<80x125xi32, #tpu.memory_space<hbm>>) dst(%arg8 : memref<80x125xi32, #tpu.memory_space<vmem>>)
      tpu.yield
    }) : () -> ()
    "tpu.region"() ({
      %run_scoped3A_273 = tpu.sem_alloc : memref<!tpu.dma_semaphore, #tpu.memory_space<semaphore_mem>>
      %dma_start3A_274 = arith.constant 0 : i32
      %dma_start3A_275 = tpu.memref_slice %arg4[%mul3A_4, %dma_start3A_274] : memref<2560x125xi32, #tpu.memory_space<hbm>> -> memref<80x125xi32, #tpu.memory_space<hbm>>
      %dma_start3A_276 = arith.constant 0 : i32
      %dma_start3A_277 = tpu.memref_slice %arg4[%mul3A_4, %dma_start3A_276] : memref<2560x125xi32, #tpu.memory_space<hbm>> -> memref<80x125xi32, #tpu.memory_space<hbm>>
      tpu.enqueue_dma source(%dma_start3A_277 : memref<80x125xi32, #tpu.memory_space<hbm>>) target(%arg9 : memref<80x125xi32, #tpu.memory_space<vmem>>) target_semaphore(%run_scoped3A_273 : memref<!tpu.dma_semaphore, #tpu.memory_space<semaphore_mem>>)
      %dma_wait3A_278 = arith.constant 0 : i32
      %dma_wait3A_279 = tpu.memref_slice %arg4[%mul3A_4, %dma_wait3A_278] : memref<2560x125xi32, #tpu.memory_space<hbm>> -> memref<80x125xi32, #tpu.memory_space<hbm>>
      %dma_wait3A_280 = arith.constant 0 : i32
      %dma_wait3A_281 = tpu.memref_slice %arg4[%mul3A_4, %dma_wait3A_280] : memref<2560x125xi32, #tpu.memory_space<hbm>> -> memref<80x125xi32, #tpu.memory_space<hbm>>
      tpu.wait_dma2 semaphore(%run_scoped3A_273 : memref<!tpu.dma_semaphore, #tpu.memory_space<semaphore_mem>>) src(%dma_wait3A_281 : memref<80x125xi32, #tpu.memory_space<hbm>>) dst(%arg9 : memref<80x125xi32, #tpu.memory_space<vmem>>)
      tpu.yield
    }) : () -> ()
    %barrier3A = arith.constant 0 : index
    tpu.barrier barrier_id(%barrier3A)
    %dma_start3A = arith.constant 0 : i32
    %dma_start3A_5 = arith.constant 0 : i32
    %dma_start3A_6 = arith.constant 0 : i32
    %dma_start3A_7 = arith.constant 0 : i32
    %dma_start3A_8 = tpu.memref_slice %arg10[%dma_start3A_5, %dma_start3A_6, %dma_start3A_7] : memref<10x125x32xf32, #tpu.memory_space<vmem>> -> memref<1x125x32xf32, #tpu.memory_space<vmem>>
    %dma_start3A_9 = tpu.memref_squeeze %dma_start3A_8 : memref<1x125x32xf32, #tpu.memory_space<vmem>> -> memref<125x32xf32, #tpu.memory_space<vmem>>
    %dma_start3A_10 = arith.constant 0 : i32
    %dma_start3A_11 = tpu.memref_slice %arg8[%dma_start3A, %dma_start3A_10] : memref<80x125xi32, #tpu.memory_space<vmem>> -> memref<1x125xi32, #tpu.memory_space<vmem>>
    %dma_start3A_12 = tpu.memref_squeeze %dma_start3A_11 : memref<1x125xi32, #tpu.memory_space<vmem>> -> memref<125xi32, #tpu.memory_space<vmem>>
    %dma_start3A_13 = arith.constant 0 : i32
    %dma_start3A_14 = arith.constant 0 : i32
    %dma_start3A_15 = tpu.memref_slice %arg2[%dma_start3A_13, %dma_start3A_14] : memref<10000x32xf32, #tpu.memory_space<hbm>> -> memref<10000x32xf32, #tpu.memory_space<hbm>>
    tpu.enqueue_indirect_dma source(%dma_start3A_15 : memref<10000x32xf32, #tpu.memory_space<hbm>>) target(%dma_start3A_9 : memref<125x32xf32, #tpu.memory_space<vmem>>) offsets(%dma_start3A_12 : memref<125xi32, #tpu.memory_space<vmem>>) semaphore(%arg11 : memref<!tpu.dma_semaphore, #tpu.memory_space<semaphore_mem>>)
    %dma_start3A_16 = arith.constant 1 : i32
    %dma_start3A_17 = arith.constant 1 : i32
    %dma_start3A_18 = arith.constant 0 : i32
    %dma_start3A_19 = arith.constant 0 : i32
    %dma_start3A_20 = tpu.memref_slice %arg10[%dma_start3A_17, %dma_start3A_18, %dma_start3A_19] : memref<10x125x32xf32, #tpu.memory_space<vmem>> -> memref<1x125x32xf32, #tpu.memory_space<vmem>>
    %dma_start3A_21 = tpu.memref_squeeze %dma_start3A_20 : memref<1x125x32xf32, #tpu.memory_space<vmem>> -> memref<125x32xf32, #tpu.memory_space<vmem>>
    %dma_start3A_22 = arith.constant 0 : i32
    %dma_start3A_23 = tpu.memref_slice %arg8[%dma_start3A_16, %dma_start3A_22] : memref<80x125xi32, #tpu.memory_space<vmem>> -> memref<1x125xi32, #tpu.memory_space<vmem>>
    %dma_start3A_24 = tpu.memref_squeeze %dma_start3A_23 : memref<1x125xi32, #tpu.memory_space<vmem>> -> memref<125xi32, #tpu.memory_space<vmem>>
    %dma_start3A_25 = arith.constant 0 : i32
    %dma_start3A_26 = arith.constant 0 : i32
    %dma_start3A_27 = tpu.memref_slice %arg2[%dma_start3A_25, %dma_start3A_26] : memref<10000x32xf32, #tpu.memory_space<hbm>> -> memref<10000x32xf32, #tpu.memory_space<hbm>>
    tpu.enqueue_indirect_dma source(%dma_start3A_27 : memref<10000x32xf32, #tpu.memory_space<hbm>>) target(%dma_start3A_21 : memref<125x32xf32, #tpu.memory_space<vmem>>) offsets(%dma_start3A_24 : memref<125xi32, #tpu.memory_space<vmem>>) semaphore(%arg12 : memref<!tpu.dma_semaphore, #tpu.memory_space<semaphore_mem>>)
    %dma_start3A_28 = arith.constant 2 : i32
    %dma_start3A_29 = arith.constant 2 : i32
    %dma_start3A_30 = arith.constant 0 : i32
    %dma_start3A_31 = arith.constant 0 : i32
    %dma_start3A_32 = tpu.memref_slice %arg10[%dma_start3A_29, %dma_start3A_30, %dma_start3A_31] : memref<10x125x32xf32, #tpu.memory_space<vmem>> -> memref<1x125x32xf32, #tpu.memory_space<vmem>>
    %dma_start3A_33 = tpu.memref_squeeze %dma_start3A_32 : memref<1x125x32xf32, #tpu.memory_space<vmem>> -> memref<125x32xf32, #tpu.memory_space<vmem>>
    %dma_start3A_34 = arith.constant 0 : i32
    %dma_start3A_35 = tpu.memref_slice %arg8[%dma_start3A_28, %dma_start3A_34] : memref<80x125xi32, #tpu.memory_space<vmem>> -> memref<1x125xi32, #tpu.memory_space<vmem>>
    %dma_start3A_36 = tpu.memref_squeeze %dma_start3A_35 : memref<1x125xi32, #tpu.memory_space<vmem>> -> memref<125xi32, #tpu.memory_space<vmem>>
    %dma_start3A_37 = arith.constant 0 : i32
    %dma_start3A_38 = arith.constant 0 : i32
    %dma_start3A_39 = tpu.memref_slice %arg2[%dma_start3A_37, %dma_start3A_38] : memref<10000x32xf32, #tpu.memory_space<hbm>> -> memref<10000x32xf32, #tpu.memory_space<hbm>>
    tpu.enqueue_indirect_dma source(%dma_start3A_39 : memref<10000x32xf32, #tpu.memory_space<hbm>>) target(%dma_start3A_33 : memref<125x32xf32, #tpu.memory_space<vmem>>) offsets(%dma_start3A_36 : memref<125xi32, #tpu.memory_space<vmem>>) semaphore(%arg13 : memref<!tpu.dma_semaphore, #tpu.memory_space<semaphore_mem>>)
    %dma_start3A_40 = arith.constant 3 : i32
    %dma_start3A_41 = arith.constant 3 : i32
    %dma_start3A_42 = arith.constant 0 : i32
    %dma_start3A_43 = arith.constant 0 : i32
    %dma_start3A_44 = tpu.memref_slice %arg10[%dma_start3A_41, %dma_start3A_42, %dma_start3A_43] : memref<10x125x32xf32, #tpu.memory_space<vmem>> -> memref<1x125x32xf32, #tpu.memory_space<vmem>>
    %dma_start3A_45 = tpu.memref_squeeze %dma_start3A_44 : memref<1x125x32xf32, #tpu.memory_space<vmem>> -> memref<125x32xf32, #tpu.memory_space<vmem>>
    %dma_start3A_46 = arith.constant 0 : i32
    %dma_start3A_47 = tpu.memref_slice %arg8[%dma_start3A_40, %dma_start3A_46] : memref<80x125xi32, #tpu.memory_space<vmem>> -> memref<1x125xi32, #tpu.memory_space<vmem>>
    %dma_start3A_48 = tpu.memref_squeeze %dma_start3A_47 : memref<1x125xi32, #tpu.memory_space<vmem>> -> memref<125xi32, #tpu.memory_space<vmem>>
    %dma_start3A_49 = arith.constant 0 : i32
    %dma_start3A_50 = arith.constant 0 : i32
    %dma_start3A_51 = tpu.memref_slice %arg2[%dma_start3A_49, %dma_start3A_50] : memref<10000x32xf32, #tpu.memory_space<hbm>> -> memref<10000x32xf32, #tpu.memory_space<hbm>>
    tpu.enqueue_indirect_dma source(%dma_start3A_51 : memref<10000x32xf32, #tpu.memory_space<hbm>>) target(%dma_start3A_45 : memref<125x32xf32, #tpu.memory_space<vmem>>) offsets(%dma_start3A_48 : memref<125xi32, #tpu.memory_space<vmem>>) semaphore(%arg14 : memref<!tpu.dma_semaphore, #tpu.memory_space<semaphore_mem>>)
    %dma_start3A_52 = arith.constant 4 : i32
    %dma_start3A_53 = arith.constant 4 : i32
    %dma_start3A_54 = arith.constant 0 : i32
    %dma_start3A_55 = arith.constant 0 : i32
    %dma_start3A_56 = tpu.memref_slice %arg10[%dma_start3A_53, %dma_start3A_54, %dma_start3A_55] : memref<10x125x32xf32, #tpu.memory_space<vmem>> -> memref<1x125x32xf32, #tpu.memory_space<vmem>>
    %dma_start3A_57 = tpu.memref_squeeze %dma_start3A_56 : memref<1x125x32xf32, #tpu.memory_space<vmem>> -> memref<125x32xf32, #tpu.memory_space<vmem>>
    %dma_start3A_58 = arith.constant 0 : i32
    %dma_start3A_59 = tpu.memref_slice %arg8[%dma_start3A_52, %dma_start3A_58] : memref<80x125xi32, #tpu.memory_space<vmem>> -> memref<1x125xi32, #tpu.memory_space<vmem>>
    %dma_start3A_60 = tpu.memref_squeeze %dma_start3A_59 : memref<1x125xi32, #tpu.memory_space<vmem>> -> memref<125xi32, #tpu.memory_space<vmem>>
    %dma_start3A_61 = arith.constant 0 : i32
    %dma_start3A_62 = arith.constant 0 : i32
    %dma_start3A_63 = tpu.memref_slice %arg2[%dma_start3A_61, %dma_start3A_62] : memref<10000x32xf32, #tpu.memory_space<hbm>> -> memref<10000x32xf32, #tpu.memory_space<hbm>>
    tpu.enqueue_indirect_dma source(%dma_start3A_63 : memref<10000x32xf32, #tpu.memory_space<hbm>>) target(%dma_start3A_57 : memref<125x32xf32, #tpu.memory_space<vmem>>) offsets(%dma_start3A_60 : memref<125xi32, #tpu.memory_space<vmem>>) semaphore(%arg15 : memref<!tpu.dma_semaphore, #tpu.memory_space<semaphore_mem>>)
    %dma_start3A_64 = arith.constant 5 : i32
    %dma_start3A_65 = arith.constant 5 : i32
    %dma_start3A_66 = arith.constant 0 : i32
    %dma_start3A_67 = arith.constant 0 : i32
    %dma_start3A_68 = tpu.memref_slice %arg10[%dma_start3A_65, %dma_start3A_66, %dma_start3A_67] : memref<10x125x32xf32, #tpu.memory_space<vmem>> -> memref<1x125x32xf32, #tpu.memory_space<vmem>>
    %dma_start3A_69 = tpu.memref_squeeze %dma_start3A_68 : memref<1x125x32xf32, #tpu.memory_space<vmem>> -> memref<125x32xf32, #tpu.memory_space<vmem>>
    %dma_start3A_70 = arith.constant 0 : i32
    %dma_start3A_71 = tpu.memref_slice %arg8[%dma_start3A_64, %dma_start3A_70] : memref<80x125xi32, #tpu.memory_space<vmem>> -> memref<1x125xi32, #tpu.memory_space<vmem>>
    %dma_start3A_72 = tpu.memref_squeeze %dma_start3A_71 : memref<1x125xi32, #tpu.memory_space<vmem>> -> memref<125xi32, #tpu.memory_space<vmem>>
    %dma_start3A_73 = arith.constant 0 : i32
    %dma_start3A_74 = arith.constant 0 : i32
    %dma_start3A_75 = tpu.memref_slice %arg2[%dma_start3A_73, %dma_start3A_74] : memref<10000x32xf32, #tpu.memory_space<hbm>> -> memref<10000x32xf32, #tpu.memory_space<hbm>>
    tpu.enqueue_indirect_dma source(%dma_start3A_75 : memref<10000x32xf32, #tpu.memory_space<hbm>>) target(%dma_start3A_69 : memref<125x32xf32, #tpu.memory_space<vmem>>) offsets(%dma_start3A_72 : memref<125xi32, #tpu.memory_space<vmem>>) semaphore(%arg16 : memref<!tpu.dma_semaphore, #tpu.memory_space<semaphore_mem>>)
    %dma_start3A_76 = arith.constant 6 : i32
    %dma_start3A_77 = arith.constant 6 : i32
    %dma_start3A_78 = arith.constant 0 : i32
    %dma_start3A_79 = arith.constant 0 : i32
    %dma_start3A_80 = tpu.memref_slice %arg10[%dma_start3A_77, %dma_start3A_78, %dma_start3A_79] : memref<10x125x32xf32, #tpu.memory_space<vmem>> -> memref<1x125x32xf32, #tpu.memory_space<vmem>>
    %dma_start3A_81 = tpu.memref_squeeze %dma_start3A_80 : memref<1x125x32xf32, #tpu.memory_space<vmem>> -> memref<125x32xf32, #tpu.memory_space<vmem>>
    %dma_start3A_82 = arith.constant 0 : i32
    %dma_start3A_83 = tpu.memref_slice %arg8[%dma_start3A_76, %dma_start3A_82] : memref<80x125xi32, #tpu.memory_space<vmem>> -> memref<1x125xi32, #tpu.memory_space<vmem>>
    %dma_start3A_84 = tpu.memref_squeeze %dma_start3A_83 : memref<1x125xi32, #tpu.memory_space<vmem>> -> memref<125xi32, #tpu.memory_space<vmem>>
    %dma_start3A_85 = arith.constant 0 : i32
    %dma_start3A_86 = arith.constant 0 : i32
    %dma_start3A_87 = tpu.memref_slice %arg2[%dma_start3A_85, %dma_start3A_86] : memref<10000x32xf32, #tpu.memory_space<hbm>> -> memref<10000x32xf32, #tpu.memory_space<hbm>>
    tpu.enqueue_indirect_dma source(%dma_start3A_87 : memref<10000x32xf32, #tpu.memory_space<hbm>>) target(%dma_start3A_81 : memref<125x32xf32, #tpu.memory_space<vmem>>) offsets(%dma_start3A_84 : memref<125xi32, #tpu.memory_space<vmem>>) semaphore(%arg17 : memref<!tpu.dma_semaphore, #tpu.memory_space<semaphore_mem>>)
    %dma_start3A_88 = arith.constant 7 : i32
    %dma_start3A_89 = arith.constant 7 : i32
    %dma_start3A_90 = arith.constant 0 : i32
    %dma_start3A_91 = arith.constant 0 : i32
    %dma_start3A_92 = tpu.memref_slice %arg10[%dma_start3A_89, %dma_start3A_90, %dma_start3A_91] : memref<10x125x32xf32, #tpu.memory_space<vmem>> -> memref<1x125x32xf32, #tpu.memory_space<vmem>>
    %dma_start3A_93 = tpu.memref_squeeze %dma_start3A_92 : memref<1x125x32xf32, #tpu.memory_space<vmem>> -> memref<125x32xf32, #tpu.memory_space<vmem>>
    %dma_start3A_94 = arith.constant 0 : i32
    %dma_start3A_95 = tpu.memref_slice %arg8[%dma_start3A_88, %dma_start3A_94] : memref<80x125xi32, #tpu.memory_space<vmem>> -> memref<1x125xi32, #tpu.memory_space<vmem>>
    %dma_start3A_96 = tpu.memref_squeeze %dma_start3A_95 : memref<1x125xi32, #tpu.memory_space<vmem>> -> memref<125xi32, #tpu.memory_space<vmem>>
    %dma_start3A_97 = arith.constant 0 : i32
    %dma_start3A_98 = arith.constant 0 : i32
    %dma_start3A_99 = tpu.memref_slice %arg2[%dma_start3A_97, %dma_start3A_98] : memref<10000x32xf32, #tpu.memory_space<hbm>> -> memref<10000x32xf32, #tpu.memory_space<hbm>>
    tpu.enqueue_indirect_dma source(%dma_start3A_99 : memref<10000x32xf32, #tpu.memory_space<hbm>>) target(%dma_start3A_93 : memref<125x32xf32, #tpu.memory_space<vmem>>) offsets(%dma_start3A_96 : memref<125xi32, #tpu.memory_space<vmem>>) semaphore(%arg18 : memref<!tpu.dma_semaphore, #tpu.memory_space<semaphore_mem>>)
    %dma_start3A_100 = arith.constant 8 : i32
    %dma_start3A_101 = arith.constant 8 : i32
    %dma_start3A_102 = arith.constant 0 : i32
    %dma_start3A_103 = arith.constant 0 : i32
    %dma_start3A_104 = tpu.memref_slice %arg10[%dma_start3A_101, %dma_start3A_102, %dma_start3A_103] : memref<10x125x32xf32, #tpu.memory_space<vmem>> -> memref<1x125x32xf32, #tpu.memory_space<vmem>>
    %dma_start3A_105 = tpu.memref_squeeze %dma_start3A_104 : memref<1x125x32xf32, #tpu.memory_space<vmem>> -> memref<125x32xf32, #tpu.memory_space<vmem>>
    %dma_start3A_106 = arith.constant 0 : i32
    %dma_start3A_107 = tpu.memref_slice %arg8[%dma_start3A_100, %dma_start3A_106] : memref<80x125xi32, #tpu.memory_space<vmem>> -> memref<1x125xi32, #tpu.memory_space<vmem>>
    %dma_start3A_108 = tpu.memref_squeeze %dma_start3A_107 : memref<1x125xi32, #tpu.memory_space<vmem>> -> memref<125xi32, #tpu.memory_space<vmem>>
    %dma_start3A_109 = arith.constant 0 : i32
    %dma_start3A_110 = arith.constant 0 : i32
    %dma_start3A_111 = tpu.memref_slice %arg2[%dma_start3A_109, %dma_start3A_110] : memref<10000x32xf32, #tpu.memory_space<hbm>> -> memref<10000x32xf32, #tpu.memory_space<hbm>>
    tpu.enqueue_indirect_dma source(%dma_start3A_111 : memref<10000x32xf32, #tpu.memory_space<hbm>>) target(%dma_start3A_105 : memref<125x32xf32, #tpu.memory_space<vmem>>) offsets(%dma_start3A_108 : memref<125xi32, #tpu.memory_space<vmem>>) semaphore(%arg19 : memref<!tpu.dma_semaphore, #tpu.memory_space<semaphore_mem>>)
    %dma_start3A_112 = arith.constant 9 : i32
    %dma_start3A_113 = arith.constant 9 : i32
    %dma_start3A_114 = arith.constant 0 : i32
    %dma_start3A_115 = arith.constant 0 : i32
    %dma_start3A_116 = tpu.memref_slice %arg10[%dma_start3A_113, %dma_start3A_114, %dma_start3A_115] : memref<10x125x32xf32, #tpu.memory_space<vmem>> -> memref<1x125x32xf32, #tpu.memory_space<vmem>>
    %dma_start3A_117 = tpu.memref_squeeze %dma_start3A_116 : memref<1x125x32xf32, #tpu.memory_space<vmem>> -> memref<125x32xf32, #tpu.memory_space<vmem>>
    %dma_start3A_118 = arith.constant 0 : i32
    %dma_start3A_119 = tpu.memref_slice %arg8[%dma_start3A_112, %dma_start3A_118] : memref<80x125xi32, #tpu.memory_space<vmem>> -> memref<1x125xi32, #tpu.memory_space<vmem>>
    %dma_start3A_120 = tpu.memref_squeeze %dma_start3A_119 : memref<1x125xi32, #tpu.memory_space<vmem>> -> memref<125xi32, #tpu.memory_space<vmem>>
    %dma_start3A_121 = arith.constant 0 : i32
    %dma_start3A_122 = arith.constant 0 : i32
    %dma_start3A_123 = tpu.memref_slice %arg2[%dma_start3A_121, %dma_start3A_122] : memref<10000x32xf32, #tpu.memory_space<hbm>> -> memref<10000x32xf32, #tpu.memory_space<hbm>>
    tpu.enqueue_indirect_dma source(%dma_start3A_123 : memref<10000x32xf32, #tpu.memory_space<hbm>>) target(%dma_start3A_117 : memref<125x32xf32, #tpu.memory_space<vmem>>) offsets(%dma_start3A_120 : memref<125xi32, #tpu.memory_space<vmem>>) semaphore(%arg20 : memref<!tpu.dma_semaphore, #tpu.memory_space<semaphore_mem>>)
    %scan3A = arith.constant 0 : i32
    %scan3A_124 = arith.constant 0 : i32
    %scan3A_125 = arith.constant 7 : i32
    %scan3A_126 = arith.addi %scan3A_124, %scan3A_125 : i32
    %scan3A_127 = arith.constant 1 : i32
    scf.for %scan3A_273 = %scan3A_124 to %scan3A_126 step %scan3A_127  : i32 {
      %mul3A_274 = arith.constant 10 : i32
      %mul3A_275 = arith.muli %scan3A_273, %mul3A_274 : i32
      %add3A_276 = arith.constant 0 : i32
      %add3A_277 = arith.addi %mul3A_275, %add3A_276 : i32
      %dma_wait3A_278 = arith.constant 0 : i32
      %dma_wait3A_279 = arith.constant 0 : i32
      %dma_wait3A_280 = arith.constant 0 : i32
      %dma_wait3A_281 = tpu.memref_slice %arg10[%dma_wait3A_278, %dma_wait3A_279, %dma_wait3A_280] : memref<10x125x32xf32, #tpu.memory_space<vmem>> -> memref<1x125x32xf32, #tpu.memory_space<vmem>>
      %dma_wait3A_282 = tpu.memref_squeeze %dma_wait3A_281 : memref<1x125x32xf32, #tpu.memory_space<vmem>> -> memref<125x32xf32, #tpu.memory_space<vmem>>
      %dma_wait3A_283 = arith.constant 0 : i32
      %dma_wait3A_284 = tpu.memref_slice %arg8[%add3A_277, %dma_wait3A_283] : memref<80x125xi32, #tpu.memory_space<vmem>> -> memref<1x125xi32, #tpu.memory_space<vmem>>
      %dma_wait3A_285 = tpu.memref_squeeze %dma_wait3A_284 : memref<1x125xi32, #tpu.memory_space<vmem>> -> memref<125xi32, #tpu.memory_space<vmem>>
      %dma_wait3A_286 = arith.constant 0 : i32
      %dma_wait3A_287 = arith.constant 0 : i32
      %dma_wait3A_288 = tpu.memref_slice %arg2[%dma_wait3A_286, %dma_wait3A_287] : memref<10000x32xf32, #tpu.memory_space<hbm>> -> memref<10000x32xf32, #tpu.memory_space<hbm>>
      tpu.wait_indirect_dma semaphore(%arg11 : memref<!tpu.dma_semaphore, #tpu.memory_space<semaphore_mem>>) src(%dma_wait3A_288 : memref<10000x32xf32, #tpu.memory_space<hbm>>) dst(%dma_wait3A_282 : memref<125x32xf32, #tpu.memory_space<vmem>>)
      %run_scoped3A_289 = arith.constant 0 : i32
      "tpu.region"() ({
        %run_scoped3A_564 = tpu.sem_alloc : memref<!tpu.dma_semaphore, #tpu.memory_space<semaphore_mem>>
        %dma_start3A_565 = arith.constant 0 : i32
        %dma_start3A_566 = arith.constant 0 : i32
        %dma_start3A_567 = tpu.memref_slice %arg10[%run_scoped3A_289, %dma_start3A_565, %dma_start3A_566] : memref<10x125x32xf32, #tpu.memory_space<vmem>> -> memref<1x125x32xf32, #tpu.memory_space<vmem>>
        %dma_start3A_568 = tpu.memref_squeeze %dma_start3A_567 : memref<1x125x32xf32, #tpu.memory_space<vmem>> -> memref<125x32xf32, #tpu.memory_space<vmem>>
        %dma_start3A_569 = arith.constant 0 : i32
        %dma_start3A_570 = tpu.memref_slice %arg9[%add3A_277, %dma_start3A_569] : memref<80x125xi32, #tpu.memory_space<vmem>> -> memref<1x125xi32, #tpu.memory_space<vmem>>
        %dma_start3A_571 = tpu.memref_squeeze %dma_start3A_570 : memref<1x125xi32, #tpu.memory_space<vmem>> -> memref<125xi32, #tpu.memory_space<vmem>>
        %dma_start3A_572 = arith.constant 0 : i32
        %dma_start3A_573 = arith.constant 0 : i32
        %dma_start3A_574 = tpu.memref_slice %arg7[%dma_start3A_572, %dma_start3A_573] : memref<10000x32xf32, #tpu.memory_space<vmem_shared>> -> memref<10000x32xf32, #tpu.memory_space<vmem_shared>>
        tpu.enqueue_indirect_dma source(%dma_start3A_568 : memref<125x32xf32, #tpu.memory_space<vmem>>) target(%dma_start3A_574 : memref<10000x32xf32, #tpu.memory_space<vmem_shared>>) offsets(%dma_start3A_571 : memref<125xi32, #tpu.memory_space<vmem>>) semaphore(%run_scoped3A_564 : memref<!tpu.dma_semaphore, #tpu.memory_space<semaphore_mem>>) {add = true}
        %dma_wait3A_575 = arith.constant 0 : i32
        %dma_wait3A_576 = arith.constant 0 : i32
        %dma_wait3A_577 = tpu.memref_slice %arg10[%run_scoped3A_289, %dma_wait3A_575, %dma_wait3A_576] : memref<10x125x32xf32, #tpu.memory_space<vmem>> -> memref<1x125x32xf32, #tpu.memory_space<vmem>>
        %dma_wait3A_578 = tpu.memref_squeeze %dma_wait3A_577 : memref<1x125x32xf32, #tpu.memory_space<vmem>> -> memref<125x32xf32, #tpu.memory_space<vmem>>
        %dma_wait3A_579 = arith.constant 0 : i32
        %dma_wait3A_580 = tpu.memref_slice %arg9[%add3A_277, %dma_wait3A_579] : memref<80x125xi32, #tpu.memory_space<vmem>> -> memref<1x125xi32, #tpu.memory_space<vmem>>
        %dma_wait3A_581 = tpu.memref_squeeze %dma_wait3A_580 : memref<1x125xi32, #tpu.memory_space<vmem>> -> memref<125xi32, #tpu.memory_space<vmem>>
        %dma_wait3A_582 = arith.constant 0 : i32
        %dma_wait3A_583 = arith.constant 0 : i32
        %dma_wait3A_584 = tpu.memref_slice %arg7[%dma_wait3A_582, %dma_wait3A_583] : memref<10000x32xf32, #tpu.memory_space<vmem_shared>> -> memref<10000x32xf32, #tpu.memory_space<vmem_shared>>
        tpu.wait_indirect_dma semaphore(%run_scoped3A_564 : memref<!tpu.dma_semaphore, #tpu.memory_space<semaphore_mem>>) src(%dma_wait3A_578 : memref<125x32xf32, #tpu.memory_space<vmem>>) dst(%dma_wait3A_584 : memref<10000x32xf32, #tpu.memory_space<vmem_shared>>)
        tpu.yield
      }) : () -> ()
      %add3A_290 = arith.constant 10 : i32
      %add3A_291 = arith.addi %add3A_277, %add3A_290 : i32
      %dma_start3A_292 = arith.constant 0 : i32
      %dma_start3A_293 = arith.constant 0 : i32
      %dma_start3A_294 = arith.constant 0 : i32
      %dma_start3A_295 = tpu.memref_slice %arg10[%dma_start3A_292, %dma_start3A_293, %dma_start3A_294] : memref<10x125x32xf32, #tpu.memory_space<vmem>> -> memref<1x125x32xf32, #tpu.memory_space<vmem>>
      %dma_start3A_296 = tpu.memref_squeeze %dma_start3A_295 : memref<1x125x32xf32, #tpu.memory_space<vmem>> -> memref<125x32xf32, #tpu.memory_space<vmem>>
      %dma_start3A_297 = arith.constant 0 : i32
      %dma_start3A_298 = tpu.memref_slice %arg8[%add3A_291, %dma_start3A_297] : memref<80x125xi32, #tpu.memory_space<vmem>> -> memref<1x125xi32, #tpu.memory_space<vmem>>
      %dma_start3A_299 = tpu.memref_squeeze %dma_start3A_298 : memref<1x125xi32, #tpu.memory_space<vmem>> -> memref<125xi32, #tpu.memory_space<vmem>>
      %dma_start3A_300 = arith.constant 0 : i32
      %dma_start3A_301 = arith.constant 0 : i32
      %dma_start3A_302 = tpu.memref_slice %arg2[%dma_start3A_300, %dma_start3A_301] : memref<10000x32xf32, #tpu.memory_space<hbm>> -> memref<10000x32xf32, #tpu.memory_space<hbm>>
      tpu.enqueue_indirect_dma source(%dma_start3A_302 : memref<10000x32xf32, #tpu.memory_space<hbm>>) target(%dma_start3A_296 : memref<125x32xf32, #tpu.memory_space<vmem>>) offsets(%dma_start3A_299 : memref<125xi32, #tpu.memory_space<vmem>>) semaphore(%arg11 : memref<!tpu.dma_semaphore, #tpu.memory_space<semaphore_mem>>)
      %mul3A_303 = arith.constant 10 : i32
      %mul3A_304 = arith.muli %scan3A_273, %mul3A_303 : i32
      %add3A_305 = arith.constant 1 : i32
      %add3A_306 = arith.addi %mul3A_304, %add3A_305 : i32
      %dma_wait3A_307 = arith.constant 1 : i32
      %dma_wait3A_308 = arith.constant 0 : i32
      %dma_wait3A_309 = arith.constant 0 : i32
      %dma_wait3A_310 = tpu.memref_slice %arg10[%dma_wait3A_307, %dma_wait3A_308, %dma_wait3A_309] : memref<10x125x32xf32, #tpu.memory_space<vmem>> -> memref<1x125x32xf32, #tpu.memory_space<vmem>>
      %dma_wait3A_311 = tpu.memref_squeeze %dma_wait3A_310 : memref<1x125x32xf32, #tpu.memory_space<vmem>> -> memref<125x32xf32, #tpu.memory_space<vmem>>
      %dma_wait3A_312 = arith.constant 0 : i32
      %dma_wait3A_313 = tpu.memref_slice %arg8[%add3A_306, %dma_wait3A_312] : memref<80x125xi32, #tpu.memory_space<vmem>> -> memref<1x125xi32, #tpu.memory_space<vmem>>
      %dma_wait3A_314 = tpu.memref_squeeze %dma_wait3A_313 : memref<1x125xi32, #tpu.memory_space<vmem>> -> memref<125xi32, #tpu.memory_space<vmem>>
      %dma_wait3A_315 = arith.constant 0 : i32
      %dma_wait3A_316 = arith.constant 0 : i32
      %dma_wait3A_317 = tpu.memref_slice %arg2[%dma_wait3A_315, %dma_wait3A_316] : memref<10000x32xf32, #tpu.memory_space<hbm>> -> memref<10000x32xf32, #tpu.memory_space<hbm>>
      tpu.wait_indirect_dma semaphore(%arg12 : memref<!tpu.dma_semaphore, #tpu.memory_space<semaphore_mem>>) src(%dma_wait3A_317 : memref<10000x32xf32, #tpu.memory_space<hbm>>) dst(%dma_wait3A_311 : memref<125x32xf32, #tpu.memory_space<vmem>>)
      %run_scoped3A_318 = arith.constant 1 : i32
      "tpu.region"() ({
        %run_scoped3A_564 = tpu.sem_alloc : memref<!tpu.dma_semaphore, #tpu.memory_space<semaphore_mem>>
        %dma_start3A_565 = arith.constant 0 : i32
        %dma_start3A_566 = arith.constant 0 : i32
        %dma_start3A_567 = tpu.memref_slice %arg10[%run_scoped3A_318, %dma_start3A_565, %dma_start3A_566] : memref<10x125x32xf32, #tpu.memory_space<vmem>> -> memref<1x125x32xf32, #tpu.memory_space<vmem>>
        %dma_start3A_568 = tpu.memref_squeeze %dma_start3A_567 : memref<1x125x32xf32, #tpu.memory_space<vmem>> -> memref<125x32xf32, #tpu.memory_space<vmem>>
        %dma_start3A_569 = arith.constant 0 : i32
        %dma_start3A_570 = tpu.memref_slice %arg9[%add3A_306, %dma_start3A_569] : memref<80x125xi32, #tpu.memory_space<vmem>> -> memref<1x125xi32, #tpu.memory_space<vmem>>
        %dma_start3A_571 = tpu.memref_squeeze %dma_start3A_570 : memref<1x125xi32, #tpu.memory_space<vmem>> -> memref<125xi32, #tpu.memory_space<vmem>>
        %dma_start3A_572 = arith.constant 0 : i32
        %dma_start3A_573 = arith.constant 0 : i32
        %dma_start3A_574 = tpu.memref_slice %arg7[%dma_start3A_572, %dma_start3A_573] : memref<10000x32xf32, #tpu.memory_space<vmem_shared>> -> memref<10000x32xf32, #tpu.memory_space<vmem_shared>>
        tpu.enqueue_indirect_dma source(%dma_start3A_568 : memref<125x32xf32, #tpu.memory_space<vmem>>) target(%dma_start3A_574 : memref<10000x32xf32, #tpu.memory_space<vmem_shared>>) offsets(%dma_start3A_571 : memref<125xi32, #tpu.memory_space<vmem>>) semaphore(%run_scoped3A_564 : memref<!tpu.dma_semaphore, #tpu.memory_space<semaphore_mem>>) {add = true}
        %dma_wait3A_575 = arith.constant 0 : i32
        %dma_wait3A_576 = arith.constant 0 : i32
        %dma_wait3A_577 = tpu.memref_slice %arg10[%run_scoped3A_318, %dma_wait3A_575, %dma_wait3A_576] : memref<10x125x32xf32, #tpu.memory_space<vmem>> -> memref<1x125x32xf32, #tpu.memory_space<vmem>>
        %dma_wait3A_578 = tpu.memref_squeeze %dma_wait3A_577 : memref<1x125x32xf32, #tpu.memory_space<vmem>> -> memref<125x32xf32, #tpu.memory_space<vmem>>
        %dma_wait3A_579 = arith.constant 0 : i32
        %dma_wait3A_580 = tpu.memref_slice %arg9[%add3A_306, %dma_wait3A_579] : memref<80x125xi32, #tpu.memory_space<vmem>> -> memref<1x125xi32, #tpu.memory_space<vmem>>
        %dma_wait3A_581 = tpu.memref_squeeze %dma_wait3A_580 : memref<1x125xi32, #tpu.memory_space<vmem>> -> memref<125xi32, #tpu.memory_space<vmem>>
        %dma_wait3A_582 = arith.constant 0 : i32
        %dma_wait3A_583 = arith.constant 0 : i32
        %dma_wait3A_584 = tpu.memref_slice %arg7[%dma_wait3A_582, %dma_wait3A_583] : memref<10000x32xf32, #tpu.memory_space<vmem_shared>> -> memref<10000x32xf32, #tpu.memory_space<vmem_shared>>
        tpu.wait_indirect_dma semaphore(%run_scoped3A_564 : memref<!tpu.dma_semaphore, #tpu.memory_space<semaphore_mem>>) src(%dma_wait3A_578 : memref<125x32xf32, #tpu.memory_space<vmem>>) dst(%dma_wait3A_584 : memref<10000x32xf32, #tpu.memory_space<vmem_shared>>)
        tpu.yield
      }) : () -> ()
      %add3A_319 = arith.constant 10 : i32
      %add3A_320 = arith.addi %add3A_306, %add3A_319 : i32
      %dma_start3A_321 = arith.constant 1 : i32
      %dma_start3A_322 = arith.constant 0 : i32
      %dma_start3A_323 = arith.constant 0 : i32
      %dma_start3A_324 = tpu.memref_slice %arg10[%dma_start3A_321, %dma_start3A_322, %dma_start3A_323] : memref<10x125x32xf32, #tpu.memory_space<vmem>> -> memref<1x125x32xf32, #tpu.memory_space<vmem>>
      %dma_start3A_325 = tpu.memref_squeeze %dma_start3A_324 : memref<1x125x32xf32, #tpu.memory_space<vmem>> -> memref<125x32xf32, #tpu.memory_space<vmem>>
      %dma_start3A_326 = arith.constant 0 : i32
      %dma_start3A_327 = tpu.memref_slice %arg8[%add3A_320, %dma_start3A_326] : memref<80x125xi32, #tpu.memory_space<vmem>> -> memref<1x125xi32, #tpu.memory_space<vmem>>
      %dma_start3A_328 = tpu.memref_squeeze %dma_start3A_327 : memref<1x125xi32, #tpu.memory_space<vmem>> -> memref<125xi32, #tpu.memory_space<vmem>>
      %dma_start3A_329 = arith.constant 0 : i32
      %dma_start3A_330 = arith.constant 0 : i32
      %dma_start3A_331 = tpu.memref_slice %arg2[%dma_start3A_329, %dma_start3A_330] : memref<10000x32xf32, #tpu.memory_space<hbm>> -> memref<10000x32xf32, #tpu.memory_space<hbm>>
      tpu.enqueue_indirect_dma source(%dma_start3A_331 : memref<10000x32xf32, #tpu.memory_space<hbm>>) target(%dma_start3A_325 : memref<125x32xf32, #tpu.memory_space<vmem>>) offsets(%dma_start3A_328 : memref<125xi32, #tpu.memory_space<vmem>>) semaphore(%arg12 : memref<!tpu.dma_semaphore, #tpu.memory_space<semaphore_mem>>)
      %mul3A_332 = arith.constant 10 : i32
      %mul3A_333 = arith.muli %scan3A_273, %mul3A_332 : i32
      %add3A_334 = arith.constant 2 : i32
      %add3A_335 = arith.addi %mul3A_333, %add3A_334 : i32
      %dma_wait3A_336 = arith.constant 2 : i32
      %dma_wait3A_337 = arith.constant 0 : i32
      %dma_wait3A_338 = arith.constant 0 : i32
      %dma_wait3A_339 = tpu.memref_slice %arg10[%dma_wait3A_336, %dma_wait3A_337, %dma_wait3A_338] : memref<10x125x32xf32, #tpu.memory_space<vmem>> -> memref<1x125x32xf32, #tpu.memory_space<vmem>>
      %dma_wait3A_340 = tpu.memref_squeeze %dma_wait3A_339 : memref<1x125x32xf32, #tpu.memory_space<vmem>> -> memref<125x32xf32, #tpu.memory_space<vmem>>
      %dma_wait3A_341 = arith.constant 0 : i32
      %dma_wait3A_342 = tpu.memref_slice %arg8[%add3A_335, %dma_wait3A_341] : memref<80x125xi32, #tpu.memory_space<vmem>> -> memref<1x125xi32, #tpu.memory_space<vmem>>
      %dma_wait3A_343 = tpu.memref_squeeze %dma_wait3A_342 : memref<1x125xi32, #tpu.memory_space<vmem>> -> memref<125xi32, #tpu.memory_space<vmem>>
      %dma_wait3A_344 = arith.constant 0 : i32
      %dma_wait3A_345 = arith.constant 0 : i32
      %dma_wait3A_346 = tpu.memref_slice %arg2[%dma_wait3A_344, %dma_wait3A_345] : memref<10000x32xf32, #tpu.memory_space<hbm>> -> memref<10000x32xf32, #tpu.memory_space<hbm>>
      tpu.wait_indirect_dma semaphore(%arg13 : memref<!tpu.dma_semaphore, #tpu.memory_space<semaphore_mem>>) src(%dma_wait3A_346 : memref<10000x32xf32, #tpu.memory_space<hbm>>) dst(%dma_wait3A_340 : memref<125x32xf32, #tpu.memory_space<vmem>>)
      %run_scoped3A_347 = arith.constant 2 : i32
      "tpu.region"() ({
        %run_scoped3A_564 = tpu.sem_alloc : memref<!tpu.dma_semaphore, #tpu.memory_space<semaphore_mem>>
        %dma_start3A_565 = arith.constant 0 : i32
        %dma_start3A_566 = arith.constant 0 : i32
        %dma_start3A_567 = tpu.memref_slice %arg10[%run_scoped3A_347, %dma_start3A_565, %dma_start3A_566] : memref<10x125x32xf32, #tpu.memory_space<vmem>> -> memref<1x125x32xf32, #tpu.memory_space<vmem>>
        %dma_start3A_568 = tpu.memref_squeeze %dma_start3A_567 : memref<1x125x32xf32, #tpu.memory_space<vmem>> -> memref<125x32xf32, #tpu.memory_space<vmem>>
        %dma_start3A_569 = arith.constant 0 : i32
        %dma_start3A_570 = tpu.memref_slice %arg9[%add3A_335, %dma_start3A_569] : memref<80x125xi32, #tpu.memory_space<vmem>> -> memref<1x125xi32, #tpu.memory_space<vmem>>
        %dma_start3A_571 = tpu.memref_squeeze %dma_start3A_570 : memref<1x125xi32, #tpu.memory_space<vmem>> -> memref<125xi32, #tpu.memory_space<vmem>>
        %dma_start3A_572 = arith.constant 0 : i32
        %dma_start3A_573 = arith.constant 0 : i32
        %dma_start3A_574 = tpu.memref_slice %arg7[%dma_start3A_572, %dma_start3A_573] : memref<10000x32xf32, #tpu.memory_space<vmem_shared>> -> memref<10000x32xf32, #tpu.memory_space<vmem_shared>>
        tpu.enqueue_indirect_dma source(%dma_start3A_568 : memref<125x32xf32, #tpu.memory_space<vmem>>) target(%dma_start3A_574 : memref<10000x32xf32, #tpu.memory_space<vmem_shared>>) offsets(%dma_start3A_571 : memref<125xi32, #tpu.memory_space<vmem>>) semaphore(%run_scoped3A_564 : memref<!tpu.dma_semaphore, #tpu.memory_space<semaphore_mem>>) {add = true}
        %dma_wait3A_575 = arith.constant 0 : i32
        %dma_wait3A_576 = arith.constant 0 : i32
        %dma_wait3A_577 = tpu.memref_slice %arg10[%run_scoped3A_347, %dma_wait3A_575, %dma_wait3A_576] : memref<10x125x32xf32, #tpu.memory_space<vmem>> -> memref<1x125x32xf32, #tpu.memory_space<vmem>>
        %dma_wait3A_578 = tpu.memref_squeeze %dma_wait3A_577 : memref<1x125x32xf32, #tpu.memory_space<vmem>> -> memref<125x32xf32, #tpu.memory_space<vmem>>
        %dma_wait3A_579 = arith.constant 0 : i32
        %dma_wait3A_580 = tpu.memref_slice %arg9[%add3A_335, %dma_wait3A_579] : memref<80x125xi32, #tpu.memory_space<vmem>> -> memref<1x125xi32, #tpu.memory_space<vmem>>
        %dma_wait3A_581 = tpu.memref_squeeze %dma_wait3A_580 : memref<1x125xi32, #tpu.memory_space<vmem>> -> memref<125xi32, #tpu.memory_space<vmem>>
        %dma_wait3A_582 = arith.constant 0 : i32
        %dma_wait3A_583 = arith.constant 0 : i32
        %dma_wait3A_584 = tpu.memref_slice %arg7[%dma_wait3A_582, %dma_wait3A_583] : memref<10000x32xf32, #tpu.memory_space<vmem_shared>> -> memref<10000x32xf32, #tpu.memory_space<vmem_shared>>
        tpu.wait_indirect_dma semaphore(%run_scoped3A_564 : memref<!tpu.dma_semaphore, #tpu.memory_space<semaphore_mem>>) src(%dma_wait3A_578 : memref<125x32xf32, #tpu.memory_space<vmem>>) dst(%dma_wait3A_584 : memref<10000x32xf32, #tpu.memory_space<vmem_shared>>)
        tpu.yield
      }) : () -> ()
      %add3A_348 = arith.constant 10 : i32
      %add3A_349 = arith.addi %add3A_335, %add3A_348 : i32
      %dma_start3A_350 = arith.constant 2 : i32
      %dma_start3A_351 = arith.constant 0 : i32
      %dma_start3A_352 = arith.constant 0 : i32
      %dma_start3A_353 = tpu.memref_slice %arg10[%dma_start3A_350, %dma_start3A_351, %dma_start3A_352] : memref<10x125x32xf32, #tpu.memory_space<vmem>> -> memref<1x125x32xf32, #tpu.memory_space<vmem>>
      %dma_start3A_354 = tpu.memref_squeeze %dma_start3A_353 : memref<1x125x32xf32, #tpu.memory_space<vmem>> -> memref<125x32xf32, #tpu.memory_space<vmem>>
      %dma_start3A_355 = arith.constant 0 : i32
      %dma_start3A_356 = tpu.memref_slice %arg8[%add3A_349, %dma_start3A_355] : memref<80x125xi32, #tpu.memory_space<vmem>> -> memref<1x125xi32, #tpu.memory_space<vmem>>
      %dma_start3A_357 = tpu.memref_squeeze %dma_start3A_356 : memref<1x125xi32, #tpu.memory_space<vmem>> -> memref<125xi32, #tpu.memory_space<vmem>>
      %dma_start3A_358 = arith.constant 0 : i32
      %dma_start3A_359 = arith.constant 0 : i32
      %dma_start3A_360 = tpu.memref_slice %arg2[%dma_start3A_358, %dma_start3A_359] : memref<10000x32xf32, #tpu.memory_space<hbm>> -> memref<10000x32xf32, #tpu.memory_space<hbm>>
      tpu.enqueue_indirect_dma source(%dma_start3A_360 : memref<10000x32xf32, #tpu.memory_space<hbm>>) target(%dma_start3A_354 : memref<125x32xf32, #tpu.memory_space<vmem>>) offsets(%dma_start3A_357 : memref<125xi32, #tpu.memory_space<vmem>>) semaphore(%arg13 : memref<!tpu.dma_semaphore, #tpu.memory_space<semaphore_mem>>)
      %mul3A_361 = arith.constant 10 : i32
      %mul3A_362 = arith.muli %scan3A_273, %mul3A_361 : i32
      %add3A_363 = arith.constant 3 : i32
      %add3A_364 = arith.addi %mul3A_362, %add3A_363 : i32
      %dma_wait3A_365 = arith.constant 3 : i32
      %dma_wait3A_366 = arith.constant 0 : i32
      %dma_wait3A_367 = arith.constant 0 : i32
      %dma_wait3A_368 = tpu.memref_slice %arg10[%dma_wait3A_365, %dma_wait3A_366, %dma_wait3A_367] : memref<10x125x32xf32, #tpu.memory_space<vmem>> -> memref<1x125x32xf32, #tpu.memory_space<vmem>>
      %dma_wait3A_369 = tpu.memref_squeeze %dma_wait3A_368 : memref<1x125x32xf32, #tpu.memory_space<vmem>> -> memref<125x32xf32, #tpu.memory_space<vmem>>
      %dma_wait3A_370 = arith.constant 0 : i32
      %dma_wait3A_371 = tpu.memref_slice %arg8[%add3A_364, %dma_wait3A_370] : memref<80x125xi32, #tpu.memory_space<vmem>> -> memref<1x125xi32, #tpu.memory_space<vmem>>
      %dma_wait3A_372 = tpu.memref_squeeze %dma_wait3A_371 : memref<1x125xi32, #tpu.memory_space<vmem>> -> memref<125xi32, #tpu.memory_space<vmem>>
      %dma_wait3A_373 = arith.constant 0 : i32
      %dma_wait3A_374 = arith.constant 0 : i32
      %dma_wait3A_375 = tpu.memref_slice %arg2[%dma_wait3A_373, %dma_wait3A_374] : memref<10000x32xf32, #tpu.memory_space<hbm>> -> memref<10000x32xf32, #tpu.memory_space<hbm>>
      tpu.wait_indirect_dma semaphore(%arg14 : memref<!tpu.dma_semaphore, #tpu.memory_space<semaphore_mem>>) src(%dma_wait3A_375 : memref<10000x32xf32, #tpu.memory_space<hbm>>) dst(%dma_wait3A_369 : memref<125x32xf32, #tpu.memory_space<vmem>>)
      %run_scoped3A_376 = arith.constant 3 : i32
      "tpu.region"() ({
        %run_scoped3A_564 = tpu.sem_alloc : memref<!tpu.dma_semaphore, #tpu.memory_space<semaphore_mem>>
        %dma_start3A_565 = arith.constant 0 : i32
        %dma_start3A_566 = arith.constant 0 : i32
        %dma_start3A_567 = tpu.memref_slice %arg10[%run_scoped3A_376, %dma_start3A_565, %dma_start3A_566] : memref<10x125x32xf32, #tpu.memory_space<vmem>> -> memref<1x125x32xf32, #tpu.memory_space<vmem>>
        %dma_start3A_568 = tpu.memref_squeeze %dma_start3A_567 : memref<1x125x32xf32, #tpu.memory_space<vmem>> -> memref<125x32xf32, #tpu.memory_space<vmem>>
        %dma_start3A_569 = arith.constant 0 : i32
        %dma_start3A_570 = tpu.memref_slice %arg9[%add3A_364, %dma_start3A_569] : memref<80x125xi32, #tpu.memory_space<vmem>> -> memref<1x125xi32, #tpu.memory_space<vmem>>
        %dma_start3A_571 = tpu.memref_squeeze %dma_start3A_570 : memref<1x125xi32, #tpu.memory_space<vmem>> -> memref<125xi32, #tpu.memory_space<vmem>>
        %dma_start3A_572 = arith.constant 0 : i32
        %dma_start3A_573 = arith.constant 0 : i32
        %dma_start3A_574 = tpu.memref_slice %arg7[%dma_start3A_572, %dma_start3A_573] : memref<10000x32xf32, #tpu.memory_space<vmem_shared>> -> memref<10000x32xf32, #tpu.memory_space<vmem_shared>>
        tpu.enqueue_indirect_dma source(%dma_start3A_568 : memref<125x32xf32, #tpu.memory_space<vmem>>) target(%dma_start3A_574 : memref<10000x32xf32, #tpu.memory_space<vmem_shared>>) offsets(%dma_start3A_571 : memref<125xi32, #tpu.memory_space<vmem>>) semaphore(%run_scoped3A_564 : memref<!tpu.dma_semaphore, #tpu.memory_space<semaphore_mem>>) {add = true}
        %dma_wait3A_575 = arith.constant 0 : i32
        %dma_wait3A_576 = arith.constant 0 : i32
        %dma_wait3A_577 = tpu.memref_slice %arg10[%run_scoped3A_376, %dma_wait3A_575, %dma_wait3A_576] : memref<10x125x32xf32, #tpu.memory_space<vmem>> -> memref<1x125x32xf32, #tpu.memory_space<vmem>>
        %dma_wait3A_578 = tpu.memref_squeeze %dma_wait3A_577 : memref<1x125x32xf32, #tpu.memory_space<vmem>> -> memref<125x32xf32, #tpu.memory_space<vmem>>
        %dma_wait3A_579 = arith.constant 0 : i32
        %dma_wait3A_580 = tpu.memref_slice %arg9[%add3A_364, %dma_wait3A_579] : memref<80x125xi32, #tpu.memory_space<vmem>> -> memref<1x125xi32, #tpu.memory_space<vmem>>
        %dma_wait3A_581 = tpu.memref_squeeze %dma_wait3A_580 : memref<1x125xi32, #tpu.memory_space<vmem>> -> memref<125xi32, #tpu.memory_space<vmem>>
        %dma_wait3A_582 = arith.constant 0 : i32
        %dma_wait3A_583 = arith.constant 0 : i32
        %dma_wait3A_584 = tpu.memref_slice %arg7[%dma_wait3A_582, %dma_wait3A_583] : memref<10000x32xf32, #tpu.memory_space<vmem_shared>> -> memref<10000x32xf32, #tpu.memory_space<vmem_shared>>
        tpu.wait_indirect_dma semaphore(%run_scoped3A_564 : memref<!tpu.dma_semaphore, #tpu.memory_space<semaphore_mem>>) src(%dma_wait3A_578 : memref<125x32xf32, #tpu.memory_space<vmem>>) dst(%dma_wait3A_584 : memref<10000x32xf32, #tpu.memory_space<vmem_shared>>)
        tpu.yield
      }) : () -> ()
      %add3A_377 = arith.constant 10 : i32
      %add3A_378 = arith.addi %add3A_364, %add3A_377 : i32
      %dma_start3A_379 = arith.constant 3 : i32
      %dma_start3A_380 = arith.constant 0 : i32
      %dma_start3A_381 = arith.constant 0 : i32
      %dma_start3A_382 = tpu.memref_slice %arg10[%dma_start3A_379, %dma_start3A_380, %dma_start3A_381] : memref<10x125x32xf32, #tpu.memory_space<vmem>> -> memref<1x125x32xf32, #tpu.memory_space<vmem>>
      %dma_start3A_383 = tpu.memref_squeeze %dma_start3A_382 : memref<1x125x32xf32, #tpu.memory_space<vmem>> -> memref<125x32xf32, #tpu.memory_space<vmem>>
      %dma_start3A_384 = arith.constant 0 : i32
      %dma_start3A_385 = tpu.memref_slice %arg8[%add3A_378, %dma_start3A_384] : memref<80x125xi32, #tpu.memory_space<vmem>> -> memref<1x125xi32, #tpu.memory_space<vmem>>
      %dma_start3A_386 = tpu.memref_squeeze %dma_start3A_385 : memref<1x125xi32, #tpu.memory_space<vmem>> -> memref<125xi32, #tpu.memory_space<vmem>>
      %dma_start3A_387 = arith.constant 0 : i32
      %dma_start3A_388 = arith.constant 0 : i32
      %dma_start3A_389 = tpu.memref_slice %arg2[%dma_start3A_387, %dma_start3A_388] : memref<10000x32xf32, #tpu.memory_space<hbm>> -> memref<10000x32xf32, #tpu.memory_space<hbm>>
      tpu.enqueue_indirect_dma source(%dma_start3A_389 : memref<10000x32xf32, #tpu.memory_space<hbm>>) target(%dma_start3A_383 : memref<125x32xf32, #tpu.memory_space<vmem>>) offsets(%dma_start3A_386 : memref<125xi32, #tpu.memory_space<vmem>>) semaphore(%arg14 : memref<!tpu.dma_semaphore, #tpu.memory_space<semaphore_mem>>)
      %mul3A_390 = arith.constant 10 : i32
      %mul3A_391 = arith.muli %scan3A_273, %mul3A_390 : i32
      %add3A_392 = arith.constant 4 : i32
      %add3A_393 = arith.addi %mul3A_391, %add3A_392 : i32
      %dma_wait3A_394 = arith.constant 4 : i32
      %dma_wait3A_395 = arith.constant 0 : i32
      %dma_wait3A_396 = arith.constant 0 : i32
      %dma_wait3A_397 = tpu.memref_slice %arg10[%dma_wait3A_394, %dma_wait3A_395, %dma_wait3A_396] : memref<10x125x32xf32, #tpu.memory_space<vmem>> -> memref<1x125x32xf32, #tpu.memory_space<vmem>>
      %dma_wait3A_398 = tpu.memref_squeeze %dma_wait3A_397 : memref<1x125x32xf32, #tpu.memory_space<vmem>> -> memref<125x32xf32, #tpu.memory_space<vmem>>
      %dma_wait3A_399 = arith.constant 0 : i32
      %dma_wait3A_400 = tpu.memref_slice %arg8[%add3A_393, %dma_wait3A_399] : memref<80x125xi32, #tpu.memory_space<vmem>> -> memref<1x125xi32, #tpu.memory_space<vmem>>
      %dma_wait3A_401 = tpu.memref_squeeze %dma_wait3A_400 : memref<1x125xi32, #tpu.memory_space<vmem>> -> memref<125xi32, #tpu.memory_space<vmem>>
      %dma_wait3A_402 = arith.constant 0 : i32
      %dma_wait3A_403 = arith.constant 0 : i32
      %dma_wait3A_404 = tpu.memref_slice %arg2[%dma_wait3A_402, %dma_wait3A_403] : memref<10000x32xf32, #tpu.memory_space<hbm>> -> memref<10000x32xf32, #tpu.memory_space<hbm>>
      tpu.wait_indirect_dma semaphore(%arg15 : memref<!tpu.dma_semaphore, #tpu.memory_space<semaphore_mem>>) src(%dma_wait3A_404 : memref<10000x32xf32, #tpu.memory_space<hbm>>) dst(%dma_wait3A_398 : memref<125x32xf32, #tpu.memory_space<vmem>>)
      %run_scoped3A_405 = arith.constant 4 : i32
      "tpu.region"() ({
        %run_scoped3A_564 = tpu.sem_alloc : memref<!tpu.dma_semaphore, #tpu.memory_space<semaphore_mem>>
        %dma_start3A_565 = arith.constant 0 : i32
        %dma_start3A_566 = arith.constant 0 : i32
        %dma_start3A_567 = tpu.memref_slice %arg10[%run_scoped3A_405, %dma_start3A_565, %dma_start3A_566] : memref<10x125x32xf32, #tpu.memory_space<vmem>> -> memref<1x125x32xf32, #tpu.memory_space<vmem>>
        %dma_start3A_568 = tpu.memref_squeeze %dma_start3A_567 : memref<1x125x32xf32, #tpu.memory_space<vmem>> -> memref<125x32xf32, #tpu.memory_space<vmem>>
        %dma_start3A_569 = arith.constant 0 : i32
        %dma_start3A_570 = tpu.memref_slice %arg9[%add3A_393, %dma_start3A_569] : memref<80x125xi32, #tpu.memory_space<vmem>> -> memref<1x125xi32, #tpu.memory_space<vmem>>
        %dma_start3A_571 = tpu.memref_squeeze %dma_start3A_570 : memref<1x125xi32, #tpu.memory_space<vmem>> -> memref<125xi32, #tpu.memory_space<vmem>>
        %dma_start3A_572 = arith.constant 0 : i32
        %dma_start3A_573 = arith.constant 0 : i32
        %dma_start3A_574 = tpu.memref_slice %arg7[%dma_start3A_572, %dma_start3A_573] : memref<10000x32xf32, #tpu.memory_space<vmem_shared>> -> memref<10000x32xf32, #tpu.memory_space<vmem_shared>>
        tpu.enqueue_indirect_dma source(%dma_start3A_568 : memref<125x32xf32, #tpu.memory_space<vmem>>) target(%dma_start3A_574 : memref<10000x32xf32, #tpu.memory_space<vmem_shared>>) offsets(%dma_start3A_571 : memref<125xi32, #tpu.memory_space<vmem>>) semaphore(%run_scoped3A_564 : memref<!tpu.dma_semaphore, #tpu.memory_space<semaphore_mem>>) {add = true}
        %dma_wait3A_575 = arith.constant 0 : i32
        %dma_wait3A_576 = arith.constant 0 : i32
        %dma_wait3A_577 = tpu.memref_slice %arg10[%run_scoped3A_405, %dma_wait3A_575, %dma_wait3A_576] : memref<10x125x32xf32, #tpu.memory_space<vmem>> -> memref<1x125x32xf32, #tpu.memory_space<vmem>>
        %dma_wait3A_578 = tpu.memref_squeeze %dma_wait3A_577 : memref<1x125x32xf32, #tpu.memory_space<vmem>> -> memref<125x32xf32, #tpu.memory_space<vmem>>
        %dma_wait3A_579 = arith.constant 0 : i32
        %dma_wait3A_580 = tpu.memref_slice %arg9[%add3A_393, %dma_wait3A_579] : memref<80x125xi32, #tpu.memory_space<vmem>> -> memref<1x125xi32, #tpu.memory_space<vmem>>
        %dma_wait3A_581 = tpu.memref_squeeze %dma_wait3A_580 : memref<1x125xi32, #tpu.memory_space<vmem>> -> memref<125xi32, #tpu.memory_space<vmem>>
        %dma_wait3A_582 = arith.constant 0 : i32
        %dma_wait3A_583 = arith.constant 0 : i32
        %dma_wait3A_584 = tpu.memref_slice %arg7[%dma_wait3A_582, %dma_wait3A_583] : memref<10000x32xf32, #tpu.memory_space<vmem_shared>> -> memref<10000x32xf32, #tpu.memory_space<vmem_shared>>
        tpu.wait_indirect_dma semaphore(%run_scoped3A_564 : memref<!tpu.dma_semaphore, #tpu.memory_space<semaphore_mem>>) src(%dma_wait3A_578 : memref<125x32xf32, #tpu.memory_space<vmem>>) dst(%dma_wait3A_584 : memref<10000x32xf32, #tpu.memory_space<vmem_shared>>)
        tpu.yield
      }) : () -> ()
      %add3A_406 = arith.constant 10 : i32
      %add3A_407 = arith.addi %add3A_393, %add3A_406 : i32
      %dma_start3A_408 = arith.constant 4 : i32
      %dma_start3A_409 = arith.constant 0 : i32
      %dma_start3A_410 = arith.constant 0 : i32
      %dma_start3A_411 = tpu.memref_slice %arg10[%dma_start3A_408, %dma_start3A_409, %dma_start3A_410] : memref<10x125x32xf32, #tpu.memory_space<vmem>> -> memref<1x125x32xf32, #tpu.memory_space<vmem>>
      %dma_start3A_412 = tpu.memref_squeeze %dma_start3A_411 : memref<1x125x32xf32, #tpu.memory_space<vmem>> -> memref<125x32xf32, #tpu.memory_space<vmem>>
      %dma_start3A_413 = arith.constant 0 : i32
      %dma_start3A_414 = tpu.memref_slice %arg8[%add3A_407, %dma_start3A_413] : memref<80x125xi32, #tpu.memory_space<vmem>> -> memref<1x125xi32, #tpu.memory_space<vmem>>
      %dma_start3A_415 = tpu.memref_squeeze %dma_start3A_414 : memref<1x125xi32, #tpu.memory_space<vmem>> -> memref<125xi32, #tpu.memory_space<vmem>>
      %dma_start3A_416 = arith.constant 0 : i32
      %dma_start3A_417 = arith.constant 0 : i32
      %dma_start3A_418 = tpu.memref_slice %arg2[%dma_start3A_416, %dma_start3A_417] : memref<10000x32xf32, #tpu.memory_space<hbm>> -> memref<10000x32xf32, #tpu.memory_space<hbm>>
      tpu.enqueue_indirect_dma source(%dma_start3A_418 : memref<10000x32xf32, #tpu.memory_space<hbm>>) target(%dma_start3A_412 : memref<125x32xf32, #tpu.memory_space<vmem>>) offsets(%dma_start3A_415 : memref<125xi32, #tpu.memory_space<vmem>>) semaphore(%arg15 : memref<!tpu.dma_semaphore, #tpu.memory_space<semaphore_mem>>)
      %mul3A_419 = arith.constant 10 : i32
      %mul3A_420 = arith.muli %scan3A_273, %mul3A_419 : i32
      %add3A_421 = arith.constant 5 : i32
      %add3A_422 = arith.addi %mul3A_420, %add3A_421 : i32
      %dma_wait3A_423 = arith.constant 5 : i32
      %dma_wait3A_424 = arith.constant 0 : i32
      %dma_wait3A_425 = arith.constant 0 : i32
      %dma_wait3A_426 = tpu.memref_slice %arg10[%dma_wait3A_423, %dma_wait3A_424, %dma_wait3A_425] : memref<10x125x32xf32, #tpu.memory_space<vmem>> -> memref<1x125x32xf32, #tpu.memory_space<vmem>>
      %dma_wait3A_427 = tpu.memref_squeeze %dma_wait3A_426 : memref<1x125x32xf32, #tpu.memory_space<vmem>> -> memref<125x32xf32, #tpu.memory_space<vmem>>
      %dma_wait3A_428 = arith.constant 0 : i32
      %dma_wait3A_429 = tpu.memref_slice %arg8[%add3A_422, %dma_wait3A_428] : memref<80x125xi32, #tpu.memory_space<vmem>> -> memref<1x125xi32, #tpu.memory_space<vmem>>
      %dma_wait3A_430 = tpu.memref_squeeze %dma_wait3A_429 : memref<1x125xi32, #tpu.memory_space<vmem>> -> memref<125xi32, #tpu.memory_space<vmem>>
      %dma_wait3A_431 = arith.constant 0 : i32
      %dma_wait3A_432 = arith.constant 0 : i32
      %dma_wait3A_433 = tpu.memref_slice %arg2[%dma_wait3A_431, %dma_wait3A_432] : memref<10000x32xf32, #tpu.memory_space<hbm>> -> memref<10000x32xf32, #tpu.memory_space<hbm>>
      tpu.wait_indirect_dma semaphore(%arg16 : memref<!tpu.dma_semaphore, #tpu.memory_space<semaphore_mem>>) src(%dma_wait3A_433 : memref<10000x32xf32, #tpu.memory_space<hbm>>) dst(%dma_wait3A_427 : memref<125x32xf32, #tpu.memory_space<vmem>>)
      %run_scoped3A_434 = arith.constant 5 : i32
      "tpu.region"() ({
        %run_scoped3A_564 = tpu.sem_alloc : memref<!tpu.dma_semaphore, #tpu.memory_space<semaphore_mem>>
        %dma_start3A_565 = arith.constant 0 : i32
        %dma_start3A_566 = arith.constant 0 : i32
        %dma_start3A_567 = tpu.memref_slice %arg10[%run_scoped3A_434, %dma_start3A_565, %dma_start3A_566] : memref<10x125x32xf32, #tpu.memory_space<vmem>> -> memref<1x125x32xf32, #tpu.memory_space<vmem>>
        %dma_start3A_568 = tpu.memref_squeeze %dma_start3A_567 : memref<1x125x32xf32, #tpu.memory_space<vmem>> -> memref<125x32xf32, #tpu.memory_space<vmem>>
        %dma_start3A_569 = arith.constant 0 : i32
        %dma_start3A_570 = tpu.memref_slice %arg9[%add3A_422, %dma_start3A_569] : memref<80x125xi32, #tpu.memory_space<vmem>> -> memref<1x125xi32, #tpu.memory_space<vmem>>
        %dma_start3A_571 = tpu.memref_squeeze %dma_start3A_570 : memref<1x125xi32, #tpu.memory_space<vmem>> -> memref<125xi32, #tpu.memory_space<vmem>>
        %dma_start3A_572 = arith.constant 0 : i32
        %dma_start3A_573 = arith.constant 0 : i32
        %dma_start3A_574 = tpu.memref_slice %arg7[%dma_start3A_572, %dma_start3A_573] : memref<10000x32xf32, #tpu.memory_space<vmem_shared>> -> memref<10000x32xf32, #tpu.memory_space<vmem_shared>>
        tpu.enqueue_indirect_dma source(%dma_start3A_568 : memref<125x32xf32, #tpu.memory_space<vmem>>) target(%dma_start3A_574 : memref<10000x32xf32, #tpu.memory_space<vmem_shared>>) offsets(%dma_start3A_571 : memref<125xi32, #tpu.memory_space<vmem>>) semaphore(%run_scoped3A_564 : memref<!tpu.dma_semaphore, #tpu.memory_space<semaphore_mem>>) {add = true}
        %dma_wait3A_575 = arith.constant 0 : i32
        %dma_wait3A_576 = arith.constant 0 : i32
        %dma_wait3A_577 = tpu.memref_slice %arg10[%run_scoped3A_434, %dma_wait3A_575, %dma_wait3A_576] : memref<10x125x32xf32, #tpu.memory_space<vmem>> -> memref<1x125x32xf32, #tpu.memory_space<vmem>>
        %dma_wait3A_578 = tpu.memref_squeeze %dma_wait3A_577 : memref<1x125x32xf32, #tpu.memory_space<vmem>> -> memref<125x32xf32, #tpu.memory_space<vmem>>
        %dma_wait3A_579 = arith.constant 0 : i32
        %dma_wait3A_580 = tpu.memref_slice %arg9[%add3A_422, %dma_wait3A_579] : memref<80x125xi32, #tpu.memory_space<vmem>> -> memref<1x125xi32, #tpu.memory_space<vmem>>
        %dma_wait3A_581 = tpu.memref_squeeze %dma_wait3A_580 : memref<1x125xi32, #tpu.memory_space<vmem>> -> memref<125xi32, #tpu.memory_space<vmem>>
        %dma_wait3A_582 = arith.constant 0 : i32
        %dma_wait3A_583 = arith.constant 0 : i32
        %dma_wait3A_584 = tpu.memref_slice %arg7[%dma_wait3A_582, %dma_wait3A_583] : memref<10000x32xf32, #tpu.memory_space<vmem_shared>> -> memref<10000x32xf32, #tpu.memory_space<vmem_shared>>
        tpu.wait_indirect_dma semaphore(%run_scoped3A_564 : memref<!tpu.dma_semaphore, #tpu.memory_space<semaphore_mem>>) src(%dma_wait3A_578 : memref<125x32xf32, #tpu.memory_space<vmem>>) dst(%dma_wait3A_584 : memref<10000x32xf32, #tpu.memory_space<vmem_shared>>)
        tpu.yield
      }) : () -> ()
      %add3A_435 = arith.constant 10 : i32
      %add3A_436 = arith.addi %add3A_422, %add3A_435 : i32
      %dma_start3A_437 = arith.constant 5 : i32
      %dma_start3A_438 = arith.constant 0 : i32
      %dma_start3A_439 = arith.constant 0 : i32
      %dma_start3A_440 = tpu.memref_slice %arg10[%dma_start3A_437, %dma_start3A_438, %dma_start3A_439] : memref<10x125x32xf32, #tpu.memory_space<vmem>> -> memref<1x125x32xf32, #tpu.memory_space<vmem>>
      %dma_start3A_441 = tpu.memref_squeeze %dma_start3A_440 : memref<1x125x32xf32, #tpu.memory_space<vmem>> -> memref<125x32xf32, #tpu.memory_space<vmem>>
      %dma_start3A_442 = arith.constant 0 : i32
      %dma_start3A_443 = tpu.memref_slice %arg8[%add3A_436, %dma_start3A_442] : memref<80x125xi32, #tpu.memory_space<vmem>> -> memref<1x125xi32, #tpu.memory_space<vmem>>
      %dma_start3A_444 = tpu.memref_squeeze %dma_start3A_443 : memref<1x125xi32, #tpu.memory_space<vmem>> -> memref<125xi32, #tpu.memory_space<vmem>>
      %dma_start3A_445 = arith.constant 0 : i32
      %dma_start3A_446 = arith.constant 0 : i32
      %dma_start3A_447 = tpu.memref_slice %arg2[%dma_start3A_445, %dma_start3A_446] : memref<10000x32xf32, #tpu.memory_space<hbm>> -> memref<10000x32xf32, #tpu.memory_space<hbm>>
      tpu.enqueue_indirect_dma source(%dma_start3A_447 : memref<10000x32xf32, #tpu.memory_space<hbm>>) target(%dma_start3A_441 : memref<125x32xf32, #tpu.memory_space<vmem>>) offsets(%dma_start3A_444 : memref<125xi32, #tpu.memory_space<vmem>>) semaphore(%arg16 : memref<!tpu.dma_semaphore, #tpu.memory_space<semaphore_mem>>)
      %mul3A_448 = arith.constant 10 : i32
      %mul3A_449 = arith.muli %scan3A_273, %mul3A_448 : i32
      %add3A_450 = arith.constant 6 : i32
      %add3A_451 = arith.addi %mul3A_449, %add3A_450 : i32
      %dma_wait3A_452 = arith.constant 6 : i32
      %dma_wait3A_453 = arith.constant 0 : i32
      %dma_wait3A_454 = arith.constant 0 : i32
      %dma_wait3A_455 = tpu.memref_slice %arg10[%dma_wait3A_452, %dma_wait3A_453, %dma_wait3A_454] : memref<10x125x32xf32, #tpu.memory_space<vmem>> -> memref<1x125x32xf32, #tpu.memory_space<vmem>>
      %dma_wait3A_456 = tpu.memref_squeeze %dma_wait3A_455 : memref<1x125x32xf32, #tpu.memory_space<vmem>> -> memref<125x32xf32, #tpu.memory_space<vmem>>
      %dma_wait3A_457 = arith.constant 0 : i32
      %dma_wait3A_458 = tpu.memref_slice %arg8[%add3A_451, %dma_wait3A_457] : memref<80x125xi32, #tpu.memory_space<vmem>> -> memref<1x125xi32, #tpu.memory_space<vmem>>
      %dma_wait3A_459 = tpu.memref_squeeze %dma_wait3A_458 : memref<1x125xi32, #tpu.memory_space<vmem>> -> memref<125xi32, #tpu.memory_space<vmem>>
      %dma_wait3A_460 = arith.constant 0 : i32
      %dma_wait3A_461 = arith.constant 0 : i32
      %dma_wait3A_462 = tpu.memref_slice %arg2[%dma_wait3A_460, %dma_wait3A_461] : memref<10000x32xf32, #tpu.memory_space<hbm>> -> memref<10000x32xf32, #tpu.memory_space<hbm>>
      tpu.wait_indirect_dma semaphore(%arg17 : memref<!tpu.dma_semaphore, #tpu.memory_space<semaphore_mem>>) src(%dma_wait3A_462 : memref<10000x32xf32, #tpu.memory_space<hbm>>) dst(%dma_wait3A_456 : memref<125x32xf32, #tpu.memory_space<vmem>>)
      %run_scoped3A_463 = arith.constant 6 : i32
      "tpu.region"() ({
        %run_scoped3A_564 = tpu.sem_alloc : memref<!tpu.dma_semaphore, #tpu.memory_space<semaphore_mem>>
        %dma_start3A_565 = arith.constant 0 : i32
        %dma_start3A_566 = arith.constant 0 : i32
        %dma_start3A_567 = tpu.memref_slice %arg10[%run_scoped3A_463, %dma_start3A_565, %dma_start3A_566] : memref<10x125x32xf32, #tpu.memory_space<vmem>> -> memref<1x125x32xf32, #tpu.memory_space<vmem>>
        %dma_start3A_568 = tpu.memref_squeeze %dma_start3A_567 : memref<1x125x32xf32, #tpu.memory_space<vmem>> -> memref<125x32xf32, #tpu.memory_space<vmem>>
        %dma_start3A_569 = arith.constant 0 : i32
        %dma_start3A_570 = tpu.memref_slice %arg9[%add3A_451, %dma_start3A_569] : memref<80x125xi32, #tpu.memory_space<vmem>> -> memref<1x125xi32, #tpu.memory_space<vmem>>
        %dma_start3A_571 = tpu.memref_squeeze %dma_start3A_570 : memref<1x125xi32, #tpu.memory_space<vmem>> -> memref<125xi32, #tpu.memory_space<vmem>>
        %dma_start3A_572 = arith.constant 0 : i32
        %dma_start3A_573 = arith.constant 0 : i32
        %dma_start3A_574 = tpu.memref_slice %arg7[%dma_start3A_572, %dma_start3A_573] : memref<10000x32xf32, #tpu.memory_space<vmem_shared>> -> memref<10000x32xf32, #tpu.memory_space<vmem_shared>>
        tpu.enqueue_indirect_dma source(%dma_start3A_568 : memref<125x32xf32, #tpu.memory_space<vmem>>) target(%dma_start3A_574 : memref<10000x32xf32, #tpu.memory_space<vmem_shared>>) offsets(%dma_start3A_571 : memref<125xi32, #tpu.memory_space<vmem>>) semaphore(%run_scoped3A_564 : memref<!tpu.dma_semaphore, #tpu.memory_space<semaphore_mem>>) {add = true}
        %dma_wait3A_575 = arith.constant 0 : i32
        %dma_wait3A_576 = arith.constant 0 : i32
        %dma_wait3A_577 = tpu.memref_slice %arg10[%run_scoped3A_463, %dma_wait3A_575, %dma_wait3A_576] : memref<10x125x32xf32, #tpu.memory_space<vmem>> -> memref<1x125x32xf32, #tpu.memory_space<vmem>>
        %dma_wait3A_578 = tpu.memref_squeeze %dma_wait3A_577 : memref<1x125x32xf32, #tpu.memory_space<vmem>> -> memref<125x32xf32, #tpu.memory_space<vmem>>
        %dma_wait3A_579 = arith.constant 0 : i32
        %dma_wait3A_580 = tpu.memref_slice %arg9[%add3A_451, %dma_wait3A_579] : memref<80x125xi32, #tpu.memory_space<vmem>> -> memref<1x125xi32, #tpu.memory_space<vmem>>
        %dma_wait3A_581 = tpu.memref_squeeze %dma_wait3A_580 : memref<1x125xi32, #tpu.memory_space<vmem>> -> memref<125xi32, #tpu.memory_space<vmem>>
        %dma_wait3A_582 = arith.constant 0 : i32
        %dma_wait3A_583 = arith.constant 0 : i32
        %dma_wait3A_584 = tpu.memref_slice %arg7[%dma_wait3A_582, %dma_wait3A_583] : memref<10000x32xf32, #tpu.memory_space<vmem_shared>> -> memref<10000x32xf32, #tpu.memory_space<vmem_shared>>
        tpu.wait_indirect_dma semaphore(%run_scoped3A_564 : memref<!tpu.dma_semaphore, #tpu.memory_space<semaphore_mem>>) src(%dma_wait3A_578 : memref<125x32xf32, #tpu.memory_space<vmem>>) dst(%dma_wait3A_584 : memref<10000x32xf32, #tpu.memory_space<vmem_shared>>)
        tpu.yield
      }) : () -> ()
      %add3A_464 = arith.constant 10 : i32
      %add3A_465 = arith.addi %add3A_451, %add3A_464 : i32
      %dma_start3A_466 = arith.constant 6 : i32
      %dma_start3A_467 = arith.constant 0 : i32
      %dma_start3A_468 = arith.constant 0 : i32
      %dma_start3A_469 = tpu.memref_slice %arg10[%dma_start3A_466, %dma_start3A_467, %dma_start3A_468] : memref<10x125x32xf32, #tpu.memory_space<vmem>> -> memref<1x125x32xf32, #tpu.memory_space<vmem>>
      %dma_start3A_470 = tpu.memref_squeeze %dma_start3A_469 : memref<1x125x32xf32, #tpu.memory_space<vmem>> -> memref<125x32xf32, #tpu.memory_space<vmem>>
      %dma_start3A_471 = arith.constant 0 : i32
      %dma_start3A_472 = tpu.memref_slice %arg8[%add3A_465, %dma_start3A_471] : memref<80x125xi32, #tpu.memory_space<vmem>> -> memref<1x125xi32, #tpu.memory_space<vmem>>
      %dma_start3A_473 = tpu.memref_squeeze %dma_start3A_472 : memref<1x125xi32, #tpu.memory_space<vmem>> -> memref<125xi32, #tpu.memory_space<vmem>>
      %dma_start3A_474 = arith.constant 0 : i32
      %dma_start3A_475 = arith.constant 0 : i32
      %dma_start3A_476 = tpu.memref_slice %arg2[%dma_start3A_474, %dma_start3A_475] : memref<10000x32xf32, #tpu.memory_space<hbm>> -> memref<10000x32xf32, #tpu.memory_space<hbm>>
      tpu.enqueue_indirect_dma source(%dma_start3A_476 : memref<10000x32xf32, #tpu.memory_space<hbm>>) target(%dma_start3A_470 : memref<125x32xf32, #tpu.memory_space<vmem>>) offsets(%dma_start3A_473 : memref<125xi32, #tpu.memory_space<vmem>>) semaphore(%arg17 : memref<!tpu.dma_semaphore, #tpu.memory_space<semaphore_mem>>)
      %mul3A_477 = arith.constant 10 : i32
      %mul3A_478 = arith.muli %scan3A_273, %mul3A_477 : i32
      %add3A_479 = arith.constant 7 : i32
      %add3A_480 = arith.addi %mul3A_478, %add3A_479 : i32
      %dma_wait3A_481 = arith.constant 7 : i32
      %dma_wait3A_482 = arith.constant 0 : i32
      %dma_wait3A_483 = arith.constant 0 : i32
      %dma_wait3A_484 = tpu.memref_slice %arg10[%dma_wait3A_481, %dma_wait3A_482, %dma_wait3A_483] : memref<10x125x32xf32, #tpu.memory_space<vmem>> -> memref<1x125x32xf32, #tpu.memory_space<vmem>>
      %dma_wait3A_485 = tpu.memref_squeeze %dma_wait3A_484 : memref<1x125x32xf32, #tpu.memory_space<vmem>> -> memref<125x32xf32, #tpu.memory_space<vmem>>
      %dma_wait3A_486 = arith.constant 0 : i32
      %dma_wait3A_487 = tpu.memref_slice %arg8[%add3A_480, %dma_wait3A_486] : memref<80x125xi32, #tpu.memory_space<vmem>> -> memref<1x125xi32, #tpu.memory_space<vmem>>
      %dma_wait3A_488 = tpu.memref_squeeze %dma_wait3A_487 : memref<1x125xi32, #tpu.memory_space<vmem>> -> memref<125xi32, #tpu.memory_space<vmem>>
      %dma_wait3A_489 = arith.constant 0 : i32
      %dma_wait3A_490 = arith.constant 0 : i32
      %dma_wait3A_491 = tpu.memref_slice %arg2[%dma_wait3A_489, %dma_wait3A_490] : memref<10000x32xf32, #tpu.memory_space<hbm>> -> memref<10000x32xf32, #tpu.memory_space<hbm>>
      tpu.wait_indirect_dma semaphore(%arg18 : memref<!tpu.dma_semaphore, #tpu.memory_space<semaphore_mem>>) src(%dma_wait3A_491 : memref<10000x32xf32, #tpu.memory_space<hbm>>) dst(%dma_wait3A_485 : memref<125x32xf32, #tpu.memory_space<vmem>>)
      %run_scoped3A_492 = arith.constant 7 : i32
      "tpu.region"() ({
        %run_scoped3A_564 = tpu.sem_alloc : memref<!tpu.dma_semaphore, #tpu.memory_space<semaphore_mem>>
        %dma_start3A_565 = arith.constant 0 : i32
        %dma_start3A_566 = arith.constant 0 : i32
        %dma_start3A_567 = tpu.memref_slice %arg10[%run_scoped3A_492, %dma_start3A_565, %dma_start3A_566] : memref<10x125x32xf32, #tpu.memory_space<vmem>> -> memref<1x125x32xf32, #tpu.memory_space<vmem>>
        %dma_start3A_568 = tpu.memref_squeeze %dma_start3A_567 : memref<1x125x32xf32, #tpu.memory_space<vmem>> -> memref<125x32xf32, #tpu.memory_space<vmem>>
        %dma_start3A_569 = arith.constant 0 : i32
        %dma_start3A_570 = tpu.memref_slice %arg9[%add3A_480, %dma_start3A_569] : memref<80x125xi32, #tpu.memory_space<vmem>> -> memref<1x125xi32, #tpu.memory_space<vmem>>
        %dma_start3A_571 = tpu.memref_squeeze %dma_start3A_570 : memref<1x125xi32, #tpu.memory_space<vmem>> -> memref<125xi32, #tpu.memory_space<vmem>>
        %dma_start3A_572 = arith.constant 0 : i32
        %dma_start3A_573 = arith.constant 0 : i32
        %dma_start3A_574 = tpu.memref_slice %arg7[%dma_start3A_572, %dma_start3A_573] : memref<10000x32xf32, #tpu.memory_space<vmem_shared>> -> memref<10000x32xf32, #tpu.memory_space<vmem_shared>>
        tpu.enqueue_indirect_dma source(%dma_start3A_568 : memref<125x32xf32, #tpu.memory_space<vmem>>) target(%dma_start3A_574 : memref<10000x32xf32, #tpu.memory_space<vmem_shared>>) offsets(%dma_start3A_571 : memref<125xi32, #tpu.memory_space<vmem>>) semaphore(%run_scoped3A_564 : memref<!tpu.dma_semaphore, #tpu.memory_space<semaphore_mem>>) {add = true}
        %dma_wait3A_575 = arith.constant 0 : i32
        %dma_wait3A_576 = arith.constant 0 : i32
        %dma_wait3A_577 = tpu.memref_slice %arg10[%run_scoped3A_492, %dma_wait3A_575, %dma_wait3A_576] : memref<10x125x32xf32, #tpu.memory_space<vmem>> -> memref<1x125x32xf32, #tpu.memory_space<vmem>>
        %dma_wait3A_578 = tpu.memref_squeeze %dma_wait3A_577 : memref<1x125x32xf32, #tpu.memory_space<vmem>> -> memref<125x32xf32, #tpu.memory_space<vmem>>
        %dma_wait3A_579 = arith.constant 0 : i32
        %dma_wait3A_580 = tpu.memref_slice %arg9[%add3A_480, %dma_wait3A_579] : memref<80x125xi32, #tpu.memory_space<vmem>> -> memref<1x125xi32, #tpu.memory_space<vmem>>
        %dma_wait3A_581 = tpu.memref_squeeze %dma_wait3A_580 : memref<1x125xi32, #tpu.memory_space<vmem>> -> memref<125xi32, #tpu.memory_space<vmem>>
        %dma_wait3A_582 = arith.constant 0 : i32
        %dma_wait3A_583 = arith.constant 0 : i32
        %dma_wait3A_584 = tpu.memref_slice %arg7[%dma_wait3A_582, %dma_wait3A_583] : memref<10000x32xf32, #tpu.memory_space<vmem_shared>> -> memref<10000x32xf32, #tpu.memory_space<vmem_shared>>
        tpu.wait_indirect_dma semaphore(%run_scoped3A_564 : memref<!tpu.dma_semaphore, #tpu.memory_space<semaphore_mem>>) src(%dma_wait3A_578 : memref<125x32xf32, #tpu.memory_space<vmem>>) dst(%dma_wait3A_584 : memref<10000x32xf32, #tpu.memory_space<vmem_shared>>)
        tpu.yield
      }) : () -> ()
      %add3A_493 = arith.constant 10 : i32
      %add3A_494 = arith.addi %add3A_480, %add3A_493 : i32
      %dma_start3A_495 = arith.constant 7 : i32
      %dma_start3A_496 = arith.constant 0 : i32
      %dma_start3A_497 = arith.constant 0 : i32
      %dma_start3A_498 = tpu.memref_slice %arg10[%dma_start3A_495, %dma_start3A_496, %dma_start3A_497] : memref<10x125x32xf32, #tpu.memory_space<vmem>> -> memref<1x125x32xf32, #tpu.memory_space<vmem>>
      %dma_start3A_499 = tpu.memref_squeeze %dma_start3A_498 : memref<1x125x32xf32, #tpu.memory_space<vmem>> -> memref<125x32xf32, #tpu.memory_space<vmem>>
      %dma_start3A_500 = arith.constant 0 : i32
      %dma_start3A_501 = tpu.memref_slice %arg8[%add3A_494, %dma_start3A_500] : memref<80x125xi32, #tpu.memory_space<vmem>> -> memref<1x125xi32, #tpu.memory_space<vmem>>
      %dma_start3A_502 = tpu.memref_squeeze %dma_start3A_501 : memref<1x125xi32, #tpu.memory_space<vmem>> -> memref<125xi32, #tpu.memory_space<vmem>>
      %dma_start3A_503 = arith.constant 0 : i32
      %dma_start3A_504 = arith.constant 0 : i32
      %dma_start3A_505 = tpu.memref_slice %arg2[%dma_start3A_503, %dma_start3A_504] : memref<10000x32xf32, #tpu.memory_space<hbm>> -> memref<10000x32xf32, #tpu.memory_space<hbm>>
      tpu.enqueue_indirect_dma source(%dma_start3A_505 : memref<10000x32xf32, #tpu.memory_space<hbm>>) target(%dma_start3A_499 : memref<125x32xf32, #tpu.memory_space<vmem>>) offsets(%dma_start3A_502 : memref<125xi32, #tpu.memory_space<vmem>>) semaphore(%arg18 : memref<!tpu.dma_semaphore, #tpu.memory_space<semaphore_mem>>)
      %mul3A_506 = arith.constant 10 : i32
      %mul3A_507 = arith.muli %scan3A_273, %mul3A_506 : i32
      %add3A_508 = arith.constant 8 : i32
      %add3A_509 = arith.addi %mul3A_507, %add3A_508 : i32
      %dma_wait3A_510 = arith.constant 8 : i32
      %dma_wait3A_511 = arith.constant 0 : i32
      %dma_wait3A_512 = arith.constant 0 : i32
      %dma_wait3A_513 = tpu.memref_slice %arg10[%dma_wait3A_510, %dma_wait3A_511, %dma_wait3A_512] : memref<10x125x32xf32, #tpu.memory_space<vmem>> -> memref<1x125x32xf32, #tpu.memory_space<vmem>>
      %dma_wait3A_514 = tpu.memref_squeeze %dma_wait3A_513 : memref<1x125x32xf32, #tpu.memory_space<vmem>> -> memref<125x32xf32, #tpu.memory_space<vmem>>
      %dma_wait3A_515 = arith.constant 0 : i32
      %dma_wait3A_516 = tpu.memref_slice %arg8[%add3A_509, %dma_wait3A_515] : memref<80x125xi32, #tpu.memory_space<vmem>> -> memref<1x125xi32, #tpu.memory_space<vmem>>
      %dma_wait3A_517 = tpu.memref_squeeze %dma_wait3A_516 : memref<1x125xi32, #tpu.memory_space<vmem>> -> memref<125xi32, #tpu.memory_space<vmem>>
      %dma_wait3A_518 = arith.constant 0 : i32
      %dma_wait3A_519 = arith.constant 0 : i32
      %dma_wait3A_520 = tpu.memref_slice %arg2[%dma_wait3A_518, %dma_wait3A_519] : memref<10000x32xf32, #tpu.memory_space<hbm>> -> memref<10000x32xf32, #tpu.memory_space<hbm>>
      tpu.wait_indirect_dma semaphore(%arg19 : memref<!tpu.dma_semaphore, #tpu.memory_space<semaphore_mem>>) src(%dma_wait3A_520 : memref<10000x32xf32, #tpu.memory_space<hbm>>) dst(%dma_wait3A_514 : memref<125x32xf32, #tpu.memory_space<vmem>>)
      %run_scoped3A_521 = arith.constant 8 : i32
      "tpu.region"() ({
        %run_scoped3A_564 = tpu.sem_alloc : memref<!tpu.dma_semaphore, #tpu.memory_space<semaphore_mem>>
        %dma_start3A_565 = arith.constant 0 : i32
        %dma_start3A_566 = arith.constant 0 : i32
        %dma_start3A_567 = tpu.memref_slice %arg10[%run_scoped3A_521, %dma_start3A_565, %dma_start3A_566] : memref<10x125x32xf32, #tpu.memory_space<vmem>> -> memref<1x125x32xf32, #tpu.memory_space<vmem>>
        %dma_start3A_568 = tpu.memref_squeeze %dma_start3A_567 : memref<1x125x32xf32, #tpu.memory_space<vmem>> -> memref<125x32xf32, #tpu.memory_space<vmem>>
        %dma_start3A_569 = arith.constant 0 : i32
        %dma_start3A_570 = tpu.memref_slice %arg9[%add3A_509, %dma_start3A_569] : memref<80x125xi32, #tpu.memory_space<vmem>> -> memref<1x125xi32, #tpu.memory_space<vmem>>
        %dma_start3A_571 = tpu.memref_squeeze %dma_start3A_570 : memref<1x125xi32, #tpu.memory_space<vmem>> -> memref<125xi32, #tpu.memory_space<vmem>>
        %dma_start3A_572 = arith.constant 0 : i32
        %dma_start3A_573 = arith.constant 0 : i32
        %dma_start3A_574 = tpu.memref_slice %arg7[%dma_start3A_572, %dma_start3A_573] : memref<10000x32xf32, #tpu.memory_space<vmem_shared>> -> memref<10000x32xf32, #tpu.memory_space<vmem_shared>>
        tpu.enqueue_indirect_dma source(%dma_start3A_568 : memref<125x32xf32, #tpu.memory_space<vmem>>) target(%dma_start3A_574 : memref<10000x32xf32, #tpu.memory_space<vmem_shared>>) offsets(%dma_start3A_571 : memref<125xi32, #tpu.memory_space<vmem>>) semaphore(%run_scoped3A_564 : memref<!tpu.dma_semaphore, #tpu.memory_space<semaphore_mem>>) {add = true}
        %dma_wait3A_575 = arith.constant 0 : i32
        %dma_wait3A_576 = arith.constant 0 : i32
        %dma_wait3A_577 = tpu.memref_slice %arg10[%run_scoped3A_521, %dma_wait3A_575, %dma_wait3A_576] : memref<10x125x32xf32, #tpu.memory_space<vmem>> -> memref<1x125x32xf32, #tpu.memory_space<vmem>>
        %dma_wait3A_578 = tpu.memref_squeeze %dma_wait3A_577 : memref<1x125x32xf32, #tpu.memory_space<vmem>> -> memref<125x32xf32, #tpu.memory_space<vmem>>
        %dma_wait3A_579 = arith.constant 0 : i32
        %dma_wait3A_580 = tpu.memref_slice %arg9[%add3A_509, %dma_wait3A_579] : memref<80x125xi32, #tpu.memory_space<vmem>> -> memref<1x125xi32, #tpu.memory_space<vmem>>
        %dma_wait3A_581 = tpu.memref_squeeze %dma_wait3A_580 : memref<1x125xi32, #tpu.memory_space<vmem>> -> memref<125xi32, #tpu.memory_space<vmem>>
        %dma_wait3A_582 = arith.constant 0 : i32
        %dma_wait3A_583 = arith.constant 0 : i32
        %dma_wait3A_584 = tpu.memref_slice %arg7[%dma_wait3A_582, %dma_wait3A_583] : memref<10000x32xf32, #tpu.memory_space<vmem_shared>> -> memref<10000x32xf32, #tpu.memory_space<vmem_shared>>
        tpu.wait_indirect_dma semaphore(%run_scoped3A_564 : memref<!tpu.dma_semaphore, #tpu.memory_space<semaphore_mem>>) src(%dma_wait3A_578 : memref<125x32xf32, #tpu.memory_space<vmem>>) dst(%dma_wait3A_584 : memref<10000x32xf32, #tpu.memory_space<vmem_shared>>)
        tpu.yield
      }) : () -> ()
      %add3A_522 = arith.constant 10 : i32
      %add3A_523 = arith.addi %add3A_509, %add3A_522 : i32
      %dma_start3A_524 = arith.constant 8 : i32
      %dma_start3A_525 = arith.constant 0 : i32
      %dma_start3A_526 = arith.constant 0 : i32
      %dma_start3A_527 = tpu.memref_slice %arg10[%dma_start3A_524, %dma_start3A_525, %dma_start3A_526] : memref<10x125x32xf32, #tpu.memory_space<vmem>> -> memref<1x125x32xf32, #tpu.memory_space<vmem>>
      %dma_start3A_528 = tpu.memref_squeeze %dma_start3A_527 : memref<1x125x32xf32, #tpu.memory_space<vmem>> -> memref<125x32xf32, #tpu.memory_space<vmem>>
      %dma_start3A_529 = arith.constant 0 : i32
      %dma_start3A_530 = tpu.memref_slice %arg8[%add3A_523, %dma_start3A_529] : memref<80x125xi32, #tpu.memory_space<vmem>> -> memref<1x125xi32, #tpu.memory_space<vmem>>
      %dma_start3A_531 = tpu.memref_squeeze %dma_start3A_530 : memref<1x125xi32, #tpu.memory_space<vmem>> -> memref<125xi32, #tpu.memory_space<vmem>>
      %dma_start3A_532 = arith.constant 0 : i32
      %dma_start3A_533 = arith.constant 0 : i32
      %dma_start3A_534 = tpu.memref_slice %arg2[%dma_start3A_532, %dma_start3A_533] : memref<10000x32xf32, #tpu.memory_space<hbm>> -> memref<10000x32xf32, #tpu.memory_space<hbm>>
      tpu.enqueue_indirect_dma source(%dma_start3A_534 : memref<10000x32xf32, #tpu.memory_space<hbm>>) target(%dma_start3A_528 : memref<125x32xf32, #tpu.memory_space<vmem>>) offsets(%dma_start3A_531 : memref<125xi32, #tpu.memory_space<vmem>>) semaphore(%arg19 : memref<!tpu.dma_semaphore, #tpu.memory_space<semaphore_mem>>)
      %mul3A_535 = arith.constant 10 : i32
      %mul3A_536 = arith.muli %scan3A_273, %mul3A_535 : i32
      %add3A_537 = arith.constant 9 : i32
      %add3A_538 = arith.addi %mul3A_536, %add3A_537 : i32
      %dma_wait3A_539 = arith.constant 9 : i32
      %dma_wait3A_540 = arith.constant 0 : i32
      %dma_wait3A_541 = arith.constant 0 : i32
      %dma_wait3A_542 = tpu.memref_slice %arg10[%dma_wait3A_539, %dma_wait3A_540, %dma_wait3A_541] : memref<10x125x32xf32, #tpu.memory_space<vmem>> -> memref<1x125x32xf32, #tpu.memory_space<vmem>>
      %dma_wait3A_543 = tpu.memref_squeeze %dma_wait3A_542 : memref<1x125x32xf32, #tpu.memory_space<vmem>> -> memref<125x32xf32, #tpu.memory_space<vmem>>
      %dma_wait3A_544 = arith.constant 0 : i32
      %dma_wait3A_545 = tpu.memref_slice %arg8[%add3A_538, %dma_wait3A_544] : memref<80x125xi32, #tpu.memory_space<vmem>> -> memref<1x125xi32, #tpu.memory_space<vmem>>
      %dma_wait3A_546 = tpu.memref_squeeze %dma_wait3A_545 : memref<1x125xi32, #tpu.memory_space<vmem>> -> memref<125xi32, #tpu.memory_space<vmem>>
      %dma_wait3A_547 = arith.constant 0 : i32
      %dma_wait3A_548 = arith.constant 0 : i32
      %dma_wait3A_549 = tpu.memref_slice %arg2[%dma_wait3A_547, %dma_wait3A_548] : memref<10000x32xf32, #tpu.memory_space<hbm>> -> memref<10000x32xf32, #tpu.memory_space<hbm>>
      tpu.wait_indirect_dma semaphore(%arg20 : memref<!tpu.dma_semaphore, #tpu.memory_space<semaphore_mem>>) src(%dma_wait3A_549 : memref<10000x32xf32, #tpu.memory_space<hbm>>) dst(%dma_wait3A_543 : memref<125x32xf32, #tpu.memory_space<vmem>>)
      %run_scoped3A_550 = arith.constant 9 : i32
      "tpu.region"() ({
        %run_scoped3A_564 = tpu.sem_alloc : memref<!tpu.dma_semaphore, #tpu.memory_space<semaphore_mem>>
        %dma_start3A_565 = arith.constant 0 : i32
        %dma_start3A_566 = arith.constant 0 : i32
        %dma_start3A_567 = tpu.memref_slice %arg10[%run_scoped3A_550, %dma_start3A_565, %dma_start3A_566] : memref<10x125x32xf32, #tpu.memory_space<vmem>> -> memref<1x125x32xf32, #tpu.memory_space<vmem>>
        %dma_start3A_568 = tpu.memref_squeeze %dma_start3A_567 : memref<1x125x32xf32, #tpu.memory_space<vmem>> -> memref<125x32xf32, #tpu.memory_space<vmem>>
        %dma_start3A_569 = arith.constant 0 : i32
        %dma_start3A_570 = tpu.memref_slice %arg9[%add3A_538, %dma_start3A_569] : memref<80x125xi32, #tpu.memory_space<vmem>> -> memref<1x125xi32, #tpu.memory_space<vmem>>
        %dma_start3A_571 = tpu.memref_squeeze %dma_start3A_570 : memref<1x125xi32, #tpu.memory_space<vmem>> -> memref<125xi32, #tpu.memory_space<vmem>>
        %dma_start3A_572 = arith.constant 0 : i32
        %dma_start3A_573 = arith.constant 0 : i32
        %dma_start3A_574 = tpu.memref_slice %arg7[%dma_start3A_572, %dma_start3A_573] : memref<10000x32xf32, #tpu.memory_space<vmem_shared>> -> memref<10000x32xf32, #tpu.memory_space<vmem_shared>>
        tpu.enqueue_indirect_dma source(%dma_start3A_568 : memref<125x32xf32, #tpu.memory_space<vmem>>) target(%dma_start3A_574 : memref<10000x32xf32, #tpu.memory_space<vmem_shared>>) offsets(%dma_start3A_571 : memref<125xi32, #tpu.memory_space<vmem>>) semaphore(%run_scoped3A_564 : memref<!tpu.dma_semaphore, #tpu.memory_space<semaphore_mem>>) {add = true}
        %dma_wait3A_575 = arith.constant 0 : i32
        %dma_wait3A_576 = arith.constant 0 : i32
        %dma_wait3A_577 = tpu.memref_slice %arg10[%run_scoped3A_550, %dma_wait3A_575, %dma_wait3A_576] : memref<10x125x32xf32, #tpu.memory_space<vmem>> -> memref<1x125x32xf32, #tpu.memory_space<vmem>>
        %dma_wait3A_578 = tpu.memref_squeeze %dma_wait3A_577 : memref<1x125x32xf32, #tpu.memory_space<vmem>> -> memref<125x32xf32, #tpu.memory_space<vmem>>
        %dma_wait3A_579 = arith.constant 0 : i32
        %dma_wait3A_580 = tpu.memref_slice %arg9[%add3A_538, %dma_wait3A_579] : memref<80x125xi32, #tpu.memory_space<vmem>> -> memref<1x125xi32, #tpu.memory_space<vmem>>
        %dma_wait3A_581 = tpu.memref_squeeze %dma_wait3A_580 : memref<1x125xi32, #tpu.memory_space<vmem>> -> memref<125xi32, #tpu.memory_space<vmem>>
        %dma_wait3A_582 = arith.constant 0 : i32
        %dma_wait3A_583 = arith.constant 0 : i32
        %dma_wait3A_584 = tpu.memref_slice %arg7[%dma_wait3A_582, %dma_wait3A_583] : memref<10000x32xf32, #tpu.memory_space<vmem_shared>> -> memref<10000x32xf32, #tpu.memory_space<vmem_shared>>
        tpu.wait_indirect_dma semaphore(%run_scoped3A_564 : memref<!tpu.dma_semaphore, #tpu.memory_space<semaphore_mem>>) src(%dma_wait3A_578 : memref<125x32xf32, #tpu.memory_space<vmem>>) dst(%dma_wait3A_584 : memref<10000x32xf32, #tpu.memory_space<vmem_shared>>)
        tpu.yield
      }) : () -> ()
      %add3A_551 = arith.constant 10 : i32
      %add3A_552 = arith.addi %add3A_538, %add3A_551 : i32
      %dma_start3A_553 = arith.constant 9 : i32
      %dma_start3A_554 = arith.constant 0 : i32
      %dma_start3A_555 = arith.constant 0 : i32
      %dma_start3A_556 = tpu.memref_slice %arg10[%dma_start3A_553, %dma_start3A_554, %dma_start3A_555] : memref<10x125x32xf32, #tpu.memory_space<vmem>> -> memref<1x125x32xf32, #tpu.memory_space<vmem>>
      %dma_start3A_557 = tpu.memref_squeeze %dma_start3A_556 : memref<1x125x32xf32, #tpu.memory_space<vmem>> -> memref<125x32xf32, #tpu.memory_space<vmem>>
      %dma_start3A_558 = arith.constant 0 : i32
      %dma_start3A_559 = tpu.memref_slice %arg8[%add3A_552, %dma_start3A_558] : memref<80x125xi32, #tpu.memory_space<vmem>> -> memref<1x125xi32, #tpu.memory_space<vmem>>
      %dma_start3A_560 = tpu.memref_squeeze %dma_start3A_559 : memref<1x125xi32, #tpu.memory_space<vmem>> -> memref<125xi32, #tpu.memory_space<vmem>>
      %dma_start3A_561 = arith.constant 0 : i32
      %dma_start3A_562 = arith.constant 0 : i32
      %dma_start3A_563 = tpu.memref_slice %arg2[%dma_start3A_561, %dma_start3A_562] : memref<10000x32xf32, #tpu.memory_space<hbm>> -> memref<10000x32xf32, #tpu.memory_space<hbm>>
      tpu.enqueue_indirect_dma source(%dma_start3A_563 : memref<10000x32xf32, #tpu.memory_space<hbm>>) target(%dma_start3A_557 : memref<125x32xf32, #tpu.memory_space<vmem>>) offsets(%dma_start3A_560 : memref<125xi32, #tpu.memory_space<vmem>>) semaphore(%arg20 : memref<!tpu.dma_semaphore, #tpu.memory_space<semaphore_mem>>)
    }
    %scan3A_128 = arith.constant 7 : i32
    %dma_wait3A = arith.constant 70 : i32
    %dma_wait3A_129 = arith.constant 0 : i32
    %dma_wait3A_130 = arith.constant 0 : i32
    %dma_wait3A_131 = arith.constant 0 : i32
    %dma_wait3A_132 = tpu.memref_slice %arg10[%dma_wait3A_129, %dma_wait3A_130, %dma_wait3A_131] : memref<10x125x32xf32, #tpu.memory_space<vmem>> -> memref<1x125x32xf32, #tpu.memory_space<vmem>>
    %dma_wait3A_133 = tpu.memref_squeeze %dma_wait3A_132 : memref<1x125x32xf32, #tpu.memory_space<vmem>> -> memref<125x32xf32, #tpu.memory_space<vmem>>
    %dma_wait3A_134 = arith.constant 0 : i32
    %dma_wait3A_135 = tpu.memref_slice %arg8[%dma_wait3A, %dma_wait3A_134] : memref<80x125xi32, #tpu.memory_space<vmem>> -> memref<1x125xi32, #tpu.memory_space<vmem>>
    %dma_wait3A_136 = tpu.memref_squeeze %dma_wait3A_135 : memref<1x125xi32, #tpu.memory_space<vmem>> -> memref<125xi32, #tpu.memory_space<vmem>>
    %dma_wait3A_137 = arith.constant 0 : i32
    %dma_wait3A_138 = arith.constant 0 : i32
    %dma_wait3A_139 = tpu.memref_slice %arg2[%dma_wait3A_137, %dma_wait3A_138] : memref<10000x32xf32, #tpu.memory_space<hbm>> -> memref<10000x32xf32, #tpu.memory_space<hbm>>
    tpu.wait_indirect_dma semaphore(%arg11 : memref<!tpu.dma_semaphore, #tpu.memory_space<semaphore_mem>>) src(%dma_wait3A_139 : memref<10000x32xf32, #tpu.memory_space<hbm>>) dst(%dma_wait3A_133 : memref<125x32xf32, #tpu.memory_space<vmem>>)
    %run_scoped3A = arith.constant 0 : i32
    %run_scoped3A_140 = arith.constant 70 : i32
    "tpu.region"() ({
      %run_scoped3A_273 = tpu.sem_alloc : memref<!tpu.dma_semaphore, #tpu.memory_space<semaphore_mem>>
      %dma_start3A_274 = arith.constant 0 : i32
      %dma_start3A_275 = arith.constant 0 : i32
      %dma_start3A_276 = tpu.memref_slice %arg10[%run_scoped3A, %dma_start3A_274, %dma_start3A_275] : memref<10x125x32xf32, #tpu.memory_space<vmem>> -> memref<1x125x32xf32, #tpu.memory_space<vmem>>
      %dma_start3A_277 = tpu.memref_squeeze %dma_start3A_276 : memref<1x125x32xf32, #tpu.memory_space<vmem>> -> memref<125x32xf32, #tpu.memory_space<vmem>>
      %dma_start3A_278 = arith.constant 0 : i32
      %dma_start3A_279 = tpu.memref_slice %arg9[%run_scoped3A_140, %dma_start3A_278] : memref<80x125xi32, #tpu.memory_space<vmem>> -> memref<1x125xi32, #tpu.memory_space<vmem>>
      %dma_start3A_280 = tpu.memref_squeeze %dma_start3A_279 : memref<1x125xi32, #tpu.memory_space<vmem>> -> memref<125xi32, #tpu.memory_space<vmem>>
      %dma_start3A_281 = arith.constant 0 : i32
      %dma_start3A_282 = arith.constant 0 : i32
      %dma_start3A_283 = tpu.memref_slice %arg7[%dma_start3A_281, %dma_start3A_282] : memref<10000x32xf32, #tpu.memory_space<vmem_shared>> -> memref<10000x32xf32, #tpu.memory_space<vmem_shared>>
      tpu.enqueue_indirect_dma source(%dma_start3A_277 : memref<125x32xf32, #tpu.memory_space<vmem>>) target(%dma_start3A_283 : memref<10000x32xf32, #tpu.memory_space<vmem_shared>>) offsets(%dma_start3A_280 : memref<125xi32, #tpu.memory_space<vmem>>) semaphore(%run_scoped3A_273 : memref<!tpu.dma_semaphore, #tpu.memory_space<semaphore_mem>>) {add = true}
      %dma_wait3A_284 = arith.constant 0 : i32
      %dma_wait3A_285 = arith.constant 0 : i32
      %dma_wait3A_286 = tpu.memref_slice %arg10[%run_scoped3A, %dma_wait3A_284, %dma_wait3A_285] : memref<10x125x32xf32, #tpu.memory_space<vmem>> -> memref<1x125x32xf32, #tpu.memory_space<vmem>>
      %dma_wait3A_287 = tpu.memref_squeeze %dma_wait3A_286 : memref<1x125x32xf32, #tpu.memory_space<vmem>> -> memref<125x32xf32, #tpu.memory_space<vmem>>
      %dma_wait3A_288 = arith.constant 0 : i32
      %dma_wait3A_289 = tpu.memref_slice %arg9[%run_scoped3A_140, %dma_wait3A_288] : memref<80x125xi32, #tpu.memory_space<vmem>> -> memref<1x125xi32, #tpu.memory_space<vmem>>
      %dma_wait3A_290 = tpu.memref_squeeze %dma_wait3A_289 : memref<1x125xi32, #tpu.memory_space<vmem>> -> memref<125xi32, #tpu.memory_space<vmem>>
      %dma_wait3A_291 = arith.constant 0 : i32
      %dma_wait3A_292 = arith.constant 0 : i32
      %dma_wait3A_293 = tpu.memref_slice %arg7[%dma_wait3A_291, %dma_wait3A_292] : memref<10000x32xf32, #tpu.memory_space<vmem_shared>> -> memref<10000x32xf32, #tpu.memory_space<vmem_shared>>
      tpu.wait_indirect_dma semaphore(%run_scoped3A_273 : memref<!tpu.dma_semaphore, #tpu.memory_space<semaphore_mem>>) src(%dma_wait3A_287 : memref<125x32xf32, #tpu.memory_space<vmem>>) dst(%dma_wait3A_293 : memref<10000x32xf32, #tpu.memory_space<vmem_shared>>)
      tpu.yield
    }) : () -> ()
    %dma_wait3A_141 = arith.constant 71 : i32
    %dma_wait3A_142 = arith.constant 1 : i32
    %dma_wait3A_143 = arith.constant 0 : i32
    %dma_wait3A_144 = arith.constant 0 : i32
    %dma_wait3A_145 = tpu.memref_slice %arg10[%dma_wait3A_142, %dma_wait3A_143, %dma_wait3A_144] : memref<10x125x32xf32, #tpu.memory_space<vmem>> -> memref<1x125x32xf32, #tpu.memory_space<vmem>>
    %dma_wait3A_146 = tpu.memref_squeeze %dma_wait3A_145 : memref<1x125x32xf32, #tpu.memory_space<vmem>> -> memref<125x32xf32, #tpu.memory_space<vmem>>
    %dma_wait3A_147 = arith.constant 0 : i32
    %dma_wait3A_148 = tpu.memref_slice %arg8[%dma_wait3A_141, %dma_wait3A_147] : memref<80x125xi32, #tpu.memory_space<vmem>> -> memref<1x125xi32, #tpu.memory_space<vmem>>
    %dma_wait3A_149 = tpu.memref_squeeze %dma_wait3A_148 : memref<1x125xi32, #tpu.memory_space<vmem>> -> memref<125xi32, #tpu.memory_space<vmem>>
    %dma_wait3A_150 = arith.constant 0 : i32
    %dma_wait3A_151 = arith.constant 0 : i32
    %dma_wait3A_152 = tpu.memref_slice %arg2[%dma_wait3A_150, %dma_wait3A_151] : memref<10000x32xf32, #tpu.memory_space<hbm>> -> memref<10000x32xf32, #tpu.memory_space<hbm>>
    tpu.wait_indirect_dma semaphore(%arg12 : memref<!tpu.dma_semaphore, #tpu.memory_space<semaphore_mem>>) src(%dma_wait3A_152 : memref<10000x32xf32, #tpu.memory_space<hbm>>) dst(%dma_wait3A_146 : memref<125x32xf32, #tpu.memory_space<vmem>>)
    %run_scoped3A_153 = arith.constant 1 : i32
    %run_scoped3A_154 = arith.constant 71 : i32
    "tpu.region"() ({
      %run_scoped3A_273 = tpu.sem_alloc : memref<!tpu.dma_semaphore, #tpu.memory_space<semaphore_mem>>
      %dma_start3A_274 = arith.constant 0 : i32
      %dma_start3A_275 = arith.constant 0 : i32
      %dma_start3A_276 = tpu.memref_slice %arg10[%run_scoped3A_153, %dma_start3A_274, %dma_start3A_275] : memref<10x125x32xf32, #tpu.memory_space<vmem>> -> memref<1x125x32xf32, #tpu.memory_space<vmem>>
      %dma_start3A_277 = tpu.memref_squeeze %dma_start3A_276 : memref<1x125x32xf32, #tpu.memory_space<vmem>> -> memref<125x32xf32, #tpu.memory_space<vmem>>
      %dma_start3A_278 = arith.constant 0 : i32
      %dma_start3A_279 = tpu.memref_slice %arg9[%run_scoped3A_154, %dma_start3A_278] : memref<80x125xi32, #tpu.memory_space<vmem>> -> memref<1x125xi32, #tpu.memory_space<vmem>>
      %dma_start3A_280 = tpu.memref_squeeze %dma_start3A_279 : memref<1x125xi32, #tpu.memory_space<vmem>> -> memref<125xi32, #tpu.memory_space<vmem>>
      %dma_start3A_281 = arith.constant 0 : i32
      %dma_start3A_282 = arith.constant 0 : i32
      %dma_start3A_283 = tpu.memref_slice %arg7[%dma_start3A_281, %dma_start3A_282] : memref<10000x32xf32, #tpu.memory_space<vmem_shared>> -> memref<10000x32xf32, #tpu.memory_space<vmem_shared>>
      tpu.enqueue_indirect_dma source(%dma_start3A_277 : memref<125x32xf32, #tpu.memory_space<vmem>>) target(%dma_start3A_283 : memref<10000x32xf32, #tpu.memory_space<vmem_shared>>) offsets(%dma_start3A_280 : memref<125xi32, #tpu.memory_space<vmem>>) semaphore(%run_scoped3A_273 : memref<!tpu.dma_semaphore, #tpu.memory_space<semaphore_mem>>) {add = true}
      %dma_wait3A_284 = arith.constant 0 : i32
      %dma_wait3A_285 = arith.constant 0 : i32
      %dma_wait3A_286 = tpu.memref_slice %arg10[%run_scoped3A_153, %dma_wait3A_284, %dma_wait3A_285] : memref<10x125x32xf32, #tpu.memory_space<vmem>> -> memref<1x125x32xf32, #tpu.memory_space<vmem>>
      %dma_wait3A_287 = tpu.memref_squeeze %dma_wait3A_286 : memref<1x125x32xf32, #tpu.memory_space<vmem>> -> memref<125x32xf32, #tpu.memory_space<vmem>>
      %dma_wait3A_288 = arith.constant 0 : i32
      %dma_wait3A_289 = tpu.memref_slice %arg9[%run_scoped3A_154, %dma_wait3A_288] : memref<80x125xi32, #tpu.memory_space<vmem>> -> memref<1x125xi32, #tpu.memory_space<vmem>>
      %dma_wait3A_290 = tpu.memref_squeeze %dma_wait3A_289 : memref<1x125xi32, #tpu.memory_space<vmem>> -> memref<125xi32, #tpu.memory_space<vmem>>
      %dma_wait3A_291 = arith.constant 0 : i32
      %dma_wait3A_292 = arith.constant 0 : i32
      %dma_wait3A_293 = tpu.memref_slice %arg7[%dma_wait3A_291, %dma_wait3A_292] : memref<10000x32xf32, #tpu.memory_space<vmem_shared>> -> memref<10000x32xf32, #tpu.memory_space<vmem_shared>>
      tpu.wait_indirect_dma semaphore(%run_scoped3A_273 : memref<!tpu.dma_semaphore, #tpu.memory_space<semaphore_mem>>) src(%dma_wait3A_287 : memref<125x32xf32, #tpu.memory_space<vmem>>) dst(%dma_wait3A_293 : memref<10000x32xf32, #tpu.memory_space<vmem_shared>>)
      tpu.yield
    }) : () -> ()
    %dma_wait3A_155 = arith.constant 72 : i32
    %dma_wait3A_156 = arith.constant 2 : i32
    %dma_wait3A_157 = arith.constant 0 : i32
    %dma_wait3A_158 = arith.constant 0 : i32
    %dma_wait3A_159 = tpu.memref_slice %arg10[%dma_wait3A_156, %dma_wait3A_157, %dma_wait3A_158] : memref<10x125x32xf32, #tpu.memory_space<vmem>> -> memref<1x125x32xf32, #tpu.memory_space<vmem>>
    %dma_wait3A_160 = tpu.memref_squeeze %dma_wait3A_159 : memref<1x125x32xf32, #tpu.memory_space<vmem>> -> memref<125x32xf32, #tpu.memory_space<vmem>>
    %dma_wait3A_161 = arith.constant 0 : i32
    %dma_wait3A_162 = tpu.memref_slice %arg8[%dma_wait3A_155, %dma_wait3A_161] : memref<80x125xi32, #tpu.memory_space<vmem>> -> memref<1x125xi32, #tpu.memory_space<vmem>>
    %dma_wait3A_163 = tpu.memref_squeeze %dma_wait3A_162 : memref<1x125xi32, #tpu.memory_space<vmem>> -> memref<125xi32, #tpu.memory_space<vmem>>
    %dma_wait3A_164 = arith.constant 0 : i32
    %dma_wait3A_165 = arith.constant 0 : i32
    %dma_wait3A_166 = tpu.memref_slice %arg2[%dma_wait3A_164, %dma_wait3A_165] : memref<10000x32xf32, #tpu.memory_space<hbm>> -> memref<10000x32xf32, #tpu.memory_space<hbm>>
    tpu.wait_indirect_dma semaphore(%arg13 : memref<!tpu.dma_semaphore, #tpu.memory_space<semaphore_mem>>) src(%dma_wait3A_166 : memref<10000x32xf32, #tpu.memory_space<hbm>>) dst(%dma_wait3A_160 : memref<125x32xf32, #tpu.memory_space<vmem>>)
    %run_scoped3A_167 = arith.constant 2 : i32
    %run_scoped3A_168 = arith.constant 72 : i32
    "tpu.region"() ({
      %run_scoped3A_273 = tpu.sem_alloc : memref<!tpu.dma_semaphore, #tpu.memory_space<semaphore_mem>>
      %dma_start3A_274 = arith.constant 0 : i32
      %dma_start3A_275 = arith.constant 0 : i32
      %dma_start3A_276 = tpu.memref_slice %arg10[%run_scoped3A_167, %dma_start3A_274, %dma_start3A_275] : memref<10x125x32xf32, #tpu.memory_space<vmem>> -> memref<1x125x32xf32, #tpu.memory_space<vmem>>
      %dma_start3A_277 = tpu.memref_squeeze %dma_start3A_276 : memref<1x125x32xf32, #tpu.memory_space<vmem>> -> memref<125x32xf32, #tpu.memory_space<vmem>>
      %dma_start3A_278 = arith.constant 0 : i32
      %dma_start3A_279 = tpu.memref_slice %arg9[%run_scoped3A_168, %dma_start3A_278] : memref<80x125xi32, #tpu.memory_space<vmem>> -> memref<1x125xi32, #tpu.memory_space<vmem>>
      %dma_start3A_280 = tpu.memref_squeeze %dma_start3A_279 : memref<1x125xi32, #tpu.memory_space<vmem>> -> memref<125xi32, #tpu.memory_space<vmem>>
      %dma_start3A_281 = arith.constant 0 : i32
      %dma_start3A_282 = arith.constant 0 : i32
      %dma_start3A_283 = tpu.memref_slice %arg7[%dma_start3A_281, %dma_start3A_282] : memref<10000x32xf32, #tpu.memory_space<vmem_shared>> -> memref<10000x32xf32, #tpu.memory_space<vmem_shared>>
      tpu.enqueue_indirect_dma source(%dma_start3A_277 : memref<125x32xf32, #tpu.memory_space<vmem>>) target(%dma_start3A_283 : memref<10000x32xf32, #tpu.memory_space<vmem_shared>>) offsets(%dma_start3A_280 : memref<125xi32, #tpu.memory_space<vmem>>) semaphore(%run_scoped3A_273 : memref<!tpu.dma_semaphore, #tpu.memory_space<semaphore_mem>>) {add = true}
      %dma_wait3A_284 = arith.constant 0 : i32
      %dma_wait3A_285 = arith.constant 0 : i32
      %dma_wait3A_286 = tpu.memref_slice %arg10[%run_scoped3A_167, %dma_wait3A_284, %dma_wait3A_285] : memref<10x125x32xf32, #tpu.memory_space<vmem>> -> memref<1x125x32xf32, #tpu.memory_space<vmem>>
      %dma_wait3A_287 = tpu.memref_squeeze %dma_wait3A_286 : memref<1x125x32xf32, #tpu.memory_space<vmem>> -> memref<125x32xf32, #tpu.memory_space<vmem>>
      %dma_wait3A_288 = arith.constant 0 : i32
      %dma_wait3A_289 = tpu.memref_slice %arg9[%run_scoped3A_168, %dma_wait3A_288] : memref<80x125xi32, #tpu.memory_space<vmem>> -> memref<1x125xi32, #tpu.memory_space<vmem>>
      %dma_wait3A_290 = tpu.memref_squeeze %dma_wait3A_289 : memref<1x125xi32, #tpu.memory_space<vmem>> -> memref<125xi32, #tpu.memory_space<vmem>>
      %dma_wait3A_291 = arith.constant 0 : i32
      %dma_wait3A_292 = arith.constant 0 : i32
      %dma_wait3A_293 = tpu.memref_slice %arg7[%dma_wait3A_291, %dma_wait3A_292] : memref<10000x32xf32, #tpu.memory_space<vmem_shared>> -> memref<10000x32xf32, #tpu.memory_space<vmem_shared>>
      tpu.wait_indirect_dma semaphore(%run_scoped3A_273 : memref<!tpu.dma_semaphore, #tpu.memory_space<semaphore_mem>>) src(%dma_wait3A_287 : memref<125x32xf32, #tpu.memory_space<vmem>>) dst(%dma_wait3A_293 : memref<10000x32xf32, #tpu.memory_space<vmem_shared>>)
      tpu.yield
    }) : () -> ()
    %dma_wait3A_169 = arith.constant 73 : i32
    %dma_wait3A_170 = arith.constant 3 : i32
    %dma_wait3A_171 = arith.constant 0 : i32
    %dma_wait3A_172 = arith.constant 0 : i32
    %dma_wait3A_173 = tpu.memref_slice %arg10[%dma_wait3A_170, %dma_wait3A_171, %dma_wait3A_172] : memref<10x125x32xf32, #tpu.memory_space<vmem>> -> memref<1x125x32xf32, #tpu.memory_space<vmem>>
    %dma_wait3A_174 = tpu.memref_squeeze %dma_wait3A_173 : memref<1x125x32xf32, #tpu.memory_space<vmem>> -> memref<125x32xf32, #tpu.memory_space<vmem>>
    %dma_wait3A_175 = arith.constant 0 : i32
    %dma_wait3A_176 = tpu.memref_slice %arg8[%dma_wait3A_169, %dma_wait3A_175] : memref<80x125xi32, #tpu.memory_space<vmem>> -> memref<1x125xi32, #tpu.memory_space<vmem>>
    %dma_wait3A_177 = tpu.memref_squeeze %dma_wait3A_176 : memref<1x125xi32, #tpu.memory_space<vmem>> -> memref<125xi32, #tpu.memory_space<vmem>>
    %dma_wait3A_178 = arith.constant 0 : i32
    %dma_wait3A_179 = arith.constant 0 : i32
    %dma_wait3A_180 = tpu.memref_slice %arg2[%dma_wait3A_178, %dma_wait3A_179] : memref<10000x32xf32, #tpu.memory_space<hbm>> -> memref<10000x32xf32, #tpu.memory_space<hbm>>
    tpu.wait_indirect_dma semaphore(%arg14 : memref<!tpu.dma_semaphore, #tpu.memory_space<semaphore_mem>>) src(%dma_wait3A_180 : memref<10000x32xf32, #tpu.memory_space<hbm>>) dst(%dma_wait3A_174 : memref<125x32xf32, #tpu.memory_space<vmem>>)
    %run_scoped3A_181 = arith.constant 3 : i32
    %run_scoped3A_182 = arith.constant 73 : i32
    "tpu.region"() ({
      %run_scoped3A_273 = tpu.sem_alloc : memref<!tpu.dma_semaphore, #tpu.memory_space<semaphore_mem>>
      %dma_start3A_274 = arith.constant 0 : i32
      %dma_start3A_275 = arith.constant 0 : i32
      %dma_start3A_276 = tpu.memref_slice %arg10[%run_scoped3A_181, %dma_start3A_274, %dma_start3A_275] : memref<10x125x32xf32, #tpu.memory_space<vmem>> -> memref<1x125x32xf32, #tpu.memory_space<vmem>>
      %dma_start3A_277 = tpu.memref_squeeze %dma_start3A_276 : memref<1x125x32xf32, #tpu.memory_space<vmem>> -> memref<125x32xf32, #tpu.memory_space<vmem>>
      %dma_start3A_278 = arith.constant 0 : i32
      %dma_start3A_279 = tpu.memref_slice %arg9[%run_scoped3A_182, %dma_start3A_278] : memref<80x125xi32, #tpu.memory_space<vmem>> -> memref<1x125xi32, #tpu.memory_space<vmem>>
      %dma_start3A_280 = tpu.memref_squeeze %dma_start3A_279 : memref<1x125xi32, #tpu.memory_space<vmem>> -> memref<125xi32, #tpu.memory_space<vmem>>
      %dma_start3A_281 = arith.constant 0 : i32
      %dma_start3A_282 = arith.constant 0 : i32
      %dma_start3A_283 = tpu.memref_slice %arg7[%dma_start3A_281, %dma_start3A_282] : memref<10000x32xf32, #tpu.memory_space<vmem_shared>> -> memref<10000x32xf32, #tpu.memory_space<vmem_shared>>
      tpu.enqueue_indirect_dma source(%dma_start3A_277 : memref<125x32xf32, #tpu.memory_space<vmem>>) target(%dma_start3A_283 : memref<10000x32xf32, #tpu.memory_space<vmem_shared>>) offsets(%dma_start3A_280 : memref<125xi32, #tpu.memory_space<vmem>>) semaphore(%run_scoped3A_273 : memref<!tpu.dma_semaphore, #tpu.memory_space<semaphore_mem>>) {add = true}
      %dma_wait3A_284 = arith.constant 0 : i32
      %dma_wait3A_285 = arith.constant 0 : i32
      %dma_wait3A_286 = tpu.memref_slice %arg10[%run_scoped3A_181, %dma_wait3A_284, %dma_wait3A_285] : memref<10x125x32xf32, #tpu.memory_space<vmem>> -> memref<1x125x32xf32, #tpu.memory_space<vmem>>
      %dma_wait3A_287 = tpu.memref_squeeze %dma_wait3A_286 : memref<1x125x32xf32, #tpu.memory_space<vmem>> -> memref<125x32xf32, #tpu.memory_space<vmem>>
      %dma_wait3A_288 = arith.constant 0 : i32
      %dma_wait3A_289 = tpu.memref_slice %arg9[%run_scoped3A_182, %dma_wait3A_288] : memref<80x125xi32, #tpu.memory_space<vmem>> -> memref<1x125xi32, #tpu.memory_space<vmem>>
      %dma_wait3A_290 = tpu.memref_squeeze %dma_wait3A_289 : memref<1x125xi32, #tpu.memory_space<vmem>> -> memref<125xi32, #tpu.memory_space<vmem>>
      %dma_wait3A_291 = arith.constant 0 : i32
      %dma_wait3A_292 = arith.constant 0 : i32
      %dma_wait3A_293 = tpu.memref_slice %arg7[%dma_wait3A_291, %dma_wait3A_292] : memref<10000x32xf32, #tpu.memory_space<vmem_shared>> -> memref<10000x32xf32, #tpu.memory_space<vmem_shared>>
      tpu.wait_indirect_dma semaphore(%run_scoped3A_273 : memref<!tpu.dma_semaphore, #tpu.memory_space<semaphore_mem>>) src(%dma_wait3A_287 : memref<125x32xf32, #tpu.memory_space<vmem>>) dst(%dma_wait3A_293 : memref<10000x32xf32, #tpu.memory_space<vmem_shared>>)
      tpu.yield
    }) : () -> ()
    %dma_wait3A_183 = arith.constant 74 : i32
    %dma_wait3A_184 = arith.constant 4 : i32
    %dma_wait3A_185 = arith.constant 0 : i32
    %dma_wait3A_186 = arith.constant 0 : i32
    %dma_wait3A_187 = tpu.memref_slice %arg10[%dma_wait3A_184, %dma_wait3A_185, %dma_wait3A_186] : memref<10x125x32xf32, #tpu.memory_space<vmem>> -> memref<1x125x32xf32, #tpu.memory_space<vmem>>
    %dma_wait3A_188 = tpu.memref_squeeze %dma_wait3A_187 : memref<1x125x32xf32, #tpu.memory_space<vmem>> -> memref<125x32xf32, #tpu.memory_space<vmem>>
    %dma_wait3A_189 = arith.constant 0 : i32
    %dma_wait3A_190 = tpu.memref_slice %arg8[%dma_wait3A_183, %dma_wait3A_189] : memref<80x125xi32, #tpu.memory_space<vmem>> -> memref<1x125xi32, #tpu.memory_space<vmem>>
    %dma_wait3A_191 = tpu.memref_squeeze %dma_wait3A_190 : memref<1x125xi32, #tpu.memory_space<vmem>> -> memref<125xi32, #tpu.memory_space<vmem>>
    %dma_wait3A_192 = arith.constant 0 : i32
    %dma_wait3A_193 = arith.constant 0 : i32
    %dma_wait3A_194 = tpu.memref_slice %arg2[%dma_wait3A_192, %dma_wait3A_193] : memref<10000x32xf32, #tpu.memory_space<hbm>> -> memref<10000x32xf32, #tpu.memory_space<hbm>>
    tpu.wait_indirect_dma semaphore(%arg15 : memref<!tpu.dma_semaphore, #tpu.memory_space<semaphore_mem>>) src(%dma_wait3A_194 : memref<10000x32xf32, #tpu.memory_space<hbm>>) dst(%dma_wait3A_188 : memref<125x32xf32, #tpu.memory_space<vmem>>)
    %run_scoped3A_195 = arith.constant 4 : i32
    %run_scoped3A_196 = arith.constant 74 : i32
    "tpu.region"() ({
      %run_scoped3A_273 = tpu.sem_alloc : memref<!tpu.dma_semaphore, #tpu.memory_space<semaphore_mem>>
      %dma_start3A_274 = arith.constant 0 : i32
      %dma_start3A_275 = arith.constant 0 : i32
      %dma_start3A_276 = tpu.memref_slice %arg10[%run_scoped3A_195, %dma_start3A_274, %dma_start3A_275] : memref<10x125x32xf32, #tpu.memory_space<vmem>> -> memref<1x125x32xf32, #tpu.memory_space<vmem>>
      %dma_start3A_277 = tpu.memref_squeeze %dma_start3A_276 : memref<1x125x32xf32, #tpu.memory_space<vmem>> -> memref<125x32xf32, #tpu.memory_space<vmem>>
      %dma_start3A_278 = arith.constant 0 : i32
      %dma_start3A_279 = tpu.memref_slice %arg9[%run_scoped3A_196, %dma_start3A_278] : memref<80x125xi32, #tpu.memory_space<vmem>> -> memref<1x125xi32, #tpu.memory_space<vmem>>
      %dma_start3A_280 = tpu.memref_squeeze %dma_start3A_279 : memref<1x125xi32, #tpu.memory_space<vmem>> -> memref<125xi32, #tpu.memory_space<vmem>>
      %dma_start3A_281 = arith.constant 0 : i32
      %dma_start3A_282 = arith.constant 0 : i32
      %dma_start3A_283 = tpu.memref_slice %arg7[%dma_start3A_281, %dma_start3A_282] : memref<10000x32xf32, #tpu.memory_space<vmem_shared>> -> memref<10000x32xf32, #tpu.memory_space<vmem_shared>>
      tpu.enqueue_indirect_dma source(%dma_start3A_277 : memref<125x32xf32, #tpu.memory_space<vmem>>) target(%dma_start3A_283 : memref<10000x32xf32, #tpu.memory_space<vmem_shared>>) offsets(%dma_start3A_280 : memref<125xi32, #tpu.memory_space<vmem>>) semaphore(%run_scoped3A_273 : memref<!tpu.dma_semaphore, #tpu.memory_space<semaphore_mem>>) {add = true}
      %dma_wait3A_284 = arith.constant 0 : i32
      %dma_wait3A_285 = arith.constant 0 : i32
      %dma_wait3A_286 = tpu.memref_slice %arg10[%run_scoped3A_195, %dma_wait3A_284, %dma_wait3A_285] : memref<10x125x32xf32, #tpu.memory_space<vmem>> -> memref<1x125x32xf32, #tpu.memory_space<vmem>>
      %dma_wait3A_287 = tpu.memref_squeeze %dma_wait3A_286 : memref<1x125x32xf32, #tpu.memory_space<vmem>> -> memref<125x32xf32, #tpu.memory_space<vmem>>
      %dma_wait3A_288 = arith.constant 0 : i32
      %dma_wait3A_289 = tpu.memref_slice %arg9[%run_scoped3A_196, %dma_wait3A_288] : memref<80x125xi32, #tpu.memory_space<vmem>> -> memref<1x125xi32, #tpu.memory_space<vmem>>
      %dma_wait3A_290 = tpu.memref_squeeze %dma_wait3A_289 : memref<1x125xi32, #tpu.memory_space<vmem>> -> memref<125xi32, #tpu.memory_space<vmem>>
      %dma_wait3A_291 = arith.constant 0 : i32
      %dma_wait3A_292 = arith.constant 0 : i32
      %dma_wait3A_293 = tpu.memref_slice %arg7[%dma_wait3A_291, %dma_wait3A_292] : memref<10000x32xf32, #tpu.memory_space<vmem_shared>> -> memref<10000x32xf32, #tpu.memory_space<vmem_shared>>
      tpu.wait_indirect_dma semaphore(%run_scoped3A_273 : memref<!tpu.dma_semaphore, #tpu.memory_space<semaphore_mem>>) src(%dma_wait3A_287 : memref<125x32xf32, #tpu.memory_space<vmem>>) dst(%dma_wait3A_293 : memref<10000x32xf32, #tpu.memory_space<vmem_shared>>)
      tpu.yield
    }) : () -> ()
    %dma_wait3A_197 = arith.constant 75 : i32
    %dma_wait3A_198 = arith.constant 5 : i32
    %dma_wait3A_199 = arith.constant 0 : i32
    %dma_wait3A_200 = arith.constant 0 : i32
    %dma_wait3A_201 = tpu.memref_slice %arg10[%dma_wait3A_198, %dma_wait3A_199, %dma_wait3A_200] : memref<10x125x32xf32, #tpu.memory_space<vmem>> -> memref<1x125x32xf32, #tpu.memory_space<vmem>>
    %dma_wait3A_202 = tpu.memref_squeeze %dma_wait3A_201 : memref<1x125x32xf32, #tpu.memory_space<vmem>> -> memref<125x32xf32, #tpu.memory_space<vmem>>
    %dma_wait3A_203 = arith.constant 0 : i32
    %dma_wait3A_204 = tpu.memref_slice %arg8[%dma_wait3A_197, %dma_wait3A_203] : memref<80x125xi32, #tpu.memory_space<vmem>> -> memref<1x125xi32, #tpu.memory_space<vmem>>
    %dma_wait3A_205 = tpu.memref_squeeze %dma_wait3A_204 : memref<1x125xi32, #tpu.memory_space<vmem>> -> memref<125xi32, #tpu.memory_space<vmem>>
    %dma_wait3A_206 = arith.constant 0 : i32
    %dma_wait3A_207 = arith.constant 0 : i32
    %dma_wait3A_208 = tpu.memref_slice %arg2[%dma_wait3A_206, %dma_wait3A_207] : memref<10000x32xf32, #tpu.memory_space<hbm>> -> memref<10000x32xf32, #tpu.memory_space<hbm>>
    tpu.wait_indirect_dma semaphore(%arg16 : memref<!tpu.dma_semaphore, #tpu.memory_space<semaphore_mem>>) src(%dma_wait3A_208 : memref<10000x32xf32, #tpu.memory_space<hbm>>) dst(%dma_wait3A_202 : memref<125x32xf32, #tpu.memory_space<vmem>>)
    %run_scoped3A_209 = arith.constant 5 : i32
    %run_scoped3A_210 = arith.constant 75 : i32
    "tpu.region"() ({
      %run_scoped3A_273 = tpu.sem_alloc : memref<!tpu.dma_semaphore, #tpu.memory_space<semaphore_mem>>
      %dma_start3A_274 = arith.constant 0 : i32
      %dma_start3A_275 = arith.constant 0 : i32
      %dma_start3A_276 = tpu.memref_slice %arg10[%run_scoped3A_209, %dma_start3A_274, %dma_start3A_275] : memref<10x125x32xf32, #tpu.memory_space<vmem>> -> memref<1x125x32xf32, #tpu.memory_space<vmem>>
      %dma_start3A_277 = tpu.memref_squeeze %dma_start3A_276 : memref<1x125x32xf32, #tpu.memory_space<vmem>> -> memref<125x32xf32, #tpu.memory_space<vmem>>
      %dma_start3A_278 = arith.constant 0 : i32
      %dma_start3A_279 = tpu.memref_slice %arg9[%run_scoped3A_210, %dma_start3A_278] : memref<80x125xi32, #tpu.memory_space<vmem>> -> memref<1x125xi32, #tpu.memory_space<vmem>>
      %dma_start3A_280 = tpu.memref_squeeze %dma_start3A_279 : memref<1x125xi32, #tpu.memory_space<vmem>> -> memref<125xi32, #tpu.memory_space<vmem>>
      %dma_start3A_281 = arith.constant 0 : i32
      %dma_start3A_282 = arith.constant 0 : i32
      %dma_start3A_283 = tpu.memref_slice %arg7[%dma_start3A_281, %dma_start3A_282] : memref<10000x32xf32, #tpu.memory_space<vmem_shared>> -> memref<10000x32xf32, #tpu.memory_space<vmem_shared>>
      tpu.enqueue_indirect_dma source(%dma_start3A_277 : memref<125x32xf32, #tpu.memory_space<vmem>>) target(%dma_start3A_283 : memref<10000x32xf32, #tpu.memory_space<vmem_shared>>) offsets(%dma_start3A_280 : memref<125xi32, #tpu.memory_space<vmem>>) semaphore(%run_scoped3A_273 : memref<!tpu.dma_semaphore, #tpu.memory_space<semaphore_mem>>) {add = true}
      %dma_wait3A_284 = arith.constant 0 : i32
      %dma_wait3A_285 = arith.constant 0 : i32
      %dma_wait3A_286 = tpu.memref_slice %arg10[%run_scoped3A_209, %dma_wait3A_284, %dma_wait3A_285] : memref<10x125x32xf32, #tpu.memory_space<vmem>> -> memref<1x125x32xf32, #tpu.memory_space<vmem>>
      %dma_wait3A_287 = tpu.memref_squeeze %dma_wait3A_286 : memref<1x125x32xf32, #tpu.memory_space<vmem>> -> memref<125x32xf32, #tpu.memory_space<vmem>>
      %dma_wait3A_288 = arith.constant 0 : i32
      %dma_wait3A_289 = tpu.memref_slice %arg9[%run_scoped3A_210, %dma_wait3A_288] : memref<80x125xi32, #tpu.memory_space<vmem>> -> memref<1x125xi32, #tpu.memory_space<vmem>>
      %dma_wait3A_290 = tpu.memref_squeeze %dma_wait3A_289 : memref<1x125xi32, #tpu.memory_space<vmem>> -> memref<125xi32, #tpu.memory_space<vmem>>
      %dma_wait3A_291 = arith.constant 0 : i32
      %dma_wait3A_292 = arith.constant 0 : i32
      %dma_wait3A_293 = tpu.memref_slice %arg7[%dma_wait3A_291, %dma_wait3A_292] : memref<10000x32xf32, #tpu.memory_space<vmem_shared>> -> memref<10000x32xf32, #tpu.memory_space<vmem_shared>>
      tpu.wait_indirect_dma semaphore(%run_scoped3A_273 : memref<!tpu.dma_semaphore, #tpu.memory_space<semaphore_mem>>) src(%dma_wait3A_287 : memref<125x32xf32, #tpu.memory_space<vmem>>) dst(%dma_wait3A_293 : memref<10000x32xf32, #tpu.memory_space<vmem_shared>>)
      tpu.yield
    }) : () -> ()
    %dma_wait3A_211 = arith.constant 76 : i32
    %dma_wait3A_212 = arith.constant 6 : i32
    %dma_wait3A_213 = arith.constant 0 : i32
    %dma_wait3A_214 = arith.constant 0 : i32
    %dma_wait3A_215 = tpu.memref_slice %arg10[%dma_wait3A_212, %dma_wait3A_213, %dma_wait3A_214] : memref<10x125x32xf32, #tpu.memory_space<vmem>> -> memref<1x125x32xf32, #tpu.memory_space<vmem>>
    %dma_wait3A_216 = tpu.memref_squeeze %dma_wait3A_215 : memref<1x125x32xf32, #tpu.memory_space<vmem>> -> memref<125x32xf32, #tpu.memory_space<vmem>>
    %dma_wait3A_217 = arith.constant 0 : i32
    %dma_wait3A_218 = tpu.memref_slice %arg8[%dma_wait3A_211, %dma_wait3A_217] : memref<80x125xi32, #tpu.memory_space<vmem>> -> memref<1x125xi32, #tpu.memory_space<vmem>>
    %dma_wait3A_219 = tpu.memref_squeeze %dma_wait3A_218 : memref<1x125xi32, #tpu.memory_space<vmem>> -> memref<125xi32, #tpu.memory_space<vmem>>
    %dma_wait3A_220 = arith.constant 0 : i32
    %dma_wait3A_221 = arith.constant 0 : i32
    %dma_wait3A_222 = tpu.memref_slice %arg2[%dma_wait3A_220, %dma_wait3A_221] : memref<10000x32xf32, #tpu.memory_space<hbm>> -> memref<10000x32xf32, #tpu.memory_space<hbm>>
    tpu.wait_indirect_dma semaphore(%arg17 : memref<!tpu.dma_semaphore, #tpu.memory_space<semaphore_mem>>) src(%dma_wait3A_222 : memref<10000x32xf32, #tpu.memory_space<hbm>>) dst(%dma_wait3A_216 : memref<125x32xf32, #tpu.memory_space<vmem>>)
    %run_scoped3A_223 = arith.constant 6 : i32
    %run_scoped3A_224 = arith.constant 76 : i32
    "tpu.region"() ({
      %run_scoped3A_273 = tpu.sem_alloc : memref<!tpu.dma_semaphore, #tpu.memory_space<semaphore_mem>>
      %dma_start3A_274 = arith.constant 0 : i32
      %dma_start3A_275 = arith.constant 0 : i32
      %dma_start3A_276 = tpu.memref_slice %arg10[%run_scoped3A_223, %dma_start3A_274, %dma_start3A_275] : memref<10x125x32xf32, #tpu.memory_space<vmem>> -> memref<1x125x32xf32, #tpu.memory_space<vmem>>
      %dma_start3A_277 = tpu.memref_squeeze %dma_start3A_276 : memref<1x125x32xf32, #tpu.memory_space<vmem>> -> memref<125x32xf32, #tpu.memory_space<vmem>>
      %dma_start3A_278 = arith.constant 0 : i32
      %dma_start3A_279 = tpu.memref_slice %arg9[%run_scoped3A_224, %dma_start3A_278] : memref<80x125xi32, #tpu.memory_space<vmem>> -> memref<1x125xi32, #tpu.memory_space<vmem>>
      %dma_start3A_280 = tpu.memref_squeeze %dma_start3A_279 : memref<1x125xi32, #tpu.memory_space<vmem>> -> memref<125xi32, #tpu.memory_space<vmem>>
      %dma_start3A_281 = arith.constant 0 : i32
      %dma_start3A_282 = arith.constant 0 : i32
      %dma_start3A_283 = tpu.memref_slice %arg7[%dma_start3A_281, %dma_start3A_282] : memref<10000x32xf32, #tpu.memory_space<vmem_shared>> -> memref<10000x32xf32, #tpu.memory_space<vmem_shared>>
      tpu.enqueue_indirect_dma source(%dma_start3A_277 : memref<125x32xf32, #tpu.memory_space<vmem>>) target(%dma_start3A_283 : memref<10000x32xf32, #tpu.memory_space<vmem_shared>>) offsets(%dma_start3A_280 : memref<125xi32, #tpu.memory_space<vmem>>) semaphore(%run_scoped3A_273 : memref<!tpu.dma_semaphore, #tpu.memory_space<semaphore_mem>>) {add = true}
      %dma_wait3A_284 = arith.constant 0 : i32
      %dma_wait3A_285 = arith.constant 0 : i32
      %dma_wait3A_286 = tpu.memref_slice %arg10[%run_scoped3A_223, %dma_wait3A_284, %dma_wait3A_285] : memref<10x125x32xf32, #tpu.memory_space<vmem>> -> memref<1x125x32xf32, #tpu.memory_space<vmem>>
      %dma_wait3A_287 = tpu.memref_squeeze %dma_wait3A_286 : memref<1x125x32xf32, #tpu.memory_space<vmem>> -> memref<125x32xf32, #tpu.memory_space<vmem>>
      %dma_wait3A_288 = arith.constant 0 : i32
      %dma_wait3A_289 = tpu.memref_slice %arg9[%run_scoped3A_224, %dma_wait3A_288] : memref<80x125xi32, #tpu.memory_space<vmem>> -> memref<1x125xi32, #tpu.memory_space<vmem>>
      %dma_wait3A_290 = tpu.memref_squeeze %dma_wait3A_289 : memref<1x125xi32, #tpu.memory_space<vmem>> -> memref<125xi32, #tpu.memory_space<vmem>>
      %dma_wait3A_291 = arith.constant 0 : i32
      %dma_wait3A_292 = arith.constant 0 : i32
      %dma_wait3A_293 = tpu.memref_slice %arg7[%dma_wait3A_291, %dma_wait3A_292] : memref<10000x32xf32, #tpu.memory_space<vmem_shared>> -> memref<10000x32xf32, #tpu.memory_space<vmem_shared>>
      tpu.wait_indirect_dma semaphore(%run_scoped3A_273 : memref<!tpu.dma_semaphore, #tpu.memory_space<semaphore_mem>>) src(%dma_wait3A_287 : memref<125x32xf32, #tpu.memory_space<vmem>>) dst(%dma_wait3A_293 : memref<10000x32xf32, #tpu.memory_space<vmem_shared>>)
      tpu.yield
    }) : () -> ()
    %dma_wait3A_225 = arith.constant 77 : i32
    %dma_wait3A_226 = arith.constant 7 : i32
    %dma_wait3A_227 = arith.constant 0 : i32
    %dma_wait3A_228 = arith.constant 0 : i32
    %dma_wait3A_229 = tpu.memref_slice %arg10[%dma_wait3A_226, %dma_wait3A_227, %dma_wait3A_228] : memref<10x125x32xf32, #tpu.memory_space<vmem>> -> memref<1x125x32xf32, #tpu.memory_space<vmem>>
    %dma_wait3A_230 = tpu.memref_squeeze %dma_wait3A_229 : memref<1x125x32xf32, #tpu.memory_space<vmem>> -> memref<125x32xf32, #tpu.memory_space<vmem>>
    %dma_wait3A_231 = arith.constant 0 : i32
    %dma_wait3A_232 = tpu.memref_slice %arg8[%dma_wait3A_225, %dma_wait3A_231] : memref<80x125xi32, #tpu.memory_space<vmem>> -> memref<1x125xi32, #tpu.memory_space<vmem>>
    %dma_wait3A_233 = tpu.memref_squeeze %dma_wait3A_232 : memref<1x125xi32, #tpu.memory_space<vmem>> -> memref<125xi32, #tpu.memory_space<vmem>>
    %dma_wait3A_234 = arith.constant 0 : i32
    %dma_wait3A_235 = arith.constant 0 : i32
    %dma_wait3A_236 = tpu.memref_slice %arg2[%dma_wait3A_234, %dma_wait3A_235] : memref<10000x32xf32, #tpu.memory_space<hbm>> -> memref<10000x32xf32, #tpu.memory_space<hbm>>
    tpu.wait_indirect_dma semaphore(%arg18 : memref<!tpu.dma_semaphore, #tpu.memory_space<semaphore_mem>>) src(%dma_wait3A_236 : memref<10000x32xf32, #tpu.memory_space<hbm>>) dst(%dma_wait3A_230 : memref<125x32xf32, #tpu.memory_space<vmem>>)
    %run_scoped3A_237 = arith.constant 7 : i32
    %run_scoped3A_238 = arith.constant 77 : i32
    "tpu.region"() ({
      %run_scoped3A_273 = tpu.sem_alloc : memref<!tpu.dma_semaphore, #tpu.memory_space<semaphore_mem>>
      %dma_start3A_274 = arith.constant 0 : i32
      %dma_start3A_275 = arith.constant 0 : i32
      %dma_start3A_276 = tpu.memref_slice %arg10[%run_scoped3A_237, %dma_start3A_274, %dma_start3A_275] : memref<10x125x32xf32, #tpu.memory_space<vmem>> -> memref<1x125x32xf32, #tpu.memory_space<vmem>>
      %dma_start3A_277 = tpu.memref_squeeze %dma_start3A_276 : memref<1x125x32xf32, #tpu.memory_space<vmem>> -> memref<125x32xf32, #tpu.memory_space<vmem>>
      %dma_start3A_278 = arith.constant 0 : i32
      %dma_start3A_279 = tpu.memref_slice %arg9[%run_scoped3A_238, %dma_start3A_278] : memref<80x125xi32, #tpu.memory_space<vmem>> -> memref<1x125xi32, #tpu.memory_space<vmem>>
      %dma_start3A_280 = tpu.memref_squeeze %dma_start3A_279 : memref<1x125xi32, #tpu.memory_space<vmem>> -> memref<125xi32, #tpu.memory_space<vmem>>
      %dma_start3A_281 = arith.constant 0 : i32
      %dma_start3A_282 = arith.constant 0 : i32
      %dma_start3A_283 = tpu.memref_slice %arg7[%dma_start3A_281, %dma_start3A_282] : memref<10000x32xf32, #tpu.memory_space<vmem_shared>> -> memref<10000x32xf32, #tpu.memory_space<vmem_shared>>
      tpu.enqueue_indirect_dma source(%dma_start3A_277 : memref<125x32xf32, #tpu.memory_space<vmem>>) target(%dma_start3A_283 : memref<10000x32xf32, #tpu.memory_space<vmem_shared>>) offsets(%dma_start3A_280 : memref<125xi32, #tpu.memory_space<vmem>>) semaphore(%run_scoped3A_273 : memref<!tpu.dma_semaphore, #tpu.memory_space<semaphore_mem>>) {add = true}
      %dma_wait3A_284 = arith.constant 0 : i32
      %dma_wait3A_285 = arith.constant 0 : i32
      %dma_wait3A_286 = tpu.memref_slice %arg10[%run_scoped3A_237, %dma_wait3A_284, %dma_wait3A_285] : memref<10x125x32xf32, #tpu.memory_space<vmem>> -> memref<1x125x32xf32, #tpu.memory_space<vmem>>
      %dma_wait3A_287 = tpu.memref_squeeze %dma_wait3A_286 : memref<1x125x32xf32, #tpu.memory_space<vmem>> -> memref<125x32xf32, #tpu.memory_space<vmem>>
      %dma_wait3A_288 = arith.constant 0 : i32
      %dma_wait3A_289 = tpu.memref_slice %arg9[%run_scoped3A_238, %dma_wait3A_288] : memref<80x125xi32, #tpu.memory_space<vmem>> -> memref<1x125xi32, #tpu.memory_space<vmem>>
      %dma_wait3A_290 = tpu.memref_squeeze %dma_wait3A_289 : memref<1x125xi32, #tpu.memory_space<vmem>> -> memref<125xi32, #tpu.memory_space<vmem>>
      %dma_wait3A_291 = arith.constant 0 : i32
      %dma_wait3A_292 = arith.constant 0 : i32
      %dma_wait3A_293 = tpu.memref_slice %arg7[%dma_wait3A_291, %dma_wait3A_292] : memref<10000x32xf32, #tpu.memory_space<vmem_shared>> -> memref<10000x32xf32, #tpu.memory_space<vmem_shared>>
      tpu.wait_indirect_dma semaphore(%run_scoped3A_273 : memref<!tpu.dma_semaphore, #tpu.memory_space<semaphore_mem>>) src(%dma_wait3A_287 : memref<125x32xf32, #tpu.memory_space<vmem>>) dst(%dma_wait3A_293 : memref<10000x32xf32, #tpu.memory_space<vmem_shared>>)
      tpu.yield
    }) : () -> ()
    %dma_wait3A_239 = arith.constant 78 : i32
    %dma_wait3A_240 = arith.constant 8 : i32
    %dma_wait3A_241 = arith.constant 0 : i32
    %dma_wait3A_242 = arith.constant 0 : i32
    %dma_wait3A_243 = tpu.memref_slice %arg10[%dma_wait3A_240, %dma_wait3A_241, %dma_wait3A_242] : memref<10x125x32xf32, #tpu.memory_space<vmem>> -> memref<1x125x32xf32, #tpu.memory_space<vmem>>
    %dma_wait3A_244 = tpu.memref_squeeze %dma_wait3A_243 : memref<1x125x32xf32, #tpu.memory_space<vmem>> -> memref<125x32xf32, #tpu.memory_space<vmem>>
    %dma_wait3A_245 = arith.constant 0 : i32
    %dma_wait3A_246 = tpu.memref_slice %arg8[%dma_wait3A_239, %dma_wait3A_245] : memref<80x125xi32, #tpu.memory_space<vmem>> -> memref<1x125xi32, #tpu.memory_space<vmem>>
    %dma_wait3A_247 = tpu.memref_squeeze %dma_wait3A_246 : memref<1x125xi32, #tpu.memory_space<vmem>> -> memref<125xi32, #tpu.memory_space<vmem>>
    %dma_wait3A_248 = arith.constant 0 : i32
    %dma_wait3A_249 = arith.constant 0 : i32
    %dma_wait3A_250 = tpu.memref_slice %arg2[%dma_wait3A_248, %dma_wait3A_249] : memref<10000x32xf32, #tpu.memory_space<hbm>> -> memref<10000x32xf32, #tpu.memory_space<hbm>>
    tpu.wait_indirect_dma semaphore(%arg19 : memref<!tpu.dma_semaphore, #tpu.memory_space<semaphore_mem>>) src(%dma_wait3A_250 : memref<10000x32xf32, #tpu.memory_space<hbm>>) dst(%dma_wait3A_244 : memref<125x32xf32, #tpu.memory_space<vmem>>)
    %run_scoped3A_251 = arith.constant 8 : i32
    %run_scoped3A_252 = arith.constant 78 : i32
    "tpu.region"() ({
      %run_scoped3A_273 = tpu.sem_alloc : memref<!tpu.dma_semaphore, #tpu.memory_space<semaphore_mem>>
      %dma_start3A_274 = arith.constant 0 : i32
      %dma_start3A_275 = arith.constant 0 : i32
      %dma_start3A_276 = tpu.memref_slice %arg10[%run_scoped3A_251, %dma_start3A_274, %dma_start3A_275] : memref<10x125x32xf32, #tpu.memory_space<vmem>> -> memref<1x125x32xf32, #tpu.memory_space<vmem>>
      %dma_start3A_277 = tpu.memref_squeeze %dma_start3A_276 : memref<1x125x32xf32, #tpu.memory_space<vmem>> -> memref<125x32xf32, #tpu.memory_space<vmem>>
      %dma_start3A_278 = arith.constant 0 : i32
      %dma_start3A_279 = tpu.memref_slice %arg9[%run_scoped3A_252, %dma_start3A_278] : memref<80x125xi32, #tpu.memory_space<vmem>> -> memref<1x125xi32, #tpu.memory_space<vmem>>
      %dma_start3A_280 = tpu.memref_squeeze %dma_start3A_279 : memref<1x125xi32, #tpu.memory_space<vmem>> -> memref<125xi32, #tpu.memory_space<vmem>>
      %dma_start3A_281 = arith.constant 0 : i32
      %dma_start3A_282 = arith.constant 0 : i32
      %dma_start3A_283 = tpu.memref_slice %arg7[%dma_start3A_281, %dma_start3A_282] : memref<10000x32xf32, #tpu.memory_space<vmem_shared>> -> memref<10000x32xf32, #tpu.memory_space<vmem_shared>>
      tpu.enqueue_indirect_dma source(%dma_start3A_277 : memref<125x32xf32, #tpu.memory_space<vmem>>) target(%dma_start3A_283 : memref<10000x32xf32, #tpu.memory_space<vmem_shared>>) offsets(%dma_start3A_280 : memref<125xi32, #tpu.memory_space<vmem>>) semaphore(%run_scoped3A_273 : memref<!tpu.dma_semaphore, #tpu.memory_space<semaphore_mem>>) {add = true}
      %dma_wait3A_284 = arith.constant 0 : i32
      %dma_wait3A_285 = arith.constant 0 : i32
      %dma_wait3A_286 = tpu.memref_slice %arg10[%run_scoped3A_251, %dma_wait3A_284, %dma_wait3A_285] : memref<10x125x32xf32, #tpu.memory_space<vmem>> -> memref<1x125x32xf32, #tpu.memory_space<vmem>>
      %dma_wait3A_287 = tpu.memref_squeeze %dma_wait3A_286 : memref<1x125x32xf32, #tpu.memory_space<vmem>> -> memref<125x32xf32, #tpu.memory_space<vmem>>
      %dma_wait3A_288 = arith.constant 0 : i32
      %dma_wait3A_289 = tpu.memref_slice %arg9[%run_scoped3A_252, %dma_wait3A_288] : memref<80x125xi32, #tpu.memory_space<vmem>> -> memref<1x125xi32, #tpu.memory_space<vmem>>
      %dma_wait3A_290 = tpu.memref_squeeze %dma_wait3A_289 : memref<1x125xi32, #tpu.memory_space<vmem>> -> memref<125xi32, #tpu.memory_space<vmem>>
      %dma_wait3A_291 = arith.constant 0 : i32
      %dma_wait3A_292 = arith.constant 0 : i32
      %dma_wait3A_293 = tpu.memref_slice %arg7[%dma_wait3A_291, %dma_wait3A_292] : memref<10000x32xf32, #tpu.memory_space<vmem_shared>> -> memref<10000x32xf32, #tpu.memory_space<vmem_shared>>
      tpu.wait_indirect_dma semaphore(%run_scoped3A_273 : memref<!tpu.dma_semaphore, #tpu.memory_space<semaphore_mem>>) src(%dma_wait3A_287 : memref<125x32xf32, #tpu.memory_space<vmem>>) dst(%dma_wait3A_293 : memref<10000x32xf32, #tpu.memory_space<vmem_shared>>)
      tpu.yield
    }) : () -> ()
    %dma_wait3A_253 = arith.constant 79 : i32
    %dma_wait3A_254 = arith.constant 9 : i32
    %dma_wait3A_255 = arith.constant 0 : i32
    %dma_wait3A_256 = arith.constant 0 : i32
    %dma_wait3A_257 = tpu.memref_slice %arg10[%dma_wait3A_254, %dma_wait3A_255, %dma_wait3A_256] : memref<10x125x32xf32, #tpu.memory_space<vmem>> -> memref<1x125x32xf32, #tpu.memory_space<vmem>>
    %dma_wait3A_258 = tpu.memref_squeeze %dma_wait3A_257 : memref<1x125x32xf32, #tpu.memory_space<vmem>> -> memref<125x32xf32, #tpu.memory_space<vmem>>
    %dma_wait3A_259 = arith.constant 0 : i32
    %dma_wait3A_260 = tpu.memref_slice %arg8[%dma_wait3A_253, %dma_wait3A_259] : memref<80x125xi32, #tpu.memory_space<vmem>> -> memref<1x125xi32, #tpu.memory_space<vmem>>
    %dma_wait3A_261 = tpu.memref_squeeze %dma_wait3A_260 : memref<1x125xi32, #tpu.memory_space<vmem>> -> memref<125xi32, #tpu.memory_space<vmem>>
    %dma_wait3A_262 = arith.constant 0 : i32
    %dma_wait3A_263 = arith.constant 0 : i32
    %dma_wait3A_264 = tpu.memref_slice %arg2[%dma_wait3A_262, %dma_wait3A_263] : memref<10000x32xf32, #tpu.memory_space<hbm>> -> memref<10000x32xf32, #tpu.memory_space<hbm>>
    tpu.wait_indirect_dma semaphore(%arg20 : memref<!tpu.dma_semaphore, #tpu.memory_space<semaphore_mem>>) src(%dma_wait3A_264 : memref<10000x32xf32, #tpu.memory_space<hbm>>) dst(%dma_wait3A_258 : memref<125x32xf32, #tpu.memory_space<vmem>>)
    %run_scoped3A_265 = arith.constant 9 : i32
    %run_scoped3A_266 = arith.constant 79 : i32
    "tpu.region"() ({
      %run_scoped3A_273 = tpu.sem_alloc : memref<!tpu.dma_semaphore, #tpu.memory_space<semaphore_mem>>
      %dma_start3A_274 = arith.constant 0 : i32
      %dma_start3A_275 = arith.constant 0 : i32
      %dma_start3A_276 = tpu.memref_slice %arg10[%run_scoped3A_265, %dma_start3A_274, %dma_start3A_275] : memref<10x125x32xf32, #tpu.memory_space<vmem>> -> memref<1x125x32xf32, #tpu.memory_space<vmem>>
      %dma_start3A_277 = tpu.memref_squeeze %dma_start3A_276 : memref<1x125x32xf32, #tpu.memory_space<vmem>> -> memref<125x32xf32, #tpu.memory_space<vmem>>
      %dma_start3A_278 = arith.constant 0 : i32
      %dma_start3A_279 = tpu.memref_slice %arg9[%run_scoped3A_266, %dma_start3A_278] : memref<80x125xi32, #tpu.memory_space<vmem>> -> memref<1x125xi32, #tpu.memory_space<vmem>>
      %dma_start3A_280 = tpu.memref_squeeze %dma_start3A_279 : memref<1x125xi32, #tpu.memory_space<vmem>> -> memref<125xi32, #tpu.memory_space<vmem>>
      %dma_start3A_281 = arith.constant 0 : i32
      %dma_start3A_282 = arith.constant 0 : i32
      %dma_start3A_283 = tpu.memref_slice %arg7[%dma_start3A_281, %dma_start3A_282] : memref<10000x32xf32, #tpu.memory_space<vmem_shared>> -> memref<10000x32xf32, #tpu.memory_space<vmem_shared>>
      tpu.enqueue_indirect_dma source(%dma_start3A_277 : memref<125x32xf32, #tpu.memory_space<vmem>>) target(%dma_start3A_283 : memref<10000x32xf32, #tpu.memory_space<vmem_shared>>) offsets(%dma_start3A_280 : memref<125xi32, #tpu.memory_space<vmem>>) semaphore(%run_scoped3A_273 : memref<!tpu.dma_semaphore, #tpu.memory_space<semaphore_mem>>) {add = true}
      %dma_wait3A_284 = arith.constant 0 : i32
      %dma_wait3A_285 = arith.constant 0 : i32
      %dma_wait3A_286 = tpu.memref_slice %arg10[%run_scoped3A_265, %dma_wait3A_284, %dma_wait3A_285] : memref<10x125x32xf32, #tpu.memory_space<vmem>> -> memref<1x125x32xf32, #tpu.memory_space<vmem>>
      %dma_wait3A_287 = tpu.memref_squeeze %dma_wait3A_286 : memref<1x125x32xf32, #tpu.memory_space<vmem>> -> memref<125x32xf32, #tpu.memory_space<vmem>>
      %dma_wait3A_288 = arith.constant 0 : i32
      %dma_wait3A_289 = tpu.memref_slice %arg9[%run_scoped3A_266, %dma_wait3A_288] : memref<80x125xi32, #tpu.memory_space<vmem>> -> memref<1x125xi32, #tpu.memory_space<vmem>>
      %dma_wait3A_290 = tpu.memref_squeeze %dma_wait3A_289 : memref<1x125xi32, #tpu.memory_space<vmem>> -> memref<125xi32, #tpu.memory_space<vmem>>
      %dma_wait3A_291 = arith.constant 0 : i32
      %dma_wait3A_292 = arith.constant 0 : i32
      %dma_wait3A_293 = tpu.memref_slice %arg7[%dma_wait3A_291, %dma_wait3A_292] : memref<10000x32xf32, #tpu.memory_space<vmem_shared>> -> memref<10000x32xf32, #tpu.memory_space<vmem_shared>>
      tpu.wait_indirect_dma semaphore(%run_scoped3A_273 : memref<!tpu.dma_semaphore, #tpu.memory_space<semaphore_mem>>) src(%dma_wait3A_287 : memref<125x32xf32, #tpu.memory_space<vmem>>) dst(%dma_wait3A_293 : memref<10000x32xf32, #tpu.memory_space<vmem_shared>>)
      tpu.yield
    }) : () -> ()
    %barrier3A_267 = arith.constant 0 : index
    tpu.barrier barrier_id(%barrier3A_267)
    %lt3A_268 = arith.constant 10 : i32
    %lt3A_269 = arith.cmpi slt, %arg1, %lt3A_268 : i32
    %convert_element_type3A_270 = arith.extui %lt3A_269 : i1 to i32
    %cond3A_271 = arith.constant 0 : i32
    %cond3A_272 = arith.cmpi ne, %convert_element_type3A_270, %cond3A_271 : i32
    scf.if %cond3A_272 {
      %mul3A_273 = arith.constant 1000 : i32
      %mul3A_274 = arith.muli %arg1, %mul3A_273 : i32
      "tpu.region"() ({
        %run_scoped3A_275 = tpu.sem_alloc : memref<!tpu.dma_semaphore, #tpu.memory_space<semaphore_mem>>
        %dma_start3A_276 = arith.constant 0 : i32
        %dma_start3A_277 = tpu.memref_slice %arg6[%arg0, %mul3A_274, %dma_start3A_276] : memref<2x10000x32xf32, #tpu.memory_space<hbm>> -> memref<1x1000x32xf32, #tpu.memory_space<hbm>>
        %dma_start3A_278 = tpu.memref_squeeze %dma_start3A_277 : memref<1x1000x32xf32, #tpu.memory_space<hbm>> -> memref<1000x32xf32, #tpu.memory_space<hbm>>
        %dma_start3A_279 = arith.constant 0 : i32
        %dma_start3A_280 = tpu.memref_slice %arg7[%mul3A_274, %dma_start3A_279] : memref<10000x32xf32, #tpu.memory_space<vmem_shared>> -> memref<1000x32xf32, #tpu.memory_space<vmem_shared>>
        tpu.enqueue_dma source(%dma_start3A_280 : memref<1000x32xf32, #tpu.memory_space<vmem_shared>>) target(%dma_start3A_278 : memref<1000x32xf32, #tpu.memory_space<hbm>>) target_semaphore(%run_scoped3A_275 : memref<!tpu.dma_semaphore, #tpu.memory_space<semaphore_mem>>)
        %dma_wait3A_281 = arith.constant 0 : i32
        %dma_wait3A_282 = tpu.memref_slice %arg6[%arg0, %mul3A_274, %dma_wait3A_281] : memref<2x10000x32xf32, #tpu.memory_space<hbm>> -> memref<1x1000x32xf32, #tpu.memory_space<hbm>>
        %dma_wait3A_283 = tpu.memref_squeeze %dma_wait3A_282 : memref<1x1000x32xf32, #tpu.memory_space<hbm>> -> memref<1000x32xf32, #tpu.memory_space<hbm>>
        %dma_wait3A_284 = arith.constant 0 : i32
        %dma_wait3A_285 = tpu.memref_slice %arg7[%mul3A_274, %dma_wait3A_284] : memref<10000x32xf32, #tpu.memory_space<vmem_shared>> -> memref<1000x32xf32, #tpu.memory_space<vmem_shared>>
        tpu.wait_dma2 semaphore(%run_scoped3A_275 : memref<!tpu.dma_semaphore, #tpu.memory_space<semaphore_mem>>) src(%dma_wait3A_285 : memref<1000x32xf32, #tpu.memory_space<vmem_shared>>) dst(%dma_wait3A_283 : memref<1000x32xf32, #tpu.memory_space<hbm>>)
        tpu.yield
      }) : () -> ()
    } else {
    }
    return
  }
}

module attributes {stable_mosaic.version = 14 : i64} {
  func.func @_tc1_body(%arg0: i32, %arg1: memref<2500x512xf32, #tpu.memory_space<vmem>>, %arg2: memref<512x128xf32, #tpu.memory_space<vmem>>, %arg3: memref<2x2500x128xf32, #tpu.memory_space<vmem>>, %arg4: memref<2500x128xf32, #tpu.memory_space<vmem>>) attributes {dimension_semantics = [#tpu.dimension_semantics<arbitrary>], iteration_bounds = array<i64: 1>, scalar_prefetch = 0 : i64, scratch_operands = 0 : i64, tpu.core_type = #tpu.core_type<tc>, window_params = [{pipeline_mode = #tpu.pipeline_mode<synchronous>, transform_indices = @transform_0, window_bounds = array<i64: 2500, 512>}, {pipeline_mode = #tpu.pipeline_mode<synchronous>, transform_indices = @transform_1, window_bounds = array<i64: 512, 128>}, {pipeline_mode = #tpu.pipeline_mode<synchronous>, transform_indices = @transform_2, window_bounds = array<i64: 2, 2500, 128>}, {pipeline_mode = #tpu.pipeline_mode<synchronous>, transform_indices = @transform_3, window_bounds = array<i64: 2500, 128>}]} {
    %get3A = arith.constant 0 : index
    %get3A_0 = arith.constant 0 : index
    %get3A_1 = vector.load %arg1[%get3A, %get3A_0] : memref<2500x512xf32, #tpu.memory_space<vmem>>, vector<2500x512xf32>
    %get3A_2 = arith.constant 0 : index
    %get3A_3 = arith.constant 0 : index
    %get3A_4 = vector.load %arg2[%get3A_2, %get3A_3] : memref<512x128xf32, #tpu.memory_space<vmem>>, vector<512x128xf32>
    %dot_general3A = arith.constant dense<0.000000e+00> : vector<2500x128xf32>
    %dot_general3A_5 = tpu.matmul %get3A_1, %get3A_4, %dot_general3A {dimension_numbers = #tpu.dot_dimension_numbers<[1], [0], [0], [1], [0, 0, 1, 1], [], []>, transpose_lhs_hint = false} : vector<2500x512xf32>, vector<512x128xf32>, vector<2500x128xf32> -> vector<2500x128xf32>
    %get3A_6 = arith.constant 0 : index
    %get3A_7 = arith.constant 0 : index
    %get3A_8 = arith.constant 0 : index
    %get3A_9 = vector.load %arg3[%get3A_6, %get3A_7, %get3A_8] : memref<2x2500x128xf32, #tpu.memory_space<vmem>>, vector<1x2500x128xf32>
    %get3A_10 = vector.shape_cast %get3A_9 : vector<1x2500x128xf32> to vector<2500x128xf32>
    %get3A_11 = arith.constant 1 : index
    %get3A_12 = arith.constant 0 : index
    %get3A_13 = arith.constant 0 : index
    %get3A_14 = vector.load %arg3[%get3A_11, %get3A_12, %get3A_13] : memref<2x2500x128xf32, #tpu.memory_space<vmem>>, vector<1x2500x128xf32>
    %get3A_15 = vector.shape_cast %get3A_14 : vector<1x2500x128xf32> to vector<2500x128xf32>
    %add3A = arith.addf %get3A_10, %get3A_15 : vector<2500x128xf32>
    %add3A_16 = arith.constant 1.000000e+00 : f32
    %add3A_17 = vector.broadcast %add3A_16 : f32 to vector<2500x128xf32>
    %add3A_18 = arith.addf %add3A, %add3A_17 : vector<2500x128xf32>
    %rsqrt3A = math.rsqrt %add3A_18 : vector<2500x128xf32>
    %mul3A = arith.mulf %dot_general3A_5, %rsqrt3A : vector<2500x128xf32>
    %swap3A = arith.constant 0 : index
    %swap3A_19 = arith.constant 0 : index
    %swap3A_20 = vector.load %arg4[%swap3A, %swap3A_19] : memref<2500x128xf32, #tpu.memory_space<vmem>>, vector<2500x128xf32>
    tpu.vector_store %arg4[%swap3A, %swap3A_19], %mul3A {strides = array<i32>} : memref<2500x128xf32, #tpu.memory_space<vmem>>, vector<2500x128xf32>,
    return
  }
  func.func @transform_0(%arg0: i32) -> (i32, i32) {
    %c0_i32 = arith.constant 0 : i32
    %c0_i32_0 = arith.constant 0 : i32
    %c0_i32_1 = arith.constant 0 : i32
    return %c0_i32, %c0_i32_0 : i32, i32
  }
  func.func @transform_1(%arg0: i32) -> (i32, i32) {
    %c0_i32 = arith.constant 0 : i32
    %c0_i32_0 = arith.constant 0 : i32
    %c0_i32_1 = arith.constant 0 : i32
    return %c0_i32, %c0_i32_0 : i32, i32
  }
  func.func @transform_2(%arg0: i32) -> (i32, i32, i32) {
    %c0_i32 = arith.constant 0 : i32
    %c0_i32_0 = arith.constant 0 : i32
    %c0_i32_1 = arith.constant 0 : i32
    %c0_i32_2 = arith.constant 0 : i32
    return %c0_i32, %c0_i32_0, %c0_i32_1 : i32, i32, i32
  }
  func.func @transform_3(%arg0: i32) -> (i32, i32) {
    %c0_i32 = arith.constant 0 : i32
    %c0_i32_0 = arith.constant 0 : i32
    %c0_i32_1 = arith.constant 0 : i32
    return %c0_i32, %c0_i32_0 : i32, i32
  }
}

module attributes {stable_mosaic.version = 14 : i64} {
  func.func @_tc2_body(%arg0: i32, %arg1: memref<2500x128xf32, #tpu.memory_space<vmem>>, %arg2: memref<2x2500x128xf32, #tpu.memory_space<vmem>>, %arg3: memref<2x2500x128xf32, #tpu.memory_space<vmem>>, %arg4: memref<1x128xf32, #tpu.memory_space<vmem>>, %arg5: memref<2500x128xf32, #tpu.memory_space<vmem>>) attributes {dimension_semantics = [#tpu.dimension_semantics<arbitrary>], iteration_bounds = array<i64: 1>, scalar_prefetch = 0 : i64, scratch_operands = 0 : i64, tpu.core_type = #tpu.core_type<tc>, window_params = [{pipeline_mode = #tpu.pipeline_mode<synchronous>, transform_indices = @transform_0, window_bounds = array<i64: 2500, 128>}, {pipeline_mode = #tpu.pipeline_mode<synchronous>, transform_indices = @transform_1, window_bounds = array<i64: 2, 2500, 128>}, {pipeline_mode = #tpu.pipeline_mode<synchronous>, transform_indices = @transform_2, window_bounds = array<i64: 2, 2500, 128>}, {pipeline_mode = #tpu.pipeline_mode<synchronous>, transform_indices = @transform_3, window_bounds = array<i64: 1, 128>}, {pipeline_mode = #tpu.pipeline_mode<synchronous>, transform_indices = @transform_4, window_bounds = array<i64: 2500, 128>}]} {
    %get3A = arith.constant 0 : index
    %get3A_0 = arith.constant 0 : index
    %get3A_1 = arith.constant 0 : index
    %get3A_2 = vector.load %arg3[%get3A, %get3A_0, %get3A_1] : memref<2x2500x128xf32, #tpu.memory_space<vmem>>, vector<1x2500x128xf32>
    %get3A_3 = vector.shape_cast %get3A_2 : vector<1x2500x128xf32> to vector<2500x128xf32>
    %get3A_4 = arith.constant 1 : index
    %get3A_5 = arith.constant 0 : index
    %get3A_6 = arith.constant 0 : index
    %get3A_7 = vector.load %arg3[%get3A_4, %get3A_5, %get3A_6] : memref<2x2500x128xf32, #tpu.memory_space<vmem>>, vector<1x2500x128xf32>
    %get3A_8 = vector.shape_cast %get3A_7 : vector<1x2500x128xf32> to vector<2500x128xf32>
    %add3A = arith.addf %get3A_3, %get3A_8 : vector<2500x128xf32>
    %add3A_9 = arith.constant 1.000000e+00 : f32
    %add3A_10 = vector.broadcast %add3A_9 : f32 to vector<2500x128xf32>
    %add3A_11 = arith.addf %add3A, %add3A_10 : vector<2500x128xf32>
    %rsqrt3A = math.rsqrt %add3A_11 : vector<2500x128xf32>
    %get3A_12 = arith.constant 0 : index
    %get3A_13 = arith.constant 0 : index
    %get3A_14 = vector.load %arg1[%get3A_12, %get3A_13] : memref<2500x128xf32, #tpu.memory_space<vmem>>, vector<2500x128xf32>
    %get3A_15 = arith.constant 0 : index
    %get3A_16 = arith.constant 0 : index
    %get3A_17 = arith.constant 0 : index
    %get3A_18 = vector.load %arg2[%get3A_15, %get3A_16, %get3A_17] : memref<2x2500x128xf32, #tpu.memory_space<vmem>>, vector<1x2500x128xf32>
    %get3A_19 = vector.shape_cast %get3A_18 : vector<1x2500x128xf32> to vector<2500x128xf32>
    %add3A_20 = arith.addf %get3A_14, %get3A_19 : vector<2500x128xf32>
    %get3A_21 = arith.constant 1 : index
    %get3A_22 = arith.constant 0 : index
    %get3A_23 = arith.constant 0 : index
    %get3A_24 = vector.load %arg2[%get3A_21, %get3A_22, %get3A_23] : memref<2x2500x128xf32, #tpu.memory_space<vmem>>, vector<1x2500x128xf32>
    %get3A_25 = vector.shape_cast %get3A_24 : vector<1x2500x128xf32> to vector<2500x128xf32>
    %add3A_26 = arith.addf %add3A_20, %get3A_25 : vector<2500x128xf32>
    %mul3A = arith.mulf %rsqrt3A, %add3A_26 : vector<2500x128xf32>
    %get3A_27 = arith.constant 0 : index
    %get3A_28 = arith.constant 0 : index
    %get3A_29 = vector.load %arg4[%get3A_27, %get3A_28] : memref<1x128xf32, #tpu.memory_space<vmem>>, vector<1x128xf32>
    %add3A_30 = vector.broadcast %get3A_29 : vector<1x128xf32> to vector<2500x128xf32>
    %add3A_31 = arith.addf %mul3A, %add3A_30 : vector<2500x128xf32>
    %max3A = arith.constant 0.000000e+00 : f32
    %max3A_32 = vector.broadcast %max3A : f32 to vector<2500x128xf32>
    %max3A_33 = arith.maximumf %add3A_31, %max3A_32 : vector<2500x128xf32>
    %mul3A_34 = arith.mulf %rsqrt3A, %max3A_33 : vector<2500x128xf32>
    %swap3A = arith.constant 0 : index
    %swap3A_35 = arith.constant 0 : index
    %swap3A_36 = vector.load %arg5[%swap3A, %swap3A_35] : memref<2500x128xf32, #tpu.memory_space<vmem>>, vector<2500x128xf32>
    tpu.vector_store %arg5[%swap3A, %swap3A_35], %mul3A_34 {strides = array<i32>} : memref<2500x128xf32, #tpu.memory_space<vmem>>, vector<2500x128xf32>,
    return
  }
  func.func @transform_0(%arg0: i32) -> (i32, i32) {
    %c0_i32 = arith.constant 0 : i32
    %c0_i32_0 = arith.constant 0 : i32
    %c0_i32_1 = arith.constant 0 : i32
    return %c0_i32, %c0_i32_0 : i32, i32
  }
  func.func @transform_1(%arg0: i32) -> (i32, i32, i32) {
    %c0_i32 = arith.constant 0 : i32
    %c0_i32_0 = arith.constant 0 : i32
    %c0_i32_1 = arith.constant 0 : i32
    %c0_i32_2 = arith.constant 0 : i32
    return %c0_i32, %c0_i32_0, %c0_i32_1 : i32, i32, i32
  }
  func.func @transform_2(%arg0: i32) -> (i32, i32, i32) {
    %c0_i32 = arith.constant 0 : i32
    %c0_i32_0 = arith.constant 0 : i32
    %c0_i32_1 = arith.constant 0 : i32
    %c0_i32_2 = arith.constant 0 : i32
    return %c0_i32, %c0_i32_0, %c0_i32_1 : i32, i32, i32
  }
  func.func @transform_3(%arg0: i32) -> (i32, i32) {
    %c0_i32 = arith.constant 0 : i32
    %c0_i32_0 = arith.constant 0 : i32
    %c0_i32_1 = arith.constant 0 : i32
    return %c0_i32, %c0_i32_0 : i32, i32
  }
  func.func @transform_4(%arg0: i32) -> (i32, i32) {
    %c0_i32 = arith.constant 0 : i32
    %c0_i32_0 = arith.constant 0 : i32
    %c0_i32_1 = arith.constant 0 : i32
    return %c0_i32, %c0_i32_0 : i32, i32
  }
}

module attributes {stable_mosaic.version = 14 : i64} {
  func.func @_tc3_body(%arg0: i32, %arg1: memref<2500x128xf32, #tpu.memory_space<vmem>>, %arg2: memref<2x2500x128xf32, #tpu.memory_space<vmem>>, %arg3: memref<2x2500x128xf32, #tpu.memory_space<vmem>>, %arg4: memref<128x64xf32, #tpu.memory_space<vmem>>, %arg5: memref<1x64xf32, #tpu.memory_space<vmem>>, %arg6: memref<128x64xf32, #tpu.memory_space<vmem>>, %arg7: memref<1x64xf32, #tpu.memory_space<vmem>>, %arg8: memref<2500x64xf32, #tpu.memory_space<vmem>>, %arg9: memref<2500x64xf32, #tpu.memory_space<vmem>>) attributes {dimension_semantics = [#tpu.dimension_semantics<arbitrary>], iteration_bounds = array<i64: 1>, scalar_prefetch = 0 : i64, scratch_operands = 0 : i64, tpu.core_type = #tpu.core_type<tc>, window_params = [{pipeline_mode = #tpu.pipeline_mode<synchronous>, transform_indices = @transform_0, window_bounds = array<i64: 2500, 128>}, {pipeline_mode = #tpu.pipeline_mode<synchronous>, transform_indices = @transform_1, window_bounds = array<i64: 2, 2500, 128>}, {pipeline_mode = #tpu.pipeline_mode<synchronous>, transform_indices = @transform_2, window_bounds = array<i64: 2, 2500, 128>}, {pipeline_mode = #tpu.pipeline_mode<synchronous>, transform_indices = @transform_3, window_bounds = array<i64: 128, 64>}, {pipeline_mode = #tpu.pipeline_mode<synchronous>, transform_indices = @transform_4, window_bounds = array<i64: 1, 64>}, {pipeline_mode = #tpu.pipeline_mode<synchronous>, transform_indices = @transform_5, window_bounds = array<i64: 128, 64>}, {pipeline_mode = #tpu.pipeline_mode<synchronous>, transform_indices = @transform_6, window_bounds = array<i64: 1, 64>}, {pipeline_mode = #tpu.pipeline_mode<synchronous>, transform_indices = @transform_7, window_bounds = array<i64: 2500, 64>}, {pipeline_mode = #tpu.pipeline_mode<synchronous>, transform_indices = @transform_8, window_bounds = array<i64: 2500, 64>}]} {
    %get3A = arith.constant 0 : index
    %get3A_0 = arith.constant 0 : index
    %get3A_1 = arith.constant 0 : index
    %get3A_2 = vector.load %arg3[%get3A, %get3A_0, %get3A_1] : memref<2x2500x128xf32, #tpu.memory_space<vmem>>, vector<1x2500x128xf32>
    %get3A_3 = vector.shape_cast %get3A_2 : vector<1x2500x128xf32> to vector<2500x128xf32>
    %get3A_4 = arith.constant 1 : index
    %get3A_5 = arith.constant 0 : index
    %get3A_6 = arith.constant 0 : index
    %get3A_7 = vector.load %arg3[%get3A_4, %get3A_5, %get3A_6] : memref<2x2500x128xf32, #tpu.memory_space<vmem>>, vector<1x2500x128xf32>
    %get3A_8 = vector.shape_cast %get3A_7 : vector<1x2500x128xf32> to vector<2500x128xf32>
    %add3A = arith.addf %get3A_3, %get3A_8 : vector<2500x128xf32>
    %add3A_9 = arith.constant 1.000000e+00 : f32
    %add3A_10 = vector.broadcast %add3A_9 : f32 to vector<2500x128xf32>
    %add3A_11 = arith.addf %add3A, %add3A_10 : vector<2500x128xf32>
    %rsqrt3A = math.rsqrt %add3A_11 : vector<2500x128xf32>
    %get3A_12 = arith.constant 0 : index
    %get3A_13 = arith.constant 0 : index
    %get3A_14 = vector.load %arg1[%get3A_12, %get3A_13] : memref<2500x128xf32, #tpu.memory_space<vmem>>, vector<2500x128xf32>
    %get3A_15 = arith.constant 0 : index
    %get3A_16 = arith.constant 0 : index
    %get3A_17 = arith.constant 0 : index
    %get3A_18 = vector.load %arg2[%get3A_15, %get3A_16, %get3A_17] : memref<2x2500x128xf32, #tpu.memory_space<vmem>>, vector<1x2500x128xf32>
    %get3A_19 = vector.shape_cast %get3A_18 : vector<1x2500x128xf32> to vector<2500x128xf32>
    %add3A_20 = arith.addf %get3A_14, %get3A_19 : vector<2500x128xf32>
    %get3A_21 = arith.constant 1 : index
    %get3A_22 = arith.constant 0 : index
    %get3A_23 = arith.constant 0 : index
    %get3A_24 = vector.load %arg2[%get3A_21, %get3A_22, %get3A_23] : memref<2x2500x128xf32, #tpu.memory_space<vmem>>, vector<1x2500x128xf32>
    %get3A_25 = vector.shape_cast %get3A_24 : vector<1x2500x128xf32> to vector<2500x128xf32>
    %add3A_26 = arith.addf %add3A_20, %get3A_25 : vector<2500x128xf32>
    %mul3A = arith.mulf %rsqrt3A, %add3A_26 : vector<2500x128xf32>
    %get3A_27 = arith.constant 0 : index
    %get3A_28 = arith.constant 0 : index
    %get3A_29 = vector.load %arg4[%get3A_27, %get3A_28] : memref<128x64xf32, #tpu.memory_space<vmem>>, vector<128x64xf32>
    %dot_general3A = arith.constant dense<0.000000e+00> : vector<2500x64xf32>
    %dot_general3A_30 = tpu.matmul %mul3A, %get3A_29, %dot_general3A {dimension_numbers = #tpu.dot_dimension_numbers<[1], [0], [0], [1], [0, 0, 1, 1], [], []>, transpose_lhs_hint = false} : vector<2500x128xf32>, vector<128x64xf32>, vector<2500x64xf32> -> vector<2500x64xf32>
    %get3A_31 = arith.constant 0 : index
    %get3A_32 = arith.constant 0 : index
    %get3A_33 = vector.load %arg5[%get3A_31, %get3A_32] : memref<1x64xf32, #tpu.memory_space<vmem>>, vector<1x64xf32>
    %add3A_34 = vector.broadcast %get3A_33 : vector<1x64xf32> to vector<2500x64xf32>
    %add3A_35 = arith.addf %dot_general3A_30, %add3A_34 : vector<2500x64xf32>
    %swap3A = arith.constant 0 : index
    %swap3A_36 = arith.constant 0 : index
    %swap3A_37 = vector.load %arg8[%swap3A, %swap3A_36] : memref<2500x64xf32, #tpu.memory_space<vmem>>, vector<2500x64xf32>
    tpu.vector_store %arg8[%swap3A, %swap3A_36], %add3A_35 {strides = array<i32>} : memref<2500x64xf32, #tpu.memory_space<vmem>>, vector<2500x64xf32>,
    %get3A_38 = arith.constant 0 : index
    %get3A_39 = arith.constant 0 : index
    %get3A_40 = vector.load %arg6[%get3A_38, %get3A_39] : memref<128x64xf32, #tpu.memory_space<vmem>>, vector<128x64xf32>
    %dot_general3A_41 = arith.constant dense<0.000000e+00> : vector<2500x64xf32>
    %dot_general3A_42 = tpu.matmul %mul3A, %get3A_40, %dot_general3A_41 {dimension_numbers = #tpu.dot_dimension_numbers<[1], [0], [0], [1], [0, 0, 1, 1], [], []>, transpose_lhs_hint = false} : vector<2500x128xf32>, vector<128x64xf32>, vector<2500x64xf32> -> vector<2500x64xf32>
    %get3A_43 = arith.constant 0 : index
    %get3A_44 = arith.constant 0 : index
    %get3A_45 = vector.load %arg7[%get3A_43, %get3A_44] : memref<1x64xf32, #tpu.memory_space<vmem>>, vector<1x64xf32>
    %add3A_46 = vector.broadcast %get3A_45 : vector<1x64xf32> to vector<2500x64xf32>
    %add3A_47 = arith.addf %dot_general3A_42, %add3A_46 : vector<2500x64xf32>
    %swap3A_48 = arith.constant 0 : index
    %swap3A_49 = arith.constant 0 : index
    %swap3A_50 = vector.load %arg9[%swap3A_48, %swap3A_49] : memref<2500x64xf32, #tpu.memory_space<vmem>>, vector<2500x64xf32>
    tpu.vector_store %arg9[%swap3A_48, %swap3A_49], %add3A_47 {strides = array<i32>} : memref<2500x64xf32, #tpu.memory_space<vmem>>, vector<2500x64xf32>,
    return
  }
  func.func @transform_0(%arg0: i32) -> (i32, i32) {
    %c0_i32 = arith.constant 0 : i32
    %c0_i32_0 = arith.constant 0 : i32
    %c0_i32_1 = arith.constant 0 : i32
    return %c0_i32, %c0_i32_0 : i32, i32
  }
  func.func @transform_1(%arg0: i32) -> (i32, i32, i32) {
    %c0_i32 = arith.constant 0 : i32
    %c0_i32_0 = arith.constant 0 : i32
    %c0_i32_1 = arith.constant 0 : i32
    %c0_i32_2 = arith.constant 0 : i32
    return %c0_i32, %c0_i32_0, %c0_i32_1 : i32, i32, i32
  }
  func.func @transform_2(%arg0: i32) -> (i32, i32, i32) {
    %c0_i32 = arith.constant 0 : i32
    %c0_i32_0 = arith.constant 0 : i32
    %c0_i32_1 = arith.constant 0 : i32
    %c0_i32_2 = arith.constant 0 : i32
    return %c0_i32, %c0_i32_0, %c0_i32_1 : i32, i32, i32
  }
  func.func @transform_3(%arg0: i32) -> (i32, i32) {
    %c0_i32 = arith.constant 0 : i32
    %c0_i32_0 = arith.constant 0 : i32
    %c0_i32_1 = arith.constant 0 : i32
    return %c0_i32, %c0_i32_0 : i32, i32
  }
  func.func @transform_4(%arg0: i32) -> (i32, i32) {
    %c0_i32 = arith.constant 0 : i32
    %c0_i32_0 = arith.constant 0 : i32
    %c0_i32_1 = arith.constant 0 : i32
    return %c0_i32, %c0_i32_0 : i32, i32
  }
  func.func @transform_5(%arg0: i32) -> (i32, i32) {
    %c0_i32 = arith.constant 0 : i32
    %c0_i32_0 = arith.constant 0 : i32
    %c0_i32_1 = arith.constant 0 : i32
    return %c0_i32, %c0_i32_0 : i32, i32
  }
  func.func @transform_6(%arg0: i32) -> (i32, i32) {
    %c0_i32 = arith.constant 0 : i32
    %c0_i32_0 = arith.constant 0 : i32
    %c0_i32_1 = arith.constant 0 : i32
    return %c0_i32, %c0_i32_0 : i32, i32
  }
  func.func @transform_7(%arg0: i32) -> (i32, i32) {
    %c0_i32 = arith.constant 0 : i32
    %c0_i32_0 = arith.constant 0 : i32
    %c0_i32_1 = arith.constant 0 : i32
    return %c0_i32, %c0_i32_0 : i32, i32
  }
  func.func @transform_8(%arg0: i32) -> (i32, i32) {
    %c0_i32 = arith.constant 0 : i32
    %c0_i32_0 = arith.constant 0 : i32
    %c0_i32_1 = arith.constant 0 : i32
    return %c0_i32, %c0_i32_0 : i32, i32
  }
}

</mosaic_0001>

<sc_bundles>
// kernel: kernel.11.cloned.1.call-start
scs
__scs_entry_jumppad:
0x0: {  	(pc) =	sbr.rel $0x88, $3  }
0x1: {  	(tag) =	ssettag $0x0;
	lr =	simm.s32 $0x1  }
0x2: {  	[smem:$0x3F99] =	sst lr;
	_ =	strace $0xD0000000  }
0x3: {  	_ = 	snop  }
0x4: {  	_ = 	snop  }
0x5: {  	_ = 	snop  }
0x6: {  	_ = 	snop  }
0x7: {  	_ = 	snop  }
__scs_overlays_trampoline_lowered:
0x8: {  	[smem:$0x3FA8] =	sst s0  }
0x9: {  	[smem:$0x3FA9] =	sst s1  }
0xa: {  	[smem:$0x3FAA] =	sst s2  }
0xb: {  	[smem:$0x3FAB] =	sst s3  }
0xc: {  	[smem:$0x3FAC] =	sst s4  }
0xd: {  	[smem:$0x3FAD] =	sst s5  }
0xe: {  	[smem:$0x3FAE] =	sst s6  }
0xf: {  	[smem:$0x3FAF] =	sst s7  }
0x10: {  	[smem:$0x3FB0] =	sst s8  }
0x11: {  	[smem:$0x3FB1] =	sst s9;
	s0 =	simm.s32 @!p0 $0x0  }
0x12: {  	s1 =	sld [smem:$0x3F97];
	s0 =	simm.s32 @p0 $0x1  }
0x13: {  	[smem:$0x3FB2] =	sst s0;
	s0 =	simm.s32 @!p1 $0x0  }
0x14: {  	s2 =	sld [smem:$0x3F96];
	s0 =	simm.s32 @p1 $0x1  }
0x15: {  	[smem:$0x3FB3] =	sst s0;
	s0 =	simm.s32 @!p2 $0x0  }
0x16: {  	s3 =	sld [smem:$0x3FDB];
	s0 =	simm.s32 @p2 $0x1  }
0x17: {  	s4 =	simm.s32 $0x1BF5;
	[smem:$0x3FB5] =	sst s0  }
0x18: {  	s0 =	sld [smem:$0x3F98];
	_ =	swait.ge [sflag:s4], $0x0  }
0x19: {  	s7 =	sld [smem:$0x3F99]  }
0x1a: {  	s8 =	sadd.s32 $0xFFFFE003, lr  }
0x1b: {  	s9 =	sadd.s32 $0xFFFFFEF7, lr;
	s5 =	simm.s32 $0xFFFFFFFF;
	p2 =	slt.u32 s8, $0xFFFFF086  }
0x1c: {  	p1 =	slt.u32 s9, $0xF7A;
	s5 =	simm.s32 @!p2 $0x0  }
0x1d: {  	s5 =	simm.s32 @p1 $0x1;
	p0 =	seq.s32 s7, s2  }
0x1e: {  	s7 =	smul.u32 @!p0 $0xF7A, s2;
	p2 =	seq.s32 @!p0 s5, $0x0  }
0x1f: {  	s9 =	smul.u32 $0xF7A, s1;
	s8 =	simm.s32 @!p0 $0x1BF5;
	p2 =	por !p2, p0  }
0x20: {  	[sflag:s8] =	ssyncset.s32 @!p0 $0xFFFFF086;
	s6 =	sadd.s32 @!p0 s3, s7;
	s7 =	simm.s32 @!p0 $0x108  }
0x21: {  	s3 =	sadd.s32 s3, s9;
	s6 =	sadd.s32 @!p0 $0x88, s6;
	s7 =	simm.s32 @p2 $0x1082  }
0x22: {  	[simem:s7], [sflag:s8] =	dma.local @!p0 [hbm:s6], $0xF7A  }
0x23: {  	s9 =	sor.u32 $0xD0000000, s2;
	s6 =	simm.s32 $0x108;
	_ =	swait.ge @!p0 [sflag:s8], $0x0  }
0x24: {  	s3 =	sadd.s32 $0x88, s3;
	s6 =	simm.s32 @!p1 $0x1082;
	[sflag:s4] =	ssyncset.s32 $0xFFFFF086  }
0x25: {  	[simem:s6], [sflag:s4] =	dma.local [hbm:s3], $0xF7A  }
0x26: {  	[smem:$0x3F99] =	sst s1;
	(tag) =	ssettag s2;
	_ =	strace s9  }
0x27: {  	s1 =	sld [smem:$0x3FA9]  }
0x28: {  	s2 =	sld [smem:$0x3FAA]  }
0x29: {  	s4 =	sld [smem:$0x3FAC]  }
0x2a: {  	p0 =	seq.s32 s5, $0x0;
	s5 =	sld [smem:$0x3FAD]  }
0x2b: {  	s6 =	sld [smem:$0x3FAE]  }
0x2c: {  	s7 =	sld [smem:$0x3FAF]  }
0x2d: {  	s3 =	simm.s32 $0x108;
	s8 =	sld [smem:$0x3FB0]  }
0x2e: {  	s3 =	simm.s32 @!p0 $0x1082;
	s9 =	sld [smem:$0x3FB1]  }
0x2f: {  	lr =	sadd.s32 s0, s3;
	s0 =	sld [smem:$0x3FA8]  }
0x30: {  	s3 =	sld [smem:$0x3FAB]  }
0x31: {  	[smem:$0x3FB4] =	sst s10  }
0x32: {  	s10 =	sld [smem:$0x3FB2];
	_ =	sdelay $0x3  }
0x33: {  	p0 =	seq.s32 s10, $0x1;
	s10 =	sld [smem:$0x3FB4];
	_ =	sdelay $0x3  }
0x34: {  	[smem:$0x3FB4] =	sst s10  }
0x35: {  	s10 =	sld [smem:$0x3FB3];
	_ =	sdelay $0x3  }
0x36: {  	p1 =	seq.s32 s10, $0x1;
	s10 =	sld [smem:$0x3FB4];
	_ =	sdelay $0x3  }
0x37: {  	[smem:$0x3FB4] =	sst s10  }
0x38: {  	s10 =	sld [smem:$0x3FB5]  }
0x39: {  	_ = 	snop;
	(pc) =	sbr.ind lr, $3  }
0x3a: {  	_ = 	snop  }
0x3b: {  	_ = 	snop  }
0x3c: {  	p2 =	seq.s32 s10, $0x1;
	s10 =	sld [smem:$0x3FB4]  }
0x3d: {  	_ =	shalt  }
0x3e: {  	_ =	shalt  }
0x3f: {  	_ =	shalt  }
0x40: {  	_ =	shalt  }
0x41: {  	_ =	shalt  }
0x42: {  	_ =	shalt  }
0x43: {  	_ =	shalt  }
0x44: {  	_ =	shalt  }
0x45: {  	_ =	shalt  }
0x46: {  	_ =	shalt  }
0x47: {  	_ =	shalt  }
0x48: {  	_ =	shalt  }
0x49: {  	_ =	shalt  }
0x4a: {  	_ =	shalt  }
0x4b: {  	_ =	shalt  }
0x4c: {  	_ =	shalt  }
0x4d: {  	_ =	shalt  }
0x4e: {  	_ =	shalt  }
0x4f: {  	_ =	shalt  }
0x50: {  	_ =	shalt  }
0x51: {  	_ =	shalt  }
0x52: {  	_ =	shalt  }
0x53: {  	_ =	shalt  }
0x54: {  	_ =	shalt  }
0x55: {  	_ =	shalt  }
0x56: {  	_ =	shalt  }
0x57: {  	_ =	shalt  }
0x58: {  	_ =	shalt  }
0x59: {  	_ =	shalt  }
0x5a: {  	_ =	shalt  }
0x5b: {  	_ =	shalt  }
0x5c: {  	_ =	shalt  }
0x5d: {  	_ =	shalt  }
0x5e: {  	_ =	shalt  }
0x5f: {  	_ =	shalt  }
0x60: {  	_ =	shalt  }
0x61: {  	_ =	shalt  }
0x62: {  	_ =	shalt  }
0x63: {  	_ =	shalt  }
0x64: {  	_ =	shalt  }
0x65: {  	_ =	shalt  }
0x66: {  	_ =	shalt  }
0x67: {  	_ =	shalt  }
0x68: {  	_ =	shalt  }
0x69: {  	_ =	shalt  }
0x6a: {  	_ =	shalt  }
0x6b: {  	_ =	shalt  }
0x6c: {  	_ =	shalt  }
0x6d: {  	_ =	shalt  }
0x6e: {  	_ =	shalt  }
0x6f: {  	_ =	shalt  }
0x70: {  	_ =	shalt  }
0x71: {  	_ =	shalt  }
0x72: {  	_ =	shalt  }
0x73: {  	_ =	shalt  }
0x74: {  	_ =	shalt  }
0x75: {  	_ =	shalt  }
0x76: {  	_ =	shalt  }
0x77: {  	_ =	shalt  }
0x78: {  	_ =	shalt  }
0x79: {  	_ =	shalt  }
0x7a: {  	_ =	shalt  }
0x7b: {  	_ =	shalt  }
0x7c: {  	_ =	shalt  }
0x7d: {  	_ =	shalt  }
0x7e: {  	_ =	shalt  }
0x7f: {  	_ =	shalt  }
0x80: {  	_ =	shalt  }
0x81: {  	_ =	shalt  }
0x82: {  	_ =	shalt  }
0x83: {  	_ =	shalt  }
0x84: {  	_ =	shalt  }
0x85: {  	_ =	shalt  }
0x86: {  	_ =	shalt  }
0x87: {  	_ =	shalt  }
.Lfunc_end0:
.L_simem_size_0:
called_computation.1_lowered:
.L_overlay_start_0:
0x88: {  	s2 =	sld [smem:$0x3FD9]  }
0x89: {  	s3 =	sld [smem:$0x3FFE];
	_ =	sdelay $0x1  }
0x8a: {  	s1 =	srdreg.scid  }
0x8b: {  	s0 =	sand.u32 $0x1, s1  }
0x8c: {  	s16 =	sshll.u32 s0, $0xA;
	s2 =	sadd.s32 s3, s2  }
0x8d: {  	s2 =	sadd.s32 s2, s16  }
0x8e: {  	[smem:$0x3FC0] =	sst s2  }
0x8f: {  	_ = 	snop  }
0x90: {  	(tm) =	ssettm $0x1  }
0x91: {  	s17 =	sld [smem:$0x3FFB];
	_ =	sdelay $0x3  }
0x92: {  	_ =	strace s17  }
0x93: {  	s2 =	sld [smem:$0x3FFC];
	_ =	sdelay $0x3  }
0x94: {  	_ =	strace s2  }
0x95: {  	s2 =	sld [smem:$0x3FFD];
	_ =	sdelay $0x3  }
0x96: {  	_ =	strace s2  }
0x97: {  	_ =	strace $0x8FFFFFFF  }
0x98: {  	s18 =	sld [smem:$0x3FDB];
	_ =	sdelay $0x1  }
0x99: {  	s19 =	simm.s32 $_scs_section_size  }
0x9a: {  	s4 =	simm.s32 $_size__tile_overlayer_lowered;
	s5 =	simm.s32 $_tile_overlayer_lowered  }
0x9b: {  	s22 =	simm.s32 $0x1BFF;
	s21 =	sshll.u32 s5, $0x1;
	s2 =	sadd.s32 s19, s18  }
0x9c: {  	s6 =	simm.s32 $0x0;
	s20 =	sshll.u32 s4, $0x1;
	s4 =	sadd.s32 s21, s2  }
0x9d: {  	[timem:s6], [sflag:s22] =	dma.local [hbm:s4], s20  }
0x9e: {  	_ =	swait.ge [sflag:s22], s20  }
0x9f: {  	s3 =	ssub.s32 $0x0, s20;
	[sflag:s22] =	ssyncset.done $0x0  }
0xa0: {  	[sflag:s22] =	ssyncadd.s32 s3;
	_ =	sdelay $0x1  }
0xa1: {  	s23 =	simm.s32 $0x1B8B  }
0xa2: {  	_ =	swait.ge [sflag:s23], $0x1  }
0xa3: {  	[sflag:s23] =	ssyncset.done $0x0  }
0xa4: {  	s25 =	simm.s32 $0x1B8E;
	s24 =	sld [smem:$0x3FFE];
	[sflag:s23] =	ssyncadd.s32 $0xFFFFFFFF  }
0xa5: {  	s26 =	simm.s32 $execute0_lowered;
	[smem:$0x3FD2] =	sst s25  }
0xa6: {  	s4 =	sshll.u32 s26, $0x1;
	_ =	strace $0x80000049;
	[dreg:$0x1] =	wrdreg $0xFFFFFFFF  }
0xa7: {  	s28 =	simm.s32 $_size_execute0_lowered;
	s2 =	sadd.s32 s2, s4;
	[dreg:$0x0] =	wrdreg $0x0  }
0xa8: {  	s4 =	sshll.u32 s28, $0x1;
	[dreg:$0x2] =	wrdreg s2  }
0xa9: {  	[dreg:$0x3] =	wrdreg s4  }
0xaa: {  	[dreg:$0x4] =	wrdreg $0xC0  }
0xab: {  	_ =	task [dreg:s6], $0x5FFFF  }
0xac: {  	[dreg:$0x1] =	wrdreg $0xFFFFFFFF  }
0xad: {  	[dreg:$0x0] =	wrdreg $0x60  }
0xae: {  	[dreg:$0x2] =	wrdreg s24  }
0xaf: {  	[dreg:$0x3] =	wrdreg $0x0  }
0xb0: {  	[dreg:$0x4] =	wrdreg $0x9  }
0xb1: {  	_ =	task.clear_ibuf [dreg:s6], $0x5FFFF;
	_ =	strace $0x90000049  }
0xb2: {  	s29 =	simm.s32 $0x9;
	_ =	strace $0x8000004B  }
0xb3: {  	_ =	swait.ge [sflag:s29], $0x1  }
0xb4: {  	[sflag:s29] =	ssyncadd.s32 $0xFFFFFFFF  }
0xb5: {  	_ =	strace $0x9000004B  }
0xb6: {  	_ =	sfence  }
0xb7: {  	s30 =	sld [smem:$0x0];
	_ =	sdelay $0x2  }
0xb8: {  	s31 =	sshll.u32 s1, $0xD;
	s1 =	sshrl.u32 s1, $0x2  }
0xb9: {  	s3 =	sand.u32 $0x4000, s31;
	s1 =	sadd.s32 s1, s30  }
0xba: {  	s0 =	sor.u32 s3, s0;
	s1 =	sshll.u32 s1, $0x11  }
0xbb: {  	s0 =	sor.u32 s1, s0  }
0xbc: {  	s0 =	sadd.s32 $0x8F2B, s0  }
0xbd: {  	[sflag:s0] =	ssyncadd.remote.s32 $0x1  }
0xbe: {  	_ =	sfence.sel $0xFFFF  }
0xbf: {  	[dreg:$0x0] =	wrdreg $0xFFFFFFFF;
	(pc) =	sbr.abs _section_cstart, $3  }
0xc0: {  	[dreg:$0x1] =	wrdreg $0xFFFFFFFF  }
0xc1: {  	_ =	task.clear_ibuf [dreg:s6], $0x2FFFF;
	_ =	strace $0x9FFFFFFF  }
0xc2: {  	(tm) =	ssettm $0x7FFFFFFF  }
0xc3: {  	_ =	shalt  }
tec
execute0_lowered:
.L_overlay_start_1:
0x0: {  	(tag) =	ssettag $0x1  }
0x1: {  	s0 =	srdreg.scid;
	s3 =	rddreg [dreg:$0x0]  }
0x2: {  	s9 =	stileid.u32;
	s2 =	rddreg [dreg:$0x1];
	s4 =	simm.s32 $0x0  }
0x3: {  	s13 =	simm.s32 $0xB;
	s15 =	simm.s32 $0x7D;
	s16 =	simm.s32 $0x9E20  }
0x4: {  	s18 =	simm.s32 $0xADC0;
	s20 =	simm.s32 $0xBD60;
	s22 =	simm.s32 $0xCD00  }
0x5: {  	s24 =	simm.s32 $0xDCA0;
	s29 =	simm.s32 $0xFBE0;
	s31 =	simm.s32 $0x10B80  }
0x6: {  	s17 =	simm.s32 $0x12AC0;
	s19 =	simm.s32 $0x1;
	s21 =	simm.s32 $0x2  }
0x7: {  	s23 =	simm.s32 $0x3;
	s28 =	simm.s32 $0x5;
	s30 =	simm.s32 $0x6  }
0x8: {  	s14 =	simm.s32 $0x8;
	s12 =	simm.s32 $0x0;
	s0 =	sand.u32 $0x1, s0  }
0x9: {  	s1 =	sshll.u32 s9, $0x1;
	s5 =	smul.u32 $0x7D00, s9;
	[smem:$0x7FF] =	sst s4  }
0xa: {  	s4 =	sadd.s32 $0x16C00, s3;
	p0 =	sgt.u32 s9, $0x9;
	s1 =	sor.u32 s0, s1  }
0xb: {  	s6 =	smul.u32 $0x4E200, s0;
	_ =	strace $0x8000004A;
	s0 =	ssub.s32 $0x2, s0  }
0xc: {  	s1 =	smul.u32 $0x500, s1;
	s7 =	sshrl.u32 s5, $0x3;
	s8 =	sshrl.u32 s0, $0x1  }
0xd: {  	s6 =	sadd.s32 s5, s6;
	s7 =	sadd.s32 s7, s3;
	s0 =	ssub.s32 s0, s8  }
0xe: {  	s5 =	sadd.s32 s5, s2;
	s1 =	sadd.s32 s1, s3;
	s6 =	sshrl.u32 s6, $0x3  }
0xf: {  	s25 =	sadd.s32 $0xCE00, s7;
	s0 =	smax.u32 s0, $0x1;
	s11 =	sshrl.u32 @!p0 s5, $0x3  }
0x10: {  	s5 =	simm.s32 $0xA;
	s3 =	sadd.s32 s6, s3;
	[dreg:$0x3] =	wrdreg s25  }
0x11: {  	s26 =	sadd.s32 $0x2A600, s1;
	s1 =	sadd.s32 $0x2E00, s1;
	[dreg:$0x7] =	wrdreg s0  }
0x12: {  	s0 =	simm.s32 $0x11B20;
	s25 =	simm.s32 $0x4;
	[dreg:$0x4] =	wrdreg s26  }
0x13: {  	[dreg:$0x5] =	wrdreg s1;
	s1 =	sshll.u32 @!p0 s9, $0x6;
	s3 =	sadd.s32 $0x34600, s3  }
0x14: {  	s26 =	simm.s32 $0xEC40;
	s9 =	simm.s32 $0x7620;
	[dreg:$0x6] =	wrdreg s3  }
0x15: {  	s10 =	sor.u32 @!p0 $0x1C0B, s1;
	s1 =	simm.s32 $0x7;
	s3 =	simm.s32 $0x9  }
.LBB2_1:
0x16: {  	s6 =	rddreg [dreg:$0x3]  }
0x17: {  	[spmem:s11], [sflag:s10] =	dma.local @!p0 [hbm:s6], $0xFA0  }
0x18: {  	s6 =	simm.s32 @!p0 $0xB  }
0x19: {  	_ =	swait.ge @!p0 [sflag:s6], $0xFA0  }
0x1a: {  	s8 =	simm.s32 $0x4E20;
	[sflag:s6] =	ssyncset.done @!p0 $0x0  }
0x1b: {  	s7 =	rddreg [dreg:$0x4];
	[sflag:s6] =	ssyncadd.s32 @!p0 $0xFFFFF060;
	s6 =	simm.s32 $0x0  }
0x1c: {  	[tilespmem:s8], [sflag:$0xB] =	stream.linear.gather [hbm4b:s7+s6], $0x2800, $0x38;
	[tilespmem:$0x13A60] =	vst v63  }
0x1d: {  	_ =	swait.ge [sflag:s13], $0x2800  }
0x1e: {  	[sflag:s13] =	ssyncset.done $0x0  }
0x1f: {  	s7 =	rddreg [dreg:$0x5];
	[sflag:s13] =	ssyncadd.s32 $0xFFFFD800  }
0x20: {  	[tilespmem:s9], [sflag:$0xB] =	stream.linear.gather [hbm4b:s7+s6], $0x2800, $0x38;
	[tilespmem:$0x13A60] =	vst v63  }
0x21: {  	_ =	swait.ge [sflag:s13], $0x2800  }
0x22: {  	[sflag:s13] =	ssyncset.done $0x0  }
0x23: {  	[sflag:s13] =	ssyncadd.s32 $0xFFFFD800  }
0x24: {  	[bflag:$0x0] =	sbarrier.arrive $0xFFFF  }
0x25: {  	[tilespmem:s16], [sflag:$0x1] =	stream.indirect.gather [hbm4b:s4+s15], $0x20, s8, s15, $0xb8;
	[tilespmem:$0x13A60] =	vst v63  }
0x26: {  	s7 =	simm.s32 $0x4EA0  }
0x27: {  	[tilespmem:s18], [sflag:$0x2] =	stream.indirect.gather [hbm4b:s4+s15], $0x20, s7, s15, $0xb8;
	[tilespmem:$0x13A60] =	vst v63  }
0x28: {  	s8 =	simm.s32 $0x4F20  }
0x29: {  	[tilespmem:s20], [sflag:$0x3] =	stream.indirect.gather [hbm4b:s4+s15], $0x20, s8, s15, $0xb8;
	[tilespmem:$0x13A60] =	vst v63  }
0x2a: {  	s7 =	simm.s32 $0x4FA0  }
0x2b: {  	[tilespmem:s22], [sflag:$0x4] =	stream.indirect.gather [hbm4b:s4+s15], $0x20, s7, s15, $0xb8;
	[tilespmem:$0x13A60] =	vst v63  }
0x2c: {  	s8 =	simm.s32 $0x5020  }
0x2d: {  	[tilespmem:s24], [sflag:$0x5] =	stream.indirect.gather [hbm4b:s4+s15], $0x20, s8, s15, $0xb8;
	[tilespmem:$0x13A60] =	vst v63  }
0x2e: {  	s7 =	simm.s32 $0x50A0  }
0x2f: {  	[tilespmem:s26], [sflag:$0x6] =	stream.indirect.gather [hbm4b:s4+s15], $0x20, s7, s15, $0xb8;
	[tilespmem:$0x13A60] =	vst v63  }
0x30: {  	s8 =	simm.s32 $0x5120  }
0x31: {  	[tilespmem:s29], [sflag:$0x7] =	stream.indirect.gather [hbm4b:s4+s15], $0x20, s8, s15, $0xb8;
	[tilespmem:$0x13A60] =	vst v63  }
0x32: {  	s7 =	simm.s32 $0x51A0  }
0x33: {  	[tilespmem:s31], [sflag:$0x8] =	stream.indirect.gather [hbm4b:s4+s15], $0x20, s7, s15, $0xb8;
	[tilespmem:$0x13A60] =	vst v63  }
0x34: {  	s8 =	simm.s32 $0x5220  }
0x35: {  	[tilespmem:s0], [sflag:$0x9] =	stream.indirect.gather [hbm4b:s4+s15], $0x20, s8, s15, $0xb8;
	[tilespmem:$0x13A60] =	vst v63  }
0x36: {  	s7 =	simm.s32 $0x52A0  }
0x37: {  	[tilespmem:s17], [sflag:$0xA] =	stream.indirect.gather [hbm4b:s4+s15], $0x20, s7, s15, $0xb8;
	[tilespmem:$0x13A60] =	vst v63  }
0x38: {  	_ =	swait.ge [sflag:s19], $0xFA0  }
0x39: {  	[sflag:s19] =	ssyncset.done $0x0  }
0x3a: {  	s8 =	simm.s32 $0x7620;
	[sflag:s19] =	ssyncadd.s32 $0xFFFFF060  }
0x3b: {  	[spmem:s2] =	stream.indirect.scatter.add.f32 [tilespmem:s16], [sflag:$0xB], $0x20, s8, s15, $0xb8;
	[tilespmem:$0x13A60] =	vst v63  }
0x3c: {  	_ =	swait.ge [sflag:s13], $0xFA0  }
0x3d: {  	[sflag:s13] =	ssyncset.done $0x0  }
0x3e: {  	s7 =	simm.s32 $0x5320;
	[sflag:s13] =	ssyncadd.s32 $0xFFFFF060  }
0x3f: {  	[tilespmem:s16], [sflag:$0x1] =	stream.indirect.gather [hbm4b:s4+s15], $0x20, s7, s15, $0xb8;
	[tilespmem:$0x13A60] =	vst v63  }
0x40: {  	_ =	swait.ge [sflag:s21], $0xFA0  }
0x41: {  	[sflag:s21] =	ssyncset.done $0x0  }
0x42: {  	s8 =	simm.s32 $0x76A0;
	[sflag:s21] =	ssyncadd.s32 $0xFFFFF060  }
0x43: {  	[spmem:s2] =	stream.indirect.scatter.add.f32 [tilespmem:s18], [sflag:$0xB], $0x20, s8, s15, $0xb8;
	[tilespmem:$0x13A60] =	vst v63  }
0x44: {  	_ =	swait.ge [sflag:s13], $0xFA0  }
0x45: {  	[sflag:s13] =	ssyncset.done $0x0  }
0x46: {  	s7 =	simm.s32 $0x53A0;
	[sflag:s13] =	ssyncadd.s32 $0xFFFFF060  }
0x47: {  	[tilespmem:s18], [sflag:$0x2] =	stream.indirect.gather [hbm4b:s4+s15], $0x20, s7, s15, $0xb8;
	[tilespmem:$0x13A60] =	vst v63  }
0x48: {  	_ =	swait.ge [sflag:s23], $0xFA0  }
0x49: {  	[sflag:s23] =	ssyncset.done $0x0  }
0x4a: {  	s8 =	simm.s32 $0x7720;
	[sflag:s23] =	ssyncadd.s32 $0xFFFFF060  }
0x4b: {  	[spmem:s2] =	stream.indirect.scatter.add.f32 [tilespmem:s20], [sflag:$0xB], $0x20, s8, s15, $0xb8;
	[tilespmem:$0x13A60] =	vst v63  }
0x4c: {  	_ =	swait.ge [sflag:s13], $0xFA0  }
0x4d: {  	[sflag:s13] =	ssyncset.done $0x0  }
0x4e: {  	s7 =	simm.s32 $0x5420;
	[sflag:s13] =	ssyncadd.s32 $0xFFFFF060  }
0x4f: {  	[tilespmem:s20], [sflag:$0x3] =	stream.indirect.gather [hbm4b:s4+s15], $0x20, s7, s15, $0xb8;
	[tilespmem:$0x13A60] =	vst v63  }
0x50: {  	_ =	swait.ge [sflag:s25], $0xFA0  }
0x51: {  	[sflag:s25] =	ssyncset.done $0x0  }
0x52: {  	s8 =	simm.s32 $0x77A0;
	[sflag:s25] =	ssyncadd.s32 $0xFFFFF060  }
0x53: {  	[spmem:s2] =	stream.indirect.scatter.add.f32 [tilespmem:s22], [sflag:$0xB], $0x20, s8, s15, $0xb8;
	[tilespmem:$0x13A60] =	vst v63  }
0x54: {  	_ =	swait.ge [sflag:s13], $0xFA0  }
0x55: {  	[sflag:s13] =	ssyncset.done $0x0  }
0x56: {  	s7 =	simm.s32 $0x54A0;
	[sflag:s13] =	ssyncadd.s32 $0xFFFFF060  }
0x57: {  	[tilespmem:s22], [sflag:$0x4] =	stream.indirect.gather [hbm4b:s4+s15], $0x20, s7, s15, $0xb8;
	[tilespmem:$0x13A60] =	vst v63  }
0x58: {  	_ =	swait.ge [sflag:s28], $0xFA0  }
0x59: {  	[sflag:s28] =	ssyncset.done $0x0  }
0x5a: {  	s8 =	simm.s32 $0x7820;
	[sflag:s28] =	ssyncadd.s32 $0xFFFFF060  }
0x5b: {  	[spmem:s2] =	stream.indirect.scatter.add.f32 [tilespmem:s24], [sflag:$0xB], $0x20, s8, s15, $0xb8;
	[tilespmem:$0x13A60] =	vst v63  }
0x5c: {  	_ =	swait.ge [sflag:s13], $0xFA0  }
0x5d: {  	[sflag:s13] =	ssyncset.done $0x0  }
0x5e: {  	s7 =	simm.s32 $0x5520;
	[sflag:s13] =	ssyncadd.s32 $0xFFFFF060  }
0x5f: {  	[tilespmem:s24], [sflag:$0x5] =	stream.indirect.gather [hbm4b:s4+s15], $0x20, s7, s15, $0xb8;
	[tilespmem:$0x13A60] =	vst v63  }
0x60: {  	_ =	swait.ge [sflag:s30], $0xFA0  }
0x61: {  	[sflag:s30] =	ssyncset.done $0x0  }
0x62: {  	s8 =	simm.s32 $0x78A0;
	[sflag:s30] =	ssyncadd.s32 $0xFFFFF060  }
0x63: {  	[spmem:s2] =	stream.indirect.scatter.add.f32 [tilespmem:s26], [sflag:$0xB], $0x20, s8, s15, $0xb8;
	[tilespmem:$0x13A60] =	vst v63  }
0x64: {  	_ =	swait.ge [sflag:s13], $0xFA0  }
0x65: {  	[sflag:s13] =	ssyncset.done $0x0  }
0x66: {  	s7 =	simm.s32 $0x55A0;
	[sflag:s13] =	ssyncadd.s32 $0xFFFFF060  }
0x67: {  	[tilespmem:s26], [sflag:$0x6] =	stream.indirect.gather [hbm4b:s4+s15], $0x20, s7, s15, $0xb8;
	[tilespmem:$0x13A60] =	vst v63  }
0x68: {  	_ =	swait.ge [sflag:s1], $0xFA0  }
0x69: {  	[sflag:s1] =	ssyncset.done $0x0  }
0x6a: {  	s8 =	simm.s32 $0x7920;
	[sflag:s1] =	ssyncadd.s32 $0xFFFFF060  }
0x6b: {  	[spmem:s2] =	stream.indirect.scatter.add.f32 [tilespmem:s29], [sflag:$0xB], $0x20, s8, s15, $0xb8;
	[tilespmem:$0x13A60] =	vst v63  }
0x6c: {  	_ =	swait.ge [sflag:s13], $0xFA0  }
0x6d: {  	[sflag:s13] =	ssyncset.done $0x0  }
0x6e: {  	s7 =	simm.s32 $0x5620;
	[sflag:s13] =	ssyncadd.s32 $0xFFFFF060  }
0x6f: {  	[tilespmem:s29], [sflag:$0x7] =	stream.indirect.gather [hbm4b:s4+s15], $0x20, s7, s15, $0xb8;
	[tilespmem:$0x13A60] =	vst v63  }
0x70: {  	_ =	swait.ge [sflag:s14], $0xFA0  }
0x71: {  	[sflag:s14] =	ssyncset.done $0x0  }
0x72: {  	s8 =	simm.s32 $0x79A0;
	[sflag:s14] =	ssyncadd.s32 $0xFFFFF060  }
0x73: {  	[spmem:s2] =	stream.indirect.scatter.add.f32 [tilespmem:s31], [sflag:$0xB], $0x20, s8, s15, $0xb8;
	[tilespmem:$0x13A60] =	vst v63  }
0x74: {  	_ =	swait.ge [sflag:s13], $0xFA0  }
0x75: {  	[sflag:s13] =	ssyncset.done $0x0  }
0x76: {  	s7 =	simm.s32 $0x56A0;
	[sflag:s13] =	ssyncadd.s32 $0xFFFFF060  }
0x77: {  	[tilespmem:s31], [sflag:$0x8] =	stream.indirect.gather [hbm4b:s4+s15], $0x20, s7, s15, $0xb8;
	[tilespmem:$0x13A60] =	vst v63  }
0x78: {  	_ =	swait.ge [sflag:s3], $0xFA0  }
0x79: {  	[sflag:s3] =	ssyncset.done $0x0  }
0x7a: {  	s8 =	simm.s32 $0x7A20;
	[sflag:s3] =	ssyncadd.s32 $0xFFFFF060  }
0x7b: {  	[spmem:s2] =	stream.indirect.scatter.add.f32 [tilespmem:s0], [sflag:$0xB], $0x20, s8, s15, $0xb8;
	[tilespmem:$0x13A60] =	vst v63  }
0x7c: {  	_ =	swait.ge [sflag:s13], $0xFA0  }
0x7d: {  	[sflag:s13] =	ssyncset.done $0x0  }
0x7e: {  	s7 =	simm.s32 $0x5720;
	[sflag:s13] =	ssyncadd.s32 $0xFFFFF060  }
0x7f: {  	[tilespmem:s0], [sflag:$0x9] =	stream.indirect.gather [hbm4b:s4+s15], $0x20, s7, s15, $0xb8;
	[tilespmem:$0x13A60] =	vst v63  }
0x80: {  	_ =	swait.ge [sflag:s5], $0xFA0  }
0x81: {  	[sflag:s5] =	ssyncset.done $0x0  }
0x82: {  	s8 =	simm.s32 $0x7AA0;
	[sflag:s5] =	ssyncadd.s32 $0xFFFFF060  }
0x83: {  	[spmem:s2] =	stream.indirect.scatter.add.f32 [tilespmem:s17], [sflag:$0xB], $0x20, s8, s15, $0xb8;
	[tilespmem:$0x13A60] =	vst v63  }
0x84: {  	_ =	swait.ge [sflag:s13], $0xFA0  }
0x85: {  	[sflag:s13] =	ssyncset.done $0x0  }
0x86: {  	s6 =	simm.s32 $0x1400;
	s7 =	simm.s32 $0x57A0;
	[sflag:s13] =	ssyncadd.s32 $0xFFFFF060  }
.LBB2_2:
0x87: {  	[tilespmem:s17], [sflag:$0xA] =	stream.indirect.gather [hbm4b:s4+s15], $0x20, s7, s15, $0xb8;
	[tilespmem:$0x13A60] =	vst v63  }
0x88: {  	s7 =	smov.u32 s6  }
0x89: {  	p1 =	sne.s32 s6, $0x7800;
	s6 =	sadd.s32 $0x1400, s6;
	_ =	swait.ge [sflag:s19], $0xFA0  }
0x8a: {  	s7 =	sshra.s32 s7, $0x2;
	[sflag:s19] =	ssyncset.done $0x0  }
0x8b: {  	s8 =	sadd.s32 $0x7620, s7;
	[sflag:s19] =	ssyncadd.s32 $0xFFFFF060  }
0x8c: {  	[spmem:s2] =	stream.indirect.scatter.add.f32 [tilespmem:s16], [sflag:$0xB], $0x20, s8, s15, $0xb8;
	[tilespmem:$0x13A60] =	vst v63  }
0x8d: {  	_ =	swait.ge [sflag:s13], $0xFA0  }
0x8e: {  	[sflag:s13] =	ssyncset.done $0x0  }
0x8f: {  	s8 =	sadd.s32 $0x5320, s7;
	[sflag:s13] =	ssyncadd.s32 $0xFFFFF060  }
0x90: {  	[tilespmem:s16], [sflag:$0x1] =	stream.indirect.gather [hbm4b:s4+s15], $0x20, s8, s15, $0xb8;
	[tilespmem:$0x13A60] =	vst v63  }
0x91: {  	_ =	swait.ge [sflag:s21], $0xFA0  }
0x92: {  	[sflag:s21] =	ssyncset.done $0x0  }
0x93: {  	s8 =	sadd.s32 $0x76A0, s7;
	[sflag:s21] =	ssyncadd.s32 $0xFFFFF060  }
0x94: {  	[spmem:s2] =	stream.indirect.scatter.add.f32 [tilespmem:s18], [sflag:$0xB], $0x20, s8, s15, $0xb8;
	[tilespmem:$0x13A60] =	vst v63  }
0x95: {  	_ =	swait.ge [sflag:s13], $0xFA0  }
0x96: {  	[sflag:s13] =	ssyncset.done $0x0  }
0x97: {  	s8 =	sadd.s32 $0x53A0, s7;
	[sflag:s13] =	ssyncadd.s32 $0xFFFFF060  }
0x98: {  	[tilespmem:s18], [sflag:$0x2] =	stream.indirect.gather [hbm4b:s4+s15], $0x20, s8, s15, $0xb8;
	[tilespmem:$0x13A60] =	vst v63  }
0x99: {  	_ =	swait.ge [sflag:s23], $0xFA0  }
0x9a: {  	[sflag:s23] =	ssyncset.done $0x0  }
0x9b: {  	s8 =	sadd.s32 $0x7720, s7;
	[sflag:s23] =	ssyncadd.s32 $0xFFFFF060  }
0x9c: {  	[spmem:s2] =	stream.indirect.scatter.add.f32 [tilespmem:s20], [sflag:$0xB], $0x20, s8, s15, $0xb8;
	[tilespmem:$0x13A60] =	vst v63  }
0x9d: {  	_ =	swait.ge [sflag:s13], $0xFA0  }
0x9e: {  	[sflag:s13] =	ssyncset.done $0x0  }
0x9f: {  	s8 =	sadd.s32 $0x5420, s7;
	[sflag:s13] =	ssyncadd.s32 $0xFFFFF060  }
0xa0: {  	[tilespmem:s20], [sflag:$0x3] =	stream.indirect.gather [hbm4b:s4+s15], $0x20, s8, s15, $0xb8;
	[tilespmem:$0x13A60] =	vst v63  }
0xa1: {  	_ =	swait.ge [sflag:s25], $0xFA0  }
0xa2: {  	[sflag:s25] =	ssyncset.done $0x0  }
0xa3: {  	s8 =	sadd.s32 $0x77A0, s7;
	[sflag:s25] =	ssyncadd.s32 $0xFFFFF060  }
0xa4: {  	[spmem:s2] =	stream.indirect.scatter.add.f32 [tilespmem:s22], [sflag:$0xB], $0x20, s8, s15, $0xb8;
	[tilespmem:$0x13A60] =	vst v63  }
0xa5: {  	_ =	swait.ge [sflag:s13], $0xFA0  }
0xa6: {  	[sflag:s13] =	ssyncset.done $0x0  }
0xa7: {  	s8 =	sadd.s32 $0x54A0, s7;
	[sflag:s13] =	ssyncadd.s32 $0xFFFFF060  }
0xa8: {  	[tilespmem:s22], [sflag:$0x4] =	stream.indirect.gather [hbm4b:s4+s15], $0x20, s8, s15, $0xb8;
	[tilespmem:$0x13A60] =	vst v63  }
0xa9: {  	_ =	swait.ge [sflag:s28], $0xFA0  }
0xaa: {  	[sflag:s28] =	ssyncset.done $0x0  }
0xab: {  	s8 =	sadd.s32 $0x7820, s7;
	[sflag:s28] =	ssyncadd.s32 $0xFFFFF060  }
0xac: {  	[spmem:s2] =	stream.indirect.scatter.add.f32 [tilespmem:s24], [sflag:$0xB], $0x20, s8, s15, $0xb8;
	[tilespmem:$0x13A60] =	vst v63  }
0xad: {  	_ =	swait.ge [sflag:s13], $0xFA0  }
0xae: {  	[sflag:s13] =	ssyncset.done $0x0  }
0xaf: {  	s8 =	sadd.s32 $0x5520, s7;
	[sflag:s13] =	ssyncadd.s32 $0xFFFFF060  }
0xb0: {  	[tilespmem:s24], [sflag:$0x5] =	stream.indirect.gather [hbm4b:s4+s15], $0x20, s8, s15, $0xb8;
	[tilespmem:$0x13A60] =	vst v63  }
0xb1: {  	_ =	swait.ge [sflag:s30], $0xFA0  }
0xb2: {  	[sflag:s30] =	ssyncset.done $0x0  }
0xb3: {  	s8 =	sadd.s32 $0x78A0, s7;
	[sflag:s30] =	ssyncadd.s32 $0xFFFFF060  }
0xb4: {  	[spmem:s2] =	stream.indirect.scatter.add.f32 [tilespmem:s26], [sflag:$0xB], $0x20, s8, s15, $0xb8;
	[tilespmem:$0x13A60] =	vst v63  }
0xb5: {  	_ =	swait.ge [sflag:s13], $0xFA0  }
0xb6: {  	[sflag:s13] =	ssyncset.done $0x0  }
0xb7: {  	s8 =	sadd.s32 $0x55A0, s7;
	[sflag:s13] =	ssyncadd.s32 $0xFFFFF060  }
0xb8: {  	[tilespmem:s26], [sflag:$0x6] =	stream.indirect.gather [hbm4b:s4+s15], $0x20, s8, s15, $0xb8;
	[tilespmem:$0x13A60] =	vst v63  }
0xb9: {  	_ =	swait.ge [sflag:s1], $0xFA0  }
0xba: {  	[sflag:s1] =	ssyncset.done $0x0  }
0xbb: {  	s8 =	sadd.s32 $0x7920, s7;
	[sflag:s1] =	ssyncadd.s32 $0xFFFFF060  }
0xbc: {  	[spmem:s2] =	stream.indirect.scatter.add.f32 [tilespmem:s29], [sflag:$0xB], $0x20, s8, s15, $0xb8;
	[tilespmem:$0x13A60] =	vst v63  }
0xbd: {  	_ =	swait.ge [sflag:s13], $0xFA0  }
0xbe: {  	[sflag:s13] =	ssyncset.done $0x0  }
0xbf: {  	s8 =	sadd.s32 $0x5620, s7;
	[sflag:s13] =	ssyncadd.s32 $0xFFFFF060  }
0xc0: {  	[tilespmem:s29], [sflag:$0x7] =	stream.indirect.gather [hbm4b:s4+s15], $0x20, s8, s15, $0xb8;
	[tilespmem:$0x13A60] =	vst v63  }
0xc1: {  	_ =	swait.ge [sflag:s14], $0xFA0  }
0xc2: {  	[sflag:s14] =	ssyncset.done $0x0  }
0xc3: {  	s8 =	sadd.s32 $0x79A0, s7;
	[sflag:s14] =	ssyncadd.s32 $0xFFFFF060  }
0xc4: {  	[spmem:s2] =	stream.indirect.scatter.add.f32 [tilespmem:s31], [sflag:$0xB], $0x20, s8, s15, $0xb8;
	[tilespmem:$0x13A60] =	vst v63  }
0xc5: {  	_ =	swait.ge [sflag:s13], $0xFA0  }
0xc6: {  	[sflag:s13] =	ssyncset.done $0x0  }
0xc7: {  	s8 =	sadd.s32 $0x56A0, s7;
	[sflag:s13] =	ssyncadd.s32 $0xFFFFF060  }
0xc8: {  	[tilespmem:s31], [sflag:$0x8] =	stream.indirect.gather [hbm4b:s4+s15], $0x20, s8, s15, $0xb8;
	[tilespmem:$0x13A60] =	vst v63  }
0xc9: {  	_ =	swait.ge [sflag:s3], $0xFA0  }
0xca: {  	[sflag:s3] =	ssyncset.done $0x0  }
0xcb: {  	s8 =	sadd.s32 $0x7A20, s7;
	[sflag:s3] =	ssyncadd.s32 $0xFFFFF060  }
0xcc: {  	[spmem:s2] =	stream.indirect.scatter.add.f32 [tilespmem:s0], [sflag:$0xB], $0x20, s8, s15, $0xb8;
	[tilespmem:$0x13A60] =	vst v63  }
0xcd: {  	_ =	swait.ge [sflag:s13], $0xFA0  }
0xce: {  	[sflag:s13] =	ssyncset.done $0x0  }
0xcf: {  	s8 =	sadd.s32 $0x5720, s7;
	[sflag:s13] =	ssyncadd.s32 $0xFFFFF060  }
0xd0: {  	[tilespmem:s0], [sflag:$0x9] =	stream.indirect.gather [hbm4b:s4+s15], $0x20, s8, s15, $0xb8;
	[tilespmem:$0x13A60] =	vst v63  }
0xd1: {  	_ =	swait.ge [sflag:s5], $0xFA0  }
0xd2: {  	[sflag:s5] =	ssyncset.done $0x0  }
.Ltmp0:
0xd3: {  	s8 =	sadd.s32 $0x7AA0, s7;
	[sflag:s5] =	ssyncadd.s32 $0xFFFFF060;
	(pc) =	sbr.rel @p1 .LBB2_2-.Ltmp0, $4  }
0xd4: {  	[spmem:s2] =	stream.indirect.scatter.add.f32 [tilespmem:s17], [sflag:$0xB], $0x20, s8, s15, $0xb8;
	[tilespmem:$0x13A60] =	vst v63  }
0xd5: {  	_ =	swait.ge [sflag:s13], $0xFA0  }
0xd6: {  	[sflag:s13] =	ssyncset.done $0x0  }
0xd7: {  	s7 =	sadd.s32 $0x57A0, s7;
	[sflag:s13] =	ssyncadd.s32 $0xFFFFF060  }
0xd8: {  	[tilespmem:s17], [sflag:$0xA] =	stream.indirect.gather [hbm4b:s4+s15], $0x20, s7, s15, $0xb8;
	[tilespmem:$0x13A60] =	vst v63  }
0xd9: {  	_ =	swait.ge [sflag:s19], $0xFA0  }
0xda: {  	[sflag:s19] =	ssyncset.done $0x0  }
0xdb: {  	s6 =	simm.s32 $0x9920;
	[sflag:s19] =	ssyncadd.s32 $0xFFFFF060  }
0xdc: {  	[spmem:s2] =	stream.indirect.scatter.add.f32 [tilespmem:s16], [sflag:$0xB], $0x20, s6, s15, $0xb8;
	[tilespmem:$0x13A60] =	vst v63  }
0xdd: {  	_ =	swait.ge [sflag:s13], $0xFA0  }
0xde: {  	[sflag:s13] =	ssyncset.done $0x0  }
0xdf: {  	[sflag:s13] =	ssyncadd.s32 $0xFFFFF060  }
0xe0: {  	_ =	swait.ge [sflag:s21], $0xFA0  }
0xe1: {  	[sflag:s21] =	ssyncset.done $0x0  }
0xe2: {  	s7 =	simm.s32 $0x99A0;
	[sflag:s21] =	ssyncadd.s32 $0xFFFFF060  }
0xe3: {  	[spmem:s2] =	stream.indirect.scatter.add.f32 [tilespmem:s18], [sflag:$0xB], $0x20, s7, s15, $0xb8;
	[tilespmem:$0x13A60] =	vst v63  }
0xe4: {  	_ =	swait.ge [sflag:s13], $0xFA0  }
0xe5: {  	[sflag:s13] =	ssyncset.done $0x0  }
0xe6: {  	[sflag:s13] =	ssyncadd.s32 $0xFFFFF060  }
0xe7: {  	_ =	swait.ge [sflag:s23], $0xFA0  }
0xe8: {  	[sflag:s23] =	ssyncset.done $0x0  }
0xe9: {  	s8 =	simm.s32 $0x9A20;
	[sflag:s23] =	ssyncadd.s32 $0xFFFFF060  }
0xea: {  	[spmem:s2] =	stream.indirect.scatter.add.f32 [tilespmem:s20], [sflag:$0xB], $0x20, s8, s15, $0xb8;
	[tilespmem:$0x13A60] =	vst v63  }
0xeb: {  	_ =	swait.ge [sflag:s13], $0xFA0  }
0xec: {  	[sflag:s13] =	ssyncset.done $0x0  }
0xed: {  	[sflag:s13] =	ssyncadd.s32 $0xFFFFF060  }
0xee: {  	_ =	swait.ge [sflag:s25], $0xFA0  }
0xef: {  	[sflag:s25] =	ssyncset.done $0x0  }
0xf0: {  	s7 =	simm.s32 $0x9AA0;
	[sflag:s25] =	ssyncadd.s32 $0xFFFFF060  }
0xf1: {  	[spmem:s2] =	stream.indirect.scatter.add.f32 [tilespmem:s22], [sflag:$0xB], $0x20, s7, s15, $0xb8;
	[tilespmem:$0x13A60] =	vst v63  }
0xf2: {  	_ =	swait.ge [sflag:s13], $0xFA0  }
0xf3: {  	[sflag:s13] =	ssyncset.done $0x0  }
0xf4: {  	[sflag:s13] =	ssyncadd.s32 $0xFFFFF060  }
0xf5: {  	_ =	swait.ge [sflag:s28], $0xFA0  }
0xf6: {  	[sflag:s28] =	ssyncset.done $0x0  }
0xf7: {  	s8 =	simm.s32 $0x9B20;
	[sflag:s28] =	ssyncadd.s32 $0xFFFFF060  }
0xf8: {  	[spmem:s2] =	stream.indirect.scatter.add.f32 [tilespmem:s24], [sflag:$0xB], $0x20, s8, s15, $0xb8;
	[tilespmem:$0x13A60] =	vst v63  }
0xf9: {  	_ =	swait.ge [sflag:s13], $0xFA0  }
0xfa: {  	[sflag:s13] =	ssyncset.done $0x0  }
0xfb: {  	[sflag:s13] =	ssyncadd.s32 $0xFFFFF060  }
0xfc: {  	_ =	swait.ge [sflag:s30], $0xFA0  }
0xfd: {  	[sflag:s30] =	ssyncset.done $0x0  }
0xfe: {  	s7 =	simm.s32 $0x9BA0;
	[sflag:s30] =	ssyncadd.s32 $0xFFFFF060  }
0xff: {  	[spmem:s2] =	stream.indirect.scatter.add.f32 [tilespmem:s26], [sflag:$0xB], $0x20, s7, s15, $0xb8;
	[tilespmem:$0x13A60] =	vst v63  }
0x100: {  	_ =	swait.ge [sflag:s13], $0xFA0  }
0x101: {  	[sflag:s13] =	ssyncset.done $0x0  }
0x102: {  	[sflag:s13] =	ssyncadd.s32 $0xFFFFF060  }
0x103: {  	_ =	swait.ge [sflag:s1], $0xFA0  }
0x104: {  	[sflag:s1] =	ssyncset.done $0x0  }
0x105: {  	s8 =	simm.s32 $0x9C20;
	[sflag:s1] =	ssyncadd.s32 $0xFFFFF060  }
0x106: {  	[spmem:s2] =	stream.indirect.scatter.add.f32 [tilespmem:s29], [sflag:$0xB], $0x20, s8, s15, $0xb8;
	[tilespmem:$0x13A60] =	vst v63  }
0x107: {  	_ =	swait.ge [sflag:s13], $0xFA0  }
0x108: {  	[sflag:s13] =	ssyncset.done $0x0  }
0x109: {  	[sflag:s13] =	ssyncadd.s32 $0xFFFFF060  }
0x10a: {  	_ =	swait.ge [sflag:s14], $0xFA0  }
0x10b: {  	[sflag:s14] =	ssyncset.done $0x0  }
0x10c: {  	s7 =	simm.s32 $0x9CA0;
	[sflag:s14] =	ssyncadd.s32 $0xFFFFF060  }
0x10d: {  	[spmem:s2] =	stream.indirect.scatter.add.f32 [tilespmem:s31], [sflag:$0xB], $0x20, s7, s15, $0xb8;
	[tilespmem:$0x13A60] =	vst v63  }
0x10e: {  	_ =	swait.ge [sflag:s13], $0xFA0  }
0x10f: {  	[sflag:s13] =	ssyncset.done $0x0  }
0x110: {  	[sflag:s13] =	ssyncadd.s32 $0xFFFFF060  }
0x111: {  	_ =	swait.ge [sflag:s3], $0xFA0  }
0x112: {  	[sflag:s3] =	ssyncset.done $0x0  }
0x113: {  	s8 =	simm.s32 $0x9D20;
	[sflag:s3] =	ssyncadd.s32 $0xFFFFF060  }
0x114: {  	[spmem:s2] =	stream.indirect.scatter.add.f32 [tilespmem:s0], [sflag:$0xB], $0x20, s8, s15, $0xb8;
	[tilespmem:$0x13A60] =	vst v63  }
0x115: {  	_ =	swait.ge [sflag:s13], $0xFA0  }
0x116: {  	[sflag:s13] =	ssyncset.done $0x0  }
0x117: {  	[sflag:s13] =	ssyncadd.s32 $0xFFFFF060  }
0x118: {  	_ =	swait.ge [sflag:s5], $0xFA0  }
0x119: {  	[sflag:s5] =	ssyncset.done $0x0  }
0x11a: {  	s7 =	simm.s32 $0x9DA0;
	[sflag:s5] =	ssyncadd.s32 $0xFFFFF060  }
0x11b: {  	[spmem:s2] =	stream.indirect.scatter.add.f32 [tilespmem:s17], [sflag:$0xB], $0x20, s7, s15, $0xb8;
	[tilespmem:$0x13A60] =	vst v63  }
0x11c: {  	_ =	swait.ge [sflag:s13], $0xFA0  }
0x11d: {  	[sflag:s13] =	ssyncset.done $0x0  }
0x11e: {  	[sflag:s13] =	ssyncadd.s32 $0xFFFFF060  }
0x11f: {  	[bflag:$0x0] =	sbarrier.arrive $0xFFFF  }
0x120: {  	s6 =	rddreg [dreg:$0x6]  }
0x121: {  	[hbm:s6], [sflag:s10] =	dma.local @!p0 [spmem:s11], $0xFA0  }
0x122: {  	s6 =	simm.s32 @!p0 $0xB  }
0x123: {  	_ =	swait.ge @!p0 [sflag:s6], $0xFA0  }
0x124: {  	s12 =	sadd.s32 $0x1, s12;
	s8 =	rddreg [dreg:$0x7]  }
0x125: {  	p1 =	sne.s32 s12, s8  }
.Ltmp1:
0x126: {  	_ = 	snop;
	(pc) =	sbr.rel @p1 .LBB2_1-.Ltmp1, $3  }
0x127: {  	_ =	sdelay $0x1  }
0x128: {  	[sflag:s6] =	ssyncset.done @!p0 $0x0  }
0x129: {  	[sflag:s6] =	ssyncadd.s32 @!p0 $0xFFFFF060  }
0x12a: {  	_ =	sfence.sel $0x180000  }
0x12b: {  	[bflag:$0x0] =	sbarrier.arrive $0xFFFF  }
0x12c: {  	_ =	strace $0x9000004A  }
0x12d: {  	s0 =	stileid.u32;
	[bflag:$0x2] =	sbarrier.arrive $0xFFFF  }
0x12e: {  	p0 =	sne.s32 s0, $0x0;
	s0 =	rddreg [dreg:$0x2]  }
0x12f: {  	s0 =	sadd.s32 @!p0 $0x100000, s0  }
0x130: {  	[sflag:s0] =	ssyncadd.tile.s32 @!p0 $0x1;
	_ =	shalt  }
.Lfunc_end2:
_tile_overlayer_lowered:
.L_overlay_start_2:
0x131: {  	(tag) =	ssettag $0x2  }
0x132: {  	s0 =	rddreg [dreg:$0x0];
	s2 =	stileid.u32  }
0x133: {  	s1 =	rddreg [dreg:$0x1];
	p0 =	sne.s32 s2, $0x0  }
0x134: {  	s3 =	rddreg [dreg:$0x2];
	[bflag:$0x3] =	sbarrier.arrive $0xFFFF;
	s2 =	simm.s32 @!p0 $0x1C0B  }
0x135: {  	[timem:s3], [sflag:s2] =	dma.local @!p0 [hbm:s0], s1  }
0x136: {  	s0 =	simm.s32 @!p0 $0xB  }
0x137: {  	_ =	swait.ge @!p0 [sflag:s0], s1  }
0x138: {  	s1 =	ssub.s32 @!p0 $0x0, s1;
	[sflag:s0] =	ssyncset.done @!p0 $0x0  }
0x139: {  	[sflag:s0] =	ssyncadd.s32 @!p0 s1  }
0x13a: {  	[bflag:$0x3] =	sbarrier.arrive $0xFFFF  }
0x13b: {  	_ =	shalt  }

// kernel: kernel.14.cloned.1.call-start
scs
__scs_entry_jumppad:
0x0: {  	(pc) =	sbr.rel $0x88, $3  }
0x1: {  	(tag) =	ssettag $0x0;
	lr =	simm.s32 $0x1  }
0x2: {  	[smem:$0x3F99] =	sst lr;
	_ =	strace $0xD0000000  }
0x3: {  	_ = 	snop  }
0x4: {  	_ = 	snop  }
0x5: {  	_ = 	snop  }
0x6: {  	_ = 	snop  }
0x7: {  	_ = 	snop  }
__scs_overlays_trampoline_lowered:
0x8: {  	[smem:$0x3FA8] =	sst s0  }
0x9: {  	[smem:$0x3FA9] =	sst s1  }
0xa: {  	[smem:$0x3FAA] =	sst s2  }
0xb: {  	[smem:$0x3FAB] =	sst s3  }
0xc: {  	[smem:$0x3FAC] =	sst s4  }
0xd: {  	[smem:$0x3FAD] =	sst s5  }
0xe: {  	[smem:$0x3FAE] =	sst s6  }
0xf: {  	[smem:$0x3FAF] =	sst s7  }
0x10: {  	[smem:$0x3FB0] =	sst s8  }
0x11: {  	[smem:$0x3FB1] =	sst s9;
	s0 =	simm.s32 @!p0 $0x0  }
0x12: {  	s1 =	sld [smem:$0x3F97];
	s0 =	simm.s32 @p0 $0x1  }
0x13: {  	[smem:$0x3FB2] =	sst s0;
	s0 =	simm.s32 @!p1 $0x0  }
0x14: {  	s2 =	sld [smem:$0x3F96];
	s0 =	simm.s32 @p1 $0x1  }
0x15: {  	[smem:$0x3FB3] =	sst s0;
	s0 =	simm.s32 @!p2 $0x0  }
0x16: {  	s3 =	sld [smem:$0x3FDB];
	s0 =	simm.s32 @p2 $0x1  }
0x17: {  	s4 =	simm.s32 $0x1BF5;
	[smem:$0x3FB5] =	sst s0  }
0x18: {  	s0 =	sld [smem:$0x3F98];
	_ =	swait.ge [sflag:s4], $0x0  }
0x19: {  	s7 =	sld [smem:$0x3F99]  }
0x1a: {  	s8 =	sadd.s32 $0xFFFFE003, lr  }
0x1b: {  	s9 =	sadd.s32 $0xFFFFFEF7, lr;
	s5 =	simm.s32 $0xFFFFFFFF;
	p2 =	slt.u32 s8, $0xFFFFF086  }
0x1c: {  	p1 =	slt.u32 s9, $0xF7A;
	s5 =	simm.s32 @!p2 $0x0  }
0x1d: {  	s5 =	simm.s32 @p1 $0x1;
	p0 =	seq.s32 s7, s2  }
0x1e: {  	s7 =	smul.u32 @!p0 $0xF7A, s2;
	p2 =	seq.s32 @!p0 s5, $0x0  }
0x1f: {  	s9 =	smul.u32 $0xF7A, s1;
	s8 =	simm.s32 @!p0 $0x1BF5;
	p2 =	por !p2, p0  }
0x20: {  	[sflag:s8] =	ssyncset.s32 @!p0 $0xFFFFF086;
	s6 =	sadd.s32 @!p0 s3, s7;
	s7 =	simm.s32 @!p0 $0x108  }
0x21: {  	s3 =	sadd.s32 s3, s9;
	s6 =	sadd.s32 @!p0 $0x88, s6;
	s7 =	simm.s32 @p2 $0x1082  }
0x22: {  	[simem:s7], [sflag:s8] =	dma.local @!p0 [hbm:s6], $0xF7A  }
0x23: {  	s9 =	sor.u32 $0xD0000000, s2;
	s6 =	simm.s32 $0x108;
	_ =	swait.ge @!p0 [sflag:s8], $0x0  }
0x24: {  	s3 =	sadd.s32 $0x88, s3;
	s6 =	simm.s32 @!p1 $0x1082;
	[sflag:s4] =	ssyncset.s32 $0xFFFFF086  }
0x25: {  	[simem:s6], [sflag:s4] =	dma.local [hbm:s3], $0xF7A  }
0x26: {  	[smem:$0x3F99] =	sst s1;
	(tag) =	ssettag s2;
	_ =	strace s9  }
0x27: {  	s1 =	sld [smem:$0x3FA9]  }
0x28: {  	s2 =	sld [smem:$0x3FAA]  }
0x29: {  	s4 =	sld [smem:$0x3FAC]  }
0x2a: {  	p0 =	seq.s32 s5, $0x0;
	s5 =	sld [smem:$0x3FAD]  }
0x2b: {  	s6 =	sld [smem:$0x3FAE]  }
0x2c: {  	s7 =	sld [smem:$0x3FAF]  }
0x2d: {  	s3 =	simm.s32 $0x108;
	s8 =	sld [smem:$0x3FB0]  }
0x2e: {  	s3 =	simm.s32 @!p0 $0x1082;
	s9 =	sld [smem:$0x3FB1]  }
0x2f: {  	lr =	sadd.s32 s0, s3;
	s0 =	sld [smem:$0x3FA8]  }
0x30: {  	s3 =	sld [smem:$0x3FAB]  }
0x31: {  	[smem:$0x3FB4] =	sst s10  }
0x32: {  	s10 =	sld [smem:$0x3FB2];
	_ =	sdelay $0x3  }
0x33: {  	p0 =	seq.s32 s10, $0x1;
	s10 =	sld [smem:$0x3FB4];
	_ =	sdelay $0x3  }
0x34: {  	[smem:$0x3FB4] =	sst s10  }
0x35: {  	s10 =	sld [smem:$0x3FB3];
	_ =	sdelay $0x3  }
0x36: {  	p1 =	seq.s32 s10, $0x1;
	s10 =	sld [smem:$0x3FB4];
	_ =	sdelay $0x3  }
0x37: {  	[smem:$0x3FB4] =	sst s10  }
0x38: {  	s10 =	sld [smem:$0x3FB5]  }
0x39: {  	_ = 	snop;
	(pc) =	sbr.ind lr, $3  }
0x3a: {  	_ = 	snop  }
0x3b: {  	_ = 	snop  }
0x3c: {  	p2 =	seq.s32 s10, $0x1;
	s10 =	sld [smem:$0x3FB4]  }
0x3d: {  	_ =	shalt  }
0x3e: {  	_ =	shalt  }
0x3f: {  	_ =	shalt  }
0x40: {  	_ =	shalt  }
0x41: {  	_ =	shalt  }
0x42: {  	_ =	shalt  }
0x43: {  	_ =	shalt  }
0x44: {  	_ =	shalt  }
0x45: {  	_ =	shalt  }
0x46: {  	_ =	shalt  }
0x47: {  	_ =	shalt  }
0x48: {  	_ =	shalt  }
0x49: {  	_ =	shalt  }
0x4a: {  	_ =	shalt  }
0x4b: {  	_ =	shalt  }
0x4c: {  	_ =	shalt  }
0x4d: {  	_ =	shalt  }
0x4e: {  	_ =	shalt  }
0x4f: {  	_ =	shalt  }
0x50: {  	_ =	shalt  }
0x51: {  	_ =	shalt  }
0x52: {  	_ =	shalt  }
0x53: {  	_ =	shalt  }
0x54: {  	_ =	shalt  }
0x55: {  	_ =	shalt  }
0x56: {  	_ =	shalt  }
0x57: {  	_ =	shalt  }
0x58: {  	_ =	shalt  }
0x59: {  	_ =	shalt  }
0x5a: {  	_ =	shalt  }
0x5b: {  	_ =	shalt  }
0x5c: {  	_ =	shalt  }
0x5d: {  	_ =	shalt  }
0x5e: {  	_ =	shalt  }
0x5f: {  	_ =	shalt  }
0x60: {  	_ =	shalt  }
0x61: {  	_ =	shalt  }
0x62: {  	_ =	shalt  }
0x63: {  	_ =	shalt  }
0x64: {  	_ =	shalt  }
0x65: {  	_ =	shalt  }
0x66: {  	_ =	shalt  }
0x67: {  	_ =	shalt  }
0x68: {  	_ =	shalt  }
0x69: {  	_ =	shalt  }
0x6a: {  	_ =	shalt  }
0x6b: {  	_ =	shalt  }
0x6c: {  	_ =	shalt  }
0x6d: {  	_ =	shalt  }
0x6e: {  	_ =	shalt  }
0x6f: {  	_ =	shalt  }
0x70: {  	_ =	shalt  }
0x71: {  	_ =	shalt  }
0x72: {  	_ =	shalt  }
0x73: {  	_ =	shalt  }
0x74: {  	_ =	shalt  }
0x75: {  	_ =	shalt  }
0x76: {  	_ =	shalt  }
0x77: {  	_ =	shalt  }
0x78: {  	_ =	shalt  }
0x79: {  	_ =	shalt  }
0x7a: {  	_ =	shalt  }
0x7b: {  	_ =	shalt  }
0x7c: {  	_ =	shalt  }
0x7d: {  	_ =	shalt  }
0x7e: {  	_ =	shalt  }
0x7f: {  	_ =	shalt  }
0x80: {  	_ =	shalt  }
0x81: {  	_ =	shalt  }
0x82: {  	_ =	shalt  }
0x83: {  	_ =	shalt  }
0x84: {  	_ =	shalt  }
0x85: {  	_ =	shalt  }
0x86: {  	_ =	shalt  }
0x87: {  	_ =	shalt  }
.Lfunc_end0:
.L_simem_size_0:
called_computation.2_lowered:
.L_overlay_start_0:
0x88: {  	s2 =	sld [smem:$0x3FD9]  }
0x89: {  	s3 =	sld [smem:$0x3FFE];
	_ =	sdelay $0x1  }
0x8a: {  	s1 =	srdreg.scid  }
0x8b: {  	s0 =	sand.u32 $0x1, s1  }
0x8c: {  	s16 =	sshll.u32 s0, $0xA;
	s2 =	sadd.s32 s3, s2  }
0x8d: {  	s2 =	sadd.s32 s2, s16  }
0x8e: {  	[smem:$0x3FC0] =	sst s2  }
0x8f: {  	_ = 	snop  }
0x90: {  	(tm) =	ssettm $0x1  }
0x91: {  	s17 =	sld [smem:$0x3FFB];
	_ =	sdelay $0x3  }
0x92: {  	_ =	strace s17  }
0x93: {  	s2 =	sld [smem:$0x3FFC];
	_ =	sdelay $0x3  }
0x94: {  	_ =	strace s2  }
0x95: {  	s2 =	sld [smem:$0x3FFD];
	_ =	sdelay $0x3  }
0x96: {  	_ =	strace s2  }
0x97: {  	_ =	strace $0x8FFFFFFF  }
0x98: {  	s18 =	sld [smem:$0x3FDB];
	_ =	sdelay $0x1  }
0x99: {  	s19 =	simm.s32 $_scs_section_size  }
0x9a: {  	s4 =	simm.s32 $_size__tile_overlayer_lowered;
	s5 =	simm.s32 $_tile_overlayer_lowered  }
0x9b: {  	s22 =	simm.s32 $0x1BFF;
	s21 =	sshll.u32 s5, $0x1;
	s2 =	sadd.s32 s19, s18  }
0x9c: {  	s6 =	simm.s32 $0x0;
	s20 =	sshll.u32 s4, $0x1;
	s4 =	sadd.s32 s21, s2  }
0x9d: {  	[timem:s6], [sflag:s22] =	dma.local [hbm:s4], s20  }
0x9e: {  	_ =	swait.ge [sflag:s22], s20  }
0x9f: {  	s3 =	ssub.s32 $0x0, s20;
	[sflag:s22] =	ssyncset.done $0x0  }
0xa0: {  	[sflag:s22] =	ssyncadd.s32 s3;
	_ =	sdelay $0x1  }
0xa1: {  	s23 =	simm.s32 $0x1B8B  }
0xa2: {  	_ =	swait.ge [sflag:s23], $0x1  }
0xa3: {  	[sflag:s23] =	ssyncset.done $0x0  }
0xa4: {  	s25 =	simm.s32 $0x1B8E;
	s24 =	sld [smem:$0x3FFE];
	[sflag:s23] =	ssyncadd.s32 $0xFFFFFFFF  }
0xa5: {  	s26 =	simm.s32 $execute0_lowered;
	[smem:$0x3FD2] =	sst s25  }
0xa6: {  	s4 =	sshll.u32 s26, $0x1;
	_ =	strace $0x8000004C;
	[dreg:$0x1] =	wrdreg $0xFFFFFFFF  }
0xa7: {  	s28 =	simm.s32 $_size_execute0_lowered;
	s2 =	sadd.s32 s2, s4;
	[dreg:$0x0] =	wrdreg $0x0  }
0xa8: {  	s4 =	sshll.u32 s28, $0x1;
	[dreg:$0x2] =	wrdreg s2  }
0xa9: {  	[dreg:$0x3] =	wrdreg s4  }
0xaa: {  	[dreg:$0x4] =	wrdreg $0xC0  }
0xab: {  	_ =	task [dreg:s6], $0x5FFFF  }
0xac: {  	[dreg:$0x1] =	wrdreg $0xFFFFFFFF  }
0xad: {  	[dreg:$0x0] =	wrdreg $0x60  }
0xae: {  	[dreg:$0x2] =	wrdreg s24  }
0xaf: {  	[dreg:$0x3] =	wrdreg $0x0  }
0xb0: {  	[dreg:$0x4] =	wrdreg $0x9  }
0xb1: {  	_ =	task.clear_ibuf [dreg:s6], $0x5FFFF;
	_ =	strace $0x9000004C  }
0xb2: {  	s29 =	simm.s32 $0x9;
	_ =	strace $0x8000004E  }
0xb3: {  	_ =	swait.ge [sflag:s29], $0x1  }
0xb4: {  	[sflag:s29] =	ssyncadd.s32 $0xFFFFFFFF  }
0xb5: {  	_ =	strace $0x9000004E  }
0xb6: {  	_ =	sfence  }
0xb7: {  	s30 =	sld [smem:$0x0];
	_ =	sdelay $0x2  }
0xb8: {  	s31 =	sshll.u32 s1, $0xD;
	s1 =	sshrl.u32 s1, $0x2  }
0xb9: {  	s3 =	sand.u32 $0x4000, s31;
	s1 =	sadd.s32 s1, s30  }
0xba: {  	s0 =	sor.u32 s3, s0;
	s1 =	sshll.u32 s1, $0x11  }
0xbb: {  	s0 =	sor.u32 s1, s0  }
0xbc: {  	s0 =	sadd.s32 $0x8F2B, s0  }
0xbd: {  	[sflag:s0] =	ssyncadd.remote.s32 $0x1  }
0xbe: {  	_ =	sfence.sel $0xFFFF  }
0xbf: {  	[dreg:$0x0] =	wrdreg $0xFFFFFFFF;
	(pc) =	sbr.abs _section_cstart, $3  }
0xc0: {  	[dreg:$0x1] =	wrdreg $0xFFFFFFFF  }
0xc1: {  	_ =	task.clear_ibuf [dreg:s6], $0x2FFFF;
	_ =	strace $0x9FFFFFFF  }
0xc2: {  	(tm) =	ssettm $0x7FFFFFFF  }
0xc3: {  	_ =	shalt  }
tec
execute0_lowered:
.L_overlay_start_1:
0x0: {  	(tag) =	ssettag $0x1  }
0x1: {  	s0 =	srdreg.scid;
	s3 =	rddreg [dreg:$0x0]  }
0x2: {  	s9 =	stileid.u32;
	s2 =	rddreg [dreg:$0x1];
	s4 =	simm.s32 $0x0  }
0x3: {  	s13 =	simm.s32 $0xB;
	s15 =	simm.s32 $0x7D;
	s16 =	simm.s32 $0x9E20  }
0x4: {  	s18 =	simm.s32 $0xADC0;
	s20 =	simm.s32 $0xBD60;
	s22 =	simm.s32 $0xCD00  }
0x5: {  	s24 =	simm.s32 $0xDCA0;
	s29 =	simm.s32 $0xFBE0;
	s31 =	simm.s32 $0x10B80  }
0x6: {  	s17 =	simm.s32 $0x12AC0;
	s19 =	simm.s32 $0x1;
	s21 =	simm.s32 $0x2  }
0x7: {  	s23 =	simm.s32 $0x3;
	s28 =	simm.s32 $0x5;
	s30 =	simm.s32 $0x6  }
0x8: {  	s14 =	simm.s32 $0x8;
	s12 =	simm.s32 $0x0;
	s0 =	sand.u32 $0x1, s0  }
0x9: {  	s1 =	sshll.u32 s9, $0x1;
	s5 =	smul.u32 $0x7D00, s9;
	[smem:$0x7FF] =	sst s4  }
0xa: {  	s4 =	sadd.s32 $0x16C00, s3;
	p0 =	sgt.u32 s9, $0x9;
	s1 =	sor.u32 s0, s1  }
0xb: {  	s6 =	smul.u32 $0x4E200, s0;
	_ =	strace $0x8000004D;
	s0 =	ssub.s32 $0x2, s0  }
0xc: {  	s1 =	smul.u32 $0x500, s1;
	s7 =	sshrl.u32 s5, $0x3;
	s8 =	sshrl.u32 s0, $0x1  }
0xd: {  	s6 =	sadd.s32 s5, s6;
	s7 =	sadd.s32 s7, s3;
	s0 =	ssub.s32 s0, s8  }
0xe: {  	s5 =	sadd.s32 s5, s2;
	s1 =	sadd.s32 s1, s3;
	s6 =	sshrl.u32 s6, $0x3  }
0xf: {  	s25 =	sadd.s32 $0xCE00, s7;
	s0 =	smax.u32 s0, $0x1;
	s11 =	sshrl.u32 @!p0 s5, $0x3  }
0x10: {  	s5 =	simm.s32 $0xA;
	s3 =	sadd.s32 s6, s3;
	[dreg:$0x3] =	wrdreg s25  }
0x11: {  	s26 =	sadd.s32 $0x2A600, s1;
	s1 =	sadd.s32 $0x2E00, s1;
	[dreg:$0x7] =	wrdreg s0  }
0x12: {  	s0 =	simm.s32 $0x11B20;
	s25 =	simm.s32 $0x4;
	[dreg:$0x4] =	wrdreg s26  }
0x13: {  	[dreg:$0x5] =	wrdreg s1;
	s1 =	sshll.u32 @!p0 s9, $0x6;
	s3 =	sadd.s32 $0x34600, s3  }
0x14: {  	s26 =	simm.s32 $0xEC40;
	s9 =	simm.s32 $0x7620;
	[dreg:$0x6] =	wrdreg s3  }
0x15: {  	s10 =	sor.u32 @!p0 $0x1C0B, s1;
	s1 =	simm.s32 $0x7;
	s3 =	simm.s32 $0x9  }
.LBB2_1:
0x16: {  	s6 =	rddreg [dreg:$0x3]  }
0x17: {  	[spmem:s11], [sflag:s10] =	dma.local @!p0 [hbm:s6], $0xFA0  }
0x18: {  	s6 =	simm.s32 @!p0 $0xB  }
0x19: {  	_ =	swait.ge @!p0 [sflag:s6], $0xFA0  }
0x1a: {  	s8 =	simm.s32 $0x4E20;
	[sflag:s6] =	ssyncset.done @!p0 $0x0  }
0x1b: {  	s7 =	rddreg [dreg:$0x4];
	[sflag:s6] =	ssyncadd.s32 @!p0 $0xFFFFF060;
	s6 =	simm.s32 $0x0  }
0x1c: {  	[tilespmem:s8], [sflag:$0xB] =	stream.linear.gather [hbm4b:s7+s6], $0x2800, $0x38;
	[tilespmem:$0x13A60] =	vst v63  }
0x1d: {  	_ =	swait.ge [sflag:s13], $0x2800  }
0x1e: {  	[sflag:s13] =	ssyncset.done $0x0  }
0x1f: {  	s7 =	rddreg [dreg:$0x5];
	[sflag:s13] =	ssyncadd.s32 $0xFFFFD800  }
0x20: {  	[tilespmem:s9], [sflag:$0xB] =	stream.linear.gather [hbm4b:s7+s6], $0x2800, $0x38;
	[tilespmem:$0x13A60] =	vst v63  }
0x21: {  	_ =	swait.ge [sflag:s13], $0x2800  }
0x22: {  	[sflag:s13] =	ssyncset.done $0x0  }
0x23: {  	[sflag:s13] =	ssyncadd.s32 $0xFFFFD800  }
0x24: {  	[bflag:$0x0] =	sbarrier.arrive $0xFFFF  }
0x25: {  	[tilespmem:s16], [sflag:$0x1] =	stream.indirect.gather [hbm4b:s4+s15], $0x20, s8, s15, $0xb8;
	[tilespmem:$0x13A60] =	vst v63  }
0x26: {  	s7 =	simm.s32 $0x4EA0  }
0x27: {  	[tilespmem:s18], [sflag:$0x2] =	stream.indirect.gather [hbm4b:s4+s15], $0x20, s7, s15, $0xb8;
	[tilespmem:$0x13A60] =	vst v63  }
0x28: {  	s8 =	simm.s32 $0x4F20  }
0x29: {  	[tilespmem:s20], [sflag:$0x3] =	stream.indirect.gather [hbm4b:s4+s15], $0x20, s8, s15, $0xb8;
	[tilespmem:$0x13A60] =	vst v63  }
0x2a: {  	s7 =	simm.s32 $0x4FA0  }
0x2b: {  	[tilespmem:s22], [sflag:$0x4] =	stream.indirect.gather [hbm4b:s4+s15], $0x20, s7, s15, $0xb8;
	[tilespmem:$0x13A60] =	vst v63  }
0x2c: {  	s8 =	simm.s32 $0x5020  }
0x2d: {  	[tilespmem:s24], [sflag:$0x5] =	stream.indirect.gather [hbm4b:s4+s15], $0x20, s8, s15, $0xb8;
	[tilespmem:$0x13A60] =	vst v63  }
0x2e: {  	s7 =	simm.s32 $0x50A0  }
0x2f: {  	[tilespmem:s26], [sflag:$0x6] =	stream.indirect.gather [hbm4b:s4+s15], $0x20, s7, s15, $0xb8;
	[tilespmem:$0x13A60] =	vst v63  }
0x30: {  	s8 =	simm.s32 $0x5120  }
0x31: {  	[tilespmem:s29], [sflag:$0x7] =	stream.indirect.gather [hbm4b:s4+s15], $0x20, s8, s15, $0xb8;
	[tilespmem:$0x13A60] =	vst v63  }
0x32: {  	s7 =	simm.s32 $0x51A0  }
0x33: {  	[tilespmem:s31], [sflag:$0x8] =	stream.indirect.gather [hbm4b:s4+s15], $0x20, s7, s15, $0xb8;
	[tilespmem:$0x13A60] =	vst v63  }
0x34: {  	s8 =	simm.s32 $0x5220  }
0x35: {  	[tilespmem:s0], [sflag:$0x9] =	stream.indirect.gather [hbm4b:s4+s15], $0x20, s8, s15, $0xb8;
	[tilespmem:$0x13A60] =	vst v63  }
0x36: {  	s7 =	simm.s32 $0x52A0  }
0x37: {  	[tilespmem:s17], [sflag:$0xA] =	stream.indirect.gather [hbm4b:s4+s15], $0x20, s7, s15, $0xb8;
	[tilespmem:$0x13A60] =	vst v63  }
0x38: {  	_ =	swait.ge [sflag:s19], $0xFA0  }
0x39: {  	[sflag:s19] =	ssyncset.done $0x0  }
0x3a: {  	s8 =	simm.s32 $0x7620;
	[sflag:s19] =	ssyncadd.s32 $0xFFFFF060  }
0x3b: {  	[spmem:s2] =	stream.indirect.scatter.add.f32 [tilespmem:s16], [sflag:$0xB], $0x20, s8, s15, $0xb8;
	[tilespmem:$0x13A60] =	vst v63  }
0x3c: {  	_ =	swait.ge [sflag:s13], $0xFA0  }
0x3d: {  	[sflag:s13] =	ssyncset.done $0x0  }
0x3e: {  	s7 =	simm.s32 $0x5320;
	[sflag:s13] =	ssyncadd.s32 $0xFFFFF060  }
0x3f: {  	[tilespmem:s16], [sflag:$0x1] =	stream.indirect.gather [hbm4b:s4+s15], $0x20, s7, s15, $0xb8;
	[tilespmem:$0x13A60] =	vst v63  }
0x40: {  	_ =	swait.ge [sflag:s21], $0xFA0  }
0x41: {  	[sflag:s21] =	ssyncset.done $0x0  }
0x42: {  	s8 =	simm.s32 $0x76A0;
	[sflag:s21] =	ssyncadd.s32 $0xFFFFF060  }
0x43: {  	[spmem:s2] =	stream.indirect.scatter.add.f32 [tilespmem:s18], [sflag:$0xB], $0x20, s8, s15, $0xb8;
	[tilespmem:$0x13A60] =	vst v63  }
0x44: {  	_ =	swait.ge [sflag:s13], $0xFA0  }
0x45: {  	[sflag:s13] =	ssyncset.done $0x0  }
0x46: {  	s7 =	simm.s32 $0x53A0;
	[sflag:s13] =	ssyncadd.s32 $0xFFFFF060  }
0x47: {  	[tilespmem:s18], [sflag:$0x2] =	stream.indirect.gather [hbm4b:s4+s15], $0x20, s7, s15, $0xb8;
	[tilespmem:$0x13A60] =	vst v63  }
0x48: {  	_ =	swait.ge [sflag:s23], $0xFA0  }
0x49: {  	[sflag:s23] =	ssyncset.done $0x0  }
0x4a: {  	s8 =	simm.s32 $0x7720;
	[sflag:s23] =	ssyncadd.s32 $0xFFFFF060  }
0x4b: {  	[spmem:s2] =	stream.indirect.scatter.add.f32 [tilespmem:s20], [sflag:$0xB], $0x20, s8, s15, $0xb8;
	[tilespmem:$0x13A60] =	vst v63  }
0x4c: {  	_ =	swait.ge [sflag:s13], $0xFA0  }
0x4d: {  	[sflag:s13] =	ssyncset.done $0x0  }
0x4e: {  	s7 =	simm.s32 $0x5420;
	[sflag:s13] =	ssyncadd.s32 $0xFFFFF060  }
0x4f: {  	[tilespmem:s20], [sflag:$0x3] =	stream.indirect.gather [hbm4b:s4+s15], $0x20, s7, s15, $0xb8;
	[tilespmem:$0x13A60] =	vst v63  }
0x50: {  	_ =	swait.ge [sflag:s25], $0xFA0  }
0x51: {  	[sflag:s25] =	ssyncset.done $0x0  }
0x52: {  	s8 =	simm.s32 $0x77A0;
	[sflag:s25] =	ssyncadd.s32 $0xFFFFF060  }
0x53: {  	[spmem:s2] =	stream.indirect.scatter.add.f32 [tilespmem:s22], [sflag:$0xB], $0x20, s8, s15, $0xb8;
	[tilespmem:$0x13A60] =	vst v63  }
0x54: {  	_ =	swait.ge [sflag:s13], $0xFA0  }
0x55: {  	[sflag:s13] =	ssyncset.done $0x0  }
0x56: {  	s7 =	simm.s32 $0x54A0;
	[sflag:s13] =	ssyncadd.s32 $0xFFFFF060  }
0x57: {  	[tilespmem:s22], [sflag:$0x4] =	stream.indirect.gather [hbm4b:s4+s15], $0x20, s7, s15, $0xb8;
	[tilespmem:$0x13A60] =	vst v63  }
0x58: {  	_ =	swait.ge [sflag:s28], $0xFA0  }
0x59: {  	[sflag:s28] =	ssyncset.done $0x0  }
0x5a: {  	s8 =	simm.s32 $0x7820;
	[sflag:s28] =	ssyncadd.s32 $0xFFFFF060  }
0x5b: {  	[spmem:s2] =	stream.indirect.scatter.add.f32 [tilespmem:s24], [sflag:$0xB], $0x20, s8, s15, $0xb8;
	[tilespmem:$0x13A60] =	vst v63  }
0x5c: {  	_ =	swait.ge [sflag:s13], $0xFA0  }
0x5d: {  	[sflag:s13] =	ssyncset.done $0x0  }
0x5e: {  	s7 =	simm.s32 $0x5520;
	[sflag:s13] =	ssyncadd.s32 $0xFFFFF060  }
0x5f: {  	[tilespmem:s24], [sflag:$0x5] =	stream.indirect.gather [hbm4b:s4+s15], $0x20, s7, s15, $0xb8;
	[tilespmem:$0x13A60] =	vst v63  }
0x60: {  	_ =	swait.ge [sflag:s30], $0xFA0  }
0x61: {  	[sflag:s30] =	ssyncset.done $0x0  }
0x62: {  	s8 =	simm.s32 $0x78A0;
	[sflag:s30] =	ssyncadd.s32 $0xFFFFF060  }
0x63: {  	[spmem:s2] =	stream.indirect.scatter.add.f32 [tilespmem:s26], [sflag:$0xB], $0x20, s8, s15, $0xb8;
	[tilespmem:$0x13A60] =	vst v63  }
0x64: {  	_ =	swait.ge [sflag:s13], $0xFA0  }
0x65: {  	[sflag:s13] =	ssyncset.done $0x0  }
0x66: {  	s7 =	simm.s32 $0x55A0;
	[sflag:s13] =	ssyncadd.s32 $0xFFFFF060  }
0x67: {  	[tilespmem:s26], [sflag:$0x6] =	stream.indirect.gather [hbm4b:s4+s15], $0x20, s7, s15, $0xb8;
	[tilespmem:$0x13A60] =	vst v63  }
0x68: {  	_ =	swait.ge [sflag:s1], $0xFA0  }
0x69: {  	[sflag:s1] =	ssyncset.done $0x0  }
0x6a: {  	s8 =	simm.s32 $0x7920;
	[sflag:s1] =	ssyncadd.s32 $0xFFFFF060  }
0x6b: {  	[spmem:s2] =	stream.indirect.scatter.add.f32 [tilespmem:s29], [sflag:$0xB], $0x20, s8, s15, $0xb8;
	[tilespmem:$0x13A60] =	vst v63  }
0x6c: {  	_ =	swait.ge [sflag:s13], $0xFA0  }
0x6d: {  	[sflag:s13] =	ssyncset.done $0x0  }
0x6e: {  	s7 =	simm.s32 $0x5620;
	[sflag:s13] =	ssyncadd.s32 $0xFFFFF060  }
0x6f: {  	[tilespmem:s29], [sflag:$0x7] =	stream.indirect.gather [hbm4b:s4+s15], $0x20, s7, s15, $0xb8;
	[tilespmem:$0x13A60] =	vst v63  }
0x70: {  	_ =	swait.ge [sflag:s14], $0xFA0  }
0x71: {  	[sflag:s14] =	ssyncset.done $0x0  }
0x72: {  	s8 =	simm.s32 $0x79A0;
	[sflag:s14] =	ssyncadd.s32 $0xFFFFF060  }
0x73: {  	[spmem:s2] =	stream.indirect.scatter.add.f32 [tilespmem:s31], [sflag:$0xB], $0x20, s8, s15, $0xb8;
	[tilespmem:$0x13A60] =	vst v63  }
0x74: {  	_ =	swait.ge [sflag:s13], $0xFA0  }
0x75: {  	[sflag:s13] =	ssyncset.done $0x0  }
0x76: {  	s7 =	simm.s32 $0x56A0;
	[sflag:s13] =	ssyncadd.s32 $0xFFFFF060  }
0x77: {  	[tilespmem:s31], [sflag:$0x8] =	stream.indirect.gather [hbm4b:s4+s15], $0x20, s7, s15, $0xb8;
	[tilespmem:$0x13A60] =	vst v63  }
0x78: {  	_ =	swait.ge [sflag:s3], $0xFA0  }
0x79: {  	[sflag:s3] =	ssyncset.done $0x0  }
0x7a: {  	s8 =	simm.s32 $0x7A20;
	[sflag:s3] =	ssyncadd.s32 $0xFFFFF060  }
0x7b: {  	[spmem:s2] =	stream.indirect.scatter.add.f32 [tilespmem:s0], [sflag:$0xB], $0x20, s8, s15, $0xb8;
	[tilespmem:$0x13A60] =	vst v63  }
0x7c: {  	_ =	swait.ge [sflag:s13], $0xFA0  }
0x7d: {  	[sflag:s13] =	ssyncset.done $0x0  }
0x7e: {  	s7 =	simm.s32 $0x5720;
	[sflag:s13] =	ssyncadd.s32 $0xFFFFF060  }
0x7f: {  	[tilespmem:s0], [sflag:$0x9] =	stream.indirect.gather [hbm4b:s4+s15], $0x20, s7, s15, $0xb8;
	[tilespmem:$0x13A60] =	vst v63  }
0x80: {  	_ =	swait.ge [sflag:s5], $0xFA0  }
0x81: {  	[sflag:s5] =	ssyncset.done $0x0  }
0x82: {  	s8 =	simm.s32 $0x7AA0;
	[sflag:s5] =	ssyncadd.s32 $0xFFFFF060  }
0x83: {  	[spmem:s2] =	stream.indirect.scatter.add.f32 [tilespmem:s17], [sflag:$0xB], $0x20, s8, s15, $0xb8;
	[tilespmem:$0x13A60] =	vst v63  }
0x84: {  	_ =	swait.ge [sflag:s13], $0xFA0  }
0x85: {  	[sflag:s13] =	ssyncset.done $0x0  }
0x86: {  	s6 =	simm.s32 $0x1400;
	s7 =	simm.s32 $0x57A0;
	[sflag:s13] =	ssyncadd.s32 $0xFFFFF060  }
.LBB2_2:
0x87: {  	[tilespmem:s17], [sflag:$0xA] =	stream.indirect.gather [hbm4b:s4+s15], $0x20, s7, s15, $0xb8;
	[tilespmem:$0x13A60] =	vst v63  }
0x88: {  	s7 =	smov.u32 s6  }
0x89: {  	p1 =	sne.s32 s6, $0x7800;
	s6 =	sadd.s32 $0x1400, s6;
	_ =	swait.ge [sflag:s19], $0xFA0  }
0x8a: {  	s7 =	sshra.s32 s7, $0x2;
	[sflag:s19] =	ssyncset.done $0x0  }
0x8b: {  	s8 =	sadd.s32 $0x7620, s7;
	[sflag:s19] =	ssyncadd.s32 $0xFFFFF060  }
0x8c: {  	[spmem:s2] =	stream.indirect.scatter.add.f32 [tilespmem:s16], [sflag:$0xB], $0x20, s8, s15, $0xb8;
	[tilespmem:$0x13A60] =	vst v63  }
0x8d: {  	_ =	swait.ge [sflag:s13], $0xFA0  }
0x8e: {  	[sflag:s13] =	ssyncset.done $0x0  }
0x8f: {  	s8 =	sadd.s32 $0x5320, s7;
	[sflag:s13] =	ssyncadd.s32 $0xFFFFF060  }
0x90: {  	[tilespmem:s16], [sflag:$0x1] =	stream.indirect.gather [hbm4b:s4+s15], $0x20, s8, s15, $0xb8;
	[tilespmem:$0x13A60] =	vst v63  }
0x91: {  	_ =	swait.ge [sflag:s21], $0xFA0  }
0x92: {  	[sflag:s21] =	ssyncset.done $0x0  }
0x93: {  	s8 =	sadd.s32 $0x76A0, s7;
	[sflag:s21] =	ssyncadd.s32 $0xFFFFF060  }
0x94: {  	[spmem:s2] =	stream.indirect.scatter.add.f32 [tilespmem:s18], [sflag:$0xB], $0x20, s8, s15, $0xb8;
	[tilespmem:$0x13A60] =	vst v63  }
0x95: {  	_ =	swait.ge [sflag:s13], $0xFA0  }
0x96: {  	[sflag:s13] =	ssyncset.done $0x0  }
0x97: {  	s8 =	sadd.s32 $0x53A0, s7;
	[sflag:s13] =	ssyncadd.s32 $0xFFFFF060  }
0x98: {  	[tilespmem:s18], [sflag:$0x2] =	stream.indirect.gather [hbm4b:s4+s15], $0x20, s8, s15, $0xb8;
	[tilespmem:$0x13A60] =	vst v63  }
0x99: {  	_ =	swait.ge [sflag:s23], $0xFA0  }
0x9a: {  	[sflag:s23] =	ssyncset.done $0x0  }
0x9b: {  	s8 =	sadd.s32 $0x7720, s7;
	[sflag:s23] =	ssyncadd.s32 $0xFFFFF060  }
0x9c: {  	[spmem:s2] =	stream.indirect.scatter.add.f32 [tilespmem:s20], [sflag:$0xB], $0x20, s8, s15, $0xb8;
	[tilespmem:$0x13A60] =	vst v63  }
0x9d: {  	_ =	swait.ge [sflag:s13], $0xFA0  }
0x9e: {  	[sflag:s13] =	ssyncset.done $0x0  }
0x9f: {  	s8 =	sadd.s32 $0x5420, s7;
	[sflag:s13] =	ssyncadd.s32 $0xFFFFF060  }
0xa0: {  	[tilespmem:s20], [sflag:$0x3] =	stream.indirect.gather [hbm4b:s4+s15], $0x20, s8, s15, $0xb8;
	[tilespmem:$0x13A60] =	vst v63  }
0xa1: {  	_ =	swait.ge [sflag:s25], $0xFA0  }
0xa2: {  	[sflag:s25] =	ssyncset.done $0x0  }
0xa3: {  	s8 =	sadd.s32 $0x77A0, s7;
	[sflag:s25] =	ssyncadd.s32 $0xFFFFF060  }
0xa4: {  	[spmem:s2] =	stream.indirect.scatter.add.f32 [tilespmem:s22], [sflag:$0xB], $0x20, s8, s15, $0xb8;
	[tilespmem:$0x13A60] =	vst v63  }
0xa5: {  	_ =	swait.ge [sflag:s13], $0xFA0  }
0xa6: {  	[sflag:s13] =	ssyncset.done $0x0  }
0xa7: {  	s8 =	sadd.s32 $0x54A0, s7;
	[sflag:s13] =	ssyncadd.s32 $0xFFFFF060  }
0xa8: {  	[tilespmem:s22], [sflag:$0x4] =	stream.indirect.gather [hbm4b:s4+s15], $0x20, s8, s15, $0xb8;
	[tilespmem:$0x13A60] =	vst v63  }
0xa9: {  	_ =	swait.ge [sflag:s28], $0xFA0  }
0xaa: {  	[sflag:s28] =	ssyncset.done $0x0  }
0xab: {  	s8 =	sadd.s32 $0x7820, s7;
	[sflag:s28] =	ssyncadd.s32 $0xFFFFF060  }
0xac: {  	[spmem:s2] =	stream.indirect.scatter.add.f32 [tilespmem:s24], [sflag:$0xB], $0x20, s8, s15, $0xb8;
	[tilespmem:$0x13A60] =	vst v63  }
0xad: {  	_ =	swait.ge [sflag:s13], $0xFA0  }
0xae: {  	[sflag:s13] =	ssyncset.done $0x0  }
0xaf: {  	s8 =	sadd.s32 $0x5520, s7;
	[sflag:s13] =	ssyncadd.s32 $0xFFFFF060  }
0xb0: {  	[tilespmem:s24], [sflag:$0x5] =	stream.indirect.gather [hbm4b:s4+s15], $0x20, s8, s15, $0xb8;
	[tilespmem:$0x13A60] =	vst v63  }
0xb1: {  	_ =	swait.ge [sflag:s30], $0xFA0  }
0xb2: {  	[sflag:s30] =	ssyncset.done $0x0  }
0xb3: {  	s8 =	sadd.s32 $0x78A0, s7;
	[sflag:s30] =	ssyncadd.s32 $0xFFFFF060  }
0xb4: {  	[spmem:s2] =	stream.indirect.scatter.add.f32 [tilespmem:s26], [sflag:$0xB], $0x20, s8, s15, $0xb8;
	[tilespmem:$0x13A60] =	vst v63  }
0xb5: {  	_ =	swait.ge [sflag:s13], $0xFA0  }
0xb6: {  	[sflag:s13] =	ssyncset.done $0x0  }
0xb7: {  	s8 =	sadd.s32 $0x55A0, s7;
	[sflag:s13] =	ssyncadd.s32 $0xFFFFF060  }
0xb8: {  	[tilespmem:s26], [sflag:$0x6] =	stream.indirect.gather [hbm4b:s4+s15], $0x20, s8, s15, $0xb8;
	[tilespmem:$0x13A60] =	vst v63  }
0xb9: {  	_ =	swait.ge [sflag:s1], $0xFA0  }
0xba: {  	[sflag:s1] =	ssyncset.done $0x0  }
0xbb: {  	s8 =	sadd.s32 $0x7920, s7;
	[sflag:s1] =	ssyncadd.s32 $0xFFFFF060  }
0xbc: {  	[spmem:s2] =	stream.indirect.scatter.add.f32 [tilespmem:s29], [sflag:$0xB], $0x20, s8, s15, $0xb8;
	[tilespmem:$0x13A60] =	vst v63  }
0xbd: {  	_ =	swait.ge [sflag:s13], $0xFA0  }
0xbe: {  	[sflag:s13] =	ssyncset.done $0x0  }
0xbf: {  	s8 =	sadd.s32 $0x5620, s7;
	[sflag:s13] =	ssyncadd.s32 $0xFFFFF060  }
0xc0: {  	[tilespmem:s29], [sflag:$0x7] =	stream.indirect.gather [hbm4b:s4+s15], $0x20, s8, s15, $0xb8;
	[tilespmem:$0x13A60] =	vst v63  }
0xc1: {  	_ =	swait.ge [sflag:s14], $0xFA0  }
0xc2: {  	[sflag:s14] =	ssyncset.done $0x0  }
0xc3: {  	s8 =	sadd.s32 $0x79A0, s7;
	[sflag:s14] =	ssyncadd.s32 $0xFFFFF060  }
0xc4: {  	[spmem:s2] =	stream.indirect.scatter.add.f32 [tilespmem:s31], [sflag:$0xB], $0x20, s8, s15, $0xb8;
	[tilespmem:$0x13A60] =	vst v63  }
0xc5: {  	_ =	swait.ge [sflag:s13], $0xFA0  }
0xc6: {  	[sflag:s13] =	ssyncset.done $0x0  }
0xc7: {  	s8 =	sadd.s32 $0x56A0, s7;
	[sflag:s13] =	ssyncadd.s32 $0xFFFFF060  }
0xc8: {  	[tilespmem:s31], [sflag:$0x8] =	stream.indirect.gather [hbm4b:s4+s15], $0x20, s8, s15, $0xb8;
	[tilespmem:$0x13A60] =	vst v63  }
0xc9: {  	_ =	swait.ge [sflag:s3], $0xFA0  }
0xca: {  	[sflag:s3] =	ssyncset.done $0x0  }
0xcb: {  	s8 =	sadd.s32 $0x7A20, s7;
	[sflag:s3] =	ssyncadd.s32 $0xFFFFF060  }
0xcc: {  	[spmem:s2] =	stream.indirect.scatter.add.f32 [tilespmem:s0], [sflag:$0xB], $0x20, s8, s15, $0xb8;
	[tilespmem:$0x13A60] =	vst v63  }
0xcd: {  	_ =	swait.ge [sflag:s13], $0xFA0  }
0xce: {  	[sflag:s13] =	ssyncset.done $0x0  }
0xcf: {  	s8 =	sadd.s32 $0x5720, s7;
	[sflag:s13] =	ssyncadd.s32 $0xFFFFF060  }
0xd0: {  	[tilespmem:s0], [sflag:$0x9] =	stream.indirect.gather [hbm4b:s4+s15], $0x20, s8, s15, $0xb8;
	[tilespmem:$0x13A60] =	vst v63  }
0xd1: {  	_ =	swait.ge [sflag:s5], $0xFA0  }
0xd2: {  	[sflag:s5] =	ssyncset.done $0x0  }
.Ltmp0:
0xd3: {  	s8 =	sadd.s32 $0x7AA0, s7;
	[sflag:s5] =	ssyncadd.s32 $0xFFFFF060;
	(pc) =	sbr.rel @p1 .LBB2_2-.Ltmp0, $4  }
0xd4: {  	[spmem:s2] =	stream.indirect.scatter.add.f32 [tilespmem:s17], [sflag:$0xB], $0x20, s8, s15, $0xb8;
	[tilespmem:$0x13A60] =	vst v63  }
0xd5: {  	_ =	swait.ge [sflag:s13], $0xFA0  }
0xd6: {  	[sflag:s13] =	ssyncset.done $0x0  }
0xd7: {  	s7 =	sadd.s32 $0x57A0, s7;
	[sflag:s13] =	ssyncadd.s32 $0xFFFFF060  }
0xd8: {  	[tilespmem:s17], [sflag:$0xA] =	stream.indirect.gather [hbm4b:s4+s15], $0x20, s7, s15, $0xb8;
	[tilespmem:$0x13A60] =	vst v63  }
0xd9: {  	_ =	swait.ge [sflag:s19], $0xFA0  }
0xda: {  	[sflag:s19] =	ssyncset.done $0x0  }
0xdb: {  	s6 =	simm.s32 $0x9920;
	[sflag:s19] =	ssyncadd.s32 $0xFFFFF060  }
0xdc: {  	[spmem:s2] =	stream.indirect.scatter.add.f32 [tilespmem:s16], [sflag:$0xB], $0x20, s6, s15, $0xb8;
	[tilespmem:$0x13A60] =	vst v63  }
0xdd: {  	_ =	swait.ge [sflag:s13], $0xFA0  }
0xde: {  	[sflag:s13] =	ssyncset.done $0x0  }
0xdf: {  	[sflag:s13] =	ssyncadd.s32 $0xFFFFF060  }
0xe0: {  	_ =	swait.ge [sflag:s21], $0xFA0  }
0xe1: {  	[sflag:s21] =	ssyncset.done $0x0  }
0xe2: {  	s7 =	simm.s32 $0x99A0;
	[sflag:s21] =	ssyncadd.s32 $0xFFFFF060  }
0xe3: {  	[spmem:s2] =	stream.indirect.scatter.add.f32 [tilespmem:s18], [sflag:$0xB], $0x20, s7, s15, $0xb8;
	[tilespmem:$0x13A60] =	vst v63  }
0xe4: {  	_ =	swait.ge [sflag:s13], $0xFA0  }
0xe5: {  	[sflag:s13] =	ssyncset.done $0x0  }
0xe6: {  	[sflag:s13] =	ssyncadd.s32 $0xFFFFF060  }
0xe7: {  	_ =	swait.ge [sflag:s23], $0xFA0  }
0xe8: {  	[sflag:s23] =	ssyncset.done $0x0  }
0xe9: {  	s8 =	simm.s32 $0x9A20;
	[sflag:s23] =	ssyncadd.s32 $0xFFFFF060  }
0xea: {  	[spmem:s2] =	stream.indirect.scatter.add.f32 [tilespmem:s20], [sflag:$0xB], $0x20, s8, s15, $0xb8;
	[tilespmem:$0x13A60] =	vst v63  }
0xeb: {  	_ =	swait.ge [sflag:s13], $0xFA0  }
0xec: {  	[sflag:s13] =	ssyncset.done $0x0  }
0xed: {  	[sflag:s13] =	ssyncadd.s32 $0xFFFFF060  }
0xee: {  	_ =	swait.ge [sflag:s25], $0xFA0  }
0xef: {  	[sflag:s25] =	ssyncset.done $0x0  }
0xf0: {  	s7 =	simm.s32 $0x9AA0;
	[sflag:s25] =	ssyncadd.s32 $0xFFFFF060  }
0xf1: {  	[spmem:s2] =	stream.indirect.scatter.add.f32 [tilespmem:s22], [sflag:$0xB], $0x20, s7, s15, $0xb8;
	[tilespmem:$0x13A60] =	vst v63  }
0xf2: {  	_ =	swait.ge [sflag:s13], $0xFA0  }
0xf3: {  	[sflag:s13] =	ssyncset.done $0x0  }
0xf4: {  	[sflag:s13] =	ssyncadd.s32 $0xFFFFF060  }
0xf5: {  	_ =	swait.ge [sflag:s28], $0xFA0  }
0xf6: {  	[sflag:s28] =	ssyncset.done $0x0  }
0xf7: {  	s8 =	simm.s32 $0x9B20;
	[sflag:s28] =	ssyncadd.s32 $0xFFFFF060  }
0xf8: {  	[spmem:s2] =	stream.indirect.scatter.add.f32 [tilespmem:s24], [sflag:$0xB], $0x20, s8, s15, $0xb8;
	[tilespmem:$0x13A60] =	vst v63  }
0xf9: {  	_ =	swait.ge [sflag:s13], $0xFA0  }
0xfa: {  	[sflag:s13] =	ssyncset.done $0x0  }
0xfb: {  	[sflag:s13] =	ssyncadd.s32 $0xFFFFF060  }
0xfc: {  	_ =	swait.ge [sflag:s30], $0xFA0  }
0xfd: {  	[sflag:s30] =	ssyncset.done $0x0  }
0xfe: {  	s7 =	simm.s32 $0x9BA0;
	[sflag:s30] =	ssyncadd.s32 $0xFFFFF060  }
0xff: {  	[spmem:s2] =	stream.indirect.scatter.add.f32 [tilespmem:s26], [sflag:$0xB], $0x20, s7, s15, $0xb8;
	[tilespmem:$0x13A60] =	vst v63  }
0x100: {  	_ =	swait.ge [sflag:s13], $0xFA0  }
0x101: {  	[sflag:s13] =	ssyncset.done $0x0  }
0x102: {  	[sflag:s13] =	ssyncadd.s32 $0xFFFFF060  }
0x103: {  	_ =	swait.ge [sflag:s1], $0xFA0  }
0x104: {  	[sflag:s1] =	ssyncset.done $0x0  }
0x105: {  	s8 =	simm.s32 $0x9C20;
	[sflag:s1] =	ssyncadd.s32 $0xFFFFF060  }
0x106: {  	[spmem:s2] =	stream.indirect.scatter.add.f32 [tilespmem:s29], [sflag:$0xB], $0x20, s8, s15, $0xb8;
	[tilespmem:$0x13A60] =	vst v63  }
0x107: {  	_ =	swait.ge [sflag:s13], $0xFA0  }
0x108: {  	[sflag:s13] =	ssyncset.done $0x0  }
0x109: {  	[sflag:s13] =	ssyncadd.s32 $0xFFFFF060  }
0x10a: {  	_ =	swait.ge [sflag:s14], $0xFA0  }
0x10b: {  	[sflag:s14] =	ssyncset.done $0x0  }
0x10c: {  	s7 =	simm.s32 $0x9CA0;
	[sflag:s14] =	ssyncadd.s32 $0xFFFFF060  }
0x10d: {  	[spmem:s2] =	stream.indirect.scatter.add.f32 [tilespmem:s31], [sflag:$0xB], $0x20, s7, s15, $0xb8;
	[tilespmem:$0x13A60] =	vst v63  }
0x10e: {  	_ =	swait.ge [sflag:s13], $0xFA0  }
0x10f: {  	[sflag:s13] =	ssyncset.done $0x0  }
0x110: {  	[sflag:s13] =	ssyncadd.s32 $0xFFFFF060  }
0x111: {  	_ =	swait.ge [sflag:s3], $0xFA0  }
0x112: {  	[sflag:s3] =	ssyncset.done $0x0  }
0x113: {  	s8 =	simm.s32 $0x9D20;
	[sflag:s3] =	ssyncadd.s32 $0xFFFFF060  }
0x114: {  	[spmem:s2] =	stream.indirect.scatter.add.f32 [tilespmem:s0], [sflag:$0xB], $0x20, s8, s15, $0xb8;
	[tilespmem:$0x13A60] =	vst v63  }
0x115: {  	_ =	swait.ge [sflag:s13], $0xFA0  }
0x116: {  	[sflag:s13] =	ssyncset.done $0x0  }
0x117: {  	[sflag:s13] =	ssyncadd.s32 $0xFFFFF060  }
0x118: {  	_ =	swait.ge [sflag:s5], $0xFA0  }
0x119: {  	[sflag:s5] =	ssyncset.done $0x0  }
0x11a: {  	s7 =	simm.s32 $0x9DA0;
	[sflag:s5] =	ssyncadd.s32 $0xFFFFF060  }
0x11b: {  	[spmem:s2] =	stream.indirect.scatter.add.f32 [tilespmem:s17], [sflag:$0xB], $0x20, s7, s15, $0xb8;
	[tilespmem:$0x13A60] =	vst v63  }
0x11c: {  	_ =	swait.ge [sflag:s13], $0xFA0  }
0x11d: {  	[sflag:s13] =	ssyncset.done $0x0  }
0x11e: {  	[sflag:s13] =	ssyncadd.s32 $0xFFFFF060  }
0x11f: {  	[bflag:$0x0] =	sbarrier.arrive $0xFFFF  }
0x120: {  	s6 =	rddreg [dreg:$0x6]  }
0x121: {  	[hbm:s6], [sflag:s10] =	dma.local @!p0 [spmem:s11], $0xFA0  }
0x122: {  	s6 =	simm.s32 @!p0 $0xB  }
0x123: {  	_ =	swait.ge @!p0 [sflag:s6], $0xFA0  }
0x124: {  	s12 =	sadd.s32 $0x1, s12;
	s8 =	rddreg [dreg:$0x7]  }
0x125: {  	p1 =	sne.s32 s12, s8  }
.Ltmp1:
0x126: {  	_ = 	snop;
	(pc) =	sbr.rel @p1 .LBB2_1-.Ltmp1, $3  }
0x127: {  	_ =	sdelay $0x1  }
0x128: {  	[sflag:s6] =	ssyncset.done @!p0 $0x0  }
0x129: {  	[sflag:s6] =	ssyncadd.s32 @!p0 $0xFFFFF060  }
0x12a: {  	_ =	sfence.sel $0x180000  }
0x12b: {  	[bflag:$0x0] =	sbarrier.arrive $0xFFFF  }
0x12c: {  	_ =	strace $0x9000004D  }
0x12d: {  	s0 =	stileid.u32;
	[bflag:$0x2] =	sbarrier.arrive $0xFFFF  }
0x12e: {  	p0 =	sne.s32 s0, $0x0;
	s0 =	rddreg [dreg:$0x2]  }
0x12f: {  	s0 =	sadd.s32 @!p0 $0x100000, s0  }
0x130: {  	[sflag:s0] =	ssyncadd.tile.s32 @!p0 $0x1;
	_ =	shalt  }
.Lfunc_end2:
_tile_overlayer_lowered:
.L_overlay_start_2:
0x131: {  	(tag) =	ssettag $0x2  }
0x132: {  	s0 =	rddreg [dreg:$0x0];
	s2 =	stileid.u32  }
0x133: {  	s1 =	rddreg [dreg:$0x1];
	p0 =	sne.s32 s2, $0x0  }
0x134: {  	s3 =	rddreg [dreg:$0x2];
	[bflag:$0x3] =	sbarrier.arrive $0xFFFF;
	s2 =	simm.s32 @!p0 $0x1C0B  }
0x135: {  	[timem:s3], [sflag:s2] =	dma.local @!p0 [hbm:s0], s1  }
0x136: {  	s0 =	simm.s32 @!p0 $0xB  }
0x137: {  	_ =	swait.ge @!p0 [sflag:s0], s1  }
0x138: {  	s1 =	ssub.s32 @!p0 $0x0, s1;
	[sflag:s0] =	ssyncset.done @!p0 $0x0  }
0x139: {  	[sflag:s0] =	ssyncadd.s32 @!p0 s1  }
0x13a: {  	[bflag:$0x3] =	sbarrier.arrive $0xFFFF  }
0x13b: {  	_ =	shalt  }

// kernel: kernel.8.cloned.1.call-start
scs
__scs_entry_jumppad:
0x0: {  	(pc) =	sbr.rel $0x88, $3  }
0x1: {  	(tag) =	ssettag $0x0;
	lr =	simm.s32 $0x1  }
0x2: {  	[smem:$0x3F99] =	sst lr;
	_ =	strace $0xD0000000  }
0x3: {  	_ = 	snop  }
0x4: {  	_ = 	snop  }
0x5: {  	_ = 	snop  }
0x6: {  	_ = 	snop  }
0x7: {  	_ = 	snop  }
__scs_overlays_trampoline_lowered:
0x8: {  	[smem:$0x3FA8] =	sst s0  }
0x9: {  	[smem:$0x3FA9] =	sst s1  }
0xa: {  	[smem:$0x3FAA] =	sst s2  }
0xb: {  	[smem:$0x3FAB] =	sst s3  }
0xc: {  	[smem:$0x3FAC] =	sst s4  }
0xd: {  	[smem:$0x3FAD] =	sst s5  }
0xe: {  	[smem:$0x3FAE] =	sst s6  }
0xf: {  	[smem:$0x3FAF] =	sst s7  }
0x10: {  	[smem:$0x3FB0] =	sst s8  }
0x11: {  	[smem:$0x3FB1] =	sst s9;
	s0 =	simm.s32 @!p0 $0x0  }
0x12: {  	s1 =	sld [smem:$0x3F97];
	s0 =	simm.s32 @p0 $0x1  }
0x13: {  	[smem:$0x3FB2] =	sst s0;
	s0 =	simm.s32 @!p1 $0x0  }
0x14: {  	s2 =	sld [smem:$0x3F96];
	s0 =	simm.s32 @p1 $0x1  }
0x15: {  	[smem:$0x3FB3] =	sst s0;
	s0 =	simm.s32 @!p2 $0x0  }
0x16: {  	s3 =	sld [smem:$0x3FDB];
	s0 =	simm.s32 @p2 $0x1  }
0x17: {  	s4 =	simm.s32 $0x1BF5;
	[smem:$0x3FB5] =	sst s0  }
0x18: {  	s0 =	sld [smem:$0x3F98];
	_ =	swait.ge [sflag:s4], $0x0  }
0x19: {  	s7 =	sld [smem:$0x3F99]  }
0x1a: {  	s8 =	sadd.s32 $0xFFFFE003, lr  }
0x1b: {  	s9 =	sadd.s32 $0xFFFFFEF7, lr;
	s5 =	simm.s32 $0xFFFFFFFF;
	p2 =	slt.u32 s8, $0xFFFFF086  }
0x1c: {  	p1 =	slt.u32 s9, $0xF7A;
	s5 =	simm.s32 @!p2 $0x0  }
0x1d: {  	s5 =	simm.s32 @p1 $0x1;
	p0 =	seq.s32 s7, s2  }
0x1e: {  	s7 =	smul.u32 @!p0 $0xF7A, s2;
	p2 =	seq.s32 @!p0 s5, $0x0  }
0x1f: {  	s9 =	smul.u32 $0xF7A, s1;
	s8 =	simm.s32 @!p0 $0x1BF5;
	p2 =	por !p2, p0  }
0x20: {  	[sflag:s8] =	ssyncset.s32 @!p0 $0xFFFFF086;
	s6 =	sadd.s32 @!p0 s3, s7;
	s7 =	simm.s32 @!p0 $0x108  }
0x21: {  	s3 =	sadd.s32 s3, s9;
	s6 =	sadd.s32 @!p0 $0x88, s6;
	s7 =	simm.s32 @p2 $0x1082  }
0x22: {  	[simem:s7], [sflag:s8] =	dma.local @!p0 [hbm:s6], $0xF7A  }
0x23: {  	s9 =	sor.u32 $0xD0000000, s2;
	s6 =	simm.s32 $0x108;
	_ =	swait.ge @!p0 [sflag:s8], $0x0  }
0x24: {  	s3 =	sadd.s32 $0x88, s3;
	s6 =	simm.s32 @!p1 $0x1082;
	[sflag:s4] =	ssyncset.s32 $0xFFFFF086  }
0x25: {  	[simem:s6], [sflag:s4] =	dma.local [hbm:s3], $0xF7A  }
0x26: {  	[smem:$0x3F99] =	sst s1;
	(tag) =	ssettag s2;
	_ =	strace s9  }
0x27: {  	s1 =	sld [smem:$0x3FA9]  }
0x28: {  	s2 =	sld [smem:$0x3FAA]  }
0x29: {  	s4 =	sld [smem:$0x3FAC]  }
0x2a: {  	p0 =	seq.s32 s5, $0x0;
	s5 =	sld [smem:$0x3FAD]  }
0x2b: {  	s6 =	sld [smem:$0x3FAE]  }
0x2c: {  	s7 =	sld [smem:$0x3FAF]  }
0x2d: {  	s3 =	simm.s32 $0x108;
	s8 =	sld [smem:$0x3FB0]  }
0x2e: {  	s3 =	simm.s32 @!p0 $0x1082;
	s9 =	sld [smem:$0x3FB1]  }
0x2f: {  	lr =	sadd.s32 s0, s3;
	s0 =	sld [smem:$0x3FA8]  }
0x30: {  	s3 =	sld [smem:$0x3FAB]  }
0x31: {  	[smem:$0x3FB4] =	sst s10  }
0x32: {  	s10 =	sld [smem:$0x3FB2];
	_ =	sdelay $0x3  }
0x33: {  	p0 =	seq.s32 s10, $0x1;
	s10 =	sld [smem:$0x3FB4];
	_ =	sdelay $0x3  }
0x34: {  	[smem:$0x3FB4] =	sst s10  }
0x35: {  	s10 =	sld [smem:$0x3FB3];
	_ =	sdelay $0x3  }
0x36: {  	p1 =	seq.s32 s10, $0x1;
	s10 =	sld [smem:$0x3FB4];
	_ =	sdelay $0x3  }
0x37: {  	[smem:$0x3FB4] =	sst s10  }
0x38: {  	s10 =	sld [smem:$0x3FB5]  }
0x39: {  	_ = 	snop;
	(pc) =	sbr.ind lr, $3  }
0x3a: {  	_ = 	snop  }
0x3b: {  	_ = 	snop  }
0x3c: {  	p2 =	seq.s32 s10, $0x1;
	s10 =	sld [smem:$0x3FB4]  }
0x3d: {  	_ =	shalt  }
0x3e: {  	_ =	shalt  }
0x3f: {  	_ =	shalt  }
0x40: {  	_ =	shalt  }
0x41: {  	_ =	shalt  }
0x42: {  	_ =	shalt  }
0x43: {  	_ =	shalt  }
0x44: {  	_ =	shalt  }
0x45: {  	_ =	shalt  }
0x46: {  	_ =	shalt  }
0x47: {  	_ =	shalt  }
0x48: {  	_ =	shalt  }
0x49: {  	_ =	shalt  }
0x4a: {  	_ =	shalt  }
0x4b: {  	_ =	shalt  }
0x4c: {  	_ =	shalt  }
0x4d: {  	_ =	shalt  }
0x4e: {  	_ =	shalt  }
0x4f: {  	_ =	shalt  }
0x50: {  	_ =	shalt  }
0x51: {  	_ =	shalt  }
0x52: {  	_ =	shalt  }
0x53: {  	_ =	shalt  }
0x54: {  	_ =	shalt  }
0x55: {  	_ =	shalt  }
0x56: {  	_ =	shalt  }
0x57: {  	_ =	shalt  }
0x58: {  	_ =	shalt  }
0x59: {  	_ =	shalt  }
0x5a: {  	_ =	shalt  }
0x5b: {  	_ =	shalt  }
0x5c: {  	_ =	shalt  }
0x5d: {  	_ =	shalt  }
0x5e: {  	_ =	shalt  }
0x5f: {  	_ =	shalt  }
0x60: {  	_ =	shalt  }
0x61: {  	_ =	shalt  }
0x62: {  	_ =	shalt  }
0x63: {  	_ =	shalt  }
0x64: {  	_ =	shalt  }
0x65: {  	_ =	shalt  }
0x66: {  	_ =	shalt  }
0x67: {  	_ =	shalt  }
0x68: {  	_ =	shalt  }
0x69: {  	_ =	shalt  }
0x6a: {  	_ =	shalt  }
0x6b: {  	_ =	shalt  }
0x6c: {  	_ =	shalt  }
0x6d: {  	_ =	shalt  }
0x6e: {  	_ =	shalt  }
0x6f: {  	_ =	shalt  }
0x70: {  	_ =	shalt  }
0x71: {  	_ =	shalt  }
0x72: {  	_ =	shalt  }
0x73: {  	_ =	shalt  }
0x74: {  	_ =	shalt  }
0x75: {  	_ =	shalt  }
0x76: {  	_ =	shalt  }
0x77: {  	_ =	shalt  }
0x78: {  	_ =	shalt  }
0x79: {  	_ =	shalt  }
0x7a: {  	_ =	shalt  }
0x7b: {  	_ =	shalt  }
0x7c: {  	_ =	shalt  }
0x7d: {  	_ =	shalt  }
0x7e: {  	_ =	shalt  }
0x7f: {  	_ =	shalt  }
0x80: {  	_ =	shalt  }
0x81: {  	_ =	shalt  }
0x82: {  	_ =	shalt  }
0x83: {  	_ =	shalt  }
0x84: {  	_ =	shalt  }
0x85: {  	_ =	shalt  }
0x86: {  	_ =	shalt  }
0x87: {  	_ =	shalt  }
.Lfunc_end0:
.L_simem_size_0:
called_computation_lowered:
.L_overlay_start_0:
0x88: {  	s2 =	sld [smem:$0x3FD9]  }
0x89: {  	s3 =	sld [smem:$0x3FFE];
	_ =	sdelay $0x1  }
0x8a: {  	s1 =	srdreg.scid  }
0x8b: {  	s0 =	sand.u32 $0x1, s1  }
0x8c: {  	s14 =	sshll.u32 s0, $0xA;
	s2 =	sadd.s32 s3, s2  }
0x8d: {  	s2 =	sadd.s32 s2, s14  }
0x8e: {  	[smem:$0x3FC0] =	sst s2  }
0x8f: {  	_ = 	snop  }
0x90: {  	s2 =	sld [smem:$0x3FD0];
	_ =	sdelay $0x2  }
0x91: {  	s15 =	simm.s32 $0xA;
	s4 =	simm.s32 $0x10  }
0x92: {  	[smem:s4], [sflag:s15] =	dma.local [hbm:s2], $0x1  }
0x93: {  	_ =	swait.eq [sflag:s15], $0x1  }
0x94: {  	[sflag:s15] =	ssyncset.done $0x0  }
0x95: {  	[sflag:s15] =	ssyncadd.s32 $0xFFFFFFFF  }
0x96: {  	s16 =	sld [smem:$0x11];
	(tm) =	ssettm $0x1  }
0x97: {  	s17 =	sld [smem:$0x3FFB];
	_ =	sdelay $0x3  }
0x98: {  	_ =	strace s17  }
0x99: {  	s3 =	sld [smem:$0x3FFC];
	_ =	sdelay $0x3  }
0x9a: {  	_ =	strace s3  }
0x9b: {  	s3 =	sld [smem:$0x3FFD];
	_ =	sdelay $0x3  }
0x9c: {  	_ =	strace s3  }
0x9d: {  	_ =	strace $0x8FFFFFFF  }
0x9e: {  	s18 =	sld [smem:$0x3FDB];
	_ =	sdelay $0x1  }
0x9f: {  	s19 =	simm.s32 $_scs_section_size  }
0xa0: {  	s5 =	simm.s32 $_size__tile_overlayer_lowered;
	s6 =	simm.s32 $_tile_overlayer_lowered  }
0xa1: {  	s22 =	simm.s32 $0x1BFF;
	s21 =	sshll.u32 s6, $0x1;
	s3 =	sadd.s32 s19, s18  }
0xa2: {  	s7 =	simm.s32 $0x0;
	s20 =	sshll.u32 s5, $0x1;
	s5 =	sadd.s32 s21, s3  }
0xa3: {  	[timem:s7], [sflag:s22] =	dma.local [hbm:s5], s20  }
0xa4: {  	_ =	swait.ge [sflag:s22], s20  }
0xa5: {  	s4 =	ssub.s32 $0x0, s20;
	[sflag:s22] =	ssyncset.done $0x0  }
0xa6: {  	[sflag:s22] =	ssyncadd.s32 s4;
	_ =	sdelay $0x1  }
0xa7: {  	s23 =	simm.s32 $0x1B8B  }
0xa8: {  	_ =	swait.ge [sflag:s23], $0x1  }
0xa9: {  	[sflag:s23] =	ssyncset.done $0x0  }
0xaa: {  	s25 =	simm.s32 $0x1B8E;
	s24 =	sld [smem:$0x3FFE];
	[sflag:s23] =	ssyncadd.s32 $0xFFFFFFFF  }
0xab: {  	s26 =	simm.s32 $execute0_lowered;
	[smem:$0x3FD2] =	sst s25  }
0xac: {  	s5 =	sshll.u32 s26, $0x1;
	_ =	strace $0x80000046;
	[dreg:$0x1] =	wrdreg $0xFFFFFFFF  }
0xad: {  	s28 =	simm.s32 $_size_execute0_lowered;
	s3 =	sadd.s32 s3, s5;
	[dreg:$0x0] =	wrdreg $0x0  }
0xae: {  	s5 =	sshll.u32 s28, $0x1;
	[dreg:$0x2] =	wrdreg s3  }
0xaf: {  	[dreg:$0x3] =	wrdreg s5  }
0xb0: {  	[dreg:$0x4] =	wrdreg $0xC0  }
0xb1: {  	_ =	task [dreg:s7], $0x5FFFF  }
0xb2: {  	[dreg:$0x1] =	wrdreg $0xFFFFFFFF  }
0xb3: {  	[dreg:$0x0] =	wrdreg $0x60  }
0xb4: {  	[dreg:$0x2] =	wrdreg s24  }
0xb5: {  	[dreg:$0x3] =	wrdreg s16  }
0xb6: {  	[dreg:$0x4] =	wrdreg $0x0  }
0xb7: {  	[dreg:$0x5] =	wrdreg $0x9  }
0xb8: {  	_ =	task.clear_ibuf [dreg:s7], $0x6FFFF;
	_ =	strace $0x90000046  }
0xb9: {  	s29 =	simm.s32 $0x9;
	_ =	strace $0x80000048  }
0xba: {  	_ =	swait.ge [sflag:s29], $0x1  }
0xbb: {  	[sflag:s29] =	ssyncadd.s32 $0xFFFFFFFF  }
0xbc: {  	_ =	strace $0x90000048  }
0xbd: {  	_ =	sfence  }
0xbe: {  	s30 =	sld [smem:$0x0];
	_ =	sdelay $0x2  }
0xbf: {  	s31 =	sshll.u32 s1, $0xD;
	s1 =	sshrl.u32 s1, $0x2  }
0xc0: {  	s3 =	sand.u32 $0x4000, s31;
	s1 =	sadd.s32 s1, s30  }
0xc1: {  	s0 =	sor.u32 s3, s0;
	s1 =	sshll.u32 s1, $0x11  }
0xc2: {  	s0 =	sor.u32 s1, s0  }
0xc3: {  	s0 =	sadd.s32 $0x8F2B, s0  }
0xc4: {  	[sflag:s0] =	ssyncadd.remote.s32 $0x1  }
0xc5: {  	_ =	sfence.sel $0xFFFF  }
0xc6: {  	[dreg:$0x0] =	wrdreg $0xFFFFFFFF;
	(pc) =	sbr.abs _section_cstart, $3  }
0xc7: {  	[dreg:$0x1] =	wrdreg $0xFFFFFFFF  }
0xc8: {  	_ =	task.clear_ibuf [dreg:s7], $0x2FFFF;
	_ =	strace $0x9FFFFFFF  }
0xc9: {  	(tm) =	ssettm $0x7FFFFFFF  }
tec
execute0_lowered:
.L_overlay_start_1:
0x0: {  	(tag) =	ssettag $0x1  }
0x1: {  	s5 =	rddreg [dreg:$0x0]  }
0x2: {  	s1 =	srdreg.scid;
	s2 =	rddreg [dreg:$0x1]  }
0x3: {  	s0 =	stileid.u32;
	s3 =	rddreg [dreg:$0x2];
	s4 =	simm.s32 $0x0  }
0x4: {  	s13 =	simm.s32 $0x7620;
	s14 =	simm.s32 $0x7D;
	s15 =	simm.s32 $0x1  }
0x5: {  	s16 =	simm.s32 $0x0;
	s6 =	sand.u32 $0x1, s1;
	s31 =	sshll.u32 s0, $0x1  }
0x6: {  	s8 =	smul.u32 $0x7D00, s0;
	[smem:$0x7FF] =	sst s4;
	p0 =	sgt.u32 s0, $0x9  }
0x7: {  	s1 =	sor.u32 s6, s31;
	s9 =	smul.u32 $0x4E200, s6;
	s6 =	ssub.s32 $0x2, s6  }
0x8: {  	s7 =	smul.u32 $0x500, s1;
	s1 =	rddreg [dreg:$0x3];
	_ =	strace $0x80000047  }
0x9: {  	s10 =	sshrl.u32 s8, $0x3;
	s11 =	sshrl.u32 s6, $0x1;
	s12 =	sadd.s32 s8, s3  }
0xa: {  	s9 =	sadd.s32 s8, s9;
	s10 =	sadd.s32 s10, s5;
	s11 =	ssub.s32 s6, s11  }
0xb: {  	s7 =	sadd.s32 s7, s5;
	s9 =	sshrl.u32 s9, $0x3;
	s8 =	smax.u32 s11, $0x1  }
0xc: {  	s11 =	simm.s32 $0x4E20;
	s9 =	sadd.s32 s9, s5;
	s5 =	sadd.s32 $0xCE00, s10  }
0xd: {  	s6 =	sadd.s32 $0x2E00, s7;
	s7 =	sadd.s32 $0x16C00, s9;
	s9 =	sshll.u32 @!p0 s0, $0x6  }
0xe: {  	s10 =	sshrl.u32 @!p0 s12, $0x3;
	s12 =	simm.s32 $0x2;
	s9 =	sor.u32 @!p0 $0x1C02, s9  }
.LBB2_1:
0xf: {  	[spmem:s10], [sflag:s9] =	dma.local @!p0 [hbm:s5], $0xFA0  }
0x10: {  	s17 =	simm.s32 @!p0 $0x2  }
0x11: {  	_ =	swait.ge @!p0 [sflag:s17], $0xFA0  }
0x12: {  	[sflag:s17] =	ssyncset.done @!p0 $0x0  }
0x13: {  	[sflag:s17] =	ssyncadd.s32 @!p0 $0xFFFFF060  }
0x14: {  	[tilespmem:s11], [sflag:$0x2] =	stream.linear.gather [hbm4b:s6+s4], $0x2800, $0x38;
	[tilespmem:$0x85C0] =	vst v63  }
0x15: {  	_ =	swait.ge [sflag:s12], $0x2800  }
0x16: {  	[sflag:s12] =	ssyncset.done $0x0  }
0x17: {  	[sflag:s12] =	ssyncadd.s32 $0xFFFFD800  }
0x18: {  	[tilespmem:s13], [sflag:$0x2] =	stream.linear.gather [hbm4b:s2+s4], $0xFA0, $0x38;
	[tilespmem:$0x85C0] =	vst v63  }
0x19: {  	_ =	swait.ge [sflag:s12], $0xFA0  }
0x1a: {  	[sflag:s12] =	ssyncset.done $0x0  }
0x1b: {  	[sflag:s12] =	ssyncadd.s32 $0xFFFFF060  }
0x1c: {  	s23 =	simm.s32 $0x4E20;
	[bflag:$0x0] =	sbarrier.arrive $0xFFFF  }
0x1d: {  	[spmem:s3] =	stream.indirect.scatter.add.f32 [tilespmem:s13], [sflag:$0x1], $0x20, s23, s14, $0xb8;
	[tilespmem:$0x85C0] =	vst v63  }
0x1e: {  	s24 =	simm.s32 $0x4EA0  }
0x1f: {  	[spmem:s3] =	stream.indirect.scatter.add.f32 [tilespmem:s13], [sflag:$0x1], $0x20, s24, s14, $0xb8;
	[tilespmem:$0x85C0] =	vst v63  }
0x20: {  	s25 =	simm.s32 $0x4F20  }
0x21: {  	[spmem:s3] =	stream.indirect.scatter.add.f32 [tilespmem:s13], [sflag:$0x1], $0x20, s25, s14, $0xb8;
	[tilespmem:$0x85C0] =	vst v63  }
0x22: {  	s26 =	simm.s32 $0x4FA0  }
0x23: {  	[spmem:s3] =	stream.indirect.scatter.add.f32 [tilespmem:s13], [sflag:$0x1], $0x20, s26, s14, $0xb8;
	[tilespmem:$0x85C0] =	vst v63  }
0x24: {  	s28 =	simm.s32 $0x5020  }
0x25: {  	[spmem:s3] =	stream.indirect.scatter.add.f32 [tilespmem:s13], [sflag:$0x1], $0x20, s28, s14, $0xb8;
	[tilespmem:$0x85C0] =	vst v63  }
0x26: {  	s29 =	simm.s32 $0x50A0  }
0x27: {  	[spmem:s3] =	stream.indirect.scatter.add.f32 [tilespmem:s13], [sflag:$0x1], $0x20, s29, s14, $0xb8;
	[tilespmem:$0x85C0] =	vst v63  }
0x28: {  	s30 =	simm.s32 $0x5120  }
0x29: {  	[spmem:s3] =	stream.indirect.scatter.add.f32 [tilespmem:s13], [sflag:$0x1], $0x20, s30, s14, $0xb8;
	[tilespmem:$0x85C0] =	vst v63  }
0x2a: {  	s31 =	simm.s32 $0x51A0  }
0x2b: {  	[spmem:s3] =	stream.indirect.scatter.add.f32 [tilespmem:s13], [sflag:$0x1], $0x20, s31, s14, $0xb8;
	[tilespmem:$0x85C0] =	vst v63  }
0x2c: {  	_ =	swait.ge [sflag:s15], $0xFA0  }
0x2d: {  	[sflag:s15] =	ssyncset.done $0x0  }
0x2e: {  	[sflag:s15] =	ssyncadd.s32 $0xFFFFF060  }
0x2f: {  	_ =	swait.ge [sflag:s15], $0xFA0  }
0x30: {  	[sflag:s15] =	ssyncset.done $0x0  }
0x31: {  	[sflag:s15] =	ssyncadd.s32 $0xFFFFF060  }
0x32: {  	_ =	swait.ge [sflag:s15], $0xFA0  }
0x33: {  	[sflag:s15] =	ssyncset.done $0x0  }
0x34: {  	[sflag:s15] =	ssyncadd.s32 $0xFFFFF060  }
0x35: {  	_ =	swait.ge [sflag:s15], $0xFA0  }
0x36: {  	[sflag:s15] =	ssyncset.done $0x0  }
0x37: {  	[sflag:s15] =	ssyncadd.s32 $0xFFFFF060  }
0x38: {  	_ =	swait.ge [sflag:s15], $0xFA0  }
0x39: {  	[sflag:s15] =	ssyncset.done $0x0  }
0x3a: {  	[sflag:s15] =	ssyncadd.s32 $0xFFFFF060  }
0x3b: {  	_ =	swait.ge [sflag:s15], $0xFA0  }
0x3c: {  	[sflag:s15] =	ssyncset.done $0x0  }
0x3d: {  	[sflag:s15] =	ssyncadd.s32 $0xFFFFF060  }
0x3e: {  	_ =	swait.ge [sflag:s15], $0xFA0  }
0x3f: {  	[sflag:s15] =	ssyncset.done $0x0  }
0x40: {  	[sflag:s15] =	ssyncadd.s32 $0xFFFFF060  }
0x41: {  	_ =	swait.ge [sflag:s15], $0xFA0  }
0x42: {  	s20 =	simm.s32 $0x2000;
	s19 =	simm.s32 $0x400;
	[sflag:s15] =	ssyncset.done $0x0  }
.LBB2_2:
0x43: {  	s21 =	sadd.s32 $0x4E20, s19  }
0x44: {  	[sflag:s15] =	ssyncadd.s32 $0xFFFFF060;
	s18 =	smov.u32 s20;
	s17 =	sadd.s32 $0x1000, s20  }
0x45: {  	[spmem:s3] =	stream.indirect.scatter.add.f32 [tilespmem:s13], [sflag:$0x1], $0x20, s21, s14, $0xb8;
	[tilespmem:$0x85C0] =	vst v63  }
0x46: {  	p1 =	sne.s32 s20, $0x9000;
	s20 =	sadd.s32 $0x4EA0, s19  }
0x47: {  	[spmem:s3] =	stream.indirect.scatter.add.f32 [tilespmem:s13], [sflag:$0x1], $0x20, s20, s14, $0xb8;
	[tilespmem:$0x85C0] =	vst v63  }
0x48: {  	s20 =	sadd.s32 $0x4F20, s19  }
0x49: {  	[spmem:s3] =	stream.indirect.scatter.add.f32 [tilespmem:s13], [sflag:$0x1], $0x20, s20, s14, $0xb8;
	[tilespmem:$0x85C0] =	vst v63  }
0x4a: {  	s20 =	sadd.s32 $0x4FA0, s19  }
0x4b: {  	[spmem:s3] =	stream.indirect.scatter.add.f32 [tilespmem:s13], [sflag:$0x1], $0x20, s20, s14, $0xb8;
	[tilespmem:$0x85C0] =	vst v63  }
0x4c: {  	s20 =	sadd.s32 $0x5020, s19  }
0x4d: {  	[spmem:s3] =	stream.indirect.scatter.add.f32 [tilespmem:s13], [sflag:$0x1], $0x20, s20, s14, $0xb8;
	[tilespmem:$0x85C0] =	vst v63  }
0x4e: {  	s20 =	sadd.s32 $0x50A0, s19  }
0x4f: {  	[spmem:s3] =	stream.indirect.scatter.add.f32 [tilespmem:s13], [sflag:$0x1], $0x20, s20, s14, $0xb8;
	[tilespmem:$0x85C0] =	vst v63  }
0x50: {  	s20 =	sadd.s32 $0x5120, s19  }
0x51: {  	[spmem:s3] =	stream.indirect.scatter.add.f32 [tilespmem:s13], [sflag:$0x1], $0x20, s20, s14, $0xb8;
	[tilespmem:$0x85C0] =	vst v63  }
0x52: {  	s19 =	sadd.s32 $0x51A0, s19  }
0x53: {  	[spmem:s3] =	stream.indirect.scatter.add.f32 [tilespmem:s13], [sflag:$0x1], $0x20, s19, s14, $0xb8;
	[tilespmem:$0x85C0] =	vst v63  }
0x54: {  	_ =	swait.ge [sflag:s15], $0xFA0  }
0x55: {  	[sflag:s15] =	ssyncset.done $0x0  }
0x56: {  	[sflag:s15] =	ssyncadd.s32 $0xFFFFF060  }
0x57: {  	_ =	swait.ge [sflag:s15], $0xFA0  }
0x58: {  	[sflag:s15] =	ssyncset.done $0x0  }
0x59: {  	[sflag:s15] =	ssyncadd.s32 $0xFFFFF060  }
0x5a: {  	_ =	swait.ge [sflag:s15], $0xFA0  }
0x5b: {  	[sflag:s15] =	ssyncset.done $0x0  }
0x5c: {  	[sflag:s15] =	ssyncadd.s32 $0xFFFFF060  }
0x5d: {  	_ =	swait.ge [sflag:s15], $0xFA0  }
0x5e: {  	[sflag:s15] =	ssyncset.done $0x0  }
0x5f: {  	[sflag:s15] =	ssyncadd.s32 $0xFFFFF060  }
0x60: {  	_ =	swait.ge [sflag:s15], $0xFA0  }
0x61: {  	[sflag:s15] =	ssyncset.done $0x0  }
0x62: {  	[sflag:s15] =	ssyncadd.s32 $0xFFFFF060  }
0x63: {  	_ =	swait.ge [sflag:s15], $0xFA0  }
0x64: {  	[sflag:s15] =	ssyncset.done $0x0  }
0x65: {  	[sflag:s15] =	ssyncadd.s32 $0xFFFFF060  }
.Ltmp0:
0x66: {  	_ =	swait.ge [sflag:s15], $0xFA0;
	(pc) =	sbr.rel @p1 .LBB2_2-.Ltmp0, $4  }
0x67: {  	[sflag:s15] =	ssyncset.done $0x0  }
0x68: {  	[sflag:s15] =	ssyncadd.s32 $0xFFFFF060  }
0x69: {  	_ =	swait.ge [sflag:s15], $0xFA0  }
0x6a: {  	s20 =	smov.u32 s17;
	s19 =	sshra.s32 s18, $0x2;
	[sflag:s15] =	ssyncset.done $0x0  }
0x6b: {  	s17 =	sadd.s32 $0x4E20, s19;
	[sflag:s15] =	ssyncadd.s32 $0xFFFFF060  }
0x6c: {  	[spmem:s3] =	stream.indirect.scatter.add.f32 [tilespmem:s13], [sflag:$0x1], $0x20, s17, s14, $0xb8;
	[tilespmem:$0x85C0] =	vst v63  }
0x6d: {  	s24 =	sadd.s32 $0x4EA0, s19  }
0x6e: {  	[spmem:s3] =	stream.indirect.scatter.add.f32 [tilespmem:s13], [sflag:$0x1], $0x20, s24, s14, $0xb8;
	[tilespmem:$0x85C0] =	vst v63  }
0x6f: {  	s25 =	sadd.s32 $0x4F20, s19  }
0x70: {  	[spmem:s3] =	stream.indirect.scatter.add.f32 [tilespmem:s13], [sflag:$0x1], $0x20, s25, s14, $0xb8;
	[tilespmem:$0x85C0] =	vst v63  }
0x71: {  	s26 =	sadd.s32 $0x4FA0, s19  }
0x72: {  	[spmem:s3] =	stream.indirect.scatter.add.f32 [tilespmem:s13], [sflag:$0x1], $0x20, s26, s14, $0xb8;
	[tilespmem:$0x85C0] =	vst v63  }
0x73: {  	s28 =	sadd.s32 $0x5020, s19  }
0x74: {  	[spmem:s3] =	stream.indirect.scatter.add.f32 [tilespmem:s13], [sflag:$0x1], $0x20, s28, s14, $0xb8;
	[tilespmem:$0x85C0] =	vst v63  }
0x75: {  	s29 =	sadd.s32 $0x50A0, s19  }
0x76: {  	[spmem:s3] =	stream.indirect.scatter.add.f32 [tilespmem:s13], [sflag:$0x1], $0x20, s29, s14, $0xb8;
	[tilespmem:$0x85C0] =	vst v63  }
0x77: {  	s30 =	sadd.s32 $0x5120, s19  }
0x78: {  	[spmem:s3] =	stream.indirect.scatter.add.f32 [tilespmem:s13], [sflag:$0x1], $0x20, s30, s14, $0xb8;
	[tilespmem:$0x85C0] =	vst v63  }
0x79: {  	s31 =	sadd.s32 $0x51A0, s19  }
0x7a: {  	[spmem:s3] =	stream.indirect.scatter.add.f32 [tilespmem:s13], [sflag:$0x1], $0x20, s31, s14, $0xb8;
	[tilespmem:$0x85C0] =	vst v63  }
0x7b: {  	_ =	swait.ge [sflag:s15], $0xFA0  }
0x7c: {  	[sflag:s15] =	ssyncset.done $0x0  }
0x7d: {  	[sflag:s15] =	ssyncadd.s32 $0xFFFFF060  }
0x7e: {  	_ =	swait.ge [sflag:s15], $0xFA0  }
0x7f: {  	[sflag:s15] =	ssyncset.done $0x0  }
0x80: {  	[sflag:s15] =	ssyncadd.s32 $0xFFFFF060  }
0x81: {  	_ =	swait.ge [sflag:s15], $0xFA0  }
0x82: {  	[sflag:s15] =	ssyncset.done $0x0  }
0x83: {  	[sflag:s15] =	ssyncadd.s32 $0xFFFFF060  }
0x84: {  	_ =	swait.ge [sflag:s15], $0xFA0  }
0x85: {  	[sflag:s15] =	ssyncset.done $0x0  }
0x86: {  	[sflag:s15] =	ssyncadd.s32 $0xFFFFF060  }
0x87: {  	_ =	swait.ge [sflag:s15], $0xFA0  }
0x88: {  	[sflag:s15] =	ssyncset.done $0x0  }
0x89: {  	[sflag:s15] =	ssyncadd.s32 $0xFFFFF060  }
0x8a: {  	_ =	swait.ge [sflag:s15], $0xFA0  }
0x8b: {  	[sflag:s15] =	ssyncset.done $0x0  }
0x8c: {  	[sflag:s15] =	ssyncadd.s32 $0xFFFFF060  }
0x8d: {  	_ =	swait.ge [sflag:s15], $0xFA0  }
0x8e: {  	[sflag:s15] =	ssyncset.done $0x0  }
0x8f: {  	[sflag:s15] =	ssyncadd.s32 $0xFFFFF060  }
0x90: {  	_ =	swait.ge [sflag:s15], $0xFA0  }
0x91: {  	s16 =	sadd.s32 $0x1, s16;
	[sflag:s15] =	ssyncset.done $0x0  }
0x92: {  	p1 =	sne.s32 s16, s8;
	[sflag:s15] =	ssyncadd.s32 $0xFFFFF060  }
.Ltmp1:
0x93: {  	s17 =	simm.s32 @!p0 $0x2;
	[bflag:$0x0] =	sbarrier.arrive $0xFFFF;
	(pc) =	sbr.rel @p1 .LBB2_1-.Ltmp1, $4  }
0x94: {  	[hbm:s7], [sflag:s9] =	dma.local @!p0 [spmem:s10], $0xFA0  }
0x95: {  	_ =	swait.ge @!p0 [sflag:s17], $0xFA0  }
0x96: {  	[sflag:s17] =	ssyncset.done @!p0 $0x0  }
0x97: {  	[sflag:s17] =	ssyncadd.s32 @!p0 $0xFFFFF060  }
0x98: {  	_ =	sfence.sel $0x180000  }
0x99: {  	[bflag:$0x0] =	sbarrier.arrive $0xFFFF  }
0x9a: {  	p0 =	sne.s32 s0, $0x0;
	_ =	strace $0x90000047  }
0x9b: {  	s0 =	sadd.s32 @!p0 $0x100000, s1;
	[bflag:$0x2] =	sbarrier.arrive $0xFFFF  }
0x9c: {  	[sflag:s0] =	ssyncadd.tile.s32 @!p0 $0x1;
	_ =	shalt  }
.Lfunc_end2:
_tile_overlayer_lowered:
.L_overlay_start_2:
0x9d: {  	(tag) =	ssettag $0x2  }
0x9e: {  	s0 =	rddreg [dreg:$0x0];
	s2 =	stileid.u32  }
0x9f: {  	s1 =	rddreg [dreg:$0x1];
	p0 =	sne.s32 s2, $0x0  }
0xa0: {  	s3 =	rddreg [dreg:$0x2];
	[bflag:$0x3] =	sbarrier.arrive $0xFFFF;
	s2 =	simm.s32 @!p0 $0x1C02  }
0xa1: {  	[timem:s3], [sflag:s2] =	dma.local @!p0 [hbm:s0], s1  }
0xa2: {  	s0 =	simm.s32 @!p0 $0x2  }
0xa3: {  	_ =	swait.ge @!p0 [sflag:s0], s1  }
0xa4: {  	s1 =	ssub.s32 @!p0 $0x0, s1;
	[sflag:s0] =	ssyncset.done @!p0 $0x0  }
0xa5: {  	[sflag:s0] =	ssyncadd.s32 @!p0 s1  }
0xa6: {  	[bflag:$0x3] =	sbarrier.arrive $0xFFFF  }
0xa7: {  	_ =	shalt  }

</sc_bundles>
